<compile_context>
chip_gen: v7x
topology: tpu7x:2x2x1
jax: 0.10.2.dev20260603
libtpu: 0.0.44.dev20260713+nightly
codegen_flags: <defaults>
</compile_context>

<pallas_src>
import functools

import jax
import jax.numpy as jnp
from jax import lax
from jax.experimental import pallas as pl
from jax.experimental.pallas import tpu as pltpu
from jax.experimental.pallas import tpu_sc as plsc

N, FEA, CLA, KNN = 8192, 128, 8, 40
S_DIM, P_DIM = 4, 22
TBL = 128
GW = 128
NBUCK = 128
DEPTH = 6
IMAX = 2**31 - 1


def _proj_common(x, ws, bs, wh, bh, wo1, aug_ref, tbl_ref, xwo1_ref):
    s = jnp.dot(x, ws, preferred_element_type=jnp.float32) + bs
    h = jnp.dot(x, wh, preferred_element_type=jnp.float32) + bh
    sq = jnp.sum(s * s, axis=1, keepdims=True)
    one = jnp.ones_like(sq)
    r = x.shape[0]
    aug_ref[...] = jnp.concatenate(
        [s, one, sq, jnp.zeros((r, 2), jnp.float32)], axis=1)
    tbl_ref[...] = jnp.concatenate(
        [s, h, jnp.zeros((r, TBL - S_DIM - P_DIM), jnp.float32)], axis=1)
    xwo1_ref[...] = jnp.dot(x, wo1, preferred_element_type=jnp.float32)


def _proj_body(x_ref, ws_ref, bs_ref, wh_ref, bh_ref, wo1_ref,
               aug_ref, tbl_ref, xwo1_ref):
    _proj_common(x_ref[...], ws_ref[...], bs_ref[...], wh_ref[...],
                 bh_ref[...], wo1_ref[...], aug_ref, tbl_ref, xwo1_ref)


def _proj(x, p):
    din = x.shape[1]
    dout = p['Wo1'].shape[1]
    R = 512
    out = pl.pallas_call(
        _proj_body,
        grid=(N // R,),
        in_specs=[
            pl.BlockSpec((R, din), lambda i: (i, 0)),
            pl.BlockSpec((din, S_DIM), lambda i: (0, 0)),
            pl.BlockSpec((1, S_DIM), lambda i: (0, 0)),
            pl.BlockSpec((din, P_DIM), lambda i: (0, 0)),
            pl.BlockSpec((1, P_DIM), lambda i: (0, 0)),
            pl.BlockSpec((din, dout), lambda i: (0, 0)),
        ],
        out_specs=[
            pl.BlockSpec((R, 8), lambda i: (i, 0)),
            pl.BlockSpec((R, TBL), lambda i: (i, 0)),
            pl.BlockSpec((R, dout), lambda i: (i, 0)),
        ],
        out_shape=[
            jax.ShapeDtypeStruct((N, 8), jnp.float32),
            jax.ShapeDtypeStruct((N, TBL), jnp.float32),
            jax.ShapeDtypeStruct((N, dout), jnp.float32),
        ],
    )(x, p['Ws'], p['bs'].reshape(1, -1), p['Wh'], p['bh'].reshape(1, -1),
      p['Wo1'])
    return out


def _topk_body(aug_ref, augt_ref, idx_ref):
    ab = aug_ref[...]
    r = ab.shape[0]
    s_blk = ab[:, 0:4]
    sq_blk = ab[:, 5:6]
    lane = lax.broadcasted_iota(jnp.int32, (r, NBUCK), 1)
    m = [jnp.full((r, NBUCK), IMAX, jnp.int32) for _ in range(DEPTH)]
    for c in range(N // NBUCK):
        st_c = augt_ref[0:4, c * NBUCK:(c + 1) * NBUCK]
        sq_c = augt_ref[5:6, c * NBUCK:(c + 1) * NBUCK]
        prod = jnp.dot(s_blk, st_c, preferred_element_type=jnp.float32)
        d = (sq_blk + sq_c) - 2.0 * prod
        d = jnp.maximum(d, 0.0)
        bits = lax.bitcast_convert_type(d, jnp.int32)
        x = (bits & jnp.int32(-64)) | jnp.int32(c)
        for t in range(DEPTH):
            lo = jnp.minimum(m[t], x)
            x = jnp.maximum(m[t], x)
            m[t] = lo
    outs = []
    for _ in range(KNN):
        tmin = jnp.min(m[0], axis=1, keepdims=True)
        win = m[0] == tmin
        lane_sel = jnp.where(win, lane, jnp.int32(N))
        min_lane = jnp.min(lane_sel, axis=1, keepdims=True)
        win1 = win & (lane == min_lane)
        outs.append((tmin & jnp.int32(63)) * NBUCK + min_lane)
        for t in range(DEPTH - 1):
            m[t] = jnp.where(win1, m[t + 1], m[t])
        m[DEPTH - 1] = jnp.where(win1, IMAX, m[DEPTH - 1])
    idx_ref[...] = jnp.concatenate(outs, axis=1)


def _topk(aug, augt):
    R = 256
    return pl.pallas_call(
        _topk_body,
        grid=(N // R,),
        in_specs=[
            pl.BlockSpec((R, 8), lambda i: (i, 0)),
            pl.BlockSpec((8, N), lambda i: (0, 0)),
        ],
        out_specs=pl.BlockSpec((R, KNN), lambda i: (i, 0)),
        out_shape=jax.ShapeDtypeStruct((N, KNN), jnp.int32),
    )(aug, augt)


_SC_NW = 32
_CH = 320


def _make_sc_gather():
    mesh = plsc.VectorSubcoreMesh(core_axis_name="c", subcore_axis_name="s")
    b_per_w = (N * KNN) // _SC_NW

    @functools.partial(
        pl.kernel, mesh=mesh,
        out_type=jax.ShapeDtypeStruct((N * KNN, GW), jnp.float32),
        scratch_types=[
            pltpu.VMEM((b_per_w,), jnp.int32),
            pltpu.VMEM((_CH, TBL), jnp.float32),
            pltpu.VMEM((_CH, TBL), jnp.float32),
            pltpu.SemaphoreType.DMA,
            pltpu.SemaphoreType.DMA,
        ],
    )
    def gather_k(table_hbm, idx_hbm, out_hbm, idx_v, rows_v0, rows_v1,
                 sem0, sem1):
        wid = lax.axis_index("s") * 2 + lax.axis_index("c")
        base = wid * b_per_w
        pltpu.sync_copy(idx_hbm.at[pl.ds(base, b_per_w)], idx_v)

        def body(t, carry):
            off = pl.multiple_of(t * (2 * _CH), 2 * _CH)
            c0 = pltpu.async_copy(
                table_hbm.at[idx_v.at[pl.ds(off, _CH)]], rows_v0, sem0)
            c1 = pltpu.async_copy(
                table_hbm.at[idx_v.at[pl.ds(off + _CH, _CH)]], rows_v1, sem1)
            c0.wait()
            pltpu.sync_copy(rows_v0.at[:, 0:GW],
                            out_hbm.at[pl.ds(base + off, _CH)])
            c1.wait()
            pltpu.sync_copy(rows_v1.at[:, 0:GW],
                            out_hbm.at[pl.ds(base + off + _CH, _CH)])
            return carry

        lax.fori_loop(0, b_per_w // (2 * _CH), body, 0)

    return gather_k


_sc_gather_fn = None


def _sc_gather(table, idxflat):
    global _sc_gather_fn
    if _sc_gather_fn is None:
        _sc_gather_fn = _make_sc_gather()
    return _sc_gather_fn(table, idxflat)


def _agg_common(g, tbl, xwo1, wo2, bo2):
    s = tbl[:, 0:S_DIM]
    diff = g[:, :, 0:S_DIM] - s[:, None, :]
    d2 = jnp.sum(diff * diff, axis=2)
    w = jnp.exp(-10.0 * d2)
    msg = g[:, :, S_DIM:S_DIM + P_DIM] * w[:, :, None]
    mean = jnp.sum(msg, axis=1) * (1.0 / KNN)
    mx = jnp.max(msg, axis=1)
    agg = jnp.concatenate([mean, mx], axis=1)
    return (xwo1 + jnp.dot(agg, wo2, preferred_element_type=jnp.float32)
            + bo2)


def _agg_body(g_ref, tbl_ref, xwo1_ref, wo2_ref, bo2_ref, out_ref):
    out_ref[...] = _agg_common(g_ref[...], tbl_ref[...], xwo1_ref[...],
                               wo2_ref[...], bo2_ref[...])


def _aggproj_body(g_ref, tbl_ref, xwo1_ref, wo2_ref, bo2_ref,
                  ws2_ref, bs2_ref, wh2_ref, bh2_ref, wo12_ref,
                  out_ref, aug2_ref, tbl2_ref, xwo12_ref):
    out = _agg_common(g_ref[...], tbl_ref[...], xwo1_ref[...],
                      wo2_ref[...], bo2_ref[...])
    out_ref[...] = out
    _proj_common(out, ws2_ref[...], bs2_ref[...], wh2_ref[...],
                 bh2_ref[...], wo12_ref[...], aug2_ref, tbl2_ref, xwo12_ref)


def _aggproj(g3, table, xwo1, p, p2):
    dout = p['Wo2'].shape[1]
    dout2 = p2['Wo1'].shape[1]
    R = 256
    return pl.pallas_call(
        _aggproj_body,
        grid=(N // R,),
        in_specs=[
            pl.BlockSpec((R, KNN, GW), lambda i: (i, 0, 0)),
            pl.BlockSpec((R, TBL), lambda i: (i, 0)),
            pl.BlockSpec((R, dout), lambda i: (i, 0)),
            pl.BlockSpec((2 * P_DIM, dout), lambda i: (0, 0)),
            pl.BlockSpec((1, dout), lambda i: (0, 0)),
            pl.BlockSpec((dout, S_DIM), lambda i: (0, 0)),
            pl.BlockSpec((1, S_DIM), lambda i: (0, 0)),
            pl.BlockSpec((dout, P_DIM), lambda i: (0, 0)),
            pl.BlockSpec((1, P_DIM), lambda i: (0, 0)),
            pl.BlockSpec((dout, dout2), lambda i: (0, 0)),
        ],
        out_specs=[
            pl.BlockSpec((R, dout), lambda i: (i, 0)),
            pl.BlockSpec((R, 8), lambda i: (i, 0)),
            pl.BlockSpec((R, TBL), lambda i: (i, 0)),
            pl.BlockSpec((R, dout2), lambda i: (i, 0)),
        ],
        out_shape=[
            jax.ShapeDtypeStruct((N, dout), jnp.float32),
            jax.ShapeDtypeStruct((N, 8), jnp.float32),
            jax.ShapeDtypeStruct((N, TBL), jnp.float32),
            jax.ShapeDtypeStruct((N, dout2), jnp.float32),
        ],
    )(g3, table, xwo1, p['Wo2'], p['bo2'].reshape(1, -1),
      p2['Ws'], p2['bs'].reshape(1, -1), p2['Wh'], p2['bh'].reshape(1, -1),
      p2['Wo1'])


def _agg(g3, table, xwo1, Wo2, bo2):
    dout = Wo2.shape[1]
    R = 256
    return pl.pallas_call(
        _agg_body,
        grid=(N // R,),
        in_specs=[
            pl.BlockSpec((R, KNN, GW), lambda i: (i, 0, 0)),
            pl.BlockSpec((R, TBL), lambda i: (i, 0)),
            pl.BlockSpec((R, dout), lambda i: (i, 0)),
            pl.BlockSpec((2 * P_DIM, dout), lambda i: (0, 0)),
            pl.BlockSpec((1, dout), lambda i: (0, 0)),
        ],
        out_specs=pl.BlockSpec((R, dout), lambda i: (i, 0)),
        out_shape=jax.ShapeDtypeStruct((N, dout), jnp.float32),
    )(g3, table, xwo1, Wo2, bo2.reshape(1, -1))


def _mlp_body(cat_ref, wf1_ref, bf1_ref, wf2_ref, bf2_ref, out_ref):
    hid = jnp.maximum(
        jnp.dot(cat_ref[...], wf1_ref[...],
                preferred_element_type=jnp.float32) + bf1_ref[...], 0.0)
    out_ref[...] = (jnp.dot(hid, wf2_ref[...],
                            preferred_element_type=jnp.float32)
                    + bf2_ref[...])


def _final_mlp(cat, Wf1, bf1, Wf2, bf2):
    R = 512
    dcat = cat.shape[1]
    return pl.pallas_call(
        _mlp_body,
        grid=(N // R,),
        in_specs=[
            pl.BlockSpec((R, dcat), lambda i: (i, 0)),
            pl.BlockSpec(Wf1.shape, lambda i: (0, 0)),
            pl.BlockSpec((1, 64), lambda i: (0, 0)),
            pl.BlockSpec(Wf2.shape, lambda i: (0, 0)),
            pl.BlockSpec((1, CLA), lambda i: (0, 0)),
        ],
        out_specs=pl.BlockSpec((R, CLA), lambda i: (i, 0)),
        out_shape=jax.ShapeDtypeStruct((N, CLA), jnp.float32),
    )(cat, Wf1, bf1.reshape(1, -1), Wf2, bf2.reshape(1, -1))


def kernel(x, batch, params):
    convs = [params['conv1'], params['conv2'], params['conv3'],
             params['conv4']]
    aug, table, xwo1 = _proj(x, convs[0])
    outs = []
    for li in range(4):
        idx = _topk(aug, aug.T)
        g = _sc_gather(table, idx.reshape(-1))
        g3 = g.reshape(N, KNN, GW)
        if li < 3:
            out, aug, table, xwo1 = _aggproj(g3, table, xwo1,
                                             convs[li], convs[li + 1])
        else:
            out = _agg(g3, table, xwo1, convs[li]['Wo2'], convs[li]['bo2'])
        outs.append(out)
    cat = jnp.concatenate(outs, axis=1)
    return _final_mlp(cat, params['Wf1'], params['bf1'],
                      params['Wf2'], params['bf2'])

# --- scband reference (transcript-rebuilt; emitter-appended) ---
"""Pipeline reference for scband-grav-net-32658931319626 (READ-ONLY COPY).

The authoritative reference and input builder live on the scoring server;
editing this copy changes nothing except your own understanding.
"""

import jax, jax.numpy as jnp
import numpy as np

N, FEA, CLA, K = 8192, 128, 8, 40
S_DIM, P_DIM = 4, 22


def _lin(key, din, dout, bias=True):
    k1, k2 = jax.random.split(key)
    W = jax.random.normal(k1, (din, dout), jnp.float32) / np.sqrt(din)
    if bias:
        b = jax.random.normal(k2, (dout,), jnp.float32) * 0.01
        return W, b
    return W, None


def _conv_params(key, din, dout):
    ks = jax.random.split(key, 4)
    Ws, bs = _lin(ks[0], din, S_DIM)
    Wh, bh = _lin(ks[1], din, P_DIM)
    Wo1, _ = _lin(ks[2], din, dout, bias=False)
    Wo2, bo2 = _lin(ks[3], 2 * P_DIM, dout)
    return dict(Ws=Ws, bs=bs, Wh=Wh, bh=bh, Wo1=Wo1, Wo2=Wo2, bo2=bo2)


def setup_inputs(seed: int = 0):
    key = jax.random.key(seed)
    ks = jax.random.split(key, 8)
    x = jax.random.normal(ks[0], (N, FEA), jnp.float32)
    batch = jnp.zeros((N,), jnp.int32)  # single graph
    Wf1, bf1 = _lin(ks[5], 36 + 36 + 48 + 48, 64)
    Wf2, bf2 = _lin(ks[6], 64, CLA)
    params = {
        'conv1': _conv_params(ks[1], FEA, 36),
        'conv2': _conv_params(ks[2], 36, 36),
        'conv3': _conv_params(ks[3], 36, 48),
        'conv4': _conv_params(ks[4], 48, 48),
        'Wf1': Wf1, 'bf1': bf1, 'Wf2': Wf2, 'bf2': bf2,
    }
    return {"x": x, "batch": batch, "params": params}


def _gravnet_conv(x, p):
    # learned coordinate space and propagated features
    s = x @ p['Ws'] + p['bs']
    h = x @ p['Wh'] + p['bh']
    # kNN in coordinate space (indices are non-differentiable, matching PyG knn)
    s_ng = jax.lax.stop_gradient(s)
    sq = jnp.sum(s_ng * s_ng, axis=1)
    d2 = sq[:, None] + sq[None, :] - 2.0 * (s_ng @ s_ng.T)
    _, idx = jax.lax.top_k(-d2, K)  # [N, K], includes self (d=0)
    # gaussian distance weights, recomputed differentiably from gathered coords
    diff = s[:, None, :] - s[idx]
    w = jnp.exp(-10.0 * jnp.sum(diff * diff, axis=-1))  # [N, K]
    msg = h[idx] * w[..., None]  # [N, K, P_DIM]
    agg = jnp.concatenate([jnp.mean(msg, axis=1), jnp.max(msg, axis=1)], axis=-1)
    return x @ p['Wo1'] + agg @ p['Wo2'] + p['bo2']


def reference(x, batch, params):
    # batch is all-zeros (single graph), so kNN runs over all points
    x1 = _gravnet_conv(x, params['conv1'])
    x2 = _gravnet_conv(x1, params['conv2'])
    x3 = _gravnet_conv(x2, params['conv3'])
    x4 = _gravnet_conv(x3, params['conv4'])
    cat = jnp.concatenate([x1, x2, x3, x4], axis=1)
    hid = jax.nn.relu(cat @ params['Wf1'] + params['bf1'])
    return hid @ params['Wf2'] + params['bf2']

if __name__ == "__main__":
    import jax
    _d = setup_inputs()
    print(jax.jit(kernel)(*tuple(_d.values())))

</pallas_src>

<mosaic_0001>
#map = affine_map<(d0, d1) -> (0, 0)>
#map1 = affine_map<(d0, d1) -> (0)>
module attributes {stable_mosaic.version = 14 : i64} {
  func.func @gather_k(%arg0: i32, %arg1: i32, %arg2: memref<8192x128xf32, #tpu.memory_space<hbm>>, %arg3: memref<327680xi32, #tpu.memory_space<hbm>>, %arg4: memref<327680x128xf32, #tpu.memory_space<hbm>>, %arg5: memref<10240xi32, #tpu.memory_space<vmem>>, %arg6: memref<320x128xf32, #tpu.memory_space<vmem>>, %arg7: memref<320x128xf32, #tpu.memory_space<vmem>>, %arg8: memref<!tpu.dma_semaphore, #tpu.memory_space<semaphore_mem>>, %arg9: memref<!tpu.dma_semaphore, #tpu.memory_space<semaphore_mem>>) attributes {dimension_semantics = [#tpu.dimension_semantics<core_parallel>, #tpu.dimension_semantics<subcore_parallel>], iteration_bounds = array<i64: 2, 16>, scalar_prefetch = 0 : i64, scratch_operands = 5 : i64, tpu.core_type = #tpu.core_type<sc_vector_subcore>, window_params = [{transform_indices = #map}, {transform_indices = #map1}, {transform_indices = #map}]} {
    %mul3A = arith.constant 2 : i32
    %mul3A_0 = arith.muli %arg1, %mul3A : i32
    %add3A = arith.addi %mul3A_0, %arg0 : i32
    %mul3A_1 = arith.constant 10240 : i32
    %mul3A_2 = arith.muli %add3A, %mul3A_1 : i32
    "tpu.region"() ({
      %run_scoped3A = tpu.sem_alloc : memref<!tpu.dma_semaphore, #tpu.memory_space<semaphore_mem>>
      %dma_start3A = tpu.memref_slice %arg3[%mul3A_2] : memref<327680xi32, #tpu.memory_space<hbm>> -> memref<10240xi32, #tpu.memory_space<hbm>>
      %dma_start3A_8 = tpu.memref_slice %arg3[%mul3A_2] : memref<327680xi32, #tpu.memory_space<hbm>> -> memref<10240xi32, #tpu.memory_space<hbm>>
      tpu.enqueue_dma source(%dma_start3A_8 : memref<10240xi32, #tpu.memory_space<hbm>>) target(%arg5 : memref<10240xi32, #tpu.memory_space<vmem>>) target_semaphore(%run_scoped3A : memref<!tpu.dma_semaphore, #tpu.memory_space<semaphore_mem>>)
      %dma_wait3A = tpu.memref_slice %arg3[%mul3A_2] : memref<327680xi32, #tpu.memory_space<hbm>> -> memref<10240xi32, #tpu.memory_space<hbm>>
      %dma_wait3A_9 = tpu.memref_slice %arg3[%mul3A_2] : memref<327680xi32, #tpu.memory_space<hbm>> -> memref<10240xi32, #tpu.memory_space<hbm>>
      tpu.wait_dma2 semaphore(%run_scoped3A : memref<!tpu.dma_semaphore, #tpu.memory_space<semaphore_mem>>) src(%dma_wait3A_9 : memref<10240xi32, #tpu.memory_space<hbm>>) dst(%arg5 : memref<10240xi32, #tpu.memory_space<vmem>>)
      tpu.yield
    }) : () -> ()
    %scan3A = arith.constant 0 : i32
    %scan3A_3 = arith.constant 0 : i32
    %scan3A_4 = arith.constant 16 : i32
    %scan3A_5 = arith.addi %scan3A_3, %scan3A_4 : i32
    %scan3A_6 = arith.constant 1 : i32
    scf.for %scan3A_8 = %scan3A_3 to %scan3A_5 step %scan3A_6  : i32 {
      %mul3A_9 = arith.constant 640 : i32
      %mul3A_10 = arith.muli %scan3A_8, %mul3A_9 : i32
      %multiple_of3A = tpu.assume_multiple %mul3A_10, 640 : i32
      %dma_start3A = tpu.memref_slice %arg5[%multiple_of3A] : memref<10240xi32, #tpu.memory_space<vmem>> -> memref<320xi32, #tpu.memory_space<vmem>>
      %dma_start3A_11 = arith.constant 0 : i32
      %dma_start3A_12 = arith.constant 0 : i32
      %dma_start3A_13 = tpu.memref_slice %arg2[%dma_start3A_11, %dma_start3A_12] : memref<8192x128xf32, #tpu.memory_space<hbm>> -> memref<8192x128xf32, #tpu.memory_space<hbm>>
      tpu.enqueue_indirect_dma source(%dma_start3A_13 : memref<8192x128xf32, #tpu.memory_space<hbm>>) target(%arg6 : memref<320x128xf32, #tpu.memory_space<vmem>>) offsets(%dma_start3A : memref<320xi32, #tpu.memory_space<vmem>>) semaphore(%arg8 : memref<!tpu.dma_semaphore, #tpu.memory_space<semaphore_mem>>)
      %add3A_14 = arith.constant 320 : i32
      %add3A_15 = arith.addi %multiple_of3A, %add3A_14 : i32
      %dma_start3A_16 = tpu.memref_slice %arg5[%add3A_15] : memref<10240xi32, #tpu.memory_space<vmem>> -> memref<320xi32, #tpu.memory_space<vmem>>
      %dma_start3A_17 = arith.constant 0 : i32
      %dma_start3A_18 = arith.constant 0 : i32
      %dma_start3A_19 = tpu.memref_slice %arg2[%dma_start3A_17, %dma_start3A_18] : memref<8192x128xf32, #tpu.memory_space<hbm>> -> memref<8192x128xf32, #tpu.memory_space<hbm>>
      tpu.enqueue_indirect_dma source(%dma_start3A_19 : memref<8192x128xf32, #tpu.memory_space<hbm>>) target(%arg7 : memref<320x128xf32, #tpu.memory_space<vmem>>) offsets(%dma_start3A_16 : memref<320xi32, #tpu.memory_space<vmem>>) semaphore(%arg9 : memref<!tpu.dma_semaphore, #tpu.memory_space<semaphore_mem>>)
      %dma_wait3A = tpu.memref_slice %arg5[%multiple_of3A] : memref<10240xi32, #tpu.memory_space<vmem>> -> memref<320xi32, #tpu.memory_space<vmem>>
      %dma_wait3A_20 = arith.constant 0 : i32
      %dma_wait3A_21 = arith.constant 0 : i32
      %dma_wait3A_22 = tpu.memref_slice %arg2[%dma_wait3A_20, %dma_wait3A_21] : memref<8192x128xf32, #tpu.memory_space<hbm>> -> memref<8192x128xf32, #tpu.memory_space<hbm>>
      tpu.wait_indirect_dma semaphore(%arg8 : memref<!tpu.dma_semaphore, #tpu.memory_space<semaphore_mem>>) src(%dma_wait3A_22 : memref<8192x128xf32, #tpu.memory_space<hbm>>) dst(%arg6 : memref<320x128xf32, #tpu.memory_space<vmem>>)
      %add3A_23 = arith.addi %mul3A_2, %multiple_of3A : i32
      "tpu.region"() ({
        %run_scoped3A = tpu.sem_alloc : memref<!tpu.dma_semaphore, #tpu.memory_space<semaphore_mem>>
        %dma_start3A_31 = arith.constant 0 : i32
        %dma_start3A_32 = arith.constant 0 : i32
        %dma_start3A_33 = tpu.memref_slice %arg6[%dma_start3A_31, %dma_start3A_32] : memref<320x128xf32, #tpu.memory_space<vmem>> -> memref<320x128xf32, #tpu.memory_space<vmem>>
        %dma_start3A_34 = arith.constant 0 : i32
        %dma_start3A_35 = tpu.memref_slice %arg4[%add3A_23, %dma_start3A_34] : memref<327680x128xf32, #tpu.memory_space<hbm>> -> memref<320x128xf32, #tpu.memory_space<hbm>>
        %dma_start3A_36 = arith.constant 0 : i32
        %dma_start3A_37 = tpu.memref_slice %arg4[%add3A_23, %dma_start3A_36] : memref<327680x128xf32, #tpu.memory_space<hbm>> -> memref<320x128xf32, #tpu.memory_space<hbm>>
        %dma_start3A_38 = arith.constant 0 : i32
        %dma_start3A_39 = arith.constant 0 : i32
        %dma_start3A_40 = tpu.memref_slice %arg6[%dma_start3A_38, %dma_start3A_39] : memref<320x128xf32, #tpu.memory_space<vmem>> -> memref<320x128xf32, #tpu.memory_space<vmem>>
        tpu.enqueue_dma source(%dma_start3A_40 : memref<320x128xf32, #tpu.memory_space<vmem>>) target(%dma_start3A_37 : memref<320x128xf32, #tpu.memory_space<hbm>>) target_semaphore(%run_scoped3A : memref<!tpu.dma_semaphore, #tpu.memory_space<semaphore_mem>>)
        %dma_wait3A_41 = arith.constant 0 : i32
        %dma_wait3A_42 = arith.constant 0 : i32
        %dma_wait3A_43 = tpu.memref_slice %arg6[%dma_wait3A_41, %dma_wait3A_42] : memref<320x128xf32, #tpu.memory_space<vmem>> -> memref<320x128xf32, #tpu.memory_space<vmem>>
        %dma_wait3A_44 = arith.constant 0 : i32
        %dma_wait3A_45 = tpu.memref_slice %arg4[%add3A_23, %dma_wait3A_44] : memref<327680x128xf32, #tpu.memory_space<hbm>> -> memref<320x128xf32, #tpu.memory_space<hbm>>
        %dma_wait3A_46 = arith.constant 0 : i32
        %dma_wait3A_47 = tpu.memref_slice %arg4[%add3A_23, %dma_wait3A_46] : memref<327680x128xf32, #tpu.memory_space<hbm>> -> memref<320x128xf32, #tpu.memory_space<hbm>>
        %dma_wait3A_48 = arith.constant 0 : i32
        %dma_wait3A_49 = arith.constant 0 : i32
        %dma_wait3A_50 = tpu.memref_slice %arg6[%dma_wait3A_48, %dma_wait3A_49] : memref<320x128xf32, #tpu.memory_space<vmem>> -> memref<320x128xf32, #tpu.memory_space<vmem>>
        tpu.wait_dma2 semaphore(%run_scoped3A : memref<!tpu.dma_semaphore, #tpu.memory_space<semaphore_mem>>) src(%dma_wait3A_50 : memref<320x128xf32, #tpu.memory_space<vmem>>) dst(%dma_wait3A_47 : memref<320x128xf32, #tpu.memory_space<hbm>>)
        tpu.yield
      }) : () -> ()
      %dma_wait3A_24 = tpu.memref_slice %arg5[%add3A_15] : memref<10240xi32, #tpu.memory_space<vmem>> -> memref<320xi32, #tpu.memory_space<vmem>>
      %dma_wait3A_25 = arith.constant 0 : i32
      %dma_wait3A_26 = arith.constant 0 : i32
      %dma_wait3A_27 = tpu.memref_slice %arg2[%dma_wait3A_25, %dma_wait3A_26] : memref<8192x128xf32, #tpu.memory_space<hbm>> -> memref<8192x128xf32, #tpu.memory_space<hbm>>
      tpu.wait_indirect_dma semaphore(%arg9 : memref<!tpu.dma_semaphore, #tpu.memory_space<semaphore_mem>>) src(%dma_wait3A_27 : memref<8192x128xf32, #tpu.memory_space<hbm>>) dst(%arg7 : memref<320x128xf32, #tpu.memory_space<vmem>>)
      %add3A_28 = arith.addi %mul3A_2, %multiple_of3A : i32
      %add3A_29 = arith.constant 320 : i32
      %add3A_30 = arith.addi %add3A_28, %add3A_29 : i32
      "tpu.region"() ({
        %run_scoped3A = tpu.sem_alloc : memref<!tpu.dma_semaphore, #tpu.memory_space<semaphore_mem>>
        %dma_start3A_31 = arith.constant 0 : i32
        %dma_start3A_32 = arith.constant 0 : i32
        %dma_start3A_33 = tpu.memref_slice %arg7[%dma_start3A_31, %dma_start3A_32] : memref<320x128xf32, #tpu.memory_space<vmem>> -> memref<320x128xf32, #tpu.memory_space<vmem>>
        %dma_start3A_34 = arith.constant 0 : i32
        %dma_start3A_35 = tpu.memref_slice %arg4[%add3A_30, %dma_start3A_34] : memref<327680x128xf32, #tpu.memory_space<hbm>> -> memref<320x128xf32, #tpu.memory_space<hbm>>
        %dma_start3A_36 = arith.constant 0 : i32
        %dma_start3A_37 = tpu.memref_slice %arg4[%add3A_30, %dma_start3A_36] : memref<327680x128xf32, #tpu.memory_space<hbm>> -> memref<320x128xf32, #tpu.memory_space<hbm>>
        %dma_start3A_38 = arith.constant 0 : i32
        %dma_start3A_39 = arith.constant 0 : i32
        %dma_start3A_40 = tpu.memref_slice %arg7[%dma_start3A_38, %dma_start3A_39] : memref<320x128xf32, #tpu.memory_space<vmem>> -> memref<320x128xf32, #tpu.memory_space<vmem>>
        tpu.enqueue_dma source(%dma_start3A_40 : memref<320x128xf32, #tpu.memory_space<vmem>>) target(%dma_start3A_37 : memref<320x128xf32, #tpu.memory_space<hbm>>) target_semaphore(%run_scoped3A : memref<!tpu.dma_semaphore, #tpu.memory_space<semaphore_mem>>)
        %dma_wait3A_41 = arith.constant 0 : i32
        %dma_wait3A_42 = arith.constant 0 : i32
        %dma_wait3A_43 = tpu.memref_slice %arg7[%dma_wait3A_41, %dma_wait3A_42] : memref<320x128xf32, #tpu.memory_space<vmem>> -> memref<320x128xf32, #tpu.memory_space<vmem>>
        %dma_wait3A_44 = arith.constant 0 : i32
        %dma_wait3A_45 = tpu.memref_slice %arg4[%add3A_30, %dma_wait3A_44] : memref<327680x128xf32, #tpu.memory_space<hbm>> -> memref<320x128xf32, #tpu.memory_space<hbm>>
        %dma_wait3A_46 = arith.constant 0 : i32
        %dma_wait3A_47 = tpu.memref_slice %arg4[%add3A_30, %dma_wait3A_46] : memref<327680x128xf32, #tpu.memory_space<hbm>> -> memref<320x128xf32, #tpu.memory_space<hbm>>
        %dma_wait3A_48 = arith.constant 0 : i32
        %dma_wait3A_49 = arith.constant 0 : i32
        %dma_wait3A_50 = tpu.memref_slice %arg7[%dma_wait3A_48, %dma_wait3A_49] : memref<320x128xf32, #tpu.memory_space<vmem>> -> memref<320x128xf32, #tpu.memory_space<vmem>>
        tpu.wait_dma2 semaphore(%run_scoped3A : memref<!tpu.dma_semaphore, #tpu.memory_space<semaphore_mem>>) src(%dma_wait3A_50 : memref<320x128xf32, #tpu.memory_space<vmem>>) dst(%dma_wait3A_47 : memref<320x128xf32, #tpu.memory_space<hbm>>)
        tpu.yield
      }) : () -> ()
    }
    %scan3A_7 = arith.constant 16 : i32
    return
  }
}

#map = affine_map<(d0, d1) -> (0, 0)>
#map1 = affine_map<(d0, d1) -> (0)>
module attributes {stable_mosaic.version = 14 : i64} {
  func.func @gather_k(%arg0: i32, %arg1: i32, %arg2: memref<8192x128xf32, #tpu.memory_space<hbm>>, %arg3: memref<327680xi32, #tpu.memory_space<hbm>>, %arg4: memref<327680x128xf32, #tpu.memory_space<hbm>>, %arg5: memref<10240xi32, #tpu.memory_space<vmem>>, %arg6: memref<320x128xf32, #tpu.memory_space<vmem>>, %arg7: memref<320x128xf32, #tpu.memory_space<vmem>>, %arg8: memref<!tpu.dma_semaphore, #tpu.memory_space<semaphore_mem>>, %arg9: memref<!tpu.dma_semaphore, #tpu.memory_space<semaphore_mem>>) attributes {dimension_semantics = [#tpu.dimension_semantics<core_parallel>, #tpu.dimension_semantics<subcore_parallel>], iteration_bounds = array<i64: 2, 16>, scalar_prefetch = 0 : i64, scratch_operands = 5 : i64, tpu.core_type = #tpu.core_type<sc_vector_subcore>, window_params = [{transform_indices = #map}, {transform_indices = #map1}, {transform_indices = #map}]} {
    %mul3A = arith.constant 2 : i32
    %mul3A_0 = arith.muli %arg1, %mul3A : i32
    %add3A = arith.addi %mul3A_0, %arg0 : i32
    %mul3A_1 = arith.constant 10240 : i32
    %mul3A_2 = arith.muli %add3A, %mul3A_1 : i32
    "tpu.region"() ({
      %run_scoped3A = tpu.sem_alloc : memref<!tpu.dma_semaphore, #tpu.memory_space<semaphore_mem>>
      %dma_start3A = tpu.memref_slice %arg3[%mul3A_2] : memref<327680xi32, #tpu.memory_space<hbm>> -> memref<10240xi32, #tpu.memory_space<hbm>>
      %dma_start3A_8 = tpu.memref_slice %arg3[%mul3A_2] : memref<327680xi32, #tpu.memory_space<hbm>> -> memref<10240xi32, #tpu.memory_space<hbm>>
      tpu.enqueue_dma source(%dma_start3A_8 : memref<10240xi32, #tpu.memory_space<hbm>>) target(%arg5 : memref<10240xi32, #tpu.memory_space<vmem>>) target_semaphore(%run_scoped3A : memref<!tpu.dma_semaphore, #tpu.memory_space<semaphore_mem>>)
      %dma_wait3A = tpu.memref_slice %arg3[%mul3A_2] : memref<327680xi32, #tpu.memory_space<hbm>> -> memref<10240xi32, #tpu.memory_space<hbm>>
      %dma_wait3A_9 = tpu.memref_slice %arg3[%mul3A_2] : memref<327680xi32, #tpu.memory_space<hbm>> -> memref<10240xi32, #tpu.memory_space<hbm>>
      tpu.wait_dma2 semaphore(%run_scoped3A : memref<!tpu.dma_semaphore, #tpu.memory_space<semaphore_mem>>) src(%dma_wait3A_9 : memref<10240xi32, #tpu.memory_space<hbm>>) dst(%arg5 : memref<10240xi32, #tpu.memory_space<vmem>>)
      tpu.yield
    }) : () -> ()
    %scan3A = arith.constant 0 : i32
    %scan3A_3 = arith.constant 0 : i32
    %scan3A_4 = arith.constant 16 : i32
    %scan3A_5 = arith.addi %scan3A_3, %scan3A_4 : i32
    %scan3A_6 = arith.constant 1 : i32
    scf.for %scan3A_8 = %scan3A_3 to %scan3A_5 step %scan3A_6  : i32 {
      %mul3A_9 = arith.constant 640 : i32
      %mul3A_10 = arith.muli %scan3A_8, %mul3A_9 : i32
      %multiple_of3A = tpu.assume_multiple %mul3A_10, 640 : i32
      %dma_start3A = tpu.memref_slice %arg5[%multiple_of3A] : memref<10240xi32, #tpu.memory_space<vmem>> -> memref<320xi32, #tpu.memory_space<vmem>>
      %dma_start3A_11 = arith.constant 0 : i32
      %dma_start3A_12 = arith.constant 0 : i32
      %dma_start3A_13 = tpu.memref_slice %arg2[%dma_start3A_11, %dma_start3A_12] : memref<8192x128xf32, #tpu.memory_space<hbm>> -> memref<8192x128xf32, #tpu.memory_space<hbm>>
      tpu.enqueue_indirect_dma source(%dma_start3A_13 : memref<8192x128xf32, #tpu.memory_space<hbm>>) target(%arg6 : memref<320x128xf32, #tpu.memory_space<vmem>>) offsets(%dma_start3A : memref<320xi32, #tpu.memory_space<vmem>>) semaphore(%arg8 : memref<!tpu.dma_semaphore, #tpu.memory_space<semaphore_mem>>)
      %add3A_14 = arith.constant 320 : i32
      %add3A_15 = arith.addi %multiple_of3A, %add3A_14 : i32
      %dma_start3A_16 = tpu.memref_slice %arg5[%add3A_15] : memref<10240xi32, #tpu.memory_space<vmem>> -> memref<320xi32, #tpu.memory_space<vmem>>
      %dma_start3A_17 = arith.constant 0 : i32
      %dma_start3A_18 = arith.constant 0 : i32
      %dma_start3A_19 = tpu.memref_slice %arg2[%dma_start3A_17, %dma_start3A_18] : memref<8192x128xf32, #tpu.memory_space<hbm>> -> memref<8192x128xf32, #tpu.memory_space<hbm>>
      tpu.enqueue_indirect_dma source(%dma_start3A_19 : memref<8192x128xf32, #tpu.memory_space<hbm>>) target(%arg7 : memref<320x128xf32, #tpu.memory_space<vmem>>) offsets(%dma_start3A_16 : memref<320xi32, #tpu.memory_space<vmem>>) semaphore(%arg9 : memref<!tpu.dma_semaphore, #tpu.memory_space<semaphore_mem>>)
      %dma_wait3A = tpu.memref_slice %arg5[%multiple_of3A] : memref<10240xi32, #tpu.memory_space<vmem>> -> memref<320xi32, #tpu.memory_space<vmem>>
      %dma_wait3A_20 = arith.constant 0 : i32
      %dma_wait3A_21 = arith.constant 0 : i32
      %dma_wait3A_22 = tpu.memref_slice %arg2[%dma_wait3A_20, %dma_wait3A_21] : memref<8192x128xf32, #tpu.memory_space<hbm>> -> memref<8192x128xf32, #tpu.memory_space<hbm>>
      tpu.wait_indirect_dma semaphore(%arg8 : memref<!tpu.dma_semaphore, #tpu.memory_space<semaphore_mem>>) src(%dma_wait3A_22 : memref<8192x128xf32, #tpu.memory_space<hbm>>) dst(%arg6 : memref<320x128xf32, #tpu.memory_space<vmem>>)
      %add3A_23 = arith.addi %mul3A_2, %multiple_of3A : i32
      "tpu.region"() ({
        %run_scoped3A = tpu.sem_alloc : memref<!tpu.dma_semaphore, #tpu.memory_space<semaphore_mem>>
        %dma_start3A_31 = arith.constant 0 : i32
        %dma_start3A_32 = arith.constant 0 : i32
        %dma_start3A_33 = tpu.memref_slice %arg6[%dma_start3A_31, %dma_start3A_32] : memref<320x128xf32, #tpu.memory_space<vmem>> -> memref<320x128xf32, #tpu.memory_space<vmem>>
        %dma_start3A_34 = arith.constant 0 : i32
        %dma_start3A_35 = tpu.memref_slice %arg4[%add3A_23, %dma_start3A_34] : memref<327680x128xf32, #tpu.memory_space<hbm>> -> memref<320x128xf32, #tpu.memory_space<hbm>>
        %dma_start3A_36 = arith.constant 0 : i32
        %dma_start3A_37 = tpu.memref_slice %arg4[%add3A_23, %dma_start3A_36] : memref<327680x128xf32, #tpu.memory_space<hbm>> -> memref<320x128xf32, #tpu.memory_space<hbm>>
        %dma_start3A_38 = arith.constant 0 : i32
        %dma_start3A_39 = arith.constant 0 : i32
        %dma_start3A_40 = tpu.memref_slice %arg6[%dma_start3A_38, %dma_start3A_39] : memref<320x128xf32, #tpu.memory_space<vmem>> -> memref<320x128xf32, #tpu.memory_space<vmem>>
        tpu.enqueue_dma source(%dma_start3A_40 : memref<320x128xf32, #tpu.memory_space<vmem>>) target(%dma_start3A_37 : memref<320x128xf32, #tpu.memory_space<hbm>>) target_semaphore(%run_scoped3A : memref<!tpu.dma_semaphore, #tpu.memory_space<semaphore_mem>>)
        %dma_wait3A_41 = arith.constant 0 : i32
        %dma_wait3A_42 = arith.constant 0 : i32
        %dma_wait3A_43 = tpu.memref_slice %arg6[%dma_wait3A_41, %dma_wait3A_42] : memref<320x128xf32, #tpu.memory_space<vmem>> -> memref<320x128xf32, #tpu.memory_space<vmem>>
        %dma_wait3A_44 = arith.constant 0 : i32
        %dma_wait3A_45 = tpu.memref_slice %arg4[%add3A_23, %dma_wait3A_44] : memref<327680x128xf32, #tpu.memory_space<hbm>> -> memref<320x128xf32, #tpu.memory_space<hbm>>
        %dma_wait3A_46 = arith.constant 0 : i32
        %dma_wait3A_47 = tpu.memref_slice %arg4[%add3A_23, %dma_wait3A_46] : memref<327680x128xf32, #tpu.memory_space<hbm>> -> memref<320x128xf32, #tpu.memory_space<hbm>>
        %dma_wait3A_48 = arith.constant 0 : i32
        %dma_wait3A_49 = arith.constant 0 : i32
        %dma_wait3A_50 = tpu.memref_slice %arg6[%dma_wait3A_48, %dma_wait3A_49] : memref<320x128xf32, #tpu.memory_space<vmem>> -> memref<320x128xf32, #tpu.memory_space<vmem>>
        tpu.wait_dma2 semaphore(%run_scoped3A : memref<!tpu.dma_semaphore, #tpu.memory_space<semaphore_mem>>) src(%dma_wait3A_50 : memref<320x128xf32, #tpu.memory_space<vmem>>) dst(%dma_wait3A_47 : memref<320x128xf32, #tpu.memory_space<hbm>>)
        tpu.yield
      }) : () -> ()
      %dma_wait3A_24 = tpu.memref_slice %arg5[%add3A_15] : memref<10240xi32, #tpu.memory_space<vmem>> -> memref<320xi32, #tpu.memory_space<vmem>>
      %dma_wait3A_25 = arith.constant 0 : i32
      %dma_wait3A_26 = arith.constant 0 : i32
      %dma_wait3A_27 = tpu.memref_slice %arg2[%dma_wait3A_25, %dma_wait3A_26] : memref<8192x128xf32, #tpu.memory_space<hbm>> -> memref<8192x128xf32, #tpu.memory_space<hbm>>
      tpu.wait_indirect_dma semaphore(%arg9 : memref<!tpu.dma_semaphore, #tpu.memory_space<semaphore_mem>>) src(%dma_wait3A_27 : memref<8192x128xf32, #tpu.memory_space<hbm>>) dst(%arg7 : memref<320x128xf32, #tpu.memory_space<vmem>>)
      %add3A_28 = arith.addi %mul3A_2, %multiple_of3A : i32
      %add3A_29 = arith.constant 320 : i32
      %add3A_30 = arith.addi %add3A_28, %add3A_29 : i32
      "tpu.region"() ({
        %run_scoped3A = tpu.sem_alloc : memref<!tpu.dma_semaphore, #tpu.memory_space<semaphore_mem>>
        %dma_start3A_31 = arith.constant 0 : i32
        %dma_start3A_32 = arith.constant 0 : i32
        %dma_start3A_33 = tpu.memref_slice %arg7[%dma_start3A_31, %dma_start3A_32] : memref<320x128xf32, #tpu.memory_space<vmem>> -> memref<320x128xf32, #tpu.memory_space<vmem>>
        %dma_start3A_34 = arith.constant 0 : i32
        %dma_start3A_35 = tpu.memref_slice %arg4[%add3A_30, %dma_start3A_34] : memref<327680x128xf32, #tpu.memory_space<hbm>> -> memref<320x128xf32, #tpu.memory_space<hbm>>
        %dma_start3A_36 = arith.constant 0 : i32
        %dma_start3A_37 = tpu.memref_slice %arg4[%add3A_30, %dma_start3A_36] : memref<327680x128xf32, #tpu.memory_space<hbm>> -> memref<320x128xf32, #tpu.memory_space<hbm>>
        %dma_start3A_38 = arith.constant 0 : i32
        %dma_start3A_39 = arith.constant 0 : i32
        %dma_start3A_40 = tpu.memref_slice %arg7[%dma_start3A_38, %dma_start3A_39] : memref<320x128xf32, #tpu.memory_space<vmem>> -> memref<320x128xf32, #tpu.memory_space<vmem>>
        tpu.enqueue_dma source(%dma_start3A_40 : memref<320x128xf32, #tpu.memory_space<vmem>>) target(%dma_start3A_37 : memref<320x128xf32, #tpu.memory_space<hbm>>) target_semaphore(%run_scoped3A : memref<!tpu.dma_semaphore, #tpu.memory_space<semaphore_mem>>)
        %dma_wait3A_41 = arith.constant 0 : i32
        %dma_wait3A_42 = arith.constant 0 : i32
        %dma_wait3A_43 = tpu.memref_slice %arg7[%dma_wait3A_41, %dma_wait3A_42] : memref<320x128xf32, #tpu.memory_space<vmem>> -> memref<320x128xf32, #tpu.memory_space<vmem>>
        %dma_wait3A_44 = arith.constant 0 : i32
        %dma_wait3A_45 = tpu.memref_slice %arg4[%add3A_30, %dma_wait3A_44] : memref<327680x128xf32, #tpu.memory_space<hbm>> -> memref<320x128xf32, #tpu.memory_space<hbm>>
        %dma_wait3A_46 = arith.constant 0 : i32
        %dma_wait3A_47 = tpu.memref_slice %arg4[%add3A_30, %dma_wait3A_46] : memref<327680x128xf32, #tpu.memory_space<hbm>> -> memref<320x128xf32, #tpu.memory_space<hbm>>
        %dma_wait3A_48 = arith.constant 0 : i32
        %dma_wait3A_49 = arith.constant 0 : i32
        %dma_wait3A_50 = tpu.memref_slice %arg7[%dma_wait3A_48, %dma_wait3A_49] : memref<320x128xf32, #tpu.memory_space<vmem>> -> memref<320x128xf32, #tpu.memory_space<vmem>>
        tpu.wait_dma2 semaphore(%run_scoped3A : memref<!tpu.dma_semaphore, #tpu.memory_space<semaphore_mem>>) src(%dma_wait3A_50 : memref<320x128xf32, #tpu.memory_space<vmem>>) dst(%dma_wait3A_47 : memref<320x128xf32, #tpu.memory_space<hbm>>)
        tpu.yield
      }) : () -> ()
    }
    %scan3A_7 = arith.constant 16 : i32
    return
  }
}

#map = affine_map<(d0, d1) -> (0, 0)>
#map1 = affine_map<(d0, d1) -> (0)>
module attributes {stable_mosaic.version = 14 : i64} {
  func.func @gather_k(%arg0: i32, %arg1: i32, %arg2: memref<8192x128xf32, #tpu.memory_space<hbm>>, %arg3: memref<327680xi32, #tpu.memory_space<hbm>>, %arg4: memref<327680x128xf32, #tpu.memory_space<hbm>>, %arg5: memref<10240xi32, #tpu.memory_space<vmem>>, %arg6: memref<320x128xf32, #tpu.memory_space<vmem>>, %arg7: memref<320x128xf32, #tpu.memory_space<vmem>>, %arg8: memref<!tpu.dma_semaphore, #tpu.memory_space<semaphore_mem>>, %arg9: memref<!tpu.dma_semaphore, #tpu.memory_space<semaphore_mem>>) attributes {dimension_semantics = [#tpu.dimension_semantics<core_parallel>, #tpu.dimension_semantics<subcore_parallel>], iteration_bounds = array<i64: 2, 16>, scalar_prefetch = 0 : i64, scratch_operands = 5 : i64, tpu.core_type = #tpu.core_type<sc_vector_subcore>, window_params = [{transform_indices = #map}, {transform_indices = #map1}, {transform_indices = #map}]} {
    %mul3A = arith.constant 2 : i32
    %mul3A_0 = arith.muli %arg1, %mul3A : i32
    %add3A = arith.addi %mul3A_0, %arg0 : i32
    %mul3A_1 = arith.constant 10240 : i32
    %mul3A_2 = arith.muli %add3A, %mul3A_1 : i32
    "tpu.region"() ({
      %run_scoped3A = tpu.sem_alloc : memref<!tpu.dma_semaphore, #tpu.memory_space<semaphore_mem>>
      %dma_start3A = tpu.memref_slice %arg3[%mul3A_2] : memref<327680xi32, #tpu.memory_space<hbm>> -> memref<10240xi32, #tpu.memory_space<hbm>>
      %dma_start3A_8 = tpu.memref_slice %arg3[%mul3A_2] : memref<327680xi32, #tpu.memory_space<hbm>> -> memref<10240xi32, #tpu.memory_space<hbm>>
      tpu.enqueue_dma source(%dma_start3A_8 : memref<10240xi32, #tpu.memory_space<hbm>>) target(%arg5 : memref<10240xi32, #tpu.memory_space<vmem>>) target_semaphore(%run_scoped3A : memref<!tpu.dma_semaphore, #tpu.memory_space<semaphore_mem>>)
      %dma_wait3A = tpu.memref_slice %arg3[%mul3A_2] : memref<327680xi32, #tpu.memory_space<hbm>> -> memref<10240xi32, #tpu.memory_space<hbm>>
      %dma_wait3A_9 = tpu.memref_slice %arg3[%mul3A_2] : memref<327680xi32, #tpu.memory_space<hbm>> -> memref<10240xi32, #tpu.memory_space<hbm>>
      tpu.wait_dma2 semaphore(%run_scoped3A : memref<!tpu.dma_semaphore, #tpu.memory_space<semaphore_mem>>) src(%dma_wait3A_9 : memref<10240xi32, #tpu.memory_space<hbm>>) dst(%arg5 : memref<10240xi32, #tpu.memory_space<vmem>>)
      tpu.yield
    }) : () -> ()
    %scan3A = arith.constant 0 : i32
    %scan3A_3 = arith.constant 0 : i32
    %scan3A_4 = arith.constant 16 : i32
    %scan3A_5 = arith.addi %scan3A_3, %scan3A_4 : i32
    %scan3A_6 = arith.constant 1 : i32
    scf.for %scan3A_8 = %scan3A_3 to %scan3A_5 step %scan3A_6  : i32 {
      %mul3A_9 = arith.constant 640 : i32
      %mul3A_10 = arith.muli %scan3A_8, %mul3A_9 : i32
      %multiple_of3A = tpu.assume_multiple %mul3A_10, 640 : i32
      %dma_start3A = tpu.memref_slice %arg5[%multiple_of3A] : memref<10240xi32, #tpu.memory_space<vmem>> -> memref<320xi32, #tpu.memory_space<vmem>>
      %dma_start3A_11 = arith.constant 0 : i32
      %dma_start3A_12 = arith.constant 0 : i32
      %dma_start3A_13 = tpu.memref_slice %arg2[%dma_start3A_11, %dma_start3A_12] : memref<8192x128xf32, #tpu.memory_space<hbm>> -> memref<8192x128xf32, #tpu.memory_space<hbm>>
      tpu.enqueue_indirect_dma source(%dma_start3A_13 : memref<8192x128xf32, #tpu.memory_space<hbm>>) target(%arg6 : memref<320x128xf32, #tpu.memory_space<vmem>>) offsets(%dma_start3A : memref<320xi32, #tpu.memory_space<vmem>>) semaphore(%arg8 : memref<!tpu.dma_semaphore, #tpu.memory_space<semaphore_mem>>)
      %add3A_14 = arith.constant 320 : i32
      %add3A_15 = arith.addi %multiple_of3A, %add3A_14 : i32
      %dma_start3A_16 = tpu.memref_slice %arg5[%add3A_15] : memref<10240xi32, #tpu.memory_space<vmem>> -> memref<320xi32, #tpu.memory_space<vmem>>
      %dma_start3A_17 = arith.constant 0 : i32
      %dma_start3A_18 = arith.constant 0 : i32
      %dma_start3A_19 = tpu.memref_slice %arg2[%dma_start3A_17, %dma_start3A_18] : memref<8192x128xf32, #tpu.memory_space<hbm>> -> memref<8192x128xf32, #tpu.memory_space<hbm>>
      tpu.enqueue_indirect_dma source(%dma_start3A_19 : memref<8192x128xf32, #tpu.memory_space<hbm>>) target(%arg7 : memref<320x128xf32, #tpu.memory_space<vmem>>) offsets(%dma_start3A_16 : memref<320xi32, #tpu.memory_space<vmem>>) semaphore(%arg9 : memref<!tpu.dma_semaphore, #tpu.memory_space<semaphore_mem>>)
      %dma_wait3A = tpu.memref_slice %arg5[%multiple_of3A] : memref<10240xi32, #tpu.memory_space<vmem>> -> memref<320xi32, #tpu.memory_space<vmem>>
      %dma_wait3A_20 = arith.constant 0 : i32
      %dma_wait3A_21 = arith.constant 0 : i32
      %dma_wait3A_22 = tpu.memref_slice %arg2[%dma_wait3A_20, %dma_wait3A_21] : memref<8192x128xf32, #tpu.memory_space<hbm>> -> memref<8192x128xf32, #tpu.memory_space<hbm>>
      tpu.wait_indirect_dma semaphore(%arg8 : memref<!tpu.dma_semaphore, #tpu.memory_space<semaphore_mem>>) src(%dma_wait3A_22 : memref<8192x128xf32, #tpu.memory_space<hbm>>) dst(%arg6 : memref<320x128xf32, #tpu.memory_space<vmem>>)
      %add3A_23 = arith.addi %mul3A_2, %multiple_of3A : i32
      "tpu.region"() ({
        %run_scoped3A = tpu.sem_alloc : memref<!tpu.dma_semaphore, #tpu.memory_space<semaphore_mem>>
        %dma_start3A_31 = arith.constant 0 : i32
        %dma_start3A_32 = arith.constant 0 : i32
        %dma_start3A_33 = tpu.memref_slice %arg6[%dma_start3A_31, %dma_start3A_32] : memref<320x128xf32, #tpu.memory_space<vmem>> -> memref<320x128xf32, #tpu.memory_space<vmem>>
        %dma_start3A_34 = arith.constant 0 : i32
        %dma_start3A_35 = tpu.memref_slice %arg4[%add3A_23, %dma_start3A_34] : memref<327680x128xf32, #tpu.memory_space<hbm>> -> memref<320x128xf32, #tpu.memory_space<hbm>>
        %dma_start3A_36 = arith.constant 0 : i32
        %dma_start3A_37 = tpu.memref_slice %arg4[%add3A_23, %dma_start3A_36] : memref<327680x128xf32, #tpu.memory_space<hbm>> -> memref<320x128xf32, #tpu.memory_space<hbm>>
        %dma_start3A_38 = arith.constant 0 : i32
        %dma_start3A_39 = arith.constant 0 : i32
        %dma_start3A_40 = tpu.memref_slice %arg6[%dma_start3A_38, %dma_start3A_39] : memref<320x128xf32, #tpu.memory_space<vmem>> -> memref<320x128xf32, #tpu.memory_space<vmem>>
        tpu.enqueue_dma source(%dma_start3A_40 : memref<320x128xf32, #tpu.memory_space<vmem>>) target(%dma_start3A_37 : memref<320x128xf32, #tpu.memory_space<hbm>>) target_semaphore(%run_scoped3A : memref<!tpu.dma_semaphore, #tpu.memory_space<semaphore_mem>>)
        %dma_wait3A_41 = arith.constant 0 : i32
        %dma_wait3A_42 = arith.constant 0 : i32
        %dma_wait3A_43 = tpu.memref_slice %arg6[%dma_wait3A_41, %dma_wait3A_42] : memref<320x128xf32, #tpu.memory_space<vmem>> -> memref<320x128xf32, #tpu.memory_space<vmem>>
        %dma_wait3A_44 = arith.constant 0 : i32
        %dma_wait3A_45 = tpu.memref_slice %arg4[%add3A_23, %dma_wait3A_44] : memref<327680x128xf32, #tpu.memory_space<hbm>> -> memref<320x128xf32, #tpu.memory_space<hbm>>
        %dma_wait3A_46 = arith.constant 0 : i32
        %dma_wait3A_47 = tpu.memref_slice %arg4[%add3A_23, %dma_wait3A_46] : memref<327680x128xf32, #tpu.memory_space<hbm>> -> memref<320x128xf32, #tpu.memory_space<hbm>>
        %dma_wait3A_48 = arith.constant 0 : i32
        %dma_wait3A_49 = arith.constant 0 : i32
        %dma_wait3A_50 = tpu.memref_slice %arg6[%dma_wait3A_48, %dma_wait3A_49] : memref<320x128xf32, #tpu.memory_space<vmem>> -> memref<320x128xf32, #tpu.memory_space<vmem>>
        tpu.wait_dma2 semaphore(%run_scoped3A : memref<!tpu.dma_semaphore, #tpu.memory_space<semaphore_mem>>) src(%dma_wait3A_50 : memref<320x128xf32, #tpu.memory_space<vmem>>) dst(%dma_wait3A_47 : memref<320x128xf32, #tpu.memory_space<hbm>>)
        tpu.yield
      }) : () -> ()
      %dma_wait3A_24 = tpu.memref_slice %arg5[%add3A_15] : memref<10240xi32, #tpu.memory_space<vmem>> -> memref<320xi32, #tpu.memory_space<vmem>>
      %dma_wait3A_25 = arith.constant 0 : i32
      %dma_wait3A_26 = arith.constant 0 : i32
      %dma_wait3A_27 = tpu.memref_slice %arg2[%dma_wait3A_25, %dma_wait3A_26] : memref<8192x128xf32, #tpu.memory_space<hbm>> -> memref<8192x128xf32, #tpu.memory_space<hbm>>
      tpu.wait_indirect_dma semaphore(%arg9 : memref<!tpu.dma_semaphore, #tpu.memory_space<semaphore_mem>>) src(%dma_wait3A_27 : memref<8192x128xf32, #tpu.memory_space<hbm>>) dst(%arg7 : memref<320x128xf32, #tpu.memory_space<vmem>>)
      %add3A_28 = arith.addi %mul3A_2, %multiple_of3A : i32
      %add3A_29 = arith.constant 320 : i32
      %add3A_30 = arith.addi %add3A_28, %add3A_29 : i32
      "tpu.region"() ({
        %run_scoped3A = tpu.sem_alloc : memref<!tpu.dma_semaphore, #tpu.memory_space<semaphore_mem>>
        %dma_start3A_31 = arith.constant 0 : i32
        %dma_start3A_32 = arith.constant 0 : i32
        %dma_start3A_33 = tpu.memref_slice %arg7[%dma_start3A_31, %dma_start3A_32] : memref<320x128xf32, #tpu.memory_space<vmem>> -> memref<320x128xf32, #tpu.memory_space<vmem>>
        %dma_start3A_34 = arith.constant 0 : i32
        %dma_start3A_35 = tpu.memref_slice %arg4[%add3A_30, %dma_start3A_34] : memref<327680x128xf32, #tpu.memory_space<hbm>> -> memref<320x128xf32, #tpu.memory_space<hbm>>
        %dma_start3A_36 = arith.constant 0 : i32
        %dma_start3A_37 = tpu.memref_slice %arg4[%add3A_30, %dma_start3A_36] : memref<327680x128xf32, #tpu.memory_space<hbm>> -> memref<320x128xf32, #tpu.memory_space<hbm>>
        %dma_start3A_38 = arith.constant 0 : i32
        %dma_start3A_39 = arith.constant 0 : i32
        %dma_start3A_40 = tpu.memref_slice %arg7[%dma_start3A_38, %dma_start3A_39] : memref<320x128xf32, #tpu.memory_space<vmem>> -> memref<320x128xf32, #tpu.memory_space<vmem>>
        tpu.enqueue_dma source(%dma_start3A_40 : memref<320x128xf32, #tpu.memory_space<vmem>>) target(%dma_start3A_37 : memref<320x128xf32, #tpu.memory_space<hbm>>) target_semaphore(%run_scoped3A : memref<!tpu.dma_semaphore, #tpu.memory_space<semaphore_mem>>)
        %dma_wait3A_41 = arith.constant 0 : i32
        %dma_wait3A_42 = arith.constant 0 : i32
        %dma_wait3A_43 = tpu.memref_slice %arg7[%dma_wait3A_41, %dma_wait3A_42] : memref<320x128xf32, #tpu.memory_space<vmem>> -> memref<320x128xf32, #tpu.memory_space<vmem>>
        %dma_wait3A_44 = arith.constant 0 : i32
        %dma_wait3A_45 = tpu.memref_slice %arg4[%add3A_30, %dma_wait3A_44] : memref<327680x128xf32, #tpu.memory_space<hbm>> -> memref<320x128xf32, #tpu.memory_space<hbm>>
        %dma_wait3A_46 = arith.constant 0 : i32
        %dma_wait3A_47 = tpu.memref_slice %arg4[%add3A_30, %dma_wait3A_46] : memref<327680x128xf32, #tpu.memory_space<hbm>> -> memref<320x128xf32, #tpu.memory_space<hbm>>
        %dma_wait3A_48 = arith.constant 0 : i32
        %dma_wait3A_49 = arith.constant 0 : i32
        %dma_wait3A_50 = tpu.memref_slice %arg7[%dma_wait3A_48, %dma_wait3A_49] : memref<320x128xf32, #tpu.memory_space<vmem>> -> memref<320x128xf32, #tpu.memory_space<vmem>>
        tpu.wait_dma2 semaphore(%run_scoped3A : memref<!tpu.dma_semaphore, #tpu.memory_space<semaphore_mem>>) src(%dma_wait3A_50 : memref<320x128xf32, #tpu.memory_space<vmem>>) dst(%dma_wait3A_47 : memref<320x128xf32, #tpu.memory_space<hbm>>)
        tpu.yield
      }) : () -> ()
    }
    %scan3A_7 = arith.constant 16 : i32
    return
  }
}

#map = affine_map<(d0, d1) -> (0, 0)>
#map1 = affine_map<(d0, d1) -> (0)>
module attributes {stable_mosaic.version = 14 : i64} {
  func.func @gather_k(%arg0: i32, %arg1: i32, %arg2: memref<8192x128xf32, #tpu.memory_space<hbm>>, %arg3: memref<327680xi32, #tpu.memory_space<hbm>>, %arg4: memref<327680x128xf32, #tpu.memory_space<hbm>>, %arg5: memref<10240xi32, #tpu.memory_space<vmem>>, %arg6: memref<320x128xf32, #tpu.memory_space<vmem>>, %arg7: memref<320x128xf32, #tpu.memory_space<vmem>>, %arg8: memref<!tpu.dma_semaphore, #tpu.memory_space<semaphore_mem>>, %arg9: memref<!tpu.dma_semaphore, #tpu.memory_space<semaphore_mem>>) attributes {dimension_semantics = [#tpu.dimension_semantics<core_parallel>, #tpu.dimension_semantics<subcore_parallel>], iteration_bounds = array<i64: 2, 16>, scalar_prefetch = 0 : i64, scratch_operands = 5 : i64, tpu.core_type = #tpu.core_type<sc_vector_subcore>, window_params = [{transform_indices = #map}, {transform_indices = #map1}, {transform_indices = #map}]} {
    %mul3A = arith.constant 2 : i32
    %mul3A_0 = arith.muli %arg1, %mul3A : i32
    %add3A = arith.addi %mul3A_0, %arg0 : i32
    %mul3A_1 = arith.constant 10240 : i32
    %mul3A_2 = arith.muli %add3A, %mul3A_1 : i32
    "tpu.region"() ({
      %run_scoped3A = tpu.sem_alloc : memref<!tpu.dma_semaphore, #tpu.memory_space<semaphore_mem>>
      %dma_start3A = tpu.memref_slice %arg3[%mul3A_2] : memref<327680xi32, #tpu.memory_space<hbm>> -> memref<10240xi32, #tpu.memory_space<hbm>>
      %dma_start3A_8 = tpu.memref_slice %arg3[%mul3A_2] : memref<327680xi32, #tpu.memory_space<hbm>> -> memref<10240xi32, #tpu.memory_space<hbm>>
      tpu.enqueue_dma source(%dma_start3A_8 : memref<10240xi32, #tpu.memory_space<hbm>>) target(%arg5 : memref<10240xi32, #tpu.memory_space<vmem>>) target_semaphore(%run_scoped3A : memref<!tpu.dma_semaphore, #tpu.memory_space<semaphore_mem>>)
      %dma_wait3A = tpu.memref_slice %arg3[%mul3A_2] : memref<327680xi32, #tpu.memory_space<hbm>> -> memref<10240xi32, #tpu.memory_space<hbm>>
      %dma_wait3A_9 = tpu.memref_slice %arg3[%mul3A_2] : memref<327680xi32, #tpu.memory_space<hbm>> -> memref<10240xi32, #tpu.memory_space<hbm>>
      tpu.wait_dma2 semaphore(%run_scoped3A : memref<!tpu.dma_semaphore, #tpu.memory_space<semaphore_mem>>) src(%dma_wait3A_9 : memref<10240xi32, #tpu.memory_space<hbm>>) dst(%arg5 : memref<10240xi32, #tpu.memory_space<vmem>>)
      tpu.yield
    }) : () -> ()
    %scan3A = arith.constant 0 : i32
    %scan3A_3 = arith.constant 0 : i32
    %scan3A_4 = arith.constant 16 : i32
    %scan3A_5 = arith.addi %scan3A_3, %scan3A_4 : i32
    %scan3A_6 = arith.constant 1 : i32
    scf.for %scan3A_8 = %scan3A_3 to %scan3A_5 step %scan3A_6  : i32 {
      %mul3A_9 = arith.constant 640 : i32
      %mul3A_10 = arith.muli %scan3A_8, %mul3A_9 : i32
      %multiple_of3A = tpu.assume_multiple %mul3A_10, 640 : i32
      %dma_start3A = tpu.memref_slice %arg5[%multiple_of3A] : memref<10240xi32, #tpu.memory_space<vmem>> -> memref<320xi32, #tpu.memory_space<vmem>>
      %dma_start3A_11 = arith.constant 0 : i32
      %dma_start3A_12 = arith.constant 0 : i32
      %dma_start3A_13 = tpu.memref_slice %arg2[%dma_start3A_11, %dma_start3A_12] : memref<8192x128xf32, #tpu.memory_space<hbm>> -> memref<8192x128xf32, #tpu.memory_space<hbm>>
      tpu.enqueue_indirect_dma source(%dma_start3A_13 : memref<8192x128xf32, #tpu.memory_space<hbm>>) target(%arg6 : memref<320x128xf32, #tpu.memory_space<vmem>>) offsets(%dma_start3A : memref<320xi32, #tpu.memory_space<vmem>>) semaphore(%arg8 : memref<!tpu.dma_semaphore, #tpu.memory_space<semaphore_mem>>)
      %add3A_14 = arith.constant 320 : i32
      %add3A_15 = arith.addi %multiple_of3A, %add3A_14 : i32
      %dma_start3A_16 = tpu.memref_slice %arg5[%add3A_15] : memref<10240xi32, #tpu.memory_space<vmem>> -> memref<320xi32, #tpu.memory_space<vmem>>
      %dma_start3A_17 = arith.constant 0 : i32
      %dma_start3A_18 = arith.constant 0 : i32
      %dma_start3A_19 = tpu.memref_slice %arg2[%dma_start3A_17, %dma_start3A_18] : memref<8192x128xf32, #tpu.memory_space<hbm>> -> memref<8192x128xf32, #tpu.memory_space<hbm>>
      tpu.enqueue_indirect_dma source(%dma_start3A_19 : memref<8192x128xf32, #tpu.memory_space<hbm>>) target(%arg7 : memref<320x128xf32, #tpu.memory_space<vmem>>) offsets(%dma_start3A_16 : memref<320xi32, #tpu.memory_space<vmem>>) semaphore(%arg9 : memref<!tpu.dma_semaphore, #tpu.memory_space<semaphore_mem>>)
      %dma_wait3A = tpu.memref_slice %arg5[%multiple_of3A] : memref<10240xi32, #tpu.memory_space<vmem>> -> memref<320xi32, #tpu.memory_space<vmem>>
      %dma_wait3A_20 = arith.constant 0 : i32
      %dma_wait3A_21 = arith.constant 0 : i32
      %dma_wait3A_22 = tpu.memref_slice %arg2[%dma_wait3A_20, %dma_wait3A_21] : memref<8192x128xf32, #tpu.memory_space<hbm>> -> memref<8192x128xf32, #tpu.memory_space<hbm>>
      tpu.wait_indirect_dma semaphore(%arg8 : memref<!tpu.dma_semaphore, #tpu.memory_space<semaphore_mem>>) src(%dma_wait3A_22 : memref<8192x128xf32, #tpu.memory_space<hbm>>) dst(%arg6 : memref<320x128xf32, #tpu.memory_space<vmem>>)
      %add3A_23 = arith.addi %mul3A_2, %multiple_of3A : i32
      "tpu.region"() ({
        %run_scoped3A = tpu.sem_alloc : memref<!tpu.dma_semaphore, #tpu.memory_space<semaphore_mem>>
        %dma_start3A_31 = arith.constant 0 : i32
        %dma_start3A_32 = arith.constant 0 : i32
        %dma_start3A_33 = tpu.memref_slice %arg6[%dma_start3A_31, %dma_start3A_32] : memref<320x128xf32, #tpu.memory_space<vmem>> -> memref<320x128xf32, #tpu.memory_space<vmem>>
        %dma_start3A_34 = arith.constant 0 : i32
        %dma_start3A_35 = tpu.memref_slice %arg4[%add3A_23, %dma_start3A_34] : memref<327680x128xf32, #tpu.memory_space<hbm>> -> memref<320x128xf32, #tpu.memory_space<hbm>>
        %dma_start3A_36 = arith.constant 0 : i32
        %dma_start3A_37 = tpu.memref_slice %arg4[%add3A_23, %dma_start3A_36] : memref<327680x128xf32, #tpu.memory_space<hbm>> -> memref<320x128xf32, #tpu.memory_space<hbm>>
        %dma_start3A_38 = arith.constant 0 : i32
        %dma_start3A_39 = arith.constant 0 : i32
        %dma_start3A_40 = tpu.memref_slice %arg6[%dma_start3A_38, %dma_start3A_39] : memref<320x128xf32, #tpu.memory_space<vmem>> -> memref<320x128xf32, #tpu.memory_space<vmem>>
        tpu.enqueue_dma source(%dma_start3A_40 : memref<320x128xf32, #tpu.memory_space<vmem>>) target(%dma_start3A_37 : memref<320x128xf32, #tpu.memory_space<hbm>>) target_semaphore(%run_scoped3A : memref<!tpu.dma_semaphore, #tpu.memory_space<semaphore_mem>>)
        %dma_wait3A_41 = arith.constant 0 : i32
        %dma_wait3A_42 = arith.constant 0 : i32
        %dma_wait3A_43 = tpu.memref_slice %arg6[%dma_wait3A_41, %dma_wait3A_42] : memref<320x128xf32, #tpu.memory_space<vmem>> -> memref<320x128xf32, #tpu.memory_space<vmem>>
        %dma_wait3A_44 = arith.constant 0 : i32
        %dma_wait3A_45 = tpu.memref_slice %arg4[%add3A_23, %dma_wait3A_44] : memref<327680x128xf32, #tpu.memory_space<hbm>> -> memref<320x128xf32, #tpu.memory_space<hbm>>
        %dma_wait3A_46 = arith.constant 0 : i32
        %dma_wait3A_47 = tpu.memref_slice %arg4[%add3A_23, %dma_wait3A_46] : memref<327680x128xf32, #tpu.memory_space<hbm>> -> memref<320x128xf32, #tpu.memory_space<hbm>>
        %dma_wait3A_48 = arith.constant 0 : i32
        %dma_wait3A_49 = arith.constant 0 : i32
        %dma_wait3A_50 = tpu.memref_slice %arg6[%dma_wait3A_48, %dma_wait3A_49] : memref<320x128xf32, #tpu.memory_space<vmem>> -> memref<320x128xf32, #tpu.memory_space<vmem>>
        tpu.wait_dma2 semaphore(%run_scoped3A : memref<!tpu.dma_semaphore, #tpu.memory_space<semaphore_mem>>) src(%dma_wait3A_50 : memref<320x128xf32, #tpu.memory_space<vmem>>) dst(%dma_wait3A_47 : memref<320x128xf32, #tpu.memory_space<hbm>>)
        tpu.yield
      }) : () -> ()
      %dma_wait3A_24 = tpu.memref_slice %arg5[%add3A_15] : memref<10240xi32, #tpu.memory_space<vmem>> -> memref<320xi32, #tpu.memory_space<vmem>>
      %dma_wait3A_25 = arith.constant 0 : i32
      %dma_wait3A_26 = arith.constant 0 : i32
      %dma_wait3A_27 = tpu.memref_slice %arg2[%dma_wait3A_25, %dma_wait3A_26] : memref<8192x128xf32, #tpu.memory_space<hbm>> -> memref<8192x128xf32, #tpu.memory_space<hbm>>
      tpu.wait_indirect_dma semaphore(%arg9 : memref<!tpu.dma_semaphore, #tpu.memory_space<semaphore_mem>>) src(%dma_wait3A_27 : memref<8192x128xf32, #tpu.memory_space<hbm>>) dst(%arg7 : memref<320x128xf32, #tpu.memory_space<vmem>>)
      %add3A_28 = arith.addi %mul3A_2, %multiple_of3A : i32
      %add3A_29 = arith.constant 320 : i32
      %add3A_30 = arith.addi %add3A_28, %add3A_29 : i32
      "tpu.region"() ({
        %run_scoped3A = tpu.sem_alloc : memref<!tpu.dma_semaphore, #tpu.memory_space<semaphore_mem>>
        %dma_start3A_31 = arith.constant 0 : i32
        %dma_start3A_32 = arith.constant 0 : i32
        %dma_start3A_33 = tpu.memref_slice %arg7[%dma_start3A_31, %dma_start3A_32] : memref<320x128xf32, #tpu.memory_space<vmem>> -> memref<320x128xf32, #tpu.memory_space<vmem>>
        %dma_start3A_34 = arith.constant 0 : i32
        %dma_start3A_35 = tpu.memref_slice %arg4[%add3A_30, %dma_start3A_34] : memref<327680x128xf32, #tpu.memory_space<hbm>> -> memref<320x128xf32, #tpu.memory_space<hbm>>
        %dma_start3A_36 = arith.constant 0 : i32
        %dma_start3A_37 = tpu.memref_slice %arg4[%add3A_30, %dma_start3A_36] : memref<327680x128xf32, #tpu.memory_space<hbm>> -> memref<320x128xf32, #tpu.memory_space<hbm>>
        %dma_start3A_38 = arith.constant 0 : i32
        %dma_start3A_39 = arith.constant 0 : i32
        %dma_start3A_40 = tpu.memref_slice %arg7[%dma_start3A_38, %dma_start3A_39] : memref<320x128xf32, #tpu.memory_space<vmem>> -> memref<320x128xf32, #tpu.memory_space<vmem>>
        tpu.enqueue_dma source(%dma_start3A_40 : memref<320x128xf32, #tpu.memory_space<vmem>>) target(%dma_start3A_37 : memref<320x128xf32, #tpu.memory_space<hbm>>) target_semaphore(%run_scoped3A : memref<!tpu.dma_semaphore, #tpu.memory_space<semaphore_mem>>)
        %dma_wait3A_41 = arith.constant 0 : i32
        %dma_wait3A_42 = arith.constant 0 : i32
        %dma_wait3A_43 = tpu.memref_slice %arg7[%dma_wait3A_41, %dma_wait3A_42] : memref<320x128xf32, #tpu.memory_space<vmem>> -> memref<320x128xf32, #tpu.memory_space<vmem>>
        %dma_wait3A_44 = arith.constant 0 : i32
        %dma_wait3A_45 = tpu.memref_slice %arg4[%add3A_30, %dma_wait3A_44] : memref<327680x128xf32, #tpu.memory_space<hbm>> -> memref<320x128xf32, #tpu.memory_space<hbm>>
        %dma_wait3A_46 = arith.constant 0 : i32
        %dma_wait3A_47 = tpu.memref_slice %arg4[%add3A_30, %dma_wait3A_46] : memref<327680x128xf32, #tpu.memory_space<hbm>> -> memref<320x128xf32, #tpu.memory_space<hbm>>
        %dma_wait3A_48 = arith.constant 0 : i32
        %dma_wait3A_49 = arith.constant 0 : i32
        %dma_wait3A_50 = tpu.memref_slice %arg7[%dma_wait3A_48, %dma_wait3A_49] : memref<320x128xf32, #tpu.memory_space<vmem>> -> memref<320x128xf32, #tpu.memory_space<vmem>>
        tpu.wait_dma2 semaphore(%run_scoped3A : memref<!tpu.dma_semaphore, #tpu.memory_space<semaphore_mem>>) src(%dma_wait3A_50 : memref<320x128xf32, #tpu.memory_space<vmem>>) dst(%dma_wait3A_47 : memref<320x128xf32, #tpu.memory_space<hbm>>)
        tpu.yield
      }) : () -> ()
    }
    %scan3A_7 = arith.constant 16 : i32
    return
  }
}

module attributes {stable_mosaic.version = 14 : i64} {
  func.func @_proj_body(%arg0: i32, %arg1: memref<512x128xf32, #tpu.memory_space<vmem>>, %arg2: memref<128x4xf32, #tpu.memory_space<vmem>>, %arg3: memref<1x4xf32, #tpu.memory_space<vmem>>, %arg4: memref<128x22xf32, #tpu.memory_space<vmem>>, %arg5: memref<1x22xf32, #tpu.memory_space<vmem>>, %arg6: memref<128x36xf32, #tpu.memory_space<vmem>>, %arg7: memref<512x8xf32, #tpu.memory_space<vmem>>, %arg8: memref<512x128xf32, #tpu.memory_space<vmem>>, %arg9: memref<512x36xf32, #tpu.memory_space<vmem>>) attributes {dimension_semantics = [#tpu.dimension_semantics<arbitrary>], iteration_bounds = array<i64: 16>, scalar_prefetch = 0 : i64, scratch_operands = 0 : i64, tpu.core_type = #tpu.core_type<tc>, window_params = [{transform_indices = @transform_0, window_bounds = array<i64: 512, 128>}, {pipeline_mode = #tpu.pipeline_mode<synchronous>, transform_indices = @transform_1, window_bounds = array<i64: 128, 4>}, {pipeline_mode = #tpu.pipeline_mode<synchronous>, transform_indices = @transform_2, window_bounds = array<i64: 1, 4>}, {pipeline_mode = #tpu.pipeline_mode<synchronous>, transform_indices = @transform_3, window_bounds = array<i64: 128, 22>}, {pipeline_mode = #tpu.pipeline_mode<synchronous>, transform_indices = @transform_4, window_bounds = array<i64: 1, 22>}, {pipeline_mode = #tpu.pipeline_mode<synchronous>, transform_indices = @transform_5, window_bounds = array<i64: 128, 36>}, {transform_indices = @transform_6, window_bounds = array<i64: 512, 8>}, {transform_indices = @transform_7, window_bounds = array<i64: 512, 128>}, {transform_indices = @transform_8, window_bounds = array<i64: 512, 36>}]} {
    %get3A = arith.constant 0 : index
    %get3A_0 = arith.constant 0 : index
    %get3A_1 = vector.load %arg1[%get3A, %get3A_0] : memref<512x128xf32, #tpu.memory_space<vmem>>, vector<512x128xf32>
    %get3A_2 = arith.constant 0 : index
    %get3A_3 = arith.constant 0 : index
    %get3A_4 = vector.load %arg2[%get3A_2, %get3A_3] : memref<128x4xf32, #tpu.memory_space<vmem>>, vector<128x4xf32>
    %get3A_5 = arith.constant 0 : index
    %get3A_6 = arith.constant 0 : index
    %get3A_7 = vector.load %arg3[%get3A_5, %get3A_6] : memref<1x4xf32, #tpu.memory_space<vmem>>, vector<1x4xf32>
    %get3A_8 = arith.constant 0 : index
    %get3A_9 = arith.constant 0 : index
    %get3A_10 = vector.load %arg4[%get3A_8, %get3A_9] : memref<128x22xf32, #tpu.memory_space<vmem>>, vector<128x22xf32>
    %get3A_11 = arith.constant 0 : index
    %get3A_12 = arith.constant 0 : index
    %get3A_13 = vector.load %arg5[%get3A_11, %get3A_12] : memref<1x22xf32, #tpu.memory_space<vmem>>, vector<1x22xf32>
    %get3A_14 = arith.constant 0 : index
    %get3A_15 = arith.constant 0 : index
    %get3A_16 = vector.load %arg6[%get3A_14, %get3A_15] : memref<128x36xf32, #tpu.memory_space<vmem>>, vector<128x36xf32>
    %dot_general3A = arith.constant dense<0.000000e+00> : vector<512x4xf32>
    %dot_general3A_17 = tpu.matmul %get3A_1, %get3A_4, %dot_general3A {dimension_numbers = #tpu.dot_dimension_numbers<[1], [0], [0], [1], [0, 0, 1, 1], [], []>, transpose_lhs_hint = false} : vector<512x128xf32>, vector<128x4xf32>, vector<512x4xf32> -> vector<512x4xf32>
    %add3A = vector.broadcast %get3A_7 : vector<1x4xf32> to vector<512x4xf32>
    %add3A_18 = arith.addf %dot_general3A_17, %add3A : vector<512x4xf32>
    %dot_general3A_19 = arith.constant dense<0.000000e+00> : vector<512x22xf32>
    %dot_general3A_20 = tpu.matmul %get3A_1, %get3A_10, %dot_general3A_19 {dimension_numbers = #tpu.dot_dimension_numbers<[1], [0], [0], [1], [0, 0, 1, 1], [], []>, transpose_lhs_hint = false} : vector<512x128xf32>, vector<128x22xf32>, vector<512x22xf32> -> vector<512x22xf32>
    %add3A_21 = vector.broadcast %get3A_13 : vector<1x22xf32> to vector<512x22xf32>
    %add3A_22 = arith.addf %dot_general3A_20, %add3A_21 : vector<512x22xf32>
    %mul3A = arith.mulf %add3A_18, %add3A_18 : vector<512x4xf32>
    %reduce_sum3A = arith.constant dense<0.000000e+00> : vector<512xf32>
    %reduce_sum3A_23 = vector.multi_reduction <add>, %mul3A, %reduce_sum3A [1] : vector<512x4xf32> to vector<512xf32>
    %broadcast_in_dim3A = vector.shape_cast %reduce_sum3A_23 : vector<512xf32> to vector<512x1xf32>
    %broadcast_in_dim3A_24 = arith.constant 1.000000e+00 : f32
    %broadcast_in_dim3A_25 = vector.broadcast %broadcast_in_dim3A_24 : f32 to vector<512x1xf32>
    %broadcast_in_dim3A_26 = arith.constant 0.000000e+00 : f32
    %broadcast_in_dim3A_27 = vector.broadcast %broadcast_in_dim3A_26 : f32 to vector<512x2xf32>
    %concatenate3A = tpu.concatenate %add3A_18, %broadcast_in_dim3A_25, %broadcast_in_dim3A, %broadcast_in_dim3A_27 in 1 : vector<512x4xf32>, vector<512x1xf32>, vector<512x1xf32>, vector<512x2xf32> -> vector<512x8xf32>
    %swap3A = arith.constant 0 : index
    %swap3A_28 = arith.constant 0 : index
    %swap3A_29 = vector.load %arg7[%swap3A, %swap3A_28] : memref<512x8xf32, #tpu.memory_space<vmem>>, vector<512x8xf32>
    tpu.vector_store %arg7[%swap3A, %swap3A_28], %concatenate3A {strides = array<i32>} : memref<512x8xf32, #tpu.memory_space<vmem>>, vector<512x8xf32>,
    %broadcast_in_dim3A_30 = arith.constant 0.000000e+00 : f32
    %broadcast_in_dim3A_31 = vector.broadcast %broadcast_in_dim3A_30 : f32 to vector<512x102xf32>
    %concatenate3A_32 = tpu.concatenate %add3A_18, %add3A_22, %broadcast_in_dim3A_31 in 1 : vector<512x4xf32>, vector<512x22xf32>, vector<512x102xf32> -> vector<512x128xf32>
    %swap3A_33 = arith.constant 0 : index
    %swap3A_34 = arith.constant 0 : index
    %swap3A_35 = vector.load %arg8[%swap3A_33, %swap3A_34] : memref<512x128xf32, #tpu.memory_space<vmem>>, vector<512x128xf32>
    tpu.vector_store %arg8[%swap3A_33, %swap3A_34], %concatenate3A_32 {strides = array<i32>} : memref<512x128xf32, #tpu.memory_space<vmem>>, vector<512x128xf32>,
    %dot_general3A_36 = arith.constant dense<0.000000e+00> : vector<512x36xf32>
    %dot_general3A_37 = tpu.matmul %get3A_1, %get3A_16, %dot_general3A_36 {dimension_numbers = #tpu.dot_dimension_numbers<[1], [0], [0], [1], [0, 0, 1, 1], [], []>, transpose_lhs_hint = false} : vector<512x128xf32>, vector<128x36xf32>, vector<512x36xf32> -> vector<512x36xf32>
    %swap3A_38 = arith.constant 0 : index
    %swap3A_39 = arith.constant 0 : index
    %swap3A_40 = vector.load %arg9[%swap3A_38, %swap3A_39] : memref<512x36xf32, #tpu.memory_space<vmem>>, vector<512x36xf32>
    tpu.vector_store %arg9[%swap3A_38, %swap3A_39], %dot_general3A_37 {strides = array<i32>} : memref<512x36xf32, #tpu.memory_space<vmem>>, vector<512x36xf32>,
    return
  }
  func.func @transform_0(%arg0: i32) -> (i32, i32) {
    %c0_i32 = arith.constant 0 : i32
    %c0_i32_0 = arith.constant 0 : i32
    return %arg0, %c0_i32 : i32, i32
  }
  func.func @transform_1(%arg0: i32) -> (i32, i32) {
    %c0_i32 = arith.constant 0 : i32
    %c0_i32_0 = arith.constant 0 : i32
    %c0_i32_1 = arith.constant 0 : i32
    return %c0_i32, %c0_i32_0 : i32, i32
  }
  func.func @transform_2(%arg0: i32) -> (i32, i32) {
    %c0_i32 = arith.constant 0 : i32
    %c0_i32_0 = arith.constant 0 : i32
    %c0_i32_1 = arith.constant 0 : i32
    return %c0_i32, %c0_i32_0 : i32, i32
  }
  func.func @transform_3(%arg0: i32) -> (i32, i32) {
    %c0_i32 = arith.constant 0 : i32
    %c0_i32_0 = arith.constant 0 : i32
    %c0_i32_1 = arith.constant 0 : i32
    return %c0_i32, %c0_i32_0 : i32, i32
  }
  func.func @transform_4(%arg0: i32) -> (i32, i32) {
    %c0_i32 = arith.constant 0 : i32
    %c0_i32_0 = arith.constant 0 : i32
    %c0_i32_1 = arith.constant 0 : i32
    return %c0_i32, %c0_i32_0 : i32, i32
  }
  func.func @transform_5(%arg0: i32) -> (i32, i32) {
    %c0_i32 = arith.constant 0 : i32
    %c0_i32_0 = arith.constant 0 : i32
    %c0_i32_1 = arith.constant 0 : i32
    return %c0_i32, %c0_i32_0 : i32, i32
  }
  func.func @transform_6(%arg0: i32) -> (i32, i32) {
    %c0_i32 = arith.constant 0 : i32
    %c0_i32_0 = arith.constant 0 : i32
    return %arg0, %c0_i32 : i32, i32
  }
  func.func @transform_7(%arg0: i32) -> (i32, i32) {
    %c0_i32 = arith.constant 0 : i32
    %c0_i32_0 = arith.constant 0 : i32
    return %arg0, %c0_i32 : i32, i32
  }
  func.func @transform_8(%arg0: i32) -> (i32, i32) {
    %c0_i32 = arith.constant 0 : i32
    %c0_i32_0 = arith.constant 0 : i32
    return %arg0, %c0_i32 : i32, i32
  }
}

module attributes {stable_mosaic.version = 14 : i64} {
  func.func @_topk_body(%arg0: i32, %arg1: memref<256x8xf32, #tpu.memory_space<vmem>>, %arg2: memref<8x8192xf32, #tpu.memory_space<vmem>>, %arg3: memref<256x40xi32, #tpu.memory_space<vmem>>) attributes {dimension_semantics = [#tpu.dimension_semantics<arbitrary>], iteration_bounds = array<i64: 32>, scalar_prefetch = 0 : i64, scratch_operands = 0 : i64, tpu.core_type = #tpu.core_type<tc>, window_params = [{transform_indices = @transform_0, window_bounds = array<i64: 256, 8>}, {pipeline_mode = #tpu.pipeline_mode<synchronous>, transform_indices = @transform_1, window_bounds = array<i64: 8, 8192>}, {transform_indices = @transform_2, window_bounds = array<i64: 256, 40>}]} {
    %get3A = arith.constant 0 : index
    %get3A_0 = arith.constant 0 : index
    %get3A_1 = vector.load %arg1[%get3A, %get3A_0] : memref<256x8xf32, #tpu.memory_space<vmem>>, vector<256x8xf32>
    %slice3A = vector.extract_strided_slice %get3A_1 {offsets = [0, 0], sizes = [256, 4], strides = [1, 1]} : vector<256x8xf32> to vector<256x4xf32>
    %slice3A_2 = vector.extract_strided_slice %get3A_1 {offsets = [0, 5], sizes = [256, 1], strides = [1, 1]} : vector<256x8xf32> to vector<256x1xf32>
    %iota3A = tpu.iota {dimensions = array<i32: 1>} : vector<256x128xi32>
    %broadcast_in_dim3A = arith.constant 2147483647 : i32
    %broadcast_in_dim3A_3 = vector.broadcast %broadcast_in_dim3A : i32 to vector<256x128xi32>
    %broadcast_in_dim3A_4 = arith.constant 2147483647 : i32
    %broadcast_in_dim3A_5 = vector.broadcast %broadcast_in_dim3A_4 : i32 to vector<256x128xi32>
    %broadcast_in_dim3A_6 = arith.constant 2147483647 : i32
    %broadcast_in_dim3A_7 = vector.broadcast %broadcast_in_dim3A_6 : i32 to vector<256x128xi32>
    %broadcast_in_dim3A_8 = arith.constant 2147483647 : i32
    %broadcast_in_dim3A_9 = vector.broadcast %broadcast_in_dim3A_8 : i32 to vector<256x128xi32>
    %broadcast_in_dim3A_10 = arith.constant 2147483647 : i32
    %broadcast_in_dim3A_11 = vector.broadcast %broadcast_in_dim3A_10 : i32 to vector<256x128xi32>
    %broadcast_in_dim3A_12 = arith.constant 2147483647 : i32
    %broadcast_in_dim3A_13 = vector.broadcast %broadcast_in_dim3A_12 : i32 to vector<256x128xi32>
    %get3A_14 = arith.constant 0 : index
    %get3A_15 = arith.constant 0 : index
    %get3A_16 = vector.load %arg2[%get3A_14, %get3A_15] : memref<8x8192xf32, #tpu.memory_space<vmem>>, vector<4x128xf32>
    %get3A_17 = arith.constant 5 : index
    %get3A_18 = arith.constant 0 : index
    %get3A_19 = vector.load %arg2[%get3A_17, %get3A_18] : memref<8x8192xf32, #tpu.memory_space<vmem>>, vector<1x128xf32>
    %dot_general3A = arith.constant dense<0.000000e+00> : vector<256x128xf32>
    %dot_general3A_20 = tpu.matmul %slice3A, %get3A_16, %dot_general3A {dimension_numbers = #tpu.dot_dimension_numbers<[1], [0], [0], [1], [0, 0, 1, 1], [], []>, transpose_lhs_hint = false} : vector<256x4xf32>, vector<4x128xf32>, vector<256x128xf32> -> vector<256x128xf32>
    %add3A = vector.broadcast %slice3A_2 : vector<256x1xf32> to vector<256x128xf32>
    %add3A_21 = vector.broadcast %get3A_19 : vector<1x128xf32> to vector<256x128xf32>
    %add3A_22 = arith.addf %add3A, %add3A_21 : vector<256x128xf32>
    %mul3A = arith.constant 2.000000e+00 : f32
    %mul3A_23 = vector.broadcast %mul3A : f32 to vector<256x128xf32>
    %mul3A_24 = arith.mulf %mul3A_23, %dot_general3A_20 : vector<256x128xf32>
    %sub3A = arith.subf %add3A_22, %mul3A_24 : vector<256x128xf32>
    %max3A = arith.constant 0.000000e+00 : f32
    %max3A_25 = vector.broadcast %max3A : f32 to vector<256x128xf32>
    %max3A_26 = arith.maximumf %sub3A, %max3A_25 : vector<256x128xf32>
    %bitcast_convert_type3A = tpu.bitcast %max3A_26 : vector<256x128xf32> -> vector<256x128xi32>
    %and3A = arith.constant -64 : i32
    %and3A_27 = vector.broadcast %and3A : i32 to vector<256x128xi32>
    %and3A_28 = arith.andi %bitcast_convert_type3A, %and3A_27 : vector<256x128xi32>
    %or3A = arith.constant 0 : i32
    %or3A_29 = vector.broadcast %or3A : i32 to vector<256x128xi32>
    %or3A_30 = arith.ori %and3A_28, %or3A_29 : vector<256x128xi32>
    %min3A = arith.minsi %broadcast_in_dim3A_3, %or3A_30 : vector<256x128xi32>
    %max3A_31 = arith.maxsi %broadcast_in_dim3A_3, %or3A_30 : vector<256x128xi32>
    %min3A_32 = arith.minsi %broadcast_in_dim3A_5, %max3A_31 : vector<256x128xi32>
    %max3A_33 = arith.maxsi %broadcast_in_dim3A_5, %max3A_31 : vector<256x128xi32>
    %min3A_34 = arith.minsi %broadcast_in_dim3A_7, %max3A_33 : vector<256x128xi32>
    %max3A_35 = arith.maxsi %broadcast_in_dim3A_7, %max3A_33 : vector<256x128xi32>
    %min3A_36 = arith.minsi %broadcast_in_dim3A_9, %max3A_35 : vector<256x128xi32>
    %max3A_37 = arith.maxsi %broadcast_in_dim3A_9, %max3A_35 : vector<256x128xi32>
    %min3A_38 = arith.minsi %broadcast_in_dim3A_11, %max3A_37 : vector<256x128xi32>
    %max3A_39 = arith.maxsi %broadcast_in_dim3A_11, %max3A_37 : vector<256x128xi32>
    %min3A_40 = arith.minsi %broadcast_in_dim3A_13, %max3A_39 : vector<256x128xi32>
    %get3A_41 = arith.constant 0 : index
    %get3A_42 = arith.constant 128 : index
    %get3A_43 = vector.load %arg2[%get3A_41, %get3A_42] : memref<8x8192xf32, #tpu.memory_space<vmem>>, vector<4x128xf32>
    %get3A_44 = arith.constant 5 : index
    %get3A_45 = arith.constant 128 : index
    %get3A_46 = vector.load %arg2[%get3A_44, %get3A_45] : memref<8x8192xf32, #tpu.memory_space<vmem>>, vector<1x128xf32>
    %dot_general3A_47 = arith.constant dense<0.000000e+00> : vector<256x128xf32>
    %dot_general3A_48 = tpu.matmul %slice3A, %get3A_43, %dot_general3A_47 {dimension_numbers = #tpu.dot_dimension_numbers<[1], [0], [0], [1], [0, 0, 1, 1], [], []>, transpose_lhs_hint = false} : vector<256x4xf32>, vector<4x128xf32>, vector<256x128xf32> -> vector<256x128xf32>
    %add3A_49 = vector.broadcast %slice3A_2 : vector<256x1xf32> to vector<256x128xf32>
    %add3A_50 = vector.broadcast %get3A_46 : vector<1x128xf32> to vector<256x128xf32>
    %add3A_51 = arith.addf %add3A_49, %add3A_50 : vector<256x128xf32>
    %mul3A_52 = arith.constant 2.000000e+00 : f32
    %mul3A_53 = vector.broadcast %mul3A_52 : f32 to vector<256x128xf32>
    %mul3A_54 = arith.mulf %mul3A_53, %dot_general3A_48 : vector<256x128xf32>
    %sub3A_55 = arith.subf %add3A_51, %mul3A_54 : vector<256x128xf32>
    %max3A_56 = arith.constant 0.000000e+00 : f32
    %max3A_57 = vector.broadcast %max3A_56 : f32 to vector<256x128xf32>
    %max3A_58 = arith.maximumf %sub3A_55, %max3A_57 : vector<256x128xf32>
    %bitcast_convert_type3A_59 = tpu.bitcast %max3A_58 : vector<256x128xf32> -> vector<256x128xi32>
    %and3A_60 = arith.constant -64 : i32
    %and3A_61 = vector.broadcast %and3A_60 : i32 to vector<256x128xi32>
    %and3A_62 = arith.andi %bitcast_convert_type3A_59, %and3A_61 : vector<256x128xi32>
    %or3A_63 = arith.constant 1 : i32
    %or3A_64 = vector.broadcast %or3A_63 : i32 to vector<256x128xi32>
    %or3A_65 = arith.ori %and3A_62, %or3A_64 : vector<256x128xi32>
    %min3A_66 = arith.minsi %min3A, %or3A_65 : vector<256x128xi32>
    %max3A_67 = arith.maxsi %min3A, %or3A_65 : vector<256x128xi32>
    %min3A_68 = arith.minsi %min3A_32, %max3A_67 : vector<256x128xi32>
    %max3A_69 = arith.maxsi %min3A_32, %max3A_67 : vector<256x128xi32>
    %min3A_70 = arith.minsi %min3A_34, %max3A_69 : vector<256x128xi32>
    %max3A_71 = arith.maxsi %min3A_34, %max3A_69 : vector<256x128xi32>
    %min3A_72 = arith.minsi %min3A_36, %max3A_71 : vector<256x128xi32>
    %max3A_73 = arith.maxsi %min3A_36, %max3A_71 : vector<256x128xi32>
    %min3A_74 = arith.minsi %min3A_38, %max3A_73 : vector<256x128xi32>
    %max3A_75 = arith.maxsi %min3A_38, %max3A_73 : vector<256x128xi32>
    %min3A_76 = arith.minsi %min3A_40, %max3A_75 : vector<256x128xi32>
    %get3A_77 = arith.constant 0 : index
    %get3A_78 = arith.constant 256 : index
    %get3A_79 = vector.load %arg2[%get3A_77, %get3A_78] : memref<8x8192xf32, #tpu.memory_space<vmem>>, vector<4x128xf32>
    %get3A_80 = arith.constant 5 : index
    %get3A_81 = arith.constant 256 : index
    %get3A_82 = vector.load %arg2[%get3A_80, %get3A_81] : memref<8x8192xf32, #tpu.memory_space<vmem>>, vector<1x128xf32>
    %dot_general3A_83 = arith.constant dense<0.000000e+00> : vector<256x128xf32>
    %dot_general3A_84 = tpu.matmul %slice3A, %get3A_79, %dot_general3A_83 {dimension_numbers = #tpu.dot_dimension_numbers<[1], [0], [0], [1], [0, 0, 1, 1], [], []>, transpose_lhs_hint = false} : vector<256x4xf32>, vector<4x128xf32>, vector<256x128xf32> -> vector<256x128xf32>
    %add3A_85 = vector.broadcast %slice3A_2 : vector<256x1xf32> to vector<256x128xf32>
    %add3A_86 = vector.broadcast %get3A_82 : vector<1x128xf32> to vector<256x128xf32>
    %add3A_87 = arith.addf %add3A_85, %add3A_86 : vector<256x128xf32>
    %mul3A_88 = arith.constant 2.000000e+00 : f32
    %mul3A_89 = vector.broadcast %mul3A_88 : f32 to vector<256x128xf32>
    %mul3A_90 = arith.mulf %mul3A_89, %dot_general3A_84 : vector<256x128xf32>
    %sub3A_91 = arith.subf %add3A_87, %mul3A_90 : vector<256x128xf32>
    %max3A_92 = arith.constant 0.000000e+00 : f32
    %max3A_93 = vector.broadcast %max3A_92 : f32 to vector<256x128xf32>
    %max3A_94 = arith.maximumf %sub3A_91, %max3A_93 : vector<256x128xf32>
    %bitcast_convert_type3A_95 = tpu.bitcast %max3A_94 : vector<256x128xf32> -> vector<256x128xi32>
    %and3A_96 = arith.constant -64 : i32
    %and3A_97 = vector.broadcast %and3A_96 : i32 to vector<256x128xi32>
    %and3A_98 = arith.andi %bitcast_convert_type3A_95, %and3A_97 : vector<256x128xi32>
    %or3A_99 = arith.constant 2 : i32
    %or3A_100 = vector.broadcast %or3A_99 : i32 to vector<256x128xi32>
    %or3A_101 = arith.ori %and3A_98, %or3A_100 : vector<256x128xi32>
    %min3A_102 = arith.minsi %min3A_66, %or3A_101 : vector<256x128xi32>
    %max3A_103 = arith.maxsi %min3A_66, %or3A_101 : vector<256x128xi32>
    %min3A_104 = arith.minsi %min3A_68, %max3A_103 : vector<256x128xi32>
    %max3A_105 = arith.maxsi %min3A_68, %max3A_103 : vector<256x128xi32>
    %min3A_106 = arith.minsi %min3A_70, %max3A_105 : vector<256x128xi32>
    %max3A_107 = arith.maxsi %min3A_70, %max3A_105 : vector<256x128xi32>
    %min3A_108 = arith.minsi %min3A_72, %max3A_107 : vector<256x128xi32>
    %max3A_109 = arith.maxsi %min3A_72, %max3A_107 : vector<256x128xi32>
    %min3A_110 = arith.minsi %min3A_74, %max3A_109 : vector<256x128xi32>
    %max3A_111 = arith.maxsi %min3A_74, %max3A_109 : vector<256x128xi32>
    %min3A_112 = arith.minsi %min3A_76, %max3A_111 : vector<256x128xi32>
    %get3A_113 = arith.constant 0 : index
    %get3A_114 = arith.constant 384 : index
    %get3A_115 = vector.load %arg2[%get3A_113, %get3A_114] : memref<8x8192xf32, #tpu.memory_space<vmem>>, vector<4x128xf32>
    %get3A_116 = arith.constant 5 : index
    %get3A_117 = arith.constant 384 : index
    %get3A_118 = vector.load %arg2[%get3A_116, %get3A_117] : memref<8x8192xf32, #tpu.memory_space<vmem>>, vector<1x128xf32>
    %dot_general3A_119 = arith.constant dense<0.000000e+00> : vector<256x128xf32>
    %dot_general3A_120 = tpu.matmul %slice3A, %get3A_115, %dot_general3A_119 {dimension_numbers = #tpu.dot_dimension_numbers<[1], [0], [0], [1], [0, 0, 1, 1], [], []>, transpose_lhs_hint = false} : vector<256x4xf32>, vector<4x128xf32>, vector<256x128xf32> -> vector<256x128xf32>
    %add3A_121 = vector.broadcast %slice3A_2 : vector<256x1xf32> to vector<256x128xf32>
    %add3A_122 = vector.broadcast %get3A_118 : vector<1x128xf32> to vector<256x128xf32>
    %add3A_123 = arith.addf %add3A_121, %add3A_122 : vector<256x128xf32>
    %mul3A_124 = arith.constant 2.000000e+00 : f32
    %mul3A_125 = vector.broadcast %mul3A_124 : f32 to vector<256x128xf32>
    %mul3A_126 = arith.mulf %mul3A_125, %dot_general3A_120 : vector<256x128xf32>
    %sub3A_127 = arith.subf %add3A_123, %mul3A_126 : vector<256x128xf32>
    %max3A_128 = arith.constant 0.000000e+00 : f32
    %max3A_129 = vector.broadcast %max3A_128 : f32 to vector<256x128xf32>
    %max3A_130 = arith.maximumf %sub3A_127, %max3A_129 : vector<256x128xf32>
    %bitcast_convert_type3A_131 = tpu.bitcast %max3A_130 : vector<256x128xf32> -> vector<256x128xi32>
    %and3A_132 = arith.constant -64 : i32
    %and3A_133 = vector.broadcast %and3A_132 : i32 to vector<256x128xi32>
    %and3A_134 = arith.andi %bitcast_convert_type3A_131, %and3A_133 : vector<256x128xi32>
    %or3A_135 = arith.constant 3 : i32
    %or3A_136 = vector.broadcast %or3A_135 : i32 to vector<256x128xi32>
    %or3A_137 = arith.ori %and3A_134, %or3A_136 : vector<256x128xi32>
    %min3A_138 = arith.minsi %min3A_102, %or3A_137 : vector<256x128xi32>
    %max3A_139 = arith.maxsi %min3A_102, %or3A_137 : vector<256x128xi32>
    %min3A_140 = arith.minsi %min3A_104, %max3A_139 : vector<256x128xi32>
    %max3A_141 = arith.maxsi %min3A_104, %max3A_139 : vector<256x128xi32>
    %min3A_142 = arith.minsi %min3A_106, %max3A_141 : vector<256x128xi32>
    %max3A_143 = arith.maxsi %min3A_106, %max3A_141 : vector<256x128xi32>
    %min3A_144 = arith.minsi %min3A_108, %max3A_143 : vector<256x128xi32>
    %max3A_145 = arith.maxsi %min3A_108, %max3A_143 : vector<256x128xi32>
    %min3A_146 = arith.minsi %min3A_110, %max3A_145 : vector<256x128xi32>
    %max3A_147 = arith.maxsi %min3A_110, %max3A_145 : vector<256x128xi32>
    %min3A_148 = arith.minsi %min3A_112, %max3A_147 : vector<256x128xi32>
    %get3A_149 = arith.constant 0 : index
    %get3A_150 = arith.constant 512 : index
    %get3A_151 = vector.load %arg2[%get3A_149, %get3A_150] : memref<8x8192xf32, #tpu.memory_space<vmem>>, vector<4x128xf32>
    %get3A_152 = arith.constant 5 : index
    %get3A_153 = arith.constant 512 : index
    %get3A_154 = vector.load %arg2[%get3A_152, %get3A_153] : memref<8x8192xf32, #tpu.memory_space<vmem>>, vector<1x128xf32>
    %dot_general3A_155 = arith.constant dense<0.000000e+00> : vector<256x128xf32>
    %dot_general3A_156 = tpu.matmul %slice3A, %get3A_151, %dot_general3A_155 {dimension_numbers = #tpu.dot_dimension_numbers<[1], [0], [0], [1], [0, 0, 1, 1], [], []>, transpose_lhs_hint = false} : vector<256x4xf32>, vector<4x128xf32>, vector<256x128xf32> -> vector<256x128xf32>
    %add3A_157 = vector.broadcast %slice3A_2 : vector<256x1xf32> to vector<256x128xf32>
    %add3A_158 = vector.broadcast %get3A_154 : vector<1x128xf32> to vector<256x128xf32>
    %add3A_159 = arith.addf %add3A_157, %add3A_158 : vector<256x128xf32>
    %mul3A_160 = arith.constant 2.000000e+00 : f32
    %mul3A_161 = vector.broadcast %mul3A_160 : f32 to vector<256x128xf32>
    %mul3A_162 = arith.mulf %mul3A_161, %dot_general3A_156 : vector<256x128xf32>
    %sub3A_163 = arith.subf %add3A_159, %mul3A_162 : vector<256x128xf32>
    %max3A_164 = arith.constant 0.000000e+00 : f32
    %max3A_165 = vector.broadcast %max3A_164 : f32 to vector<256x128xf32>
    %max3A_166 = arith.maximumf %sub3A_163, %max3A_165 : vector<256x128xf32>
    %bitcast_convert_type3A_167 = tpu.bitcast %max3A_166 : vector<256x128xf32> -> vector<256x128xi32>
    %and3A_168 = arith.constant -64 : i32
    %and3A_169 = vector.broadcast %and3A_168 : i32 to vector<256x128xi32>
    %and3A_170 = arith.andi %bitcast_convert_type3A_167, %and3A_169 : vector<256x128xi32>
    %or3A_171 = arith.constant 4 : i32
    %or3A_172 = vector.broadcast %or3A_171 : i32 to vector<256x128xi32>
    %or3A_173 = arith.ori %and3A_170, %or3A_172 : vector<256x128xi32>
    %min3A_174 = arith.minsi %min3A_138, %or3A_173 : vector<256x128xi32>
    %max3A_175 = arith.maxsi %min3A_138, %or3A_173 : vector<256x128xi32>
    %min3A_176 = arith.minsi %min3A_140, %max3A_175 : vector<256x128xi32>
    %max3A_177 = arith.maxsi %min3A_140, %max3A_175 : vector<256x128xi32>
    %min3A_178 = arith.minsi %min3A_142, %max3A_177 : vector<256x128xi32>
    %max3A_179 = arith.maxsi %min3A_142, %max3A_177 : vector<256x128xi32>
    %min3A_180 = arith.minsi %min3A_144, %max3A_179 : vector<256x128xi32>
    %max3A_181 = arith.maxsi %min3A_144, %max3A_179 : vector<256x128xi32>
    %min3A_182 = arith.minsi %min3A_146, %max3A_181 : vector<256x128xi32>
    %max3A_183 = arith.maxsi %min3A_146, %max3A_181 : vector<256x128xi32>
    %min3A_184 = arith.minsi %min3A_148, %max3A_183 : vector<256x128xi32>
    %get3A_185 = arith.constant 0 : index
    %get3A_186 = arith.constant 640 : index
    %get3A_187 = vector.load %arg2[%get3A_185, %get3A_186] : memref<8x8192xf32, #tpu.memory_space<vmem>>, vector<4x128xf32>
    %get3A_188 = arith.constant 5 : index
    %get3A_189 = arith.constant 640 : index
    %get3A_190 = vector.load %arg2[%get3A_188, %get3A_189] : memref<8x8192xf32, #tpu.memory_space<vmem>>, vector<1x128xf32>
    %dot_general3A_191 = arith.constant dense<0.000000e+00> : vector<256x128xf32>
    %dot_general3A_192 = tpu.matmul %slice3A, %get3A_187, %dot_general3A_191 {dimension_numbers = #tpu.dot_dimension_numbers<[1], [0], [0], [1], [0, 0, 1, 1], [], []>, transpose_lhs_hint = false} : vector<256x4xf32>, vector<4x128xf32>, vector<256x128xf32> -> vector<256x128xf32>
    %add3A_193 = vector.broadcast %slice3A_2 : vector<256x1xf32> to vector<256x128xf32>
    %add3A_194 = vector.broadcast %get3A_190 : vector<1x128xf32> to vector<256x128xf32>
    %add3A_195 = arith.addf %add3A_193, %add3A_194 : vector<256x128xf32>
    %mul3A_196 = arith.constant 2.000000e+00 : f32
    %mul3A_197 = vector.broadcast %mul3A_196 : f32 to vector<256x128xf32>
    %mul3A_198 = arith.mulf %mul3A_197, %dot_general3A_192 : vector<256x128xf32>
    %sub3A_199 = arith.subf %add3A_195, %mul3A_198 : vector<256x128xf32>
    %max3A_200 = arith.constant 0.000000e+00 : f32
    %max3A_201 = vector.broadcast %max3A_200 : f32 to vector<256x128xf32>
    %max3A_202 = arith.maximumf %sub3A_199, %max3A_201 : vector<256x128xf32>
    %bitcast_convert_type3A_203 = tpu.bitcast %max3A_202 : vector<256x128xf32> -> vector<256x128xi32>
    %and3A_204 = arith.constant -64 : i32
    %and3A_205 = vector.broadcast %and3A_204 : i32 to vector<256x128xi32>
    %and3A_206 = arith.andi %bitcast_convert_type3A_203, %and3A_205 : vector<256x128xi32>
    %or3A_207 = arith.constant 5 : i32
    %or3A_208 = vector.broadcast %or3A_207 : i32 to vector<256x128xi32>
    %or3A_209 = arith.ori %and3A_206, %or3A_208 : vector<256x128xi32>
    %min3A_210 = arith.minsi %min3A_174, %or3A_209 : vector<256x128xi32>
    %max3A_211 = arith.maxsi %min3A_174, %or3A_209 : vector<256x128xi32>
    %min3A_212 = arith.minsi %min3A_176, %max3A_211 : vector<256x128xi32>
    %max3A_213 = arith.maxsi %min3A_176, %max3A_211 : vector<256x128xi32>
    %min3A_214 = arith.minsi %min3A_178, %max3A_213 : vector<256x128xi32>
    %max3A_215 = arith.maxsi %min3A_178, %max3A_213 : vector<256x128xi32>
    %min3A_216 = arith.minsi %min3A_180, %max3A_215 : vector<256x128xi32>
    %max3A_217 = arith.maxsi %min3A_180, %max3A_215 : vector<256x128xi32>
    %min3A_218 = arith.minsi %min3A_182, %max3A_217 : vector<256x128xi32>
    %max3A_219 = arith.maxsi %min3A_182, %max3A_217 : vector<256x128xi32>
    %min3A_220 = arith.minsi %min3A_184, %max3A_219 : vector<256x128xi32>
    %get3A_221 = arith.constant 0 : index
    %get3A_222 = arith.constant 768 : index
    %get3A_223 = vector.load %arg2[%get3A_221, %get3A_222] : memref<8x8192xf32, #tpu.memory_space<vmem>>, vector<4x128xf32>
    %get3A_224 = arith.constant 5 : index
    %get3A_225 = arith.constant 768 : index
    %get3A_226 = vector.load %arg2[%get3A_224, %get3A_225] : memref<8x8192xf32, #tpu.memory_space<vmem>>, vector<1x128xf32>
    %dot_general3A_227 = arith.constant dense<0.000000e+00> : vector<256x128xf32>
    %dot_general3A_228 = tpu.matmul %slice3A, %get3A_223, %dot_general3A_227 {dimension_numbers = #tpu.dot_dimension_numbers<[1], [0], [0], [1], [0, 0, 1, 1], [], []>, transpose_lhs_hint = false} : vector<256x4xf32>, vector<4x128xf32>, vector<256x128xf32> -> vector<256x128xf32>
    %add3A_229 = vector.broadcast %slice3A_2 : vector<256x1xf32> to vector<256x128xf32>
    %add3A_230 = vector.broadcast %get3A_226 : vector<1x128xf32> to vector<256x128xf32>
    %add3A_231 = arith.addf %add3A_229, %add3A_230 : vector<256x128xf32>
    %mul3A_232 = arith.constant 2.000000e+00 : f32
    %mul3A_233 = vector.broadcast %mul3A_232 : f32 to vector<256x128xf32>
    %mul3A_234 = arith.mulf %mul3A_233, %dot_general3A_228 : vector<256x128xf32>
    %sub3A_235 = arith.subf %add3A_231, %mul3A_234 : vector<256x128xf32>
    %max3A_236 = arith.constant 0.000000e+00 : f32
    %max3A_237 = vector.broadcast %max3A_236 : f32 to vector<256x128xf32>
    %max3A_238 = arith.maximumf %sub3A_235, %max3A_237 : vector<256x128xf32>
    %bitcast_convert_type3A_239 = tpu.bitcast %max3A_238 : vector<256x128xf32> -> vector<256x128xi32>
    %and3A_240 = arith.constant -64 : i32
    %and3A_241 = vector.broadcast %and3A_240 : i32 to vector<256x128xi32>
    %and3A_242 = arith.andi %bitcast_convert_type3A_239, %and3A_241 : vector<256x128xi32>
    %or3A_243 = arith.constant 6 : i32
    %or3A_244 = vector.broadcast %or3A_243 : i32 to vector<256x128xi32>
    %or3A_245 = arith.ori %and3A_242, %or3A_244 : vector<256x128xi32>
    %min3A_246 = arith.minsi %min3A_210, %or3A_245 : vector<256x128xi32>
    %max3A_247 = arith.maxsi %min3A_210, %or3A_245 : vector<256x128xi32>
    %min3A_248 = arith.minsi %min3A_212, %max3A_247 : vector<256x128xi32>
    %max3A_249 = arith.maxsi %min3A_212, %max3A_247 : vector<256x128xi32>
    %min3A_250 = arith.minsi %min3A_214, %max3A_249 : vector<256x128xi32>
    %max3A_251 = arith.maxsi %min3A_214, %max3A_249 : vector<256x128xi32>
    %min3A_252 = arith.minsi %min3A_216, %max3A_251 : vector<256x128xi32>
    %max3A_253 = arith.maxsi %min3A_216, %max3A_251 : vector<256x128xi32>
    %min3A_254 = arith.minsi %min3A_218, %max3A_253 : vector<256x128xi32>
    %max3A_255 = arith.maxsi %min3A_218, %max3A_253 : vector<256x128xi32>
    %min3A_256 = arith.minsi %min3A_220, %max3A_255 : vector<256x128xi32>
    %get3A_257 = arith.constant 0 : index
    %get3A_258 = arith.constant 896 : index
    %get3A_259 = vector.load %arg2[%get3A_257, %get3A_258] : memref<8x8192xf32, #tpu.memory_space<vmem>>, vector<4x128xf32>
    %get3A_260 = arith.constant 5 : index
    %get3A_261 = arith.constant 896 : index
    %get3A_262 = vector.load %arg2[%get3A_260, %get3A_261] : memref<8x8192xf32, #tpu.memory_space<vmem>>, vector<1x128xf32>
    %dot_general3A_263 = arith.constant dense<0.000000e+00> : vector<256x128xf32>
    %dot_general3A_264 = tpu.matmul %slice3A, %get3A_259, %dot_general3A_263 {dimension_numbers = #tpu.dot_dimension_numbers<[1], [0], [0], [1], [0, 0, 1, 1], [], []>, transpose_lhs_hint = false} : vector<256x4xf32>, vector<4x128xf32>, vector<256x128xf32> -> vector<256x128xf32>
    %add3A_265 = vector.broadcast %slice3A_2 : vector<256x1xf32> to vector<256x128xf32>
    %add3A_266 = vector.broadcast %get3A_262 : vector<1x128xf32> to vector<256x128xf32>
    %add3A_267 = arith.addf %add3A_265, %add3A_266 : vector<256x128xf32>
    %mul3A_268 = arith.constant 2.000000e+00 : f32
    %mul3A_269 = vector.broadcast %mul3A_268 : f32 to vector<256x128xf32>
    %mul3A_270 = arith.mulf %mul3A_269, %dot_general3A_264 : vector<256x128xf32>
    %sub3A_271 = arith.subf %add3A_267, %mul3A_270 : vector<256x128xf32>
    %max3A_272 = arith.constant 0.000000e+00 : f32
    %max3A_273 = vector.broadcast %max3A_272 : f32 to vector<256x128xf32>
    %max3A_274 = arith.maximumf %sub3A_271, %max3A_273 : vector<256x128xf32>
    %bitcast_convert_type3A_275 = tpu.bitcast %max3A_274 : vector<256x128xf32> -> vector<256x128xi32>
    %and3A_276 = arith.constant -64 : i32
    %and3A_277 = vector.broadcast %and3A_276 : i32 to vector<256x128xi32>
    %and3A_278 = arith.andi %bitcast_convert_type3A_275, %and3A_277 : vector<256x128xi32>
    %or3A_279 = arith.constant 7 : i32
    %or3A_280 = vector.broadcast %or3A_279 : i32 to vector<256x128xi32>
    %or3A_281 = arith.ori %and3A_278, %or3A_280 : vector<256x128xi32>
    %min3A_282 = arith.minsi %min3A_246, %or3A_281 : vector<256x128xi32>
    %max3A_283 = arith.maxsi %min3A_246, %or3A_281 : vector<256x128xi32>
    %min3A_284 = arith.minsi %min3A_248, %max3A_283 : vector<256x128xi32>
    %max3A_285 = arith.maxsi %min3A_248, %max3A_283 : vector<256x128xi32>
    %min3A_286 = arith.minsi %min3A_250, %max3A_285 : vector<256x128xi32>
    %max3A_287 = arith.maxsi %min3A_250, %max3A_285 : vector<256x128xi32>
    %min3A_288 = arith.minsi %min3A_252, %max3A_287 : vector<256x128xi32>
    %max3A_289 = arith.maxsi %min3A_252, %max3A_287 : vector<256x128xi32>
    %min3A_290 = arith.minsi %min3A_254, %max3A_289 : vector<256x128xi32>
    %max3A_291 = arith.maxsi %min3A_254, %max3A_289 : vector<256x128xi32>
    %min3A_292 = arith.minsi %min3A_256, %max3A_291 : vector<256x128xi32>
    %get3A_293 = arith.constant 0 : index
    %get3A_294 = arith.constant 1024 : index
    %get3A_295 = vector.load %arg2[%get3A_293, %get3A_294] : memref<8x8192xf32, #tpu.memory_space<vmem>>, vector<4x128xf32>
    %get3A_296 = arith.constant 5 : index
    %get3A_297 = arith.constant 1024 : index
    %get3A_298 = vector.load %arg2[%get3A_296, %get3A_297] : memref<8x8192xf32, #tpu.memory_space<vmem>>, vector<1x128xf32>
    %dot_general3A_299 = arith.constant dense<0.000000e+00> : vector<256x128xf32>
    %dot_general3A_300 = tpu.matmul %slice3A, %get3A_295, %dot_general3A_299 {dimension_numbers = #tpu.dot_dimension_numbers<[1], [0], [0], [1], [0, 0, 1, 1], [], []>, transpose_lhs_hint = false} : vector<256x4xf32>, vector<4x128xf32>, vector<256x128xf32> -> vector<256x128xf32>
    %add3A_301 = vector.broadcast %slice3A_2 : vector<256x1xf32> to vector<256x128xf32>
    %add3A_302 = vector.broadcast %get3A_298 : vector<1x128xf32> to vector<256x128xf32>
    %add3A_303 = arith.addf %add3A_301, %add3A_302 : vector<256x128xf32>
    %mul3A_304 = arith.constant 2.000000e+00 : f32
    %mul3A_305 = vector.broadcast %mul3A_304 : f32 to vector<256x128xf32>
    %mul3A_306 = arith.mulf %mul3A_305, %dot_general3A_300 : vector<256x128xf32>
    %sub3A_307 = arith.subf %add3A_303, %mul3A_306 : vector<256x128xf32>
    %max3A_308 = arith.constant 0.000000e+00 : f32
    %max3A_309 = vector.broadcast %max3A_308 : f32 to vector<256x128xf32>
    %max3A_310 = arith.maximumf %sub3A_307, %max3A_309 : vector<256x128xf32>
    %bitcast_convert_type3A_311 = tpu.bitcast %max3A_310 : vector<256x128xf32> -> vector<256x128xi32>
    %and3A_312 = arith.constant -64 : i32
    %and3A_313 = vector.broadcast %and3A_312 : i32 to vector<256x128xi32>
    %and3A_314 = arith.andi %bitcast_convert_type3A_311, %and3A_313 : vector<256x128xi32>
    %or3A_315 = arith.constant 8 : i32
    %or3A_316 = vector.broadcast %or3A_315 : i32 to vector<256x128xi32>
    %or3A_317 = arith.ori %and3A_314, %or3A_316 : vector<256x128xi32>
    %min3A_318 = arith.minsi %min3A_282, %or3A_317 : vector<256x128xi32>
    %max3A_319 = arith.maxsi %min3A_282, %or3A_317 : vector<256x128xi32>
    %min3A_320 = arith.minsi %min3A_284, %max3A_319 : vector<256x128xi32>
    %max3A_321 = arith.maxsi %min3A_284, %max3A_319 : vector<256x128xi32>
    %min3A_322 = arith.minsi %min3A_286, %max3A_321 : vector<256x128xi32>
    %max3A_323 = arith.maxsi %min3A_286, %max3A_321 : vector<256x128xi32>
    %min3A_324 = arith.minsi %min3A_288, %max3A_323 : vector<256x128xi32>
    %max3A_325 = arith.maxsi %min3A_288, %max3A_323 : vector<256x128xi32>
    %min3A_326 = arith.minsi %min3A_290, %max3A_325 : vector<256x128xi32>
    %max3A_327 = arith.maxsi %min3A_290, %max3A_325 : vector<256x128xi32>
    %min3A_328 = arith.minsi %min3A_292, %max3A_327 : vector<256x128xi32>
    %get3A_329 = arith.constant 0 : index
    %get3A_330 = arith.constant 1152 : index
    %get3A_331 = vector.load %arg2[%get3A_329, %get3A_330] : memref<8x8192xf32, #tpu.memory_space<vmem>>, vector<4x128xf32>
    %get3A_332 = arith.constant 5 : index
    %get3A_333 = arith.constant 1152 : index
    %get3A_334 = vector.load %arg2[%get3A_332, %get3A_333] : memref<8x8192xf32, #tpu.memory_space<vmem>>, vector<1x128xf32>
    %dot_general3A_335 = arith.constant dense<0.000000e+00> : vector<256x128xf32>
    %dot_general3A_336 = tpu.matmul %slice3A, %get3A_331, %dot_general3A_335 {dimension_numbers = #tpu.dot_dimension_numbers<[1], [0], [0], [1], [0, 0, 1, 1], [], []>, transpose_lhs_hint = false} : vector<256x4xf32>, vector<4x128xf32>, vector<256x128xf32> -> vector<256x128xf32>
    %add3A_337 = vector.broadcast %slice3A_2 : vector<256x1xf32> to vector<256x128xf32>
    %add3A_338 = vector.broadcast %get3A_334 : vector<1x128xf32> to vector<256x128xf32>
    %add3A_339 = arith.addf %add3A_337, %add3A_338 : vector<256x128xf32>
    %mul3A_340 = arith.constant 2.000000e+00 : f32
    %mul3A_341 = vector.broadcast %mul3A_340 : f32 to vector<256x128xf32>
    %mul3A_342 = arith.mulf %mul3A_341, %dot_general3A_336 : vector<256x128xf32>
    %sub3A_343 = arith.subf %add3A_339, %mul3A_342 : vector<256x128xf32>
    %max3A_344 = arith.constant 0.000000e+00 : f32
    %max3A_345 = vector.broadcast %max3A_344 : f32 to vector<256x128xf32>
    %max3A_346 = arith.maximumf %sub3A_343, %max3A_345 : vector<256x128xf32>
    %bitcast_convert_type3A_347 = tpu.bitcast %max3A_346 : vector<256x128xf32> -> vector<256x128xi32>
    %and3A_348 = arith.constant -64 : i32
    %and3A_349 = vector.broadcast %and3A_348 : i32 to vector<256x128xi32>
    %and3A_350 = arith.andi %bitcast_convert_type3A_347, %and3A_349 : vector<256x128xi32>
    %or3A_351 = arith.constant 9 : i32
    %or3A_352 = vector.broadcast %or3A_351 : i32 to vector<256x128xi32>
    %or3A_353 = arith.ori %and3A_350, %or3A_352 : vector<256x128xi32>
    %min3A_354 = arith.minsi %min3A_318, %or3A_353 : vector<256x128xi32>
    %max3A_355 = arith.maxsi %min3A_318, %or3A_353 : vector<256x128xi32>
    %min3A_356 = arith.minsi %min3A_320, %max3A_355 : vector<256x128xi32>
    %max3A_357 = arith.maxsi %min3A_320, %max3A_355 : vector<256x128xi32>
    %min3A_358 = arith.minsi %min3A_322, %max3A_357 : vector<256x128xi32>
    %max3A_359 = arith.maxsi %min3A_322, %max3A_357 : vector<256x128xi32>
    %min3A_360 = arith.minsi %min3A_324, %max3A_359 : vector<256x128xi32>
    %max3A_361 = arith.maxsi %min3A_324, %max3A_359 : vector<256x128xi32>
    %min3A_362 = arith.minsi %min3A_326, %max3A_361 : vector<256x128xi32>
    %max3A_363 = arith.maxsi %min3A_326, %max3A_361 : vector<256x128xi32>
    %min3A_364 = arith.minsi %min3A_328, %max3A_363 : vector<256x128xi32>
    %get3A_365 = arith.constant 0 : index
    %get3A_366 = arith.constant 1280 : index
    %get3A_367 = vector.load %arg2[%get3A_365, %get3A_366] : memref<8x8192xf32, #tpu.memory_space<vmem>>, vector<4x128xf32>
    %get3A_368 = arith.constant 5 : index
    %get3A_369 = arith.constant 1280 : index
    %get3A_370 = vector.load %arg2[%get3A_368, %get3A_369] : memref<8x8192xf32, #tpu.memory_space<vmem>>, vector<1x128xf32>
    %dot_general3A_371 = arith.constant dense<0.000000e+00> : vector<256x128xf32>
    %dot_general3A_372 = tpu.matmul %slice3A, %get3A_367, %dot_general3A_371 {dimension_numbers = #tpu.dot_dimension_numbers<[1], [0], [0], [1], [0, 0, 1, 1], [], []>, transpose_lhs_hint = false} : vector<256x4xf32>, vector<4x128xf32>, vector<256x128xf32> -> vector<256x128xf32>
    %add3A_373 = vector.broadcast %slice3A_2 : vector<256x1xf32> to vector<256x128xf32>
    %add3A_374 = vector.broadcast %get3A_370 : vector<1x128xf32> to vector<256x128xf32>
    %add3A_375 = arith.addf %add3A_373, %add3A_374 : vector<256x128xf32>
    %mul3A_376 = arith.constant 2.000000e+00 : f32
    %mul3A_377 = vector.broadcast %mul3A_376 : f32 to vector<256x128xf32>
    %mul3A_378 = arith.mulf %mul3A_377, %dot_general3A_372 : vector<256x128xf32>
    %sub3A_379 = arith.subf %add3A_375, %mul3A_378 : vector<256x128xf32>
    %max3A_380 = arith.constant 0.000000e+00 : f32
    %max3A_381 = vector.broadcast %max3A_380 : f32 to vector<256x128xf32>
    %max3A_382 = arith.maximumf %sub3A_379, %max3A_381 : vector<256x128xf32>
    %bitcast_convert_type3A_383 = tpu.bitcast %max3A_382 : vector<256x128xf32> -> vector<256x128xi32>
    %and3A_384 = arith.constant -64 : i32
    %and3A_385 = vector.broadcast %and3A_384 : i32 to vector<256x128xi32>
    %and3A_386 = arith.andi %bitcast_convert_type3A_383, %and3A_385 : vector<256x128xi32>
    %or3A_387 = arith.constant 10 : i32
    %or3A_388 = vector.broadcast %or3A_387 : i32 to vector<256x128xi32>
    %or3A_389 = arith.ori %and3A_386, %or3A_388 : vector<256x128xi32>
    %min3A_390 = arith.minsi %min3A_354, %or3A_389 : vector<256x128xi32>
    %max3A_391 = arith.maxsi %min3A_354, %or3A_389 : vector<256x128xi32>
    %min3A_392 = arith.minsi %min3A_356, %max3A_391 : vector<256x128xi32>
    %max3A_393 = arith.maxsi %min3A_356, %max3A_391 : vector<256x128xi32>
    %min3A_394 = arith.minsi %min3A_358, %max3A_393 : vector<256x128xi32>
    %max3A_395 = arith.maxsi %min3A_358, %max3A_393 : vector<256x128xi32>
    %min3A_396 = arith.minsi %min3A_360, %max3A_395 : vector<256x128xi32>
    %max3A_397 = arith.maxsi %min3A_360, %max3A_395 : vector<256x128xi32>
    %min3A_398 = arith.minsi %min3A_362, %max3A_397 : vector<256x128xi32>
    %max3A_399 = arith.maxsi %min3A_362, %max3A_397 : vector<256x128xi32>
    %min3A_400 = arith.minsi %min3A_364, %max3A_399 : vector<256x128xi32>
    %get3A_401 = arith.constant 0 : index
    %get3A_402 = arith.constant 1408 : index
    %get3A_403 = vector.load %arg2[%get3A_401, %get3A_402] : memref<8x8192xf32, #tpu.memory_space<vmem>>, vector<4x128xf32>
    %get3A_404 = arith.constant 5 : index
    %get3A_405 = arith.constant 1408 : index
    %get3A_406 = vector.load %arg2[%get3A_404, %get3A_405] : memref<8x8192xf32, #tpu.memory_space<vmem>>, vector<1x128xf32>
    %dot_general3A_407 = arith.constant dense<0.000000e+00> : vector<256x128xf32>
    %dot_general3A_408 = tpu.matmul %slice3A, %get3A_403, %dot_general3A_407 {dimension_numbers = #tpu.dot_dimension_numbers<[1], [0], [0], [1], [0, 0, 1, 1], [], []>, transpose_lhs_hint = false} : vector<256x4xf32>, vector<4x128xf32>, vector<256x128xf32> -> vector<256x128xf32>
    %add3A_409 = vector.broadcast %slice3A_2 : vector<256x1xf32> to vector<256x128xf32>
    %add3A_410 = vector.broadcast %get3A_406 : vector<1x128xf32> to vector<256x128xf32>
    %add3A_411 = arith.addf %add3A_409, %add3A_410 : vector<256x128xf32>
    %mul3A_412 = arith.constant 2.000000e+00 : f32
    %mul3A_413 = vector.broadcast %mul3A_412 : f32 to vector<256x128xf32>
    %mul3A_414 = arith.mulf %mul3A_413, %dot_general3A_408 : vector<256x128xf32>
    %sub3A_415 = arith.subf %add3A_411, %mul3A_414 : vector<256x128xf32>
    %max3A_416 = arith.constant 0.000000e+00 : f32
    %max3A_417 = vector.broadcast %max3A_416 : f32 to vector<256x128xf32>
    %max3A_418 = arith.maximumf %sub3A_415, %max3A_417 : vector<256x128xf32>
    %bitcast_convert_type3A_419 = tpu.bitcast %max3A_418 : vector<256x128xf32> -> vector<256x128xi32>
    %and3A_420 = arith.constant -64 : i32
    %and3A_421 = vector.broadcast %and3A_420 : i32 to vector<256x128xi32>
    %and3A_422 = arith.andi %bitcast_convert_type3A_419, %and3A_421 : vector<256x128xi32>
    %or3A_423 = arith.constant 11 : i32
    %or3A_424 = vector.broadcast %or3A_423 : i32 to vector<256x128xi32>
    %or3A_425 = arith.ori %and3A_422, %or3A_424 : vector<256x128xi32>
    %min3A_426 = arith.minsi %min3A_390, %or3A_425 : vector<256x128xi32>
    %max3A_427 = arith.maxsi %min3A_390, %or3A_425 : vector<256x128xi32>
    %min3A_428 = arith.minsi %min3A_392, %max3A_427 : vector<256x128xi32>
    %max3A_429 = arith.maxsi %min3A_392, %max3A_427 : vector<256x128xi32>
    %min3A_430 = arith.minsi %min3A_394, %max3A_429 : vector<256x128xi32>
    %max3A_431 = arith.maxsi %min3A_394, %max3A_429 : vector<256x128xi32>
    %min3A_432 = arith.minsi %min3A_396, %max3A_431 : vector<256x128xi32>
    %max3A_433 = arith.maxsi %min3A_396, %max3A_431 : vector<256x128xi32>
    %min3A_434 = arith.minsi %min3A_398, %max3A_433 : vector<256x128xi32>
    %max3A_435 = arith.maxsi %min3A_398, %max3A_433 : vector<256x128xi32>
    %min3A_436 = arith.minsi %min3A_400, %max3A_435 : vector<256x128xi32>
    %get3A_437 = arith.constant 0 : index
    %get3A_438 = arith.constant 1536 : index
    %get3A_439 = vector.load %arg2[%get3A_437, %get3A_438] : memref<8x8192xf32, #tpu.memory_space<vmem>>, vector<4x128xf32>
    %get3A_440 = arith.constant 5 : index
    %get3A_441 = arith.constant 1536 : index
    %get3A_442 = vector.load %arg2[%get3A_440, %get3A_441] : memref<8x8192xf32, #tpu.memory_space<vmem>>, vector<1x128xf32>
    %dot_general3A_443 = arith.constant dense<0.000000e+00> : vector<256x128xf32>
    %dot_general3A_444 = tpu.matmul %slice3A, %get3A_439, %dot_general3A_443 {dimension_numbers = #tpu.dot_dimension_numbers<[1], [0], [0], [1], [0, 0, 1, 1], [], []>, transpose_lhs_hint = false} : vector<256x4xf32>, vector<4x128xf32>, vector<256x128xf32> -> vector<256x128xf32>
    %add3A_445 = vector.broadcast %slice3A_2 : vector<256x1xf32> to vector<256x128xf32>
    %add3A_446 = vector.broadcast %get3A_442 : vector<1x128xf32> to vector<256x128xf32>
    %add3A_447 = arith.addf %add3A_445, %add3A_446 : vector<256x128xf32>
    %mul3A_448 = arith.constant 2.000000e+00 : f32
    %mul3A_449 = vector.broadcast %mul3A_448 : f32 to vector<256x128xf32>
    %mul3A_450 = arith.mulf %mul3A_449, %dot_general3A_444 : vector<256x128xf32>
    %sub3A_451 = arith.subf %add3A_447, %mul3A_450 : vector<256x128xf32>
    %max3A_452 = arith.constant 0.000000e+00 : f32
    %max3A_453 = vector.broadcast %max3A_452 : f32 to vector<256x128xf32>
    %max3A_454 = arith.maximumf %sub3A_451, %max3A_453 : vector<256x128xf32>
    %bitcast_convert_type3A_455 = tpu.bitcast %max3A_454 : vector<256x128xf32> -> vector<256x128xi32>
    %and3A_456 = arith.constant -64 : i32
    %and3A_457 = vector.broadcast %and3A_456 : i32 to vector<256x128xi32>
    %and3A_458 = arith.andi %bitcast_convert_type3A_455, %and3A_457 : vector<256x128xi32>
    %or3A_459 = arith.constant 12 : i32
    %or3A_460 = vector.broadcast %or3A_459 : i32 to vector<256x128xi32>
    %or3A_461 = arith.ori %and3A_458, %or3A_460 : vector<256x128xi32>
    %min3A_462 = arith.minsi %min3A_426, %or3A_461 : vector<256x128xi32>
    %max3A_463 = arith.maxsi %min3A_426, %or3A_461 : vector<256x128xi32>
    %min3A_464 = arith.minsi %min3A_428, %max3A_463 : vector<256x128xi32>
    %max3A_465 = arith.maxsi %min3A_428, %max3A_463 : vector<256x128xi32>
    %min3A_466 = arith.minsi %min3A_430, %max3A_465 : vector<256x128xi32>
    %max3A_467 = arith.maxsi %min3A_430, %max3A_465 : vector<256x128xi32>
    %min3A_468 = arith.minsi %min3A_432, %max3A_467 : vector<256x128xi32>
    %max3A_469 = arith.maxsi %min3A_432, %max3A_467 : vector<256x128xi32>
    %min3A_470 = arith.minsi %min3A_434, %max3A_469 : vector<256x128xi32>
    %max3A_471 = arith.maxsi %min3A_434, %max3A_469 : vector<256x128xi32>
    %min3A_472 = arith.minsi %min3A_436, %max3A_471 : vector<256x128xi32>
    %get3A_473 = arith.constant 0 : index
    %get3A_474 = arith.constant 1664 : index
    %get3A_475 = vector.load %arg2[%get3A_473, %get3A_474] : memref<8x8192xf32, #tpu.memory_space<vmem>>, vector<4x128xf32>
    %get3A_476 = arith.constant 5 : index
    %get3A_477 = arith.constant 1664 : index
    %get3A_478 = vector.load %arg2[%get3A_476, %get3A_477] : memref<8x8192xf32, #tpu.memory_space<vmem>>, vector<1x128xf32>
    %dot_general3A_479 = arith.constant dense<0.000000e+00> : vector<256x128xf32>
    %dot_general3A_480 = tpu.matmul %slice3A, %get3A_475, %dot_general3A_479 {dimension_numbers = #tpu.dot_dimension_numbers<[1], [0], [0], [1], [0, 0, 1, 1], [], []>, transpose_lhs_hint = false} : vector<256x4xf32>, vector<4x128xf32>, vector<256x128xf32> -> vector<256x128xf32>
    %add3A_481 = vector.broadcast %slice3A_2 : vector<256x1xf32> to vector<256x128xf32>
    %add3A_482 = vector.broadcast %get3A_478 : vector<1x128xf32> to vector<256x128xf32>
    %add3A_483 = arith.addf %add3A_481, %add3A_482 : vector<256x128xf32>
    %mul3A_484 = arith.constant 2.000000e+00 : f32
    %mul3A_485 = vector.broadcast %mul3A_484 : f32 to vector<256x128xf32>
    %mul3A_486 = arith.mulf %mul3A_485, %dot_general3A_480 : vector<256x128xf32>
    %sub3A_487 = arith.subf %add3A_483, %mul3A_486 : vector<256x128xf32>
    %max3A_488 = arith.constant 0.000000e+00 : f32
    %max3A_489 = vector.broadcast %max3A_488 : f32 to vector<256x128xf32>
    %max3A_490 = arith.maximumf %sub3A_487, %max3A_489 : vector<256x128xf32>
    %bitcast_convert_type3A_491 = tpu.bitcast %max3A_490 : vector<256x128xf32> -> vector<256x128xi32>
    %and3A_492 = arith.constant -64 : i32
    %and3A_493 = vector.broadcast %and3A_492 : i32 to vector<256x128xi32>
    %and3A_494 = arith.andi %bitcast_convert_type3A_491, %and3A_493 : vector<256x128xi32>
    %or3A_495 = arith.constant 13 : i32
    %or3A_496 = vector.broadcast %or3A_495 : i32 to vector<256x128xi32>
    %or3A_497 = arith.ori %and3A_494, %or3A_496 : vector<256x128xi32>
    %min3A_498 = arith.minsi %min3A_462, %or3A_497 : vector<256x128xi32>
    %max3A_499 = arith.maxsi %min3A_462, %or3A_497 : vector<256x128xi32>
    %min3A_500 = arith.minsi %min3A_464, %max3A_499 : vector<256x128xi32>
    %max3A_501 = arith.maxsi %min3A_464, %max3A_499 : vector<256x128xi32>
    %min3A_502 = arith.minsi %min3A_466, %max3A_501 : vector<256x128xi32>
    %max3A_503 = arith.maxsi %min3A_466, %max3A_501 : vector<256x128xi32>
    %min3A_504 = arith.minsi %min3A_468, %max3A_503 : vector<256x128xi32>
    %max3A_505 = arith.maxsi %min3A_468, %max3A_503 : vector<256x128xi32>
    %min3A_506 = arith.minsi %min3A_470, %max3A_505 : vector<256x128xi32>
    %max3A_507 = arith.maxsi %min3A_470, %max3A_505 : vector<256x128xi32>
    %min3A_508 = arith.minsi %min3A_472, %max3A_507 : vector<256x128xi32>
    %get3A_509 = arith.constant 0 : index
    %get3A_510 = arith.constant 1792 : index
    %get3A_511 = vector.load %arg2[%get3A_509, %get3A_510] : memref<8x8192xf32, #tpu.memory_space<vmem>>, vector<4x128xf32>
    %get3A_512 = arith.constant 5 : index
    %get3A_513 = arith.constant 1792 : index
    %get3A_514 = vector.load %arg2[%get3A_512, %get3A_513] : memref<8x8192xf32, #tpu.memory_space<vmem>>, vector<1x128xf32>
    %dot_general3A_515 = arith.constant dense<0.000000e+00> : vector<256x128xf32>
    %dot_general3A_516 = tpu.matmul %slice3A, %get3A_511, %dot_general3A_515 {dimension_numbers = #tpu.dot_dimension_numbers<[1], [0], [0], [1], [0, 0, 1, 1], [], []>, transpose_lhs_hint = false} : vector<256x4xf32>, vector<4x128xf32>, vector<256x128xf32> -> vector<256x128xf32>
    %add3A_517 = vector.broadcast %slice3A_2 : vector<256x1xf32> to vector<256x128xf32>
    %add3A_518 = vector.broadcast %get3A_514 : vector<1x128xf32> to vector<256x128xf32>
    %add3A_519 = arith.addf %add3A_517, %add3A_518 : vector<256x128xf32>
    %mul3A_520 = arith.constant 2.000000e+00 : f32
    %mul3A_521 = vector.broadcast %mul3A_520 : f32 to vector<256x128xf32>
    %mul3A_522 = arith.mulf %mul3A_521, %dot_general3A_516 : vector<256x128xf32>
    %sub3A_523 = arith.subf %add3A_519, %mul3A_522 : vector<256x128xf32>
    %max3A_524 = arith.constant 0.000000e+00 : f32
    %max3A_525 = vector.broadcast %max3A_524 : f32 to vector<256x128xf32>
    %max3A_526 = arith.maximumf %sub3A_523, %max3A_525 : vector<256x128xf32>
    %bitcast_convert_type3A_527 = tpu.bitcast %max3A_526 : vector<256x128xf32> -> vector<256x128xi32>
    %and3A_528 = arith.constant -64 : i32
    %and3A_529 = vector.broadcast %and3A_528 : i32 to vector<256x128xi32>
    %and3A_530 = arith.andi %bitcast_convert_type3A_527, %and3A_529 : vector<256x128xi32>
    %or3A_531 = arith.constant 14 : i32
    %or3A_532 = vector.broadcast %or3A_531 : i32 to vector<256x128xi32>
    %or3A_533 = arith.ori %and3A_530, %or3A_532 : vector<256x128xi32>
    %min3A_534 = arith.minsi %min3A_498, %or3A_533 : vector<256x128xi32>
    %max3A_535 = arith.maxsi %min3A_498, %or3A_533 : vector<256x128xi32>
    %min3A_536 = arith.minsi %min3A_500, %max3A_535 : vector<256x128xi32>
    %max3A_537 = arith.maxsi %min3A_500, %max3A_535 : vector<256x128xi32>
    %min3A_538 = arith.minsi %min3A_502, %max3A_537 : vector<256x128xi32>
    %max3A_539 = arith.maxsi %min3A_502, %max3A_537 : vector<256x128xi32>
    %min3A_540 = arith.minsi %min3A_504, %max3A_539 : vector<256x128xi32>
    %max3A_541 = arith.maxsi %min3A_504, %max3A_539 : vector<256x128xi32>
    %min3A_542 = arith.minsi %min3A_506, %max3A_541 : vector<256x128xi32>
    %max3A_543 = arith.maxsi %min3A_506, %max3A_541 : vector<256x128xi32>
    %min3A_544 = arith.minsi %min3A_508, %max3A_543 : vector<256x128xi32>
    %get3A_545 = arith.constant 0 : index
    %get3A_546 = arith.constant 1920 : index
    %get3A_547 = vector.load %arg2[%get3A_545, %get3A_546] : memref<8x8192xf32, #tpu.memory_space<vmem>>, vector<4x128xf32>
    %get3A_548 = arith.constant 5 : index
    %get3A_549 = arith.constant 1920 : index
    %get3A_550 = vector.load %arg2[%get3A_548, %get3A_549] : memref<8x8192xf32, #tpu.memory_space<vmem>>, vector<1x128xf32>
    %dot_general3A_551 = arith.constant dense<0.000000e+00> : vector<256x128xf32>
    %dot_general3A_552 = tpu.matmul %slice3A, %get3A_547, %dot_general3A_551 {dimension_numbers = #tpu.dot_dimension_numbers<[1], [0], [0], [1], [0, 0, 1, 1], [], []>, transpose_lhs_hint = false} : vector<256x4xf32>, vector<4x128xf32>, vector<256x128xf32> -> vector<256x128xf32>
    %add3A_553 = vector.broadcast %slice3A_2 : vector<256x1xf32> to vector<256x128xf32>
    %add3A_554 = vector.broadcast %get3A_550 : vector<1x128xf32> to vector<256x128xf32>
    %add3A_555 = arith.addf %add3A_553, %add3A_554 : vector<256x128xf32>
    %mul3A_556 = arith.constant 2.000000e+00 : f32
    %mul3A_557 = vector.broadcast %mul3A_556 : f32 to vector<256x128xf32>
    %mul3A_558 = arith.mulf %mul3A_557, %dot_general3A_552 : vector<256x128xf32>
    %sub3A_559 = arith.subf %add3A_555, %mul3A_558 : vector<256x128xf32>
    %max3A_560 = arith.constant 0.000000e+00 : f32
    %max3A_561 = vector.broadcast %max3A_560 : f32 to vector<256x128xf32>
    %max3A_562 = arith.maximumf %sub3A_559, %max3A_561 : vector<256x128xf32>
    %bitcast_convert_type3A_563 = tpu.bitcast %max3A_562 : vector<256x128xf32> -> vector<256x128xi32>
    %and3A_564 = arith.constant -64 : i32
    %and3A_565 = vector.broadcast %and3A_564 : i32 to vector<256x128xi32>
    %and3A_566 = arith.andi %bitcast_convert_type3A_563, %and3A_565 : vector<256x128xi32>
    %or3A_567 = arith.constant 15 : i32
    %or3A_568 = vector.broadcast %or3A_567 : i32 to vector<256x128xi32>
    %or3A_569 = arith.ori %and3A_566, %or3A_568 : vector<256x128xi32>
    %min3A_570 = arith.minsi %min3A_534, %or3A_569 : vector<256x128xi32>
    %max3A_571 = arith.maxsi %min3A_534, %or3A_569 : vector<256x128xi32>
    %min3A_572 = arith.minsi %min3A_536, %max3A_571 : vector<256x128xi32>
    %max3A_573 = arith.maxsi %min3A_536, %max3A_571 : vector<256x128xi32>
    %min3A_574 = arith.minsi %min3A_538, %max3A_573 : vector<256x128xi32>
    %max3A_575 = arith.maxsi %min3A_538, %max3A_573 : vector<256x128xi32>
    %min3A_576 = arith.minsi %min3A_540, %max3A_575 : vector<256x128xi32>
    %max3A_577 = arith.maxsi %min3A_540, %max3A_575 : vector<256x128xi32>
    %min3A_578 = arith.minsi %min3A_542, %max3A_577 : vector<256x128xi32>
    %max3A_579 = arith.maxsi %min3A_542, %max3A_577 : vector<256x128xi32>
    %min3A_580 = arith.minsi %min3A_544, %max3A_579 : vector<256x128xi32>
    %get3A_581 = arith.constant 0 : index
    %get3A_582 = arith.constant 2048 : index
    %get3A_583 = vector.load %arg2[%get3A_581, %get3A_582] : memref<8x8192xf32, #tpu.memory_space<vmem>>, vector<4x128xf32>
    %get3A_584 = arith.constant 5 : index
    %get3A_585 = arith.constant 2048 : index
    %get3A_586 = vector.load %arg2[%get3A_584, %get3A_585] : memref<8x8192xf32, #tpu.memory_space<vmem>>, vector<1x128xf32>
    %dot_general3A_587 = arith.constant dense<0.000000e+00> : vector<256x128xf32>
    %dot_general3A_588 = tpu.matmul %slice3A, %get3A_583, %dot_general3A_587 {dimension_numbers = #tpu.dot_dimension_numbers<[1], [0], [0], [1], [0, 0, 1, 1], [], []>, transpose_lhs_hint = false} : vector<256x4xf32>, vector<4x128xf32>, vector<256x128xf32> -> vector<256x128xf32>
    %add3A_589 = vector.broadcast %slice3A_2 : vector<256x1xf32> to vector<256x128xf32>
    %add3A_590 = vector.broadcast %get3A_586 : vector<1x128xf32> to vector<256x128xf32>
    %add3A_591 = arith.addf %add3A_589, %add3A_590 : vector<256x128xf32>
    %mul3A_592 = arith.constant 2.000000e+00 : f32
    %mul3A_593 = vector.broadcast %mul3A_592 : f32 to vector<256x128xf32>
    %mul3A_594 = arith.mulf %mul3A_593, %dot_general3A_588 : vector<256x128xf32>
    %sub3A_595 = arith.subf %add3A_591, %mul3A_594 : vector<256x128xf32>
    %max3A_596 = arith.constant 0.000000e+00 : f32
    %max3A_597 = vector.broadcast %max3A_596 : f32 to vector<256x128xf32>
    %max3A_598 = arith.maximumf %sub3A_595, %max3A_597 : vector<256x128xf32>
    %bitcast_convert_type3A_599 = tpu.bitcast %max3A_598 : vector<256x128xf32> -> vector<256x128xi32>
    %and3A_600 = arith.constant -64 : i32
    %and3A_601 = vector.broadcast %and3A_600 : i32 to vector<256x128xi32>
    %and3A_602 = arith.andi %bitcast_convert_type3A_599, %and3A_601 : vector<256x128xi32>
    %or3A_603 = arith.constant 16 : i32
    %or3A_604 = vector.broadcast %or3A_603 : i32 to vector<256x128xi32>
    %or3A_605 = arith.ori %and3A_602, %or3A_604 : vector<256x128xi32>
    %min3A_606 = arith.minsi %min3A_570, %or3A_605 : vector<256x128xi32>
    %max3A_607 = arith.maxsi %min3A_570, %or3A_605 : vector<256x128xi32>
    %min3A_608 = arith.minsi %min3A_572, %max3A_607 : vector<256x128xi32>
    %max3A_609 = arith.maxsi %min3A_572, %max3A_607 : vector<256x128xi32>
    %min3A_610 = arith.minsi %min3A_574, %max3A_609 : vector<256x128xi32>
    %max3A_611 = arith.maxsi %min3A_574, %max3A_609 : vector<256x128xi32>
    %min3A_612 = arith.minsi %min3A_576, %max3A_611 : vector<256x128xi32>
    %max3A_613 = arith.maxsi %min3A_576, %max3A_611 : vector<256x128xi32>
    %min3A_614 = arith.minsi %min3A_578, %max3A_613 : vector<256x128xi32>
    %max3A_615 = arith.maxsi %min3A_578, %max3A_613 : vector<256x128xi32>
    %min3A_616 = arith.minsi %min3A_580, %max3A_615 : vector<256x128xi32>
    %get3A_617 = arith.constant 0 : index
    %get3A_618 = arith.constant 2176 : index
    %get3A_619 = vector.load %arg2[%get3A_617, %get3A_618] : memref<8x8192xf32, #tpu.memory_space<vmem>>, vector<4x128xf32>
    %get3A_620 = arith.constant 5 : index
    %get3A_621 = arith.constant 2176 : index
    %get3A_622 = vector.load %arg2[%get3A_620, %get3A_621] : memref<8x8192xf32, #tpu.memory_space<vmem>>, vector<1x128xf32>
    %dot_general3A_623 = arith.constant dense<0.000000e+00> : vector<256x128xf32>
    %dot_general3A_624 = tpu.matmul %slice3A, %get3A_619, %dot_general3A_623 {dimension_numbers = #tpu.dot_dimension_numbers<[1], [0], [0], [1], [0, 0, 1, 1], [], []>, transpose_lhs_hint = false} : vector<256x4xf32>, vector<4x128xf32>, vector<256x128xf32> -> vector<256x128xf32>
    %add3A_625 = vector.broadcast %slice3A_2 : vector<256x1xf32> to vector<256x128xf32>
    %add3A_626 = vector.broadcast %get3A_622 : vector<1x128xf32> to vector<256x128xf32>
    %add3A_627 = arith.addf %add3A_625, %add3A_626 : vector<256x128xf32>
    %mul3A_628 = arith.constant 2.000000e+00 : f32
    %mul3A_629 = vector.broadcast %mul3A_628 : f32 to vector<256x128xf32>
    %mul3A_630 = arith.mulf %mul3A_629, %dot_general3A_624 : vector<256x128xf32>
    %sub3A_631 = arith.subf %add3A_627, %mul3A_630 : vector<256x128xf32>
    %max3A_632 = arith.constant 0.000000e+00 : f32
    %max3A_633 = vector.broadcast %max3A_632 : f32 to vector<256x128xf32>
    %max3A_634 = arith.maximumf %sub3A_631, %max3A_633 : vector<256x128xf32>
    %bitcast_convert_type3A_635 = tpu.bitcast %max3A_634 : vector<256x128xf32> -> vector<256x128xi32>
    %and3A_636 = arith.constant -64 : i32
    %and3A_637 = vector.broadcast %and3A_636 : i32 to vector<256x128xi32>
    %and3A_638 = arith.andi %bitcast_convert_type3A_635, %and3A_637 : vector<256x128xi32>
    %or3A_639 = arith.constant 17 : i32
    %or3A_640 = vector.broadcast %or3A_639 : i32 to vector<256x128xi32>
    %or3A_641 = arith.ori %and3A_638, %or3A_640 : vector<256x128xi32>
    %min3A_642 = arith.minsi %min3A_606, %or3A_641 : vector<256x128xi32>
    %max3A_643 = arith.maxsi %min3A_606, %or3A_641 : vector<256x128xi32>
    %min3A_644 = arith.minsi %min3A_608, %max3A_643 : vector<256x128xi32>
    %max3A_645 = arith.maxsi %min3A_608, %max3A_643 : vector<256x128xi32>
    %min3A_646 = arith.minsi %min3A_610, %max3A_645 : vector<256x128xi32>
    %max3A_647 = arith.maxsi %min3A_610, %max3A_645 : vector<256x128xi32>
    %min3A_648 = arith.minsi %min3A_612, %max3A_647 : vector<256x128xi32>
    %max3A_649 = arith.maxsi %min3A_612, %max3A_647 : vector<256x128xi32>
    %min3A_650 = arith.minsi %min3A_614, %max3A_649 : vector<256x128xi32>
    %max3A_651 = arith.maxsi %min3A_614, %max3A_649 : vector<256x128xi32>
    %min3A_652 = arith.minsi %min3A_616, %max3A_651 : vector<256x128xi32>
    %get3A_653 = arith.constant 0 : index
    %get3A_654 = arith.constant 2304 : index
    %get3A_655 = vector.load %arg2[%get3A_653, %get3A_654] : memref<8x8192xf32, #tpu.memory_space<vmem>>, vector<4x128xf32>
    %get3A_656 = arith.constant 5 : index
    %get3A_657 = arith.constant 2304 : index
    %get3A_658 = vector.load %arg2[%get3A_656, %get3A_657] : memref<8x8192xf32, #tpu.memory_space<vmem>>, vector<1x128xf32>
    %dot_general3A_659 = arith.constant dense<0.000000e+00> : vector<256x128xf32>
    %dot_general3A_660 = tpu.matmul %slice3A, %get3A_655, %dot_general3A_659 {dimension_numbers = #tpu.dot_dimension_numbers<[1], [0], [0], [1], [0, 0, 1, 1], [], []>, transpose_lhs_hint = false} : vector<256x4xf32>, vector<4x128xf32>, vector<256x128xf32> -> vector<256x128xf32>
    %add3A_661 = vector.broadcast %slice3A_2 : vector<256x1xf32> to vector<256x128xf32>
    %add3A_662 = vector.broadcast %get3A_658 : vector<1x128xf32> to vector<256x128xf32>
    %add3A_663 = arith.addf %add3A_661, %add3A_662 : vector<256x128xf32>
    %mul3A_664 = arith.constant 2.000000e+00 : f32
    %mul3A_665 = vector.broadcast %mul3A_664 : f32 to vector<256x128xf32>
    %mul3A_666 = arith.mulf %mul3A_665, %dot_general3A_660 : vector<256x128xf32>
    %sub3A_667 = arith.subf %add3A_663, %mul3A_666 : vector<256x128xf32>
    %max3A_668 = arith.constant 0.000000e+00 : f32
    %max3A_669 = vector.broadcast %max3A_668 : f32 to vector<256x128xf32>
    %max3A_670 = arith.maximumf %sub3A_667, %max3A_669 : vector<256x128xf32>
    %bitcast_convert_type3A_671 = tpu.bitcast %max3A_670 : vector<256x128xf32> -> vector<256x128xi32>
    %and3A_672 = arith.constant -64 : i32
    %and3A_673 = vector.broadcast %and3A_672 : i32 to vector<256x128xi32>
    %and3A_674 = arith.andi %bitcast_convert_type3A_671, %and3A_673 : vector<256x128xi32>
    %or3A_675 = arith.constant 18 : i32
    %or3A_676 = vector.broadcast %or3A_675 : i32 to vector<256x128xi32>
    %or3A_677 = arith.ori %and3A_674, %or3A_676 : vector<256x128xi32>
    %min3A_678 = arith.minsi %min3A_642, %or3A_677 : vector<256x128xi32>
    %max3A_679 = arith.maxsi %min3A_642, %or3A_677 : vector<256x128xi32>
    %min3A_680 = arith.minsi %min3A_644, %max3A_679 : vector<256x128xi32>
    %max3A_681 = arith.maxsi %min3A_644, %max3A_679 : vector<256x128xi32>
    %min3A_682 = arith.minsi %min3A_646, %max3A_681 : vector<256x128xi32>
    %max3A_683 = arith.maxsi %min3A_646, %max3A_681 : vector<256x128xi32>
    %min3A_684 = arith.minsi %min3A_648, %max3A_683 : vector<256x128xi32>
    %max3A_685 = arith.maxsi %min3A_648, %max3A_683 : vector<256x128xi32>
    %min3A_686 = arith.minsi %min3A_650, %max3A_685 : vector<256x128xi32>
    %max3A_687 = arith.maxsi %min3A_650, %max3A_685 : vector<256x128xi32>
    %min3A_688 = arith.minsi %min3A_652, %max3A_687 : vector<256x128xi32>
    %get3A_689 = arith.constant 0 : index
    %get3A_690 = arith.constant 2432 : index
    %get3A_691 = vector.load %arg2[%get3A_689, %get3A_690] : memref<8x8192xf32, #tpu.memory_space<vmem>>, vector<4x128xf32>
    %get3A_692 = arith.constant 5 : index
    %get3A_693 = arith.constant 2432 : index
    %get3A_694 = vector.load %arg2[%get3A_692, %get3A_693] : memref<8x8192xf32, #tpu.memory_space<vmem>>, vector<1x128xf32>
    %dot_general3A_695 = arith.constant dense<0.000000e+00> : vector<256x128xf32>
    %dot_general3A_696 = tpu.matmul %slice3A, %get3A_691, %dot_general3A_695 {dimension_numbers = #tpu.dot_dimension_numbers<[1], [0], [0], [1], [0, 0, 1, 1], [], []>, transpose_lhs_hint = false} : vector<256x4xf32>, vector<4x128xf32>, vector<256x128xf32> -> vector<256x128xf32>
    %add3A_697 = vector.broadcast %slice3A_2 : vector<256x1xf32> to vector<256x128xf32>
    %add3A_698 = vector.broadcast %get3A_694 : vector<1x128xf32> to vector<256x128xf32>
    %add3A_699 = arith.addf %add3A_697, %add3A_698 : vector<256x128xf32>
    %mul3A_700 = arith.constant 2.000000e+00 : f32
    %mul3A_701 = vector.broadcast %mul3A_700 : f32 to vector<256x128xf32>
    %mul3A_702 = arith.mulf %mul3A_701, %dot_general3A_696 : vector<256x128xf32>
    %sub3A_703 = arith.subf %add3A_699, %mul3A_702 : vector<256x128xf32>
    %max3A_704 = arith.constant 0.000000e+00 : f32
    %max3A_705 = vector.broadcast %max3A_704 : f32 to vector<256x128xf32>
    %max3A_706 = arith.maximumf %sub3A_703, %max3A_705 : vector<256x128xf32>
    %bitcast_convert_type3A_707 = tpu.bitcast %max3A_706 : vector<256x128xf32> -> vector<256x128xi32>
    %and3A_708 = arith.constant -64 : i32
    %and3A_709 = vector.broadcast %and3A_708 : i32 to vector<256x128xi32>
    %and3A_710 = arith.andi %bitcast_convert_type3A_707, %and3A_709 : vector<256x128xi32>
    %or3A_711 = arith.constant 19 : i32
    %or3A_712 = vector.broadcast %or3A_711 : i32 to vector<256x128xi32>
    %or3A_713 = arith.ori %and3A_710, %or3A_712 : vector<256x128xi32>
    %min3A_714 = arith.minsi %min3A_678, %or3A_713 : vector<256x128xi32>
    %max3A_715 = arith.maxsi %min3A_678, %or3A_713 : vector<256x128xi32>
    %min3A_716 = arith.minsi %min3A_680, %max3A_715 : vector<256x128xi32>
    %max3A_717 = arith.maxsi %min3A_680, %max3A_715 : vector<256x128xi32>
    %min3A_718 = arith.minsi %min3A_682, %max3A_717 : vector<256x128xi32>
    %max3A_719 = arith.maxsi %min3A_682, %max3A_717 : vector<256x128xi32>
    %min3A_720 = arith.minsi %min3A_684, %max3A_719 : vector<256x128xi32>
    %max3A_721 = arith.maxsi %min3A_684, %max3A_719 : vector<256x128xi32>
    %min3A_722 = arith.minsi %min3A_686, %max3A_721 : vector<256x128xi32>
    %max3A_723 = arith.maxsi %min3A_686, %max3A_721 : vector<256x128xi32>
    %min3A_724 = arith.minsi %min3A_688, %max3A_723 : vector<256x128xi32>
    %get3A_725 = arith.constant 0 : index
    %get3A_726 = arith.constant 2560 : index
    %get3A_727 = vector.load %arg2[%get3A_725, %get3A_726] : memref<8x8192xf32, #tpu.memory_space<vmem>>, vector<4x128xf32>
    %get3A_728 = arith.constant 5 : index
    %get3A_729 = arith.constant 2560 : index
    %get3A_730 = vector.load %arg2[%get3A_728, %get3A_729] : memref<8x8192xf32, #tpu.memory_space<vmem>>, vector<1x128xf32>
    %dot_general3A_731 = arith.constant dense<0.000000e+00> : vector<256x128xf32>
    %dot_general3A_732 = tpu.matmul %slice3A, %get3A_727, %dot_general3A_731 {dimension_numbers = #tpu.dot_dimension_numbers<[1], [0], [0], [1], [0, 0, 1, 1], [], []>, transpose_lhs_hint = false} : vector<256x4xf32>, vector<4x128xf32>, vector<256x128xf32> -> vector<256x128xf32>
    %add3A_733 = vector.broadcast %slice3A_2 : vector<256x1xf32> to vector<256x128xf32>
    %add3A_734 = vector.broadcast %get3A_730 : vector<1x128xf32> to vector<256x128xf32>
    %add3A_735 = arith.addf %add3A_733, %add3A_734 : vector<256x128xf32>
    %mul3A_736 = arith.constant 2.000000e+00 : f32
    %mul3A_737 = vector.broadcast %mul3A_736 : f32 to vector<256x128xf32>
    %mul3A_738 = arith.mulf %mul3A_737, %dot_general3A_732 : vector<256x128xf32>
    %sub3A_739 = arith.subf %add3A_735, %mul3A_738 : vector<256x128xf32>
    %max3A_740 = arith.constant 0.000000e+00 : f32
    %max3A_741 = vector.broadcast %max3A_740 : f32 to vector<256x128xf32>
    %max3A_742 = arith.maximumf %sub3A_739, %max3A_741 : vector<256x128xf32>
    %bitcast_convert_type3A_743 = tpu.bitcast %max3A_742 : vector<256x128xf32> -> vector<256x128xi32>
    %and3A_744 = arith.constant -64 : i32
    %and3A_745 = vector.broadcast %and3A_744 : i32 to vector<256x128xi32>
    %and3A_746 = arith.andi %bitcast_convert_type3A_743, %and3A_745 : vector<256x128xi32>
    %or3A_747 = arith.constant 20 : i32
    %or3A_748 = vector.broadcast %or3A_747 : i32 to vector<256x128xi32>
    %or3A_749 = arith.ori %and3A_746, %or3A_748 : vector<256x128xi32>
    %min3A_750 = arith.minsi %min3A_714, %or3A_749 : vector<256x128xi32>
    %max3A_751 = arith.maxsi %min3A_714, %or3A_749 : vector<256x128xi32>
    %min3A_752 = arith.minsi %min3A_716, %max3A_751 : vector<256x128xi32>
    %max3A_753 = arith.maxsi %min3A_716, %max3A_751 : vector<256x128xi32>
    %min3A_754 = arith.minsi %min3A_718, %max3A_753 : vector<256x128xi32>
    %max3A_755 = arith.maxsi %min3A_718, %max3A_753 : vector<256x128xi32>
    %min3A_756 = arith.minsi %min3A_720, %max3A_755 : vector<256x128xi32>
    %max3A_757 = arith.maxsi %min3A_720, %max3A_755 : vector<256x128xi32>
    %min3A_758 = arith.minsi %min3A_722, %max3A_757 : vector<256x128xi32>
    %max3A_759 = arith.maxsi %min3A_722, %max3A_757 : vector<256x128xi32>
    %min3A_760 = arith.minsi %min3A_724, %max3A_759 : vector<256x128xi32>
    %get3A_761 = arith.constant 0 : index
    %get3A_762 = arith.constant 2688 : index
    %get3A_763 = vector.load %arg2[%get3A_761, %get3A_762] : memref<8x8192xf32, #tpu.memory_space<vmem>>, vector<4x128xf32>
    %get3A_764 = arith.constant 5 : index
    %get3A_765 = arith.constant 2688 : index
    %get3A_766 = vector.load %arg2[%get3A_764, %get3A_765] : memref<8x8192xf32, #tpu.memory_space<vmem>>, vector<1x128xf32>
    %dot_general3A_767 = arith.constant dense<0.000000e+00> : vector<256x128xf32>
    %dot_general3A_768 = tpu.matmul %slice3A, %get3A_763, %dot_general3A_767 {dimension_numbers = #tpu.dot_dimension_numbers<[1], [0], [0], [1], [0, 0, 1, 1], [], []>, transpose_lhs_hint = false} : vector<256x4xf32>, vector<4x128xf32>, vector<256x128xf32> -> vector<256x128xf32>
    %add3A_769 = vector.broadcast %slice3A_2 : vector<256x1xf32> to vector<256x128xf32>
    %add3A_770 = vector.broadcast %get3A_766 : vector<1x128xf32> to vector<256x128xf32>
    %add3A_771 = arith.addf %add3A_769, %add3A_770 : vector<256x128xf32>
    %mul3A_772 = arith.constant 2.000000e+00 : f32
    %mul3A_773 = vector.broadcast %mul3A_772 : f32 to vector<256x128xf32>
    %mul3A_774 = arith.mulf %mul3A_773, %dot_general3A_768 : vector<256x128xf32>
    %sub3A_775 = arith.subf %add3A_771, %mul3A_774 : vector<256x128xf32>
    %max3A_776 = arith.constant 0.000000e+00 : f32
    %max3A_777 = vector.broadcast %max3A_776 : f32 to vector<256x128xf32>
    %max3A_778 = arith.maximumf %sub3A_775, %max3A_777 : vector<256x128xf32>
    %bitcast_convert_type3A_779 = tpu.bitcast %max3A_778 : vector<256x128xf32> -> vector<256x128xi32>
    %and3A_780 = arith.constant -64 : i32
    %and3A_781 = vector.broadcast %and3A_780 : i32 to vector<256x128xi32>
    %and3A_782 = arith.andi %bitcast_convert_type3A_779, %and3A_781 : vector<256x128xi32>
    %or3A_783 = arith.constant 21 : i32
    %or3A_784 = vector.broadcast %or3A_783 : i32 to vector<256x128xi32>
    %or3A_785 = arith.ori %and3A_782, %or3A_784 : vector<256x128xi32>
    %min3A_786 = arith.minsi %min3A_750, %or3A_785 : vector<256x128xi32>
    %max3A_787 = arith.maxsi %min3A_750, %or3A_785 : vector<256x128xi32>
    %min3A_788 = arith.minsi %min3A_752, %max3A_787 : vector<256x128xi32>
    %max3A_789 = arith.maxsi %min3A_752, %max3A_787 : vector<256x128xi32>
    %min3A_790 = arith.minsi %min3A_754, %max3A_789 : vector<256x128xi32>
    %max3A_791 = arith.maxsi %min3A_754, %max3A_789 : vector<256x128xi32>
    %min3A_792 = arith.minsi %min3A_756, %max3A_791 : vector<256x128xi32>
    %max3A_793 = arith.maxsi %min3A_756, %max3A_791 : vector<256x128xi32>
    %min3A_794 = arith.minsi %min3A_758, %max3A_793 : vector<256x128xi32>
    %max3A_795 = arith.maxsi %min3A_758, %max3A_793 : vector<256x128xi32>
    %min3A_796 = arith.minsi %min3A_760, %max3A_795 : vector<256x128xi32>
    %get3A_797 = arith.constant 0 : index
    %get3A_798 = arith.constant 2816 : index
    %get3A_799 = vector.load %arg2[%get3A_797, %get3A_798] : memref<8x8192xf32, #tpu.memory_space<vmem>>, vector<4x128xf32>
    %get3A_800 = arith.constant 5 : index
    %get3A_801 = arith.constant 2816 : index
    %get3A_802 = vector.load %arg2[%get3A_800, %get3A_801] : memref<8x8192xf32, #tpu.memory_space<vmem>>, vector<1x128xf32>
    %dot_general3A_803 = arith.constant dense<0.000000e+00> : vector<256x128xf32>
    %dot_general3A_804 = tpu.matmul %slice3A, %get3A_799, %dot_general3A_803 {dimension_numbers = #tpu.dot_dimension_numbers<[1], [0], [0], [1], [0, 0, 1, 1], [], []>, transpose_lhs_hint = false} : vector<256x4xf32>, vector<4x128xf32>, vector<256x128xf32> -> vector<256x128xf32>
    %add3A_805 = vector.broadcast %slice3A_2 : vector<256x1xf32> to vector<256x128xf32>
    %add3A_806 = vector.broadcast %get3A_802 : vector<1x128xf32> to vector<256x128xf32>
    %add3A_807 = arith.addf %add3A_805, %add3A_806 : vector<256x128xf32>
    %mul3A_808 = arith.constant 2.000000e+00 : f32
    %mul3A_809 = vector.broadcast %mul3A_808 : f32 to vector<256x128xf32>
    %mul3A_810 = arith.mulf %mul3A_809, %dot_general3A_804 : vector<256x128xf32>
    %sub3A_811 = arith.subf %add3A_807, %mul3A_810 : vector<256x128xf32>
    %max3A_812 = arith.constant 0.000000e+00 : f32
    %max3A_813 = vector.broadcast %max3A_812 : f32 to vector<256x128xf32>
    %max3A_814 = arith.maximumf %sub3A_811, %max3A_813 : vector<256x128xf32>
    %bitcast_convert_type3A_815 = tpu.bitcast %max3A_814 : vector<256x128xf32> -> vector<256x128xi32>
    %and3A_816 = arith.constant -64 : i32
    %and3A_817 = vector.broadcast %and3A_816 : i32 to vector<256x128xi32>
    %and3A_818 = arith.andi %bitcast_convert_type3A_815, %and3A_817 : vector<256x128xi32>
    %or3A_819 = arith.constant 22 : i32
    %or3A_820 = vector.broadcast %or3A_819 : i32 to vector<256x128xi32>
    %or3A_821 = arith.ori %and3A_818, %or3A_820 : vector<256x128xi32>
    %min3A_822 = arith.minsi %min3A_786, %or3A_821 : vector<256x128xi32>
    %max3A_823 = arith.maxsi %min3A_786, %or3A_821 : vector<256x128xi32>
    %min3A_824 = arith.minsi %min3A_788, %max3A_823 : vector<256x128xi32>
    %max3A_825 = arith.maxsi %min3A_788, %max3A_823 : vector<256x128xi32>
    %min3A_826 = arith.minsi %min3A_790, %max3A_825 : vector<256x128xi32>
    %max3A_827 = arith.maxsi %min3A_790, %max3A_825 : vector<256x128xi32>
    %min3A_828 = arith.minsi %min3A_792, %max3A_827 : vector<256x128xi32>
    %max3A_829 = arith.maxsi %min3A_792, %max3A_827 : vector<256x128xi32>
    %min3A_830 = arith.minsi %min3A_794, %max3A_829 : vector<256x128xi32>
    %max3A_831 = arith.maxsi %min3A_794, %max3A_829 : vector<256x128xi32>
    %min3A_832 = arith.minsi %min3A_796, %max3A_831 : vector<256x128xi32>
    %get3A_833 = arith.constant 0 : index
    %get3A_834 = arith.constant 2944 : index
    %get3A_835 = vector.load %arg2[%get3A_833, %get3A_834] : memref<8x8192xf32, #tpu.memory_space<vmem>>, vector<4x128xf32>
    %get3A_836 = arith.constant 5 : index
    %get3A_837 = arith.constant 2944 : index
    %get3A_838 = vector.load %arg2[%get3A_836, %get3A_837] : memref<8x8192xf32, #tpu.memory_space<vmem>>, vector<1x128xf32>
    %dot_general3A_839 = arith.constant dense<0.000000e+00> : vector<256x128xf32>
    %dot_general3A_840 = tpu.matmul %slice3A, %get3A_835, %dot_general3A_839 {dimension_numbers = #tpu.dot_dimension_numbers<[1], [0], [0], [1], [0, 0, 1, 1], [], []>, transpose_lhs_hint = false} : vector<256x4xf32>, vector<4x128xf32>, vector<256x128xf32> -> vector<256x128xf32>
    %add3A_841 = vector.broadcast %slice3A_2 : vector<256x1xf32> to vector<256x128xf32>
    %add3A_842 = vector.broadcast %get3A_838 : vector<1x128xf32> to vector<256x128xf32>
    %add3A_843 = arith.addf %add3A_841, %add3A_842 : vector<256x128xf32>
    %mul3A_844 = arith.constant 2.000000e+00 : f32
    %mul3A_845 = vector.broadcast %mul3A_844 : f32 to vector<256x128xf32>
    %mul3A_846 = arith.mulf %mul3A_845, %dot_general3A_840 : vector<256x128xf32>
    %sub3A_847 = arith.subf %add3A_843, %mul3A_846 : vector<256x128xf32>
    %max3A_848 = arith.constant 0.000000e+00 : f32
    %max3A_849 = vector.broadcast %max3A_848 : f32 to vector<256x128xf32>
    %max3A_850 = arith.maximumf %sub3A_847, %max3A_849 : vector<256x128xf32>
    %bitcast_convert_type3A_851 = tpu.bitcast %max3A_850 : vector<256x128xf32> -> vector<256x128xi32>
    %and3A_852 = arith.constant -64 : i32
    %and3A_853 = vector.broadcast %and3A_852 : i32 to vector<256x128xi32>
    %and3A_854 = arith.andi %bitcast_convert_type3A_851, %and3A_853 : vector<256x128xi32>
    %or3A_855 = arith.constant 23 : i32
    %or3A_856 = vector.broadcast %or3A_855 : i32 to vector<256x128xi32>
    %or3A_857 = arith.ori %and3A_854, %or3A_856 : vector<256x128xi32>
    %min3A_858 = arith.minsi %min3A_822, %or3A_857 : vector<256x128xi32>
    %max3A_859 = arith.maxsi %min3A_822, %or3A_857 : vector<256x128xi32>
    %min3A_860 = arith.minsi %min3A_824, %max3A_859 : vector<256x128xi32>
    %max3A_861 = arith.maxsi %min3A_824, %max3A_859 : vector<256x128xi32>
    %min3A_862 = arith.minsi %min3A_826, %max3A_861 : vector<256x128xi32>
    %max3A_863 = arith.maxsi %min3A_826, %max3A_861 : vector<256x128xi32>
    %min3A_864 = arith.minsi %min3A_828, %max3A_863 : vector<256x128xi32>
    %max3A_865 = arith.maxsi %min3A_828, %max3A_863 : vector<256x128xi32>
    %min3A_866 = arith.minsi %min3A_830, %max3A_865 : vector<256x128xi32>
    %max3A_867 = arith.maxsi %min3A_830, %max3A_865 : vector<256x128xi32>
    %min3A_868 = arith.minsi %min3A_832, %max3A_867 : vector<256x128xi32>
    %get3A_869 = arith.constant 0 : index
    %get3A_870 = arith.constant 3072 : index
    %get3A_871 = vector.load %arg2[%get3A_869, %get3A_870] : memref<8x8192xf32, #tpu.memory_space<vmem>>, vector<4x128xf32>
    %get3A_872 = arith.constant 5 : index
    %get3A_873 = arith.constant 3072 : index
    %get3A_874 = vector.load %arg2[%get3A_872, %get3A_873] : memref<8x8192xf32, #tpu.memory_space<vmem>>, vector<1x128xf32>
    %dot_general3A_875 = arith.constant dense<0.000000e+00> : vector<256x128xf32>
    %dot_general3A_876 = tpu.matmul %slice3A, %get3A_871, %dot_general3A_875 {dimension_numbers = #tpu.dot_dimension_numbers<[1], [0], [0], [1], [0, 0, 1, 1], [], []>, transpose_lhs_hint = false} : vector<256x4xf32>, vector<4x128xf32>, vector<256x128xf32> -> vector<256x128xf32>
    %add3A_877 = vector.broadcast %slice3A_2 : vector<256x1xf32> to vector<256x128xf32>
    %add3A_878 = vector.broadcast %get3A_874 : vector<1x128xf32> to vector<256x128xf32>
    %add3A_879 = arith.addf %add3A_877, %add3A_878 : vector<256x128xf32>
    %mul3A_880 = arith.constant 2.000000e+00 : f32
    %mul3A_881 = vector.broadcast %mul3A_880 : f32 to vector<256x128xf32>
    %mul3A_882 = arith.mulf %mul3A_881, %dot_general3A_876 : vector<256x128xf32>
    %sub3A_883 = arith.subf %add3A_879, %mul3A_882 : vector<256x128xf32>
    %max3A_884 = arith.constant 0.000000e+00 : f32
    %max3A_885 = vector.broadcast %max3A_884 : f32 to vector<256x128xf32>
    %max3A_886 = arith.maximumf %sub3A_883, %max3A_885 : vector<256x128xf32>
    %bitcast_convert_type3A_887 = tpu.bitcast %max3A_886 : vector<256x128xf32> -> vector<256x128xi32>
    %and3A_888 = arith.constant -64 : i32
    %and3A_889 = vector.broadcast %and3A_888 : i32 to vector<256x128xi32>
    %and3A_890 = arith.andi %bitcast_convert_type3A_887, %and3A_889 : vector<256x128xi32>
    %or3A_891 = arith.constant 24 : i32
    %or3A_892 = vector.broadcast %or3A_891 : i32 to vector<256x128xi32>
    %or3A_893 = arith.ori %and3A_890, %or3A_892 : vector<256x128xi32>
    %min3A_894 = arith.minsi %min3A_858, %or3A_893 : vector<256x128xi32>
    %max3A_895 = arith.maxsi %min3A_858, %or3A_893 : vector<256x128xi32>
    %min3A_896 = arith.minsi %min3A_860, %max3A_895 : vector<256x128xi32>
    %max3A_897 = arith.maxsi %min3A_860, %max3A_895 : vector<256x128xi32>
    %min3A_898 = arith.minsi %min3A_862, %max3A_897 : vector<256x128xi32>
    %max3A_899 = arith.maxsi %min3A_862, %max3A_897 : vector<256x128xi32>
    %min3A_900 = arith.minsi %min3A_864, %max3A_899 : vector<256x128xi32>
    %max3A_901 = arith.maxsi %min3A_864, %max3A_899 : vector<256x128xi32>
    %min3A_902 = arith.minsi %min3A_866, %max3A_901 : vector<256x128xi32>
    %max3A_903 = arith.maxsi %min3A_866, %max3A_901 : vector<256x128xi32>
    %min3A_904 = arith.minsi %min3A_868, %max3A_903 : vector<256x128xi32>
    %get3A_905 = arith.constant 0 : index
    %get3A_906 = arith.constant 3200 : index
    %get3A_907 = vector.load %arg2[%get3A_905, %get3A_906] : memref<8x8192xf32, #tpu.memory_space<vmem>>, vector<4x128xf32>
    %get3A_908 = arith.constant 5 : index
    %get3A_909 = arith.constant 3200 : index
    %get3A_910 = vector.load %arg2[%get3A_908, %get3A_909] : memref<8x8192xf32, #tpu.memory_space<vmem>>, vector<1x128xf32>
    %dot_general3A_911 = arith.constant dense<0.000000e+00> : vector<256x128xf32>
    %dot_general3A_912 = tpu.matmul %slice3A, %get3A_907, %dot_general3A_911 {dimension_numbers = #tpu.dot_dimension_numbers<[1], [0], [0], [1], [0, 0, 1, 1], [], []>, transpose_lhs_hint = false} : vector<256x4xf32>, vector<4x128xf32>, vector<256x128xf32> -> vector<256x128xf32>
    %add3A_913 = vector.broadcast %slice3A_2 : vector<256x1xf32> to vector<256x128xf32>
    %add3A_914 = vector.broadcast %get3A_910 : vector<1x128xf32> to vector<256x128xf32>
    %add3A_915 = arith.addf %add3A_913, %add3A_914 : vector<256x128xf32>
    %mul3A_916 = arith.constant 2.000000e+00 : f32
    %mul3A_917 = vector.broadcast %mul3A_916 : f32 to vector<256x128xf32>
    %mul3A_918 = arith.mulf %mul3A_917, %dot_general3A_912 : vector<256x128xf32>
    %sub3A_919 = arith.subf %add3A_915, %mul3A_918 : vector<256x128xf32>
    %max3A_920 = arith.constant 0.000000e+00 : f32
    %max3A_921 = vector.broadcast %max3A_920 : f32 to vector<256x128xf32>
    %max3A_922 = arith.maximumf %sub3A_919, %max3A_921 : vector<256x128xf32>
    %bitcast_convert_type3A_923 = tpu.bitcast %max3A_922 : vector<256x128xf32> -> vector<256x128xi32>
    %and3A_924 = arith.constant -64 : i32
    %and3A_925 = vector.broadcast %and3A_924 : i32 to vector<256x128xi32>
    %and3A_926 = arith.andi %bitcast_convert_type3A_923, %and3A_925 : vector<256x128xi32>
    %or3A_927 = arith.constant 25 : i32
    %or3A_928 = vector.broadcast %or3A_927 : i32 to vector<256x128xi32>
    %or3A_929 = arith.ori %and3A_926, %or3A_928 : vector<256x128xi32>
    %min3A_930 = arith.minsi %min3A_894, %or3A_929 : vector<256x128xi32>
    %max3A_931 = arith.maxsi %min3A_894, %or3A_929 : vector<256x128xi32>
    %min3A_932 = arith.minsi %min3A_896, %max3A_931 : vector<256x128xi32>
    %max3A_933 = arith.maxsi %min3A_896, %max3A_931 : vector<256x128xi32>
    %min3A_934 = arith.minsi %min3A_898, %max3A_933 : vector<256x128xi32>
    %max3A_935 = arith.maxsi %min3A_898, %max3A_933 : vector<256x128xi32>
    %min3A_936 = arith.minsi %min3A_900, %max3A_935 : vector<256x128xi32>
    %max3A_937 = arith.maxsi %min3A_900, %max3A_935 : vector<256x128xi32>
    %min3A_938 = arith.minsi %min3A_902, %max3A_937 : vector<256x128xi32>
    %max3A_939 = arith.maxsi %min3A_902, %max3A_937 : vector<256x128xi32>
    %min3A_940 = arith.minsi %min3A_904, %max3A_939 : vector<256x128xi32>
    %get3A_941 = arith.constant 0 : index
    %get3A_942 = arith.constant 3328 : index
    %get3A_943 = vector.load %arg2[%get3A_941, %get3A_942] : memref<8x8192xf32, #tpu.memory_space<vmem>>, vector<4x128xf32>
    %get3A_944 = arith.constant 5 : index
    %get3A_945 = arith.constant 3328 : index
    %get3A_946 = vector.load %arg2[%get3A_944, %get3A_945] : memref<8x8192xf32, #tpu.memory_space<vmem>>, vector<1x128xf32>
    %dot_general3A_947 = arith.constant dense<0.000000e+00> : vector<256x128xf32>
    %dot_general3A_948 = tpu.matmul %slice3A, %get3A_943, %dot_general3A_947 {dimension_numbers = #tpu.dot_dimension_numbers<[1], [0], [0], [1], [0, 0, 1, 1], [], []>, transpose_lhs_hint = false} : vector<256x4xf32>, vector<4x128xf32>, vector<256x128xf32> -> vector<256x128xf32>
    %add3A_949 = vector.broadcast %slice3A_2 : vector<256x1xf32> to vector<256x128xf32>
    %add3A_950 = vector.broadcast %get3A_946 : vector<1x128xf32> to vector<256x128xf32>
    %add3A_951 = arith.addf %add3A_949, %add3A_950 : vector<256x128xf32>
    %mul3A_952 = arith.constant 2.000000e+00 : f32
    %mul3A_953 = vector.broadcast %mul3A_952 : f32 to vector<256x128xf32>
    %mul3A_954 = arith.mulf %mul3A_953, %dot_general3A_948 : vector<256x128xf32>
    %sub3A_955 = arith.subf %add3A_951, %mul3A_954 : vector<256x128xf32>
    %max3A_956 = arith.constant 0.000000e+00 : f32
    %max3A_957 = vector.broadcast %max3A_956 : f32 to vector<256x128xf32>
    %max3A_958 = arith.maximumf %sub3A_955, %max3A_957 : vector<256x128xf32>
    %bitcast_convert_type3A_959 = tpu.bitcast %max3A_958 : vector<256x128xf32> -> vector<256x128xi32>
    %and3A_960 = arith.constant -64 : i32
    %and3A_961 = vector.broadcast %and3A_960 : i32 to vector<256x128xi32>
    %and3A_962 = arith.andi %bitcast_convert_type3A_959, %and3A_961 : vector<256x128xi32>
    %or3A_963 = arith.constant 26 : i32
    %or3A_964 = vector.broadcast %or3A_963 : i32 to vector<256x128xi32>
    %or3A_965 = arith.ori %and3A_962, %or3A_964 : vector<256x128xi32>
    %min3A_966 = arith.minsi %min3A_930, %or3A_965 : vector<256x128xi32>
    %max3A_967 = arith.maxsi %min3A_930, %or3A_965 : vector<256x128xi32>
    %min3A_968 = arith.minsi %min3A_932, %max3A_967 : vector<256x128xi32>
    %max3A_969 = arith.maxsi %min3A_932, %max3A_967 : vector<256x128xi32>
    %min3A_970 = arith.minsi %min3A_934, %max3A_969 : vector<256x128xi32>
    %max3A_971 = arith.maxsi %min3A_934, %max3A_969 : vector<256x128xi32>
    %min3A_972 = arith.minsi %min3A_936, %max3A_971 : vector<256x128xi32>
    %max3A_973 = arith.maxsi %min3A_936, %max3A_971 : vector<256x128xi32>
    %min3A_974 = arith.minsi %min3A_938, %max3A_973 : vector<256x128xi32>
    %max3A_975 = arith.maxsi %min3A_938, %max3A_973 : vector<256x128xi32>
    %min3A_976 = arith.minsi %min3A_940, %max3A_975 : vector<256x128xi32>
    %get3A_977 = arith.constant 0 : index
    %get3A_978 = arith.constant 3456 : index
    %get3A_979 = vector.load %arg2[%get3A_977, %get3A_978] : memref<8x8192xf32, #tpu.memory_space<vmem>>, vector<4x128xf32>
    %get3A_980 = arith.constant 5 : index
    %get3A_981 = arith.constant 3456 : index
    %get3A_982 = vector.load %arg2[%get3A_980, %get3A_981] : memref<8x8192xf32, #tpu.memory_space<vmem>>, vector<1x128xf32>
    %dot_general3A_983 = arith.constant dense<0.000000e+00> : vector<256x128xf32>
    %dot_general3A_984 = tpu.matmul %slice3A, %get3A_979, %dot_general3A_983 {dimension_numbers = #tpu.dot_dimension_numbers<[1], [0], [0], [1], [0, 0, 1, 1], [], []>, transpose_lhs_hint = false} : vector<256x4xf32>, vector<4x128xf32>, vector<256x128xf32> -> vector<256x128xf32>
    %add3A_985 = vector.broadcast %slice3A_2 : vector<256x1xf32> to vector<256x128xf32>
    %add3A_986 = vector.broadcast %get3A_982 : vector<1x128xf32> to vector<256x128xf32>
    %add3A_987 = arith.addf %add3A_985, %add3A_986 : vector<256x128xf32>
    %mul3A_988 = arith.constant 2.000000e+00 : f32
    %mul3A_989 = vector.broadcast %mul3A_988 : f32 to vector<256x128xf32>
    %mul3A_990 = arith.mulf %mul3A_989, %dot_general3A_984 : vector<256x128xf32>
    %sub3A_991 = arith.subf %add3A_987, %mul3A_990 : vector<256x128xf32>
    %max3A_992 = arith.constant 0.000000e+00 : f32
    %max3A_993 = vector.broadcast %max3A_992 : f32 to vector<256x128xf32>
    %max3A_994 = arith.maximumf %sub3A_991, %max3A_993 : vector<256x128xf32>
    %bitcast_convert_type3A_995 = tpu.bitcast %max3A_994 : vector<256x128xf32> -> vector<256x128xi32>
    %and3A_996 = arith.constant -64 : i32
    %and3A_997 = vector.broadcast %and3A_996 : i32 to vector<256x128xi32>
    %and3A_998 = arith.andi %bitcast_convert_type3A_995, %and3A_997 : vector<256x128xi32>
    %or3A_999 = arith.constant 27 : i32
    %or3A_1000 = vector.broadcast %or3A_999 : i32 to vector<256x128xi32>
    %or3A_1001 = arith.ori %and3A_998, %or3A_1000 : vector<256x128xi32>
    %min3A_1002 = arith.minsi %min3A_966, %or3A_1001 : vector<256x128xi32>
    %max3A_1003 = arith.maxsi %min3A_966, %or3A_1001 : vector<256x128xi32>
    %min3A_1004 = arith.minsi %min3A_968, %max3A_1003 : vector<256x128xi32>
    %max3A_1005 = arith.maxsi %min3A_968, %max3A_1003 : vector<256x128xi32>
    %min3A_1006 = arith.minsi %min3A_970, %max3A_1005 : vector<256x128xi32>
    %max3A_1007 = arith.maxsi %min3A_970, %max3A_1005 : vector<256x128xi32>
    %min3A_1008 = arith.minsi %min3A_972, %max3A_1007 : vector<256x128xi32>
    %max3A_1009 = arith.maxsi %min3A_972, %max3A_1007 : vector<256x128xi32>
    %min3A_1010 = arith.minsi %min3A_974, %max3A_1009 : vector<256x128xi32>
    %max3A_1011 = arith.maxsi %min3A_974, %max3A_1009 : vector<256x128xi32>
    %min3A_1012 = arith.minsi %min3A_976, %max3A_1011 : vector<256x128xi32>
    %get3A_1013 = arith.constant 0 : index
    %get3A_1014 = arith.constant 3584 : index
    %get3A_1015 = vector.load %arg2[%get3A_1013, %get3A_1014] : memref<8x8192xf32, #tpu.memory_space<vmem>>, vector<4x128xf32>
    %get3A_1016 = arith.constant 5 : index
    %get3A_1017 = arith.constant 3584 : index
    %get3A_1018 = vector.load %arg2[%get3A_1016, %get3A_1017] : memref<8x8192xf32, #tpu.memory_space<vmem>>, vector<1x128xf32>
    %dot_general3A_1019 = arith.constant dense<0.000000e+00> : vector<256x128xf32>
    %dot_general3A_1020 = tpu.matmul %slice3A, %get3A_1015, %dot_general3A_1019 {dimension_numbers = #tpu.dot_dimension_numbers<[1], [0], [0], [1], [0, 0, 1, 1], [], []>, transpose_lhs_hint = false} : vector<256x4xf32>, vector<4x128xf32>, vector<256x128xf32> -> vector<256x128xf32>
    %add3A_1021 = vector.broadcast %slice3A_2 : vector<256x1xf32> to vector<256x128xf32>
    %add3A_1022 = vector.broadcast %get3A_1018 : vector<1x128xf32> to vector<256x128xf32>
    %add3A_1023 = arith.addf %add3A_1021, %add3A_1022 : vector<256x128xf32>
    %mul3A_1024 = arith.constant 2.000000e+00 : f32
    %mul3A_1025 = vector.broadcast %mul3A_1024 : f32 to vector<256x128xf32>
    %mul3A_1026 = arith.mulf %mul3A_1025, %dot_general3A_1020 : vector<256x128xf32>
    %sub3A_1027 = arith.subf %add3A_1023, %mul3A_1026 : vector<256x128xf32>
    %max3A_1028 = arith.constant 0.000000e+00 : f32
    %max3A_1029 = vector.broadcast %max3A_1028 : f32 to vector<256x128xf32>
    %max3A_1030 = arith.maximumf %sub3A_1027, %max3A_1029 : vector<256x128xf32>
    %bitcast_convert_type3A_1031 = tpu.bitcast %max3A_1030 : vector<256x128xf32> -> vector<256x128xi32>
    %and3A_1032 = arith.constant -64 : i32
    %and3A_1033 = vector.broadcast %and3A_1032 : i32 to vector<256x128xi32>
    %and3A_1034 = arith.andi %bitcast_convert_type3A_1031, %and3A_1033 : vector<256x128xi32>
    %or3A_1035 = arith.constant 28 : i32
    %or3A_1036 = vector.broadcast %or3A_1035 : i32 to vector<256x128xi32>
    %or3A_1037 = arith.ori %and3A_1034, %or3A_1036 : vector<256x128xi32>
    %min3A_1038 = arith.minsi %min3A_1002, %or3A_1037 : vector<256x128xi32>
    %max3A_1039 = arith.maxsi %min3A_1002, %or3A_1037 : vector<256x128xi32>
    %min3A_1040 = arith.minsi %min3A_1004, %max3A_1039 : vector<256x128xi32>
    %max3A_1041 = arith.maxsi %min3A_1004, %max3A_1039 : vector<256x128xi32>
    %min3A_1042 = arith.minsi %min3A_1006, %max3A_1041 : vector<256x128xi32>
    %max3A_1043 = arith.maxsi %min3A_1006, %max3A_1041 : vector<256x128xi32>
    %min3A_1044 = arith.minsi %min3A_1008, %max3A_1043 : vector<256x128xi32>
    %max3A_1045 = arith.maxsi %min3A_1008, %max3A_1043 : vector<256x128xi32>
    %min3A_1046 = arith.minsi %min3A_1010, %max3A_1045 : vector<256x128xi32>
    %max3A_1047 = arith.maxsi %min3A_1010, %max3A_1045 : vector<256x128xi32>
    %min3A_1048 = arith.minsi %min3A_1012, %max3A_1047 : vector<256x128xi32>
    %get3A_1049 = arith.constant 0 : index
    %get3A_1050 = arith.constant 3712 : index
    %get3A_1051 = vector.load %arg2[%get3A_1049, %get3A_1050] : memref<8x8192xf32, #tpu.memory_space<vmem>>, vector<4x128xf32>
    %get3A_1052 = arith.constant 5 : index
    %get3A_1053 = arith.constant 3712 : index
    %get3A_1054 = vector.load %arg2[%get3A_1052, %get3A_1053] : memref<8x8192xf32, #tpu.memory_space<vmem>>, vector<1x128xf32>
    %dot_general3A_1055 = arith.constant dense<0.000000e+00> : vector<256x128xf32>
    %dot_general3A_1056 = tpu.matmul %slice3A, %get3A_1051, %dot_general3A_1055 {dimension_numbers = #tpu.dot_dimension_numbers<[1], [0], [0], [1], [0, 0, 1, 1], [], []>, transpose_lhs_hint = false} : vector<256x4xf32>, vector<4x128xf32>, vector<256x128xf32> -> vector<256x128xf32>
    %add3A_1057 = vector.broadcast %slice3A_2 : vector<256x1xf32> to vector<256x128xf32>
    %add3A_1058 = vector.broadcast %get3A_1054 : vector<1x128xf32> to vector<256x128xf32>
    %add3A_1059 = arith.addf %add3A_1057, %add3A_1058 : vector<256x128xf32>
    %mul3A_1060 = arith.constant 2.000000e+00 : f32
    %mul3A_1061 = vector.broadcast %mul3A_1060 : f32 to vector<256x128xf32>
    %mul3A_1062 = arith.mulf %mul3A_1061, %dot_general3A_1056 : vector<256x128xf32>
    %sub3A_1063 = arith.subf %add3A_1059, %mul3A_1062 : vector<256x128xf32>
    %max3A_1064 = arith.constant 0.000000e+00 : f32
    %max3A_1065 = vector.broadcast %max3A_1064 : f32 to vector<256x128xf32>
    %max3A_1066 = arith.maximumf %sub3A_1063, %max3A_1065 : vector<256x128xf32>
    %bitcast_convert_type3A_1067 = tpu.bitcast %max3A_1066 : vector<256x128xf32> -> vector<256x128xi32>
    %and3A_1068 = arith.constant -64 : i32
    %and3A_1069 = vector.broadcast %and3A_1068 : i32 to vector<256x128xi32>
    %and3A_1070 = arith.andi %bitcast_convert_type3A_1067, %and3A_1069 : vector<256x128xi32>
    %or3A_1071 = arith.constant 29 : i32
    %or3A_1072 = vector.broadcast %or3A_1071 : i32 to vector<256x128xi32>
    %or3A_1073 = arith.ori %and3A_1070, %or3A_1072 : vector<256x128xi32>
    %min3A_1074 = arith.minsi %min3A_1038, %or3A_1073 : vector<256x128xi32>
    %max3A_1075 = arith.maxsi %min3A_1038, %or3A_1073 : vector<256x128xi32>
    %min3A_1076 = arith.minsi %min3A_1040, %max3A_1075 : vector<256x128xi32>
    %max3A_1077 = arith.maxsi %min3A_1040, %max3A_1075 : vector<256x128xi32>
    %min3A_1078 = arith.minsi %min3A_1042, %max3A_1077 : vector<256x128xi32>
    %max3A_1079 = arith.maxsi %min3A_1042, %max3A_1077 : vector<256x128xi32>
    %min3A_1080 = arith.minsi %min3A_1044, %max3A_1079 : vector<256x128xi32>
    %max3A_1081 = arith.maxsi %min3A_1044, %max3A_1079 : vector<256x128xi32>
    %min3A_1082 = arith.minsi %min3A_1046, %max3A_1081 : vector<256x128xi32>
    %max3A_1083 = arith.maxsi %min3A_1046, %max3A_1081 : vector<256x128xi32>
    %min3A_1084 = arith.minsi %min3A_1048, %max3A_1083 : vector<256x128xi32>
    %get3A_1085 = arith.constant 0 : index
    %get3A_1086 = arith.constant 3840 : index
    %get3A_1087 = vector.load %arg2[%get3A_1085, %get3A_1086] : memref<8x8192xf32, #tpu.memory_space<vmem>>, vector<4x128xf32>
    %get3A_1088 = arith.constant 5 : index
    %get3A_1089 = arith.constant 3840 : index
    %get3A_1090 = vector.load %arg2[%get3A_1088, %get3A_1089] : memref<8x8192xf32, #tpu.memory_space<vmem>>, vector<1x128xf32>
    %dot_general3A_1091 = arith.constant dense<0.000000e+00> : vector<256x128xf32>
    %dot_general3A_1092 = tpu.matmul %slice3A, %get3A_1087, %dot_general3A_1091 {dimension_numbers = #tpu.dot_dimension_numbers<[1], [0], [0], [1], [0, 0, 1, 1], [], []>, transpose_lhs_hint = false} : vector<256x4xf32>, vector<4x128xf32>, vector<256x128xf32> -> vector<256x128xf32>
    %add3A_1093 = vector.broadcast %slice3A_2 : vector<256x1xf32> to vector<256x128xf32>
    %add3A_1094 = vector.broadcast %get3A_1090 : vector<1x128xf32> to vector<256x128xf32>
    %add3A_1095 = arith.addf %add3A_1093, %add3A_1094 : vector<256x128xf32>
    %mul3A_1096 = arith.constant 2.000000e+00 : f32
    %mul3A_1097 = vector.broadcast %mul3A_1096 : f32 to vector<256x128xf32>
    %mul3A_1098 = arith.mulf %mul3A_1097, %dot_general3A_1092 : vector<256x128xf32>
    %sub3A_1099 = arith.subf %add3A_1095, %mul3A_1098 : vector<256x128xf32>
    %max3A_1100 = arith.constant 0.000000e+00 : f32
    %max3A_1101 = vector.broadcast %max3A_1100 : f32 to vector<256x128xf32>
    %max3A_1102 = arith.maximumf %sub3A_1099, %max3A_1101 : vector<256x128xf32>
    %bitcast_convert_type3A_1103 = tpu.bitcast %max3A_1102 : vector<256x128xf32> -> vector<256x128xi32>
    %and3A_1104 = arith.constant -64 : i32
    %and3A_1105 = vector.broadcast %and3A_1104 : i32 to vector<256x128xi32>
    %and3A_1106 = arith.andi %bitcast_convert_type3A_1103, %and3A_1105 : vector<256x128xi32>
    %or3A_1107 = arith.constant 30 : i32
    %or3A_1108 = vector.broadcast %or3A_1107 : i32 to vector<256x128xi32>
    %or3A_1109 = arith.ori %and3A_1106, %or3A_1108 : vector<256x128xi32>
    %min3A_1110 = arith.minsi %min3A_1074, %or3A_1109 : vector<256x128xi32>
    %max3A_1111 = arith.maxsi %min3A_1074, %or3A_1109 : vector<256x128xi32>
    %min3A_1112 = arith.minsi %min3A_1076, %max3A_1111 : vector<256x128xi32>
    %max3A_1113 = arith.maxsi %min3A_1076, %max3A_1111 : vector<256x128xi32>
    %min3A_1114 = arith.minsi %min3A_1078, %max3A_1113 : vector<256x128xi32>
    %max3A_1115 = arith.maxsi %min3A_1078, %max3A_1113 : vector<256x128xi32>
    %min3A_1116 = arith.minsi %min3A_1080, %max3A_1115 : vector<256x128xi32>
    %max3A_1117 = arith.maxsi %min3A_1080, %max3A_1115 : vector<256x128xi32>
    %min3A_1118 = arith.minsi %min3A_1082, %max3A_1117 : vector<256x128xi32>
    %max3A_1119 = arith.maxsi %min3A_1082, %max3A_1117 : vector<256x128xi32>
    %min3A_1120 = arith.minsi %min3A_1084, %max3A_1119 : vector<256x128xi32>
    %get3A_1121 = arith.constant 0 : index
    %get3A_1122 = arith.constant 3968 : index
    %get3A_1123 = vector.load %arg2[%get3A_1121, %get3A_1122] : memref<8x8192xf32, #tpu.memory_space<vmem>>, vector<4x128xf32>
    %get3A_1124 = arith.constant 5 : index
    %get3A_1125 = arith.constant 3968 : index
    %get3A_1126 = vector.load %arg2[%get3A_1124, %get3A_1125] : memref<8x8192xf32, #tpu.memory_space<vmem>>, vector<1x128xf32>
    %dot_general3A_1127 = arith.constant dense<0.000000e+00> : vector<256x128xf32>
    %dot_general3A_1128 = tpu.matmul %slice3A, %get3A_1123, %dot_general3A_1127 {dimension_numbers = #tpu.dot_dimension_numbers<[1], [0], [0], [1], [0, 0, 1, 1], [], []>, transpose_lhs_hint = false} : vector<256x4xf32>, vector<4x128xf32>, vector<256x128xf32> -> vector<256x128xf32>
    %add3A_1129 = vector.broadcast %slice3A_2 : vector<256x1xf32> to vector<256x128xf32>
    %add3A_1130 = vector.broadcast %get3A_1126 : vector<1x128xf32> to vector<256x128xf32>
    %add3A_1131 = arith.addf %add3A_1129, %add3A_1130 : vector<256x128xf32>
    %mul3A_1132 = arith.constant 2.000000e+00 : f32
    %mul3A_1133 = vector.broadcast %mul3A_1132 : f32 to vector<256x128xf32>
    %mul3A_1134 = arith.mulf %mul3A_1133, %dot_general3A_1128 : vector<256x128xf32>
    %sub3A_1135 = arith.subf %add3A_1131, %mul3A_1134 : vector<256x128xf32>
    %max3A_1136 = arith.constant 0.000000e+00 : f32
    %max3A_1137 = vector.broadcast %max3A_1136 : f32 to vector<256x128xf32>
    %max3A_1138 = arith.maximumf %sub3A_1135, %max3A_1137 : vector<256x128xf32>
    %bitcast_convert_type3A_1139 = tpu.bitcast %max3A_1138 : vector<256x128xf32> -> vector<256x128xi32>
    %and3A_1140 = arith.constant -64 : i32
    %and3A_1141 = vector.broadcast %and3A_1140 : i32 to vector<256x128xi32>
    %and3A_1142 = arith.andi %bitcast_convert_type3A_1139, %and3A_1141 : vector<256x128xi32>
    %or3A_1143 = arith.constant 31 : i32
    %or3A_1144 = vector.broadcast %or3A_1143 : i32 to vector<256x128xi32>
    %or3A_1145 = arith.ori %and3A_1142, %or3A_1144 : vector<256x128xi32>
    %min3A_1146 = arith.minsi %min3A_1110, %or3A_1145 : vector<256x128xi32>
    %max3A_1147 = arith.maxsi %min3A_1110, %or3A_1145 : vector<256x128xi32>
    %min3A_1148 = arith.minsi %min3A_1112, %max3A_1147 : vector<256x128xi32>
    %max3A_1149 = arith.maxsi %min3A_1112, %max3A_1147 : vector<256x128xi32>
    %min3A_1150 = arith.minsi %min3A_1114, %max3A_1149 : vector<256x128xi32>
    %max3A_1151 = arith.maxsi %min3A_1114, %max3A_1149 : vector<256x128xi32>
    %min3A_1152 = arith.minsi %min3A_1116, %max3A_1151 : vector<256x128xi32>
    %max3A_1153 = arith.maxsi %min3A_1116, %max3A_1151 : vector<256x128xi32>
    %min3A_1154 = arith.minsi %min3A_1118, %max3A_1153 : vector<256x128xi32>
    %max3A_1155 = arith.maxsi %min3A_1118, %max3A_1153 : vector<256x128xi32>
    %min3A_1156 = arith.minsi %min3A_1120, %max3A_1155 : vector<256x128xi32>
    %get3A_1157 = arith.constant 0 : index
    %get3A_1158 = arith.constant 4096 : index
    %get3A_1159 = vector.load %arg2[%get3A_1157, %get3A_1158] : memref<8x8192xf32, #tpu.memory_space<vmem>>, vector<4x128xf32>
    %get3A_1160 = arith.constant 5 : index
    %get3A_1161 = arith.constant 4096 : index
    %get3A_1162 = vector.load %arg2[%get3A_1160, %get3A_1161] : memref<8x8192xf32, #tpu.memory_space<vmem>>, vector<1x128xf32>
    %dot_general3A_1163 = arith.constant dense<0.000000e+00> : vector<256x128xf32>
    %dot_general3A_1164 = tpu.matmul %slice3A, %get3A_1159, %dot_general3A_1163 {dimension_numbers = #tpu.dot_dimension_numbers<[1], [0], [0], [1], [0, 0, 1, 1], [], []>, transpose_lhs_hint = false} : vector<256x4xf32>, vector<4x128xf32>, vector<256x128xf32> -> vector<256x128xf32>
    %add3A_1165 = vector.broadcast %slice3A_2 : vector<256x1xf32> to vector<256x128xf32>
    %add3A_1166 = vector.broadcast %get3A_1162 : vector<1x128xf32> to vector<256x128xf32>
    %add3A_1167 = arith.addf %add3A_1165, %add3A_1166 : vector<256x128xf32>
    %mul3A_1168 = arith.constant 2.000000e+00 : f32
    %mul3A_1169 = vector.broadcast %mul3A_1168 : f32 to vector<256x128xf32>
    %mul3A_1170 = arith.mulf %mul3A_1169, %dot_general3A_1164 : vector<256x128xf32>
    %sub3A_1171 = arith.subf %add3A_1167, %mul3A_1170 : vector<256x128xf32>
    %max3A_1172 = arith.constant 0.000000e+00 : f32
    %max3A_1173 = vector.broadcast %max3A_1172 : f32 to vector<256x128xf32>
    %max3A_1174 = arith.maximumf %sub3A_1171, %max3A_1173 : vector<256x128xf32>
    %bitcast_convert_type3A_1175 = tpu.bitcast %max3A_1174 : vector<256x128xf32> -> vector<256x128xi32>
    %and3A_1176 = arith.constant -64 : i32
    %and3A_1177 = vector.broadcast %and3A_1176 : i32 to vector<256x128xi32>
    %and3A_1178 = arith.andi %bitcast_convert_type3A_1175, %and3A_1177 : vector<256x128xi32>
    %or3A_1179 = arith.constant 32 : i32
    %or3A_1180 = vector.broadcast %or3A_1179 : i32 to vector<256x128xi32>
    %or3A_1181 = arith.ori %and3A_1178, %or3A_1180 : vector<256x128xi32>
    %min3A_1182 = arith.minsi %min3A_1146, %or3A_1181 : vector<256x128xi32>
    %max3A_1183 = arith.maxsi %min3A_1146, %or3A_1181 : vector<256x128xi32>
    %min3A_1184 = arith.minsi %min3A_1148, %max3A_1183 : vector<256x128xi32>
    %max3A_1185 = arith.maxsi %min3A_1148, %max3A_1183 : vector<256x128xi32>
    %min3A_1186 = arith.minsi %min3A_1150, %max3A_1185 : vector<256x128xi32>
    %max3A_1187 = arith.maxsi %min3A_1150, %max3A_1185 : vector<256x128xi32>
    %min3A_1188 = arith.minsi %min3A_1152, %max3A_1187 : vector<256x128xi32>
    %max3A_1189 = arith.maxsi %min3A_1152, %max3A_1187 : vector<256x128xi32>
    %min3A_1190 = arith.minsi %min3A_1154, %max3A_1189 : vector<256x128xi32>
    %max3A_1191 = arith.maxsi %min3A_1154, %max3A_1189 : vector<256x128xi32>
    %min3A_1192 = arith.minsi %min3A_1156, %max3A_1191 : vector<256x128xi32>
    %get3A_1193 = arith.constant 0 : index
    %get3A_1194 = arith.constant 4224 : index
    %get3A_1195 = vector.load %arg2[%get3A_1193, %get3A_1194] : memref<8x8192xf32, #tpu.memory_space<vmem>>, vector<4x128xf32>
    %get3A_1196 = arith.constant 5 : index
    %get3A_1197 = arith.constant 4224 : index
    %get3A_1198 = vector.load %arg2[%get3A_1196, %get3A_1197] : memref<8x8192xf32, #tpu.memory_space<vmem>>, vector<1x128xf32>
    %dot_general3A_1199 = arith.constant dense<0.000000e+00> : vector<256x128xf32>
    %dot_general3A_1200 = tpu.matmul %slice3A, %get3A_1195, %dot_general3A_1199 {dimension_numbers = #tpu.dot_dimension_numbers<[1], [0], [0], [1], [0, 0, 1, 1], [], []>, transpose_lhs_hint = false} : vector<256x4xf32>, vector<4x128xf32>, vector<256x128xf32> -> vector<256x128xf32>
    %add3A_1201 = vector.broadcast %slice3A_2 : vector<256x1xf32> to vector<256x128xf32>
    %add3A_1202 = vector.broadcast %get3A_1198 : vector<1x128xf32> to vector<256x128xf32>
    %add3A_1203 = arith.addf %add3A_1201, %add3A_1202 : vector<256x128xf32>
    %mul3A_1204 = arith.constant 2.000000e+00 : f32
    %mul3A_1205 = vector.broadcast %mul3A_1204 : f32 to vector<256x128xf32>
    %mul3A_1206 = arith.mulf %mul3A_1205, %dot_general3A_1200 : vector<256x128xf32>
    %sub3A_1207 = arith.subf %add3A_1203, %mul3A_1206 : vector<256x128xf32>
    %max3A_1208 = arith.constant 0.000000e+00 : f32
    %max3A_1209 = vector.broadcast %max3A_1208 : f32 to vector<256x128xf32>
    %max3A_1210 = arith.maximumf %sub3A_1207, %max3A_1209 : vector<256x128xf32>
    %bitcast_convert_type3A_1211 = tpu.bitcast %max3A_1210 : vector<256x128xf32> -> vector<256x128xi32>
    %and3A_1212 = arith.constant -64 : i32
    %and3A_1213 = vector.broadcast %and3A_1212 : i32 to vector<256x128xi32>
    %and3A_1214 = arith.andi %bitcast_convert_type3A_1211, %and3A_1213 : vector<256x128xi32>
    %or3A_1215 = arith.constant 33 : i32
    %or3A_1216 = vector.broadcast %or3A_1215 : i32 to vector<256x128xi32>
    %or3A_1217 = arith.ori %and3A_1214, %or3A_1216 : vector<256x128xi32>
    %min3A_1218 = arith.minsi %min3A_1182, %or3A_1217 : vector<256x128xi32>
    %max3A_1219 = arith.maxsi %min3A_1182, %or3A_1217 : vector<256x128xi32>
    %min3A_1220 = arith.minsi %min3A_1184, %max3A_1219 : vector<256x128xi32>
    %max3A_1221 = arith.maxsi %min3A_1184, %max3A_1219 : vector<256x128xi32>
    %min3A_1222 = arith.minsi %min3A_1186, %max3A_1221 : vector<256x128xi32>
    %max3A_1223 = arith.maxsi %min3A_1186, %max3A_1221 : vector<256x128xi32>
    %min3A_1224 = arith.minsi %min3A_1188, %max3A_1223 : vector<256x128xi32>
    %max3A_1225 = arith.maxsi %min3A_1188, %max3A_1223 : vector<256x128xi32>
    %min3A_1226 = arith.minsi %min3A_1190, %max3A_1225 : vector<256x128xi32>
    %max3A_1227 = arith.maxsi %min3A_1190, %max3A_1225 : vector<256x128xi32>
    %min3A_1228 = arith.minsi %min3A_1192, %max3A_1227 : vector<256x128xi32>
    %get3A_1229 = arith.constant 0 : index
    %get3A_1230 = arith.constant 4352 : index
    %get3A_1231 = vector.load %arg2[%get3A_1229, %get3A_1230] : memref<8x8192xf32, #tpu.memory_space<vmem>>, vector<4x128xf32>
    %get3A_1232 = arith.constant 5 : index
    %get3A_1233 = arith.constant 4352 : index
    %get3A_1234 = vector.load %arg2[%get3A_1232, %get3A_1233] : memref<8x8192xf32, #tpu.memory_space<vmem>>, vector<1x128xf32>
    %dot_general3A_1235 = arith.constant dense<0.000000e+00> : vector<256x128xf32>
    %dot_general3A_1236 = tpu.matmul %slice3A, %get3A_1231, %dot_general3A_1235 {dimension_numbers = #tpu.dot_dimension_numbers<[1], [0], [0], [1], [0, 0, 1, 1], [], []>, transpose_lhs_hint = false} : vector<256x4xf32>, vector<4x128xf32>, vector<256x128xf32> -> vector<256x128xf32>
    %add3A_1237 = vector.broadcast %slice3A_2 : vector<256x1xf32> to vector<256x128xf32>
    %add3A_1238 = vector.broadcast %get3A_1234 : vector<1x128xf32> to vector<256x128xf32>
    %add3A_1239 = arith.addf %add3A_1237, %add3A_1238 : vector<256x128xf32>
    %mul3A_1240 = arith.constant 2.000000e+00 : f32
    %mul3A_1241 = vector.broadcast %mul3A_1240 : f32 to vector<256x128xf32>
    %mul3A_1242 = arith.mulf %mul3A_1241, %dot_general3A_1236 : vector<256x128xf32>
    %sub3A_1243 = arith.subf %add3A_1239, %mul3A_1242 : vector<256x128xf32>
    %max3A_1244 = arith.constant 0.000000e+00 : f32
    %max3A_1245 = vector.broadcast %max3A_1244 : f32 to vector<256x128xf32>
    %max3A_1246 = arith.maximumf %sub3A_1243, %max3A_1245 : vector<256x128xf32>
    %bitcast_convert_type3A_1247 = tpu.bitcast %max3A_1246 : vector<256x128xf32> -> vector<256x128xi32>
    %and3A_1248 = arith.constant -64 : i32
    %and3A_1249 = vector.broadcast %and3A_1248 : i32 to vector<256x128xi32>
    %and3A_1250 = arith.andi %bitcast_convert_type3A_1247, %and3A_1249 : vector<256x128xi32>
    %or3A_1251 = arith.constant 34 : i32
    %or3A_1252 = vector.broadcast %or3A_1251 : i32 to vector<256x128xi32>
    %or3A_1253 = arith.ori %and3A_1250, %or3A_1252 : vector<256x128xi32>
    %min3A_1254 = arith.minsi %min3A_1218, %or3A_1253 : vector<256x128xi32>
    %max3A_1255 = arith.maxsi %min3A_1218, %or3A_1253 : vector<256x128xi32>
    %min3A_1256 = arith.minsi %min3A_1220, %max3A_1255 : vector<256x128xi32>
    %max3A_1257 = arith.maxsi %min3A_1220, %max3A_1255 : vector<256x128xi32>
    %min3A_1258 = arith.minsi %min3A_1222, %max3A_1257 : vector<256x128xi32>
    %max3A_1259 = arith.maxsi %min3A_1222, %max3A_1257 : vector<256x128xi32>
    %min3A_1260 = arith.minsi %min3A_1224, %max3A_1259 : vector<256x128xi32>
    %max3A_1261 = arith.maxsi %min3A_1224, %max3A_1259 : vector<256x128xi32>
    %min3A_1262 = arith.minsi %min3A_1226, %max3A_1261 : vector<256x128xi32>
    %max3A_1263 = arith.maxsi %min3A_1226, %max3A_1261 : vector<256x128xi32>
    %min3A_1264 = arith.minsi %min3A_1228, %max3A_1263 : vector<256x128xi32>
    %get3A_1265 = arith.constant 0 : index
    %get3A_1266 = arith.constant 4480 : index
    %get3A_1267 = vector.load %arg2[%get3A_1265, %get3A_1266] : memref<8x8192xf32, #tpu.memory_space<vmem>>, vector<4x128xf32>
    %get3A_1268 = arith.constant 5 : index
    %get3A_1269 = arith.constant 4480 : index
    %get3A_1270 = vector.load %arg2[%get3A_1268, %get3A_1269] : memref<8x8192xf32, #tpu.memory_space<vmem>>, vector<1x128xf32>
    %dot_general3A_1271 = arith.constant dense<0.000000e+00> : vector<256x128xf32>
    %dot_general3A_1272 = tpu.matmul %slice3A, %get3A_1267, %dot_general3A_1271 {dimension_numbers = #tpu.dot_dimension_numbers<[1], [0], [0], [1], [0, 0, 1, 1], [], []>, transpose_lhs_hint = false} : vector<256x4xf32>, vector<4x128xf32>, vector<256x128xf32> -> vector<256x128xf32>
    %add3A_1273 = vector.broadcast %slice3A_2 : vector<256x1xf32> to vector<256x128xf32>
    %add3A_1274 = vector.broadcast %get3A_1270 : vector<1x128xf32> to vector<256x128xf32>
    %add3A_1275 = arith.addf %add3A_1273, %add3A_1274 : vector<256x128xf32>
    %mul3A_1276 = arith.constant 2.000000e+00 : f32
    %mul3A_1277 = vector.broadcast %mul3A_1276 : f32 to vector<256x128xf32>
    %mul3A_1278 = arith.mulf %mul3A_1277, %dot_general3A_1272 : vector<256x128xf32>
    %sub3A_1279 = arith.subf %add3A_1275, %mul3A_1278 : vector<256x128xf32>
    %max3A_1280 = arith.constant 0.000000e+00 : f32
    %max3A_1281 = vector.broadcast %max3A_1280 : f32 to vector<256x128xf32>
    %max3A_1282 = arith.maximumf %sub3A_1279, %max3A_1281 : vector<256x128xf32>
    %bitcast_convert_type3A_1283 = tpu.bitcast %max3A_1282 : vector<256x128xf32> -> vector<256x128xi32>
    %and3A_1284 = arith.constant -64 : i32
    %and3A_1285 = vector.broadcast %and3A_1284 : i32 to vector<256x128xi32>
    %and3A_1286 = arith.andi %bitcast_convert_type3A_1283, %and3A_1285 : vector<256x128xi32>
    %or3A_1287 = arith.constant 35 : i32
    %or3A_1288 = vector.broadcast %or3A_1287 : i32 to vector<256x128xi32>
    %or3A_1289 = arith.ori %and3A_1286, %or3A_1288 : vector<256x128xi32>
    %min3A_1290 = arith.minsi %min3A_1254, %or3A_1289 : vector<256x128xi32>
    %max3A_1291 = arith.maxsi %min3A_1254, %or3A_1289 : vector<256x128xi32>
    %min3A_1292 = arith.minsi %min3A_1256, %max3A_1291 : vector<256x128xi32>
    %max3A_1293 = arith.maxsi %min3A_1256, %max3A_1291 : vector<256x128xi32>
    %min3A_1294 = arith.minsi %min3A_1258, %max3A_1293 : vector<256x128xi32>
    %max3A_1295 = arith.maxsi %min3A_1258, %max3A_1293 : vector<256x128xi32>
    %min3A_1296 = arith.minsi %min3A_1260, %max3A_1295 : vector<256x128xi32>
    %max3A_1297 = arith.maxsi %min3A_1260, %max3A_1295 : vector<256x128xi32>
    %min3A_1298 = arith.minsi %min3A_1262, %max3A_1297 : vector<256x128xi32>
    %max3A_1299 = arith.maxsi %min3A_1262, %max3A_1297 : vector<256x128xi32>
    %min3A_1300 = arith.minsi %min3A_1264, %max3A_1299 : vector<256x128xi32>
    %get3A_1301 = arith.constant 0 : index
    %get3A_1302 = arith.constant 4608 : index
    %get3A_1303 = vector.load %arg2[%get3A_1301, %get3A_1302] : memref<8x8192xf32, #tpu.memory_space<vmem>>, vector<4x128xf32>
    %get3A_1304 = arith.constant 5 : index
    %get3A_1305 = arith.constant 4608 : index
    %get3A_1306 = vector.load %arg2[%get3A_1304, %get3A_1305] : memref<8x8192xf32, #tpu.memory_space<vmem>>, vector<1x128xf32>
    %dot_general3A_1307 = arith.constant dense<0.000000e+00> : vector<256x128xf32>
    %dot_general3A_1308 = tpu.matmul %slice3A, %get3A_1303, %dot_general3A_1307 {dimension_numbers = #tpu.dot_dimension_numbers<[1], [0], [0], [1], [0, 0, 1, 1], [], []>, transpose_lhs_hint = false} : vector<256x4xf32>, vector<4x128xf32>, vector<256x128xf32> -> vector<256x128xf32>
    %add3A_1309 = vector.broadcast %slice3A_2 : vector<256x1xf32> to vector<256x128xf32>
    %add3A_1310 = vector.broadcast %get3A_1306 : vector<1x128xf32> to vector<256x128xf32>
    %add3A_1311 = arith.addf %add3A_1309, %add3A_1310 : vector<256x128xf32>
    %mul3A_1312 = arith.constant 2.000000e+00 : f32
    %mul3A_1313 = vector.broadcast %mul3A_1312 : f32 to vector<256x128xf32>
    %mul3A_1314 = arith.mulf %mul3A_1313, %dot_general3A_1308 : vector<256x128xf32>
    %sub3A_1315 = arith.subf %add3A_1311, %mul3A_1314 : vector<256x128xf32>
    %max3A_1316 = arith.constant 0.000000e+00 : f32
    %max3A_1317 = vector.broadcast %max3A_1316 : f32 to vector<256x128xf32>
    %max3A_1318 = arith.maximumf %sub3A_1315, %max3A_1317 : vector<256x128xf32>
    %bitcast_convert_type3A_1319 = tpu.bitcast %max3A_1318 : vector<256x128xf32> -> vector<256x128xi32>
    %and3A_1320 = arith.constant -64 : i32
    %and3A_1321 = vector.broadcast %and3A_1320 : i32 to vector<256x128xi32>
    %and3A_1322 = arith.andi %bitcast_convert_type3A_1319, %and3A_1321 : vector<256x128xi32>
    %or3A_1323 = arith.constant 36 : i32
    %or3A_1324 = vector.broadcast %or3A_1323 : i32 to vector<256x128xi32>
    %or3A_1325 = arith.ori %and3A_1322, %or3A_1324 : vector<256x128xi32>
    %min3A_1326 = arith.minsi %min3A_1290, %or3A_1325 : vector<256x128xi32>
    %max3A_1327 = arith.maxsi %min3A_1290, %or3A_1325 : vector<256x128xi32>
    %min3A_1328 = arith.minsi %min3A_1292, %max3A_1327 : vector<256x128xi32>
    %max3A_1329 = arith.maxsi %min3A_1292, %max3A_1327 : vector<256x128xi32>
    %min3A_1330 = arith.minsi %min3A_1294, %max3A_1329 : vector<256x128xi32>
    %max3A_1331 = arith.maxsi %min3A_1294, %max3A_1329 : vector<256x128xi32>
    %min3A_1332 = arith.minsi %min3A_1296, %max3A_1331 : vector<256x128xi32>
    %max3A_1333 = arith.maxsi %min3A_1296, %max3A_1331 : vector<256x128xi32>
    %min3A_1334 = arith.minsi %min3A_1298, %max3A_1333 : vector<256x128xi32>
    %max3A_1335 = arith.maxsi %min3A_1298, %max3A_1333 : vector<256x128xi32>
    %min3A_1336 = arith.minsi %min3A_1300, %max3A_1335 : vector<256x128xi32>
    %get3A_1337 = arith.constant 0 : index
    %get3A_1338 = arith.constant 4736 : index
    %get3A_1339 = vector.load %arg2[%get3A_1337, %get3A_1338] : memref<8x8192xf32, #tpu.memory_space<vmem>>, vector<4x128xf32>
    %get3A_1340 = arith.constant 5 : index
    %get3A_1341 = arith.constant 4736 : index
    %get3A_1342 = vector.load %arg2[%get3A_1340, %get3A_1341] : memref<8x8192xf32, #tpu.memory_space<vmem>>, vector<1x128xf32>
    %dot_general3A_1343 = arith.constant dense<0.000000e+00> : vector<256x128xf32>
    %dot_general3A_1344 = tpu.matmul %slice3A, %get3A_1339, %dot_general3A_1343 {dimension_numbers = #tpu.dot_dimension_numbers<[1], [0], [0], [1], [0, 0, 1, 1], [], []>, transpose_lhs_hint = false} : vector<256x4xf32>, vector<4x128xf32>, vector<256x128xf32> -> vector<256x128xf32>
    %add3A_1345 = vector.broadcast %slice3A_2 : vector<256x1xf32> to vector<256x128xf32>
    %add3A_1346 = vector.broadcast %get3A_1342 : vector<1x128xf32> to vector<256x128xf32>
    %add3A_1347 = arith.addf %add3A_1345, %add3A_1346 : vector<256x128xf32>
    %mul3A_1348 = arith.constant 2.000000e+00 : f32
    %mul3A_1349 = vector.broadcast %mul3A_1348 : f32 to vector<256x128xf32>
    %mul3A_1350 = arith.mulf %mul3A_1349, %dot_general3A_1344 : vector<256x128xf32>
    %sub3A_1351 = arith.subf %add3A_1347, %mul3A_1350 : vector<256x128xf32>
    %max3A_1352 = arith.constant 0.000000e+00 : f32
    %max3A_1353 = vector.broadcast %max3A_1352 : f32 to vector<256x128xf32>
    %max3A_1354 = arith.maximumf %sub3A_1351, %max3A_1353 : vector<256x128xf32>
    %bitcast_convert_type3A_1355 = tpu.bitcast %max3A_1354 : vector<256x128xf32> -> vector<256x128xi32>
    %and3A_1356 = arith.constant -64 : i32
    %and3A_1357 = vector.broadcast %and3A_1356 : i32 to vector<256x128xi32>
    %and3A_1358 = arith.andi %bitcast_convert_type3A_1355, %and3A_1357 : vector<256x128xi32>
    %or3A_1359 = arith.constant 37 : i32
    %or3A_1360 = vector.broadcast %or3A_1359 : i32 to vector<256x128xi32>
    %or3A_1361 = arith.ori %and3A_1358, %or3A_1360 : vector<256x128xi32>
    %min3A_1362 = arith.minsi %min3A_1326, %or3A_1361 : vector<256x128xi32>
    %max3A_1363 = arith.maxsi %min3A_1326, %or3A_1361 : vector<256x128xi32>
    %min3A_1364 = arith.minsi %min3A_1328, %max3A_1363 : vector<256x128xi32>
    %max3A_1365 = arith.maxsi %min3A_1328, %max3A_1363 : vector<256x128xi32>
    %min3A_1366 = arith.minsi %min3A_1330, %max3A_1365 : vector<256x128xi32>
    %max3A_1367 = arith.maxsi %min3A_1330, %max3A_1365 : vector<256x128xi32>
    %min3A_1368 = arith.minsi %min3A_1332, %max3A_1367 : vector<256x128xi32>
    %max3A_1369 = arith.maxsi %min3A_1332, %max3A_1367 : vector<256x128xi32>
    %min3A_1370 = arith.minsi %min3A_1334, %max3A_1369 : vector<256x128xi32>
    %max3A_1371 = arith.maxsi %min3A_1334, %max3A_1369 : vector<256x128xi32>
    %min3A_1372 = arith.minsi %min3A_1336, %max3A_1371 : vector<256x128xi32>
    %get3A_1373 = arith.constant 0 : index
    %get3A_1374 = arith.constant 4864 : index
    %get3A_1375 = vector.load %arg2[%get3A_1373, %get3A_1374] : memref<8x8192xf32, #tpu.memory_space<vmem>>, vector<4x128xf32>
    %get3A_1376 = arith.constant 5 : index
    %get3A_1377 = arith.constant 4864 : index
    %get3A_1378 = vector.load %arg2[%get3A_1376, %get3A_1377] : memref<8x8192xf32, #tpu.memory_space<vmem>>, vector<1x128xf32>
    %dot_general3A_1379 = arith.constant dense<0.000000e+00> : vector<256x128xf32>
    %dot_general3A_1380 = tpu.matmul %slice3A, %get3A_1375, %dot_general3A_1379 {dimension_numbers = #tpu.dot_dimension_numbers<[1], [0], [0], [1], [0, 0, 1, 1], [], []>, transpose_lhs_hint = false} : vector<256x4xf32>, vector<4x128xf32>, vector<256x128xf32> -> vector<256x128xf32>
    %add3A_1381 = vector.broadcast %slice3A_2 : vector<256x1xf32> to vector<256x128xf32>
    %add3A_1382 = vector.broadcast %get3A_1378 : vector<1x128xf32> to vector<256x128xf32>
    %add3A_1383 = arith.addf %add3A_1381, %add3A_1382 : vector<256x128xf32>
    %mul3A_1384 = arith.constant 2.000000e+00 : f32
    %mul3A_1385 = vector.broadcast %mul3A_1384 : f32 to vector<256x128xf32>
    %mul3A_1386 = arith.mulf %mul3A_1385, %dot_general3A_1380 : vector<256x128xf32>
    %sub3A_1387 = arith.subf %add3A_1383, %mul3A_1386 : vector<256x128xf32>
    %max3A_1388 = arith.constant 0.000000e+00 : f32
    %max3A_1389 = vector.broadcast %max3A_1388 : f32 to vector<256x128xf32>
    %max3A_1390 = arith.maximumf %sub3A_1387, %max3A_1389 : vector<256x128xf32>
    %bitcast_convert_type3A_1391 = tpu.bitcast %max3A_1390 : vector<256x128xf32> -> vector<256x128xi32>
    %and3A_1392 = arith.constant -64 : i32
    %and3A_1393 = vector.broadcast %and3A_1392 : i32 to vector<256x128xi32>
    %and3A_1394 = arith.andi %bitcast_convert_type3A_1391, %and3A_1393 : vector<256x128xi32>
    %or3A_1395 = arith.constant 38 : i32
    %or3A_1396 = vector.broadcast %or3A_1395 : i32 to vector<256x128xi32>
    %or3A_1397 = arith.ori %and3A_1394, %or3A_1396 : vector<256x128xi32>
    %min3A_1398 = arith.minsi %min3A_1362, %or3A_1397 : vector<256x128xi32>
    %max3A_1399 = arith.maxsi %min3A_1362, %or3A_1397 : vector<256x128xi32>
    %min3A_1400 = arith.minsi %min3A_1364, %max3A_1399 : vector<256x128xi32>
    %max3A_1401 = arith.maxsi %min3A_1364, %max3A_1399 : vector<256x128xi32>
    %min3A_1402 = arith.minsi %min3A_1366, %max3A_1401 : vector<256x128xi32>
    %max3A_1403 = arith.maxsi %min3A_1366, %max3A_1401 : vector<256x128xi32>
    %min3A_1404 = arith.minsi %min3A_1368, %max3A_1403 : vector<256x128xi32>
    %max3A_1405 = arith.maxsi %min3A_1368, %max3A_1403 : vector<256x128xi32>
    %min3A_1406 = arith.minsi %min3A_1370, %max3A_1405 : vector<256x128xi32>
    %max3A_1407 = arith.maxsi %min3A_1370, %max3A_1405 : vector<256x128xi32>
    %min3A_1408 = arith.minsi %min3A_1372, %max3A_1407 : vector<256x128xi32>
    %get3A_1409 = arith.constant 0 : index
    %get3A_1410 = arith.constant 4992 : index
    %get3A_1411 = vector.load %arg2[%get3A_1409, %get3A_1410] : memref<8x8192xf32, #tpu.memory_space<vmem>>, vector<4x128xf32>
    %get3A_1412 = arith.constant 5 : index
    %get3A_1413 = arith.constant 4992 : index
    %get3A_1414 = vector.load %arg2[%get3A_1412, %get3A_1413] : memref<8x8192xf32, #tpu.memory_space<vmem>>, vector<1x128xf32>
    %dot_general3A_1415 = arith.constant dense<0.000000e+00> : vector<256x128xf32>
    %dot_general3A_1416 = tpu.matmul %slice3A, %get3A_1411, %dot_general3A_1415 {dimension_numbers = #tpu.dot_dimension_numbers<[1], [0], [0], [1], [0, 0, 1, 1], [], []>, transpose_lhs_hint = false} : vector<256x4xf32>, vector<4x128xf32>, vector<256x128xf32> -> vector<256x128xf32>
    %add3A_1417 = vector.broadcast %slice3A_2 : vector<256x1xf32> to vector<256x128xf32>
    %add3A_1418 = vector.broadcast %get3A_1414 : vector<1x128xf32> to vector<256x128xf32>
    %add3A_1419 = arith.addf %add3A_1417, %add3A_1418 : vector<256x128xf32>
    %mul3A_1420 = arith.constant 2.000000e+00 : f32
    %mul3A_1421 = vector.broadcast %mul3A_1420 : f32 to vector<256x128xf32>
    %mul3A_1422 = arith.mulf %mul3A_1421, %dot_general3A_1416 : vector<256x128xf32>
    %sub3A_1423 = arith.subf %add3A_1419, %mul3A_1422 : vector<256x128xf32>
    %max3A_1424 = arith.constant 0.000000e+00 : f32
    %max3A_1425 = vector.broadcast %max3A_1424 : f32 to vector<256x128xf32>
    %max3A_1426 = arith.maximumf %sub3A_1423, %max3A_1425 : vector<256x128xf32>
    %bitcast_convert_type3A_1427 = tpu.bitcast %max3A_1426 : vector<256x128xf32> -> vector<256x128xi32>
    %and3A_1428 = arith.constant -64 : i32
    %and3A_1429 = vector.broadcast %and3A_1428 : i32 to vector<256x128xi32>
    %and3A_1430 = arith.andi %bitcast_convert_type3A_1427, %and3A_1429 : vector<256x128xi32>
    %or3A_1431 = arith.constant 39 : i32
    %or3A_1432 = vector.broadcast %or3A_1431 : i32 to vector<256x128xi32>
    %or3A_1433 = arith.ori %and3A_1430, %or3A_1432 : vector<256x128xi32>
    %min3A_1434 = arith.minsi %min3A_1398, %or3A_1433 : vector<256x128xi32>
    %max3A_1435 = arith.maxsi %min3A_1398, %or3A_1433 : vector<256x128xi32>
    %min3A_1436 = arith.minsi %min3A_1400, %max3A_1435 : vector<256x128xi32>
    %max3A_1437 = arith.maxsi %min3A_1400, %max3A_1435 : vector<256x128xi32>
    %min3A_1438 = arith.minsi %min3A_1402, %max3A_1437 : vector<256x128xi32>
    %max3A_1439 = arith.maxsi %min3A_1402, %max3A_1437 : vector<256x128xi32>
    %min3A_1440 = arith.minsi %min3A_1404, %max3A_1439 : vector<256x128xi32>
    %max3A_1441 = arith.maxsi %min3A_1404, %max3A_1439 : vector<256x128xi32>
    %min3A_1442 = arith.minsi %min3A_1406, %max3A_1441 : vector<256x128xi32>
    %max3A_1443 = arith.maxsi %min3A_1406, %max3A_1441 : vector<256x128xi32>
    %min3A_1444 = arith.minsi %min3A_1408, %max3A_1443 : vector<256x128xi32>
    %get3A_1445 = arith.constant 0 : index
    %get3A_1446 = arith.constant 5120 : index
    %get3A_1447 = vector.load %arg2[%get3A_1445, %get3A_1446] : memref<8x8192xf32, #tpu.memory_space<vmem>>, vector<4x128xf32>
    %get3A_1448 = arith.constant 5 : index
    %get3A_1449 = arith.constant 5120 : index
    %get3A_1450 = vector.load %arg2[%get3A_1448, %get3A_1449] : memref<8x8192xf32, #tpu.memory_space<vmem>>, vector<1x128xf32>
    %dot_general3A_1451 = arith.constant dense<0.000000e+00> : vector<256x128xf32>
    %dot_general3A_1452 = tpu.matmul %slice3A, %get3A_1447, %dot_general3A_1451 {dimension_numbers = #tpu.dot_dimension_numbers<[1], [0], [0], [1], [0, 0, 1, 1], [], []>, transpose_lhs_hint = false} : vector<256x4xf32>, vector<4x128xf32>, vector<256x128xf32> -> vector<256x128xf32>
    %add3A_1453 = vector.broadcast %slice3A_2 : vector<256x1xf32> to vector<256x128xf32>
    %add3A_1454 = vector.broadcast %get3A_1450 : vector<1x128xf32> to vector<256x128xf32>
    %add3A_1455 = arith.addf %add3A_1453, %add3A_1454 : vector<256x128xf32>
    %mul3A_1456 = arith.constant 2.000000e+00 : f32
    %mul3A_1457 = vector.broadcast %mul3A_1456 : f32 to vector<256x128xf32>
    %mul3A_1458 = arith.mulf %mul3A_1457, %dot_general3A_1452 : vector<256x128xf32>
    %sub3A_1459 = arith.subf %add3A_1455, %mul3A_1458 : vector<256x128xf32>
    %max3A_1460 = arith.constant 0.000000e+00 : f32
    %max3A_1461 = vector.broadcast %max3A_1460 : f32 to vector<256x128xf32>
    %max3A_1462 = arith.maximumf %sub3A_1459, %max3A_1461 : vector<256x128xf32>
    %bitcast_convert_type3A_1463 = tpu.bitcast %max3A_1462 : vector<256x128xf32> -> vector<256x128xi32>
    %and3A_1464 = arith.constant -64 : i32
    %and3A_1465 = vector.broadcast %and3A_1464 : i32 to vector<256x128xi32>
    %and3A_1466 = arith.andi %bitcast_convert_type3A_1463, %and3A_1465 : vector<256x128xi32>
    %or3A_1467 = arith.constant 40 : i32
    %or3A_1468 = vector.broadcast %or3A_1467 : i32 to vector<256x128xi32>
    %or3A_1469 = arith.ori %and3A_1466, %or3A_1468 : vector<256x128xi32>
    %min3A_1470 = arith.minsi %min3A_1434, %or3A_1469 : vector<256x128xi32>
    %max3A_1471 = arith.maxsi %min3A_1434, %or3A_1469 : vector<256x128xi32>
    %min3A_1472 = arith.minsi %min3A_1436, %max3A_1471 : vector<256x128xi32>
    %max3A_1473 = arith.maxsi %min3A_1436, %max3A_1471 : vector<256x128xi32>
    %min3A_1474 = arith.minsi %min3A_1438, %max3A_1473 : vector<256x128xi32>
    %max3A_1475 = arith.maxsi %min3A_1438, %max3A_1473 : vector<256x128xi32>
    %min3A_1476 = arith.minsi %min3A_1440, %max3A_1475 : vector<256x128xi32>
    %max3A_1477 = arith.maxsi %min3A_1440, %max3A_1475 : vector<256x128xi32>
    %min3A_1478 = arith.minsi %min3A_1442, %max3A_1477 : vector<256x128xi32>
    %max3A_1479 = arith.maxsi %min3A_1442, %max3A_1477 : vector<256x128xi32>
    %min3A_1480 = arith.minsi %min3A_1444, %max3A_1479 : vector<256x128xi32>
    %get3A_1481 = arith.constant 0 : index
    %get3A_1482 = arith.constant 5248 : index
    %get3A_1483 = vector.load %arg2[%get3A_1481, %get3A_1482] : memref<8x8192xf32, #tpu.memory_space<vmem>>, vector<4x128xf32>
    %get3A_1484 = arith.constant 5 : index
    %get3A_1485 = arith.constant 5248 : index
    %get3A_1486 = vector.load %arg2[%get3A_1484, %get3A_1485] : memref<8x8192xf32, #tpu.memory_space<vmem>>, vector<1x128xf32>
    %dot_general3A_1487 = arith.constant dense<0.000000e+00> : vector<256x128xf32>
    %dot_general3A_1488 = tpu.matmul %slice3A, %get3A_1483, %dot_general3A_1487 {dimension_numbers = #tpu.dot_dimension_numbers<[1], [0], [0], [1], [0, 0, 1, 1], [], []>, transpose_lhs_hint = false} : vector<256x4xf32>, vector<4x128xf32>, vector<256x128xf32> -> vector<256x128xf32>
    %add3A_1489 = vector.broadcast %slice3A_2 : vector<256x1xf32> to vector<256x128xf32>
    %add3A_1490 = vector.broadcast %get3A_1486 : vector<1x128xf32> to vector<256x128xf32>
    %add3A_1491 = arith.addf %add3A_1489, %add3A_1490 : vector<256x128xf32>
    %mul3A_1492 = arith.constant 2.000000e+00 : f32
    %mul3A_1493 = vector.broadcast %mul3A_1492 : f32 to vector<256x128xf32>
    %mul3A_1494 = arith.mulf %mul3A_1493, %dot_general3A_1488 : vector<256x128xf32>
    %sub3A_1495 = arith.subf %add3A_1491, %mul3A_1494 : vector<256x128xf32>
    %max3A_1496 = arith.constant 0.000000e+00 : f32
    %max3A_1497 = vector.broadcast %max3A_1496 : f32 to vector<256x128xf32>
    %max3A_1498 = arith.maximumf %sub3A_1495, %max3A_1497 : vector<256x128xf32>
    %bitcast_convert_type3A_1499 = tpu.bitcast %max3A_1498 : vector<256x128xf32> -> vector<256x128xi32>
    %and3A_1500 = arith.constant -64 : i32
    %and3A_1501 = vector.broadcast %and3A_1500 : i32 to vector<256x128xi32>
    %and3A_1502 = arith.andi %bitcast_convert_type3A_1499, %and3A_1501 : vector<256x128xi32>
    %or3A_1503 = arith.constant 41 : i32
    %or3A_1504 = vector.broadcast %or3A_1503 : i32 to vector<256x128xi32>
    %or3A_1505 = arith.ori %and3A_1502, %or3A_1504 : vector<256x128xi32>
    %min3A_1506 = arith.minsi %min3A_1470, %or3A_1505 : vector<256x128xi32>
    %max3A_1507 = arith.maxsi %min3A_1470, %or3A_1505 : vector<256x128xi32>
    %min3A_1508 = arith.minsi %min3A_1472, %max3A_1507 : vector<256x128xi32>
    %max3A_1509 = arith.maxsi %min3A_1472, %max3A_1507 : vector<256x128xi32>
    %min3A_1510 = arith.minsi %min3A_1474, %max3A_1509 : vector<256x128xi32>
    %max3A_1511 = arith.maxsi %min3A_1474, %max3A_1509 : vector<256x128xi32>
    %min3A_1512 = arith.minsi %min3A_1476, %max3A_1511 : vector<256x128xi32>
    %max3A_1513 = arith.maxsi %min3A_1476, %max3A_1511 : vector<256x128xi32>
    %min3A_1514 = arith.minsi %min3A_1478, %max3A_1513 : vector<256x128xi32>
    %max3A_1515 = arith.maxsi %min3A_1478, %max3A_1513 : vector<256x128xi32>
    %min3A_1516 = arith.minsi %min3A_1480, %max3A_1515 : vector<256x128xi32>
    %get3A_1517 = arith.constant 0 : index
    %get3A_1518 = arith.constant 5376 : index
    %get3A_1519 = vector.load %arg2[%get3A_1517, %get3A_1518] : memref<8x8192xf32, #tpu.memory_space<vmem>>, vector<4x128xf32>
    %get3A_1520 = arith.constant 5 : index
    %get3A_1521 = arith.constant 5376 : index
    %get3A_1522 = vector.load %arg2[%get3A_1520, %get3A_1521] : memref<8x8192xf32, #tpu.memory_space<vmem>>, vector<1x128xf32>
    %dot_general3A_1523 = arith.constant dense<0.000000e+00> : vector<256x128xf32>
    %dot_general3A_1524 = tpu.matmul %slice3A, %get3A_1519, %dot_general3A_1523 {dimension_numbers = #tpu.dot_dimension_numbers<[1], [0], [0], [1], [0, 0, 1, 1], [], []>, transpose_lhs_hint = false} : vector<256x4xf32>, vector<4x128xf32>, vector<256x128xf32> -> vector<256x128xf32>
    %add3A_1525 = vector.broadcast %slice3A_2 : vector<256x1xf32> to vector<256x128xf32>
    %add3A_1526 = vector.broadcast %get3A_1522 : vector<1x128xf32> to vector<256x128xf32>
    %add3A_1527 = arith.addf %add3A_1525, %add3A_1526 : vector<256x128xf32>
    %mul3A_1528 = arith.constant 2.000000e+00 : f32
    %mul3A_1529 = vector.broadcast %mul3A_1528 : f32 to vector<256x128xf32>
    %mul3A_1530 = arith.mulf %mul3A_1529, %dot_general3A_1524 : vector<256x128xf32>
    %sub3A_1531 = arith.subf %add3A_1527, %mul3A_1530 : vector<256x128xf32>
    %max3A_1532 = arith.constant 0.000000e+00 : f32
    %max3A_1533 = vector.broadcast %max3A_1532 : f32 to vector<256x128xf32>
    %max3A_1534 = arith.maximumf %sub3A_1531, %max3A_1533 : vector<256x128xf32>
    %bitcast_convert_type3A_1535 = tpu.bitcast %max3A_1534 : vector<256x128xf32> -> vector<256x128xi32>
    %and3A_1536 = arith.constant -64 : i32
    %and3A_1537 = vector.broadcast %and3A_1536 : i32 to vector<256x128xi32>
    %and3A_1538 = arith.andi %bitcast_convert_type3A_1535, %and3A_1537 : vector<256x128xi32>
    %or3A_1539 = arith.constant 42 : i32
    %or3A_1540 = vector.broadcast %or3A_1539 : i32 to vector<256x128xi32>
    %or3A_1541 = arith.ori %and3A_1538, %or3A_1540 : vector<256x128xi32>
    %min3A_1542 = arith.minsi %min3A_1506, %or3A_1541 : vector<256x128xi32>
    %max3A_1543 = arith.maxsi %min3A_1506, %or3A_1541 : vector<256x128xi32>
    %min3A_1544 = arith.minsi %min3A_1508, %max3A_1543 : vector<256x128xi32>
    %max3A_1545 = arith.maxsi %min3A_1508, %max3A_1543 : vector<256x128xi32>
    %min3A_1546 = arith.minsi %min3A_1510, %max3A_1545 : vector<256x128xi32>
    %max3A_1547 = arith.maxsi %min3A_1510, %max3A_1545 : vector<256x128xi32>
    %min3A_1548 = arith.minsi %min3A_1512, %max3A_1547 : vector<256x128xi32>
    %max3A_1549 = arith.maxsi %min3A_1512, %max3A_1547 : vector<256x128xi32>
    %min3A_1550 = arith.minsi %min3A_1514, %max3A_1549 : vector<256x128xi32>
    %max3A_1551 = arith.maxsi %min3A_1514, %max3A_1549 : vector<256x128xi32>
    %min3A_1552 = arith.minsi %min3A_1516, %max3A_1551 : vector<256x128xi32>
    %get3A_1553 = arith.constant 0 : index
    %get3A_1554 = arith.constant 5504 : index
    %get3A_1555 = vector.load %arg2[%get3A_1553, %get3A_1554] : memref<8x8192xf32, #tpu.memory_space<vmem>>, vector<4x128xf32>
    %get3A_1556 = arith.constant 5 : index
    %get3A_1557 = arith.constant 5504 : index
    %get3A_1558 = vector.load %arg2[%get3A_1556, %get3A_1557] : memref<8x8192xf32, #tpu.memory_space<vmem>>, vector<1x128xf32>
    %dot_general3A_1559 = arith.constant dense<0.000000e+00> : vector<256x128xf32>
    %dot_general3A_1560 = tpu.matmul %slice3A, %get3A_1555, %dot_general3A_1559 {dimension_numbers = #tpu.dot_dimension_numbers<[1], [0], [0], [1], [0, 0, 1, 1], [], []>, transpose_lhs_hint = false} : vector<256x4xf32>, vector<4x128xf32>, vector<256x128xf32> -> vector<256x128xf32>
    %add3A_1561 = vector.broadcast %slice3A_2 : vector<256x1xf32> to vector<256x128xf32>
    %add3A_1562 = vector.broadcast %get3A_1558 : vector<1x128xf32> to vector<256x128xf32>
    %add3A_1563 = arith.addf %add3A_1561, %add3A_1562 : vector<256x128xf32>
    %mul3A_1564 = arith.constant 2.000000e+00 : f32
    %mul3A_1565 = vector.broadcast %mul3A_1564 : f32 to vector<256x128xf32>
    %mul3A_1566 = arith.mulf %mul3A_1565, %dot_general3A_1560 : vector<256x128xf32>
    %sub3A_1567 = arith.subf %add3A_1563, %mul3A_1566 : vector<256x128xf32>
    %max3A_1568 = arith.constant 0.000000e+00 : f32
    %max3A_1569 = vector.broadcast %max3A_1568 : f32 to vector<256x128xf32>
    %max3A_1570 = arith.maximumf %sub3A_1567, %max3A_1569 : vector<256x128xf32>
    %bitcast_convert_type3A_1571 = tpu.bitcast %max3A_1570 : vector<256x128xf32> -> vector<256x128xi32>
    %and3A_1572 = arith.constant -64 : i32
    %and3A_1573 = vector.broadcast %and3A_1572 : i32 to vector<256x128xi32>
    %and3A_1574 = arith.andi %bitcast_convert_type3A_1571, %and3A_1573 : vector<256x128xi32>
    %or3A_1575 = arith.constant 43 : i32
    %or3A_1576 = vector.broadcast %or3A_1575 : i32 to vector<256x128xi32>
    %or3A_1577 = arith.ori %and3A_1574, %or3A_1576 : vector<256x128xi32>
    %min3A_1578 = arith.minsi %min3A_1542, %or3A_1577 : vector<256x128xi32>
    %max3A_1579 = arith.maxsi %min3A_1542, %or3A_1577 : vector<256x128xi32>
    %min3A_1580 = arith.minsi %min3A_1544, %max3A_1579 : vector<256x128xi32>
    %max3A_1581 = arith.maxsi %min3A_1544, %max3A_1579 : vector<256x128xi32>
    %min3A_1582 = arith.minsi %min3A_1546, %max3A_1581 : vector<256x128xi32>
    %max3A_1583 = arith.maxsi %min3A_1546, %max3A_1581 : vector<256x128xi32>
    %min3A_1584 = arith.minsi %min3A_1548, %max3A_1583 : vector<256x128xi32>
    %max3A_1585 = arith.maxsi %min3A_1548, %max3A_1583 : vector<256x128xi32>
    %min3A_1586 = arith.minsi %min3A_1550, %max3A_1585 : vector<256x128xi32>
    %max3A_1587 = arith.maxsi %min3A_1550, %max3A_1585 : vector<256x128xi32>
    %min3A_1588 = arith.minsi %min3A_1552, %max3A_1587 : vector<256x128xi32>
    %get3A_1589 = arith.constant 0 : index
    %get3A_1590 = arith.constant 5632 : index
    %get3A_1591 = vector.load %arg2[%get3A_1589, %get3A_1590] : memref<8x8192xf32, #tpu.memory_space<vmem>>, vector<4x128xf32>
    %get3A_1592 = arith.constant 5 : index
    %get3A_1593 = arith.constant 5632 : index
    %get3A_1594 = vector.load %arg2[%get3A_1592, %get3A_1593] : memref<8x8192xf32, #tpu.memory_space<vmem>>, vector<1x128xf32>
    %dot_general3A_1595 = arith.constant dense<0.000000e+00> : vector<256x128xf32>
    %dot_general3A_1596 = tpu.matmul %slice3A, %get3A_1591, %dot_general3A_1595 {dimension_numbers = #tpu.dot_dimension_numbers<[1], [0], [0], [1], [0, 0, 1, 1], [], []>, transpose_lhs_hint = false} : vector<256x4xf32>, vector<4x128xf32>, vector<256x128xf32> -> vector<256x128xf32>
    %add3A_1597 = vector.broadcast %slice3A_2 : vector<256x1xf32> to vector<256x128xf32>
    %add3A_1598 = vector.broadcast %get3A_1594 : vector<1x128xf32> to vector<256x128xf32>
    %add3A_1599 = arith.addf %add3A_1597, %add3A_1598 : vector<256x128xf32>
    %mul3A_1600 = arith.constant 2.000000e+00 : f32
    %mul3A_1601 = vector.broadcast %mul3A_1600 : f32 to vector<256x128xf32>
    %mul3A_1602 = arith.mulf %mul3A_1601, %dot_general3A_1596 : vector<256x128xf32>
    %sub3A_1603 = arith.subf %add3A_1599, %mul3A_1602 : vector<256x128xf32>
    %max3A_1604 = arith.constant 0.000000e+00 : f32
    %max3A_1605 = vector.broadcast %max3A_1604 : f32 to vector<256x128xf32>
    %max3A_1606 = arith.maximumf %sub3A_1603, %max3A_1605 : vector<256x128xf32>
    %bitcast_convert_type3A_1607 = tpu.bitcast %max3A_1606 : vector<256x128xf32> -> vector<256x128xi32>
    %and3A_1608 = arith.constant -64 : i32
    %and3A_1609 = vector.broadcast %and3A_1608 : i32 to vector<256x128xi32>
    %and3A_1610 = arith.andi %bitcast_convert_type3A_1607, %and3A_1609 : vector<256x128xi32>
    %or3A_1611 = arith.constant 44 : i32
    %or3A_1612 = vector.broadcast %or3A_1611 : i32 to vector<256x128xi32>
    %or3A_1613 = arith.ori %and3A_1610, %or3A_1612 : vector<256x128xi32>
    %min3A_1614 = arith.minsi %min3A_1578, %or3A_1613 : vector<256x128xi32>
    %max3A_1615 = arith.maxsi %min3A_1578, %or3A_1613 : vector<256x128xi32>
    %min3A_1616 = arith.minsi %min3A_1580, %max3A_1615 : vector<256x128xi32>
    %max3A_1617 = arith.maxsi %min3A_1580, %max3A_1615 : vector<256x128xi32>
    %min3A_1618 = arith.minsi %min3A_1582, %max3A_1617 : vector<256x128xi32>
    %max3A_1619 = arith.maxsi %min3A_1582, %max3A_1617 : vector<256x128xi32>
    %min3A_1620 = arith.minsi %min3A_1584, %max3A_1619 : vector<256x128xi32>
    %max3A_1621 = arith.maxsi %min3A_1584, %max3A_1619 : vector<256x128xi32>
    %min3A_1622 = arith.minsi %min3A_1586, %max3A_1621 : vector<256x128xi32>
    %max3A_1623 = arith.maxsi %min3A_1586, %max3A_1621 : vector<256x128xi32>
    %min3A_1624 = arith.minsi %min3A_1588, %max3A_1623 : vector<256x128xi32>
    %get3A_1625 = arith.constant 0 : index
    %get3A_1626 = arith.constant 5760 : index
    %get3A_1627 = vector.load %arg2[%get3A_1625, %get3A_1626] : memref<8x8192xf32, #tpu.memory_space<vmem>>, vector<4x128xf32>
    %get3A_1628 = arith.constant 5 : index
    %get3A_1629 = arith.constant 5760 : index
    %get3A_1630 = vector.load %arg2[%get3A_1628, %get3A_1629] : memref<8x8192xf32, #tpu.memory_space<vmem>>, vector<1x128xf32>
    %dot_general3A_1631 = arith.constant dense<0.000000e+00> : vector<256x128xf32>
    %dot_general3A_1632 = tpu.matmul %slice3A, %get3A_1627, %dot_general3A_1631 {dimension_numbers = #tpu.dot_dimension_numbers<[1], [0], [0], [1], [0, 0, 1, 1], [], []>, transpose_lhs_hint = false} : vector<256x4xf32>, vector<4x128xf32>, vector<256x128xf32> -> vector<256x128xf32>
    %add3A_1633 = vector.broadcast %slice3A_2 : vector<256x1xf32> to vector<256x128xf32>
    %add3A_1634 = vector.broadcast %get3A_1630 : vector<1x128xf32> to vector<256x128xf32>
    %add3A_1635 = arith.addf %add3A_1633, %add3A_1634 : vector<256x128xf32>
    %mul3A_1636 = arith.constant 2.000000e+00 : f32
    %mul3A_1637 = vector.broadcast %mul3A_1636 : f32 to vector<256x128xf32>
    %mul3A_1638 = arith.mulf %mul3A_1637, %dot_general3A_1632 : vector<256x128xf32>
    %sub3A_1639 = arith.subf %add3A_1635, %mul3A_1638 : vector<256x128xf32>
    %max3A_1640 = arith.constant 0.000000e+00 : f32
    %max3A_1641 = vector.broadcast %max3A_1640 : f32 to vector<256x128xf32>
    %max3A_1642 = arith.maximumf %sub3A_1639, %max3A_1641 : vector<256x128xf32>
    %bitcast_convert_type3A_1643 = tpu.bitcast %max3A_1642 : vector<256x128xf32> -> vector<256x128xi32>
    %and3A_1644 = arith.constant -64 : i32
    %and3A_1645 = vector.broadcast %and3A_1644 : i32 to vector<256x128xi32>
    %and3A_1646 = arith.andi %bitcast_convert_type3A_1643, %and3A_1645 : vector<256x128xi32>
    %or3A_1647 = arith.constant 45 : i32
    %or3A_1648 = vector.broadcast %or3A_1647 : i32 to vector<256x128xi32>
    %or3A_1649 = arith.ori %and3A_1646, %or3A_1648 : vector<256x128xi32>
    %min3A_1650 = arith.minsi %min3A_1614, %or3A_1649 : vector<256x128xi32>
    %max3A_1651 = arith.maxsi %min3A_1614, %or3A_1649 : vector<256x128xi32>
    %min3A_1652 = arith.minsi %min3A_1616, %max3A_1651 : vector<256x128xi32>
    %max3A_1653 = arith.maxsi %min3A_1616, %max3A_1651 : vector<256x128xi32>
    %min3A_1654 = arith.minsi %min3A_1618, %max3A_1653 : vector<256x128xi32>
    %max3A_1655 = arith.maxsi %min3A_1618, %max3A_1653 : vector<256x128xi32>
    %min3A_1656 = arith.minsi %min3A_1620, %max3A_1655 : vector<256x128xi32>
    %max3A_1657 = arith.maxsi %min3A_1620, %max3A_1655 : vector<256x128xi32>
    %min3A_1658 = arith.minsi %min3A_1622, %max3A_1657 : vector<256x128xi32>
    %max3A_1659 = arith.maxsi %min3A_1622, %max3A_1657 : vector<256x128xi32>
    %min3A_1660 = arith.minsi %min3A_1624, %max3A_1659 : vector<256x128xi32>
    %get3A_1661 = arith.constant 0 : index
    %get3A_1662 = arith.constant 5888 : index
    %get3A_1663 = vector.load %arg2[%get3A_1661, %get3A_1662] : memref<8x8192xf32, #tpu.memory_space<vmem>>, vector<4x128xf32>
    %get3A_1664 = arith.constant 5 : index
    %get3A_1665 = arith.constant 5888 : index
    %get3A_1666 = vector.load %arg2[%get3A_1664, %get3A_1665] : memref<8x8192xf32, #tpu.memory_space<vmem>>, vector<1x128xf32>
    %dot_general3A_1667 = arith.constant dense<0.000000e+00> : vector<256x128xf32>
    %dot_general3A_1668 = tpu.matmul %slice3A, %get3A_1663, %dot_general3A_1667 {dimension_numbers = #tpu.dot_dimension_numbers<[1], [0], [0], [1], [0, 0, 1, 1], [], []>, transpose_lhs_hint = false} : vector<256x4xf32>, vector<4x128xf32>, vector<256x128xf32> -> vector<256x128xf32>
    %add3A_1669 = vector.broadcast %slice3A_2 : vector<256x1xf32> to vector<256x128xf32>
    %add3A_1670 = vector.broadcast %get3A_1666 : vector<1x128xf32> to vector<256x128xf32>
    %add3A_1671 = arith.addf %add3A_1669, %add3A_1670 : vector<256x128xf32>
    %mul3A_1672 = arith.constant 2.000000e+00 : f32
    %mul3A_1673 = vector.broadcast %mul3A_1672 : f32 to vector<256x128xf32>
    %mul3A_1674 = arith.mulf %mul3A_1673, %dot_general3A_1668 : vector<256x128xf32>
    %sub3A_1675 = arith.subf %add3A_1671, %mul3A_1674 : vector<256x128xf32>
    %max3A_1676 = arith.constant 0.000000e+00 : f32
    %max3A_1677 = vector.broadcast %max3A_1676 : f32 to vector<256x128xf32>
    %max3A_1678 = arith.maximumf %sub3A_1675, %max3A_1677 : vector<256x128xf32>
    %bitcast_convert_type3A_1679 = tpu.bitcast %max3A_1678 : vector<256x128xf32> -> vector<256x128xi32>
    %and3A_1680 = arith.constant -64 : i32
    %and3A_1681 = vector.broadcast %and3A_1680 : i32 to vector<256x128xi32>
    %and3A_1682 = arith.andi %bitcast_convert_type3A_1679, %and3A_1681 : vector<256x128xi32>
    %or3A_1683 = arith.constant 46 : i32
    %or3A_1684 = vector.broadcast %or3A_1683 : i32 to vector<256x128xi32>
    %or3A_1685 = arith.ori %and3A_1682, %or3A_1684 : vector<256x128xi32>
    %min3A_1686 = arith.minsi %min3A_1650, %or3A_1685 : vector<256x128xi32>
    %max3A_1687 = arith.maxsi %min3A_1650, %or3A_1685 : vector<256x128xi32>
    %min3A_1688 = arith.minsi %min3A_1652, %max3A_1687 : vector<256x128xi32>
    %max3A_1689 = arith.maxsi %min3A_1652, %max3A_1687 : vector<256x128xi32>
    %min3A_1690 = arith.minsi %min3A_1654, %max3A_1689 : vector<256x128xi32>
    %max3A_1691 = arith.maxsi %min3A_1654, %max3A_1689 : vector<256x128xi32>
    %min3A_1692 = arith.minsi %min3A_1656, %max3A_1691 : vector<256x128xi32>
    %max3A_1693 = arith.maxsi %min3A_1656, %max3A_1691 : vector<256x128xi32>
    %min3A_1694 = arith.minsi %min3A_1658, %max3A_1693 : vector<256x128xi32>
    %max3A_1695 = arith.maxsi %min3A_1658, %max3A_1693 : vector<256x128xi32>
    %min3A_1696 = arith.minsi %min3A_1660, %max3A_1695 : vector<256x128xi32>
    %get3A_1697 = arith.constant 0 : index
    %get3A_1698 = arith.constant 6016 : index
    %get3A_1699 = vector.load %arg2[%get3A_1697, %get3A_1698] : memref<8x8192xf32, #tpu.memory_space<vmem>>, vector<4x128xf32>
    %get3A_1700 = arith.constant 5 : index
    %get3A_1701 = arith.constant 6016 : index
    %get3A_1702 = vector.load %arg2[%get3A_1700, %get3A_1701] : memref<8x8192xf32, #tpu.memory_space<vmem>>, vector<1x128xf32>
    %dot_general3A_1703 = arith.constant dense<0.000000e+00> : vector<256x128xf32>
    %dot_general3A_1704 = tpu.matmul %slice3A, %get3A_1699, %dot_general3A_1703 {dimension_numbers = #tpu.dot_dimension_numbers<[1], [0], [0], [1], [0, 0, 1, 1], [], []>, transpose_lhs_hint = false} : vector<256x4xf32>, vector<4x128xf32>, vector<256x128xf32> -> vector<256x128xf32>
    %add3A_1705 = vector.broadcast %slice3A_2 : vector<256x1xf32> to vector<256x128xf32>
    %add3A_1706 = vector.broadcast %get3A_1702 : vector<1x128xf32> to vector<256x128xf32>
    %add3A_1707 = arith.addf %add3A_1705, %add3A_1706 : vector<256x128xf32>
    %mul3A_1708 = arith.constant 2.000000e+00 : f32
    %mul3A_1709 = vector.broadcast %mul3A_1708 : f32 to vector<256x128xf32>
    %mul3A_1710 = arith.mulf %mul3A_1709, %dot_general3A_1704 : vector<256x128xf32>
    %sub3A_1711 = arith.subf %add3A_1707, %mul3A_1710 : vector<256x128xf32>
    %max3A_1712 = arith.constant 0.000000e+00 : f32
    %max3A_1713 = vector.broadcast %max3A_1712 : f32 to vector<256x128xf32>
    %max3A_1714 = arith.maximumf %sub3A_1711, %max3A_1713 : vector<256x128xf32>
    %bitcast_convert_type3A_1715 = tpu.bitcast %max3A_1714 : vector<256x128xf32> -> vector<256x128xi32>
    %and3A_1716 = arith.constant -64 : i32
    %and3A_1717 = vector.broadcast %and3A_1716 : i32 to vector<256x128xi32>
    %and3A_1718 = arith.andi %bitcast_convert_type3A_1715, %and3A_1717 : vector<256x128xi32>
    %or3A_1719 = arith.constant 47 : i32
    %or3A_1720 = vector.broadcast %or3A_1719 : i32 to vector<256x128xi32>
    %or3A_1721 = arith.ori %and3A_1718, %or3A_1720 : vector<256x128xi32>
    %min3A_1722 = arith.minsi %min3A_1686, %or3A_1721 : vector<256x128xi32>
    %max3A_1723 = arith.maxsi %min3A_1686, %or3A_1721 : vector<256x128xi32>
    %min3A_1724 = arith.minsi %min3A_1688, %max3A_1723 : vector<256x128xi32>
    %max3A_1725 = arith.maxsi %min3A_1688, %max3A_1723 : vector<256x128xi32>
    %min3A_1726 = arith.minsi %min3A_1690, %max3A_1725 : vector<256x128xi32>
    %max3A_1727 = arith.maxsi %min3A_1690, %max3A_1725 : vector<256x128xi32>
    %min3A_1728 = arith.minsi %min3A_1692, %max3A_1727 : vector<256x128xi32>
    %max3A_1729 = arith.maxsi %min3A_1692, %max3A_1727 : vector<256x128xi32>
    %min3A_1730 = arith.minsi %min3A_1694, %max3A_1729 : vector<256x128xi32>
    %max3A_1731 = arith.maxsi %min3A_1694, %max3A_1729 : vector<256x128xi32>
    %min3A_1732 = arith.minsi %min3A_1696, %max3A_1731 : vector<256x128xi32>
    %get3A_1733 = arith.constant 0 : index
    %get3A_1734 = arith.constant 6144 : index
    %get3A_1735 = vector.load %arg2[%get3A_1733, %get3A_1734] : memref<8x8192xf32, #tpu.memory_space<vmem>>, vector<4x128xf32>
    %get3A_1736 = arith.constant 5 : index
    %get3A_1737 = arith.constant 6144 : index
    %get3A_1738 = vector.load %arg2[%get3A_1736, %get3A_1737] : memref<8x8192xf32, #tpu.memory_space<vmem>>, vector<1x128xf32>
    %dot_general3A_1739 = arith.constant dense<0.000000e+00> : vector<256x128xf32>
    %dot_general3A_1740 = tpu.matmul %slice3A, %get3A_1735, %dot_general3A_1739 {dimension_numbers = #tpu.dot_dimension_numbers<[1], [0], [0], [1], [0, 0, 1, 1], [], []>, transpose_lhs_hint = false} : vector<256x4xf32>, vector<4x128xf32>, vector<256x128xf32> -> vector<256x128xf32>
    %add3A_1741 = vector.broadcast %slice3A_2 : vector<256x1xf32> to vector<256x128xf32>
    %add3A_1742 = vector.broadcast %get3A_1738 : vector<1x128xf32> to vector<256x128xf32>
    %add3A_1743 = arith.addf %add3A_1741, %add3A_1742 : vector<256x128xf32>
    %mul3A_1744 = arith.constant 2.000000e+00 : f32
    %mul3A_1745 = vector.broadcast %mul3A_1744 : f32 to vector<256x128xf32>
    %mul3A_1746 = arith.mulf %mul3A_1745, %dot_general3A_1740 : vector<256x128xf32>
    %sub3A_1747 = arith.subf %add3A_1743, %mul3A_1746 : vector<256x128xf32>
    %max3A_1748 = arith.constant 0.000000e+00 : f32
    %max3A_1749 = vector.broadcast %max3A_1748 : f32 to vector<256x128xf32>
    %max3A_1750 = arith.maximumf %sub3A_1747, %max3A_1749 : vector<256x128xf32>
    %bitcast_convert_type3A_1751 = tpu.bitcast %max3A_1750 : vector<256x128xf32> -> vector<256x128xi32>
    %and3A_1752 = arith.constant -64 : i32
    %and3A_1753 = vector.broadcast %and3A_1752 : i32 to vector<256x128xi32>
    %and3A_1754 = arith.andi %bitcast_convert_type3A_1751, %and3A_1753 : vector<256x128xi32>
    %or3A_1755 = arith.constant 48 : i32
    %or3A_1756 = vector.broadcast %or3A_1755 : i32 to vector<256x128xi32>
    %or3A_1757 = arith.ori %and3A_1754, %or3A_1756 : vector<256x128xi32>
    %min3A_1758 = arith.minsi %min3A_1722, %or3A_1757 : vector<256x128xi32>
    %max3A_1759 = arith.maxsi %min3A_1722, %or3A_1757 : vector<256x128xi32>
    %min3A_1760 = arith.minsi %min3A_1724, %max3A_1759 : vector<256x128xi32>
    %max3A_1761 = arith.maxsi %min3A_1724, %max3A_1759 : vector<256x128xi32>
    %min3A_1762 = arith.minsi %min3A_1726, %max3A_1761 : vector<256x128xi32>
    %max3A_1763 = arith.maxsi %min3A_1726, %max3A_1761 : vector<256x128xi32>
    %min3A_1764 = arith.minsi %min3A_1728, %max3A_1763 : vector<256x128xi32>
    %max3A_1765 = arith.maxsi %min3A_1728, %max3A_1763 : vector<256x128xi32>
    %min3A_1766 = arith.minsi %min3A_1730, %max3A_1765 : vector<256x128xi32>
    %max3A_1767 = arith.maxsi %min3A_1730, %max3A_1765 : vector<256x128xi32>
    %min3A_1768 = arith.minsi %min3A_1732, %max3A_1767 : vector<256x128xi32>
    %get3A_1769 = arith.constant 0 : index
    %get3A_1770 = arith.constant 6272 : index
    %get3A_1771 = vector.load %arg2[%get3A_1769, %get3A_1770] : memref<8x8192xf32, #tpu.memory_space<vmem>>, vector<4x128xf32>
    %get3A_1772 = arith.constant 5 : index
    %get3A_1773 = arith.constant 6272 : index
    %get3A_1774 = vector.load %arg2[%get3A_1772, %get3A_1773] : memref<8x8192xf32, #tpu.memory_space<vmem>>, vector<1x128xf32>
    %dot_general3A_1775 = arith.constant dense<0.000000e+00> : vector<256x128xf32>
    %dot_general3A_1776 = tpu.matmul %slice3A, %get3A_1771, %dot_general3A_1775 {dimension_numbers = #tpu.dot_dimension_numbers<[1], [0], [0], [1], [0, 0, 1, 1], [], []>, transpose_lhs_hint = false} : vector<256x4xf32>, vector<4x128xf32>, vector<256x128xf32> -> vector<256x128xf32>
    %add3A_1777 = vector.broadcast %slice3A_2 : vector<256x1xf32> to vector<256x128xf32>
    %add3A_1778 = vector.broadcast %get3A_1774 : vector<1x128xf32> to vector<256x128xf32>
    %add3A_1779 = arith.addf %add3A_1777, %add3A_1778 : vector<256x128xf32>
    %mul3A_1780 = arith.constant 2.000000e+00 : f32
    %mul3A_1781 = vector.broadcast %mul3A_1780 : f32 to vector<256x128xf32>
    %mul3A_1782 = arith.mulf %mul3A_1781, %dot_general3A_1776 : vector<256x128xf32>
    %sub3A_1783 = arith.subf %add3A_1779, %mul3A_1782 : vector<256x128xf32>
    %max3A_1784 = arith.constant 0.000000e+00 : f32
    %max3A_1785 = vector.broadcast %max3A_1784 : f32 to vector<256x128xf32>
    %max3A_1786 = arith.maximumf %sub3A_1783, %max3A_1785 : vector<256x128xf32>
    %bitcast_convert_type3A_1787 = tpu.bitcast %max3A_1786 : vector<256x128xf32> -> vector<256x128xi32>
    %and3A_1788 = arith.constant -64 : i32
    %and3A_1789 = vector.broadcast %and3A_1788 : i32 to vector<256x128xi32>
    %and3A_1790 = arith.andi %bitcast_convert_type3A_1787, %and3A_1789 : vector<256x128xi32>
    %or3A_1791 = arith.constant 49 : i32
    %or3A_1792 = vector.broadcast %or3A_1791 : i32 to vector<256x128xi32>
    %or3A_1793 = arith.ori %and3A_1790, %or3A_1792 : vector<256x128xi32>
    %min3A_1794 = arith.minsi %min3A_1758, %or3A_1793 : vector<256x128xi32>
    %max3A_1795 = arith.maxsi %min3A_1758, %or3A_1793 : vector<256x128xi32>
    %min3A_1796 = arith.minsi %min3A_1760, %max3A_1795 : vector<256x128xi32>
    %max3A_1797 = arith.maxsi %min3A_1760, %max3A_1795 : vector<256x128xi32>
    %min3A_1798 = arith.minsi %min3A_1762, %max3A_1797 : vector<256x128xi32>
    %max3A_1799 = arith.maxsi %min3A_1762, %max3A_1797 : vector<256x128xi32>
    %min3A_1800 = arith.minsi %min3A_1764, %max3A_1799 : vector<256x128xi32>
    %max3A_1801 = arith.maxsi %min3A_1764, %max3A_1799 : vector<256x128xi32>
    %min3A_1802 = arith.minsi %min3A_1766, %max3A_1801 : vector<256x128xi32>
    %max3A_1803 = arith.maxsi %min3A_1766, %max3A_1801 : vector<256x128xi32>
    %min3A_1804 = arith.minsi %min3A_1768, %max3A_1803 : vector<256x128xi32>
    %get3A_1805 = arith.constant 0 : index
    %get3A_1806 = arith.constant 6400 : index
    %get3A_1807 = vector.load %arg2[%get3A_1805, %get3A_1806] : memref<8x8192xf32, #tpu.memory_space<vmem>>, vector<4x128xf32>
    %get3A_1808 = arith.constant 5 : index
    %get3A_1809 = arith.constant 6400 : index
    %get3A_1810 = vector.load %arg2[%get3A_1808, %get3A_1809] : memref<8x8192xf32, #tpu.memory_space<vmem>>, vector<1x128xf32>
    %dot_general3A_1811 = arith.constant dense<0.000000e+00> : vector<256x128xf32>
    %dot_general3A_1812 = tpu.matmul %slice3A, %get3A_1807, %dot_general3A_1811 {dimension_numbers = #tpu.dot_dimension_numbers<[1], [0], [0], [1], [0, 0, 1, 1], [], []>, transpose_lhs_hint = false} : vector<256x4xf32>, vector<4x128xf32>, vector<256x128xf32> -> vector<256x128xf32>
    %add3A_1813 = vector.broadcast %slice3A_2 : vector<256x1xf32> to vector<256x128xf32>
    %add3A_1814 = vector.broadcast %get3A_1810 : vector<1x128xf32> to vector<256x128xf32>
    %add3A_1815 = arith.addf %add3A_1813, %add3A_1814 : vector<256x128xf32>
    %mul3A_1816 = arith.constant 2.000000e+00 : f32
    %mul3A_1817 = vector.broadcast %mul3A_1816 : f32 to vector<256x128xf32>
    %mul3A_1818 = arith.mulf %mul3A_1817, %dot_general3A_1812 : vector<256x128xf32>
    %sub3A_1819 = arith.subf %add3A_1815, %mul3A_1818 : vector<256x128xf32>
    %max3A_1820 = arith.constant 0.000000e+00 : f32
    %max3A_1821 = vector.broadcast %max3A_1820 : f32 to vector<256x128xf32>
    %max3A_1822 = arith.maximumf %sub3A_1819, %max3A_1821 : vector<256x128xf32>
    %bitcast_convert_type3A_1823 = tpu.bitcast %max3A_1822 : vector<256x128xf32> -> vector<256x128xi32>
    %and3A_1824 = arith.constant -64 : i32
    %and3A_1825 = vector.broadcast %and3A_1824 : i32 to vector<256x128xi32>
    %and3A_1826 = arith.andi %bitcast_convert_type3A_1823, %and3A_1825 : vector<256x128xi32>
    %or3A_1827 = arith.constant 50 : i32
    %or3A_1828 = vector.broadcast %or3A_1827 : i32 to vector<256x128xi32>
    %or3A_1829 = arith.ori %and3A_1826, %or3A_1828 : vector<256x128xi32>
    %min3A_1830 = arith.minsi %min3A_1794, %or3A_1829 : vector<256x128xi32>
    %max3A_1831 = arith.maxsi %min3A_1794, %or3A_1829 : vector<256x128xi32>
    %min3A_1832 = arith.minsi %min3A_1796, %max3A_1831 : vector<256x128xi32>
    %max3A_1833 = arith.maxsi %min3A_1796, %max3A_1831 : vector<256x128xi32>
    %min3A_1834 = arith.minsi %min3A_1798, %max3A_1833 : vector<256x128xi32>
    %max3A_1835 = arith.maxsi %min3A_1798, %max3A_1833 : vector<256x128xi32>
    %min3A_1836 = arith.minsi %min3A_1800, %max3A_1835 : vector<256x128xi32>
    %max3A_1837 = arith.maxsi %min3A_1800, %max3A_1835 : vector<256x128xi32>
    %min3A_1838 = arith.minsi %min3A_1802, %max3A_1837 : vector<256x128xi32>
    %max3A_1839 = arith.maxsi %min3A_1802, %max3A_1837 : vector<256x128xi32>
    %min3A_1840 = arith.minsi %min3A_1804, %max3A_1839 : vector<256x128xi32>
    %get3A_1841 = arith.constant 0 : index
    %get3A_1842 = arith.constant 6528 : index
    %get3A_1843 = vector.load %arg2[%get3A_1841, %get3A_1842] : memref<8x8192xf32, #tpu.memory_space<vmem>>, vector<4x128xf32>
    %get3A_1844 = arith.constant 5 : index
    %get3A_1845 = arith.constant 6528 : index
    %get3A_1846 = vector.load %arg2[%get3A_1844, %get3A_1845] : memref<8x8192xf32, #tpu.memory_space<vmem>>, vector<1x128xf32>
    %dot_general3A_1847 = arith.constant dense<0.000000e+00> : vector<256x128xf32>
    %dot_general3A_1848 = tpu.matmul %slice3A, %get3A_1843, %dot_general3A_1847 {dimension_numbers = #tpu.dot_dimension_numbers<[1], [0], [0], [1], [0, 0, 1, 1], [], []>, transpose_lhs_hint = false} : vector<256x4xf32>, vector<4x128xf32>, vector<256x128xf32> -> vector<256x128xf32>
    %add3A_1849 = vector.broadcast %slice3A_2 : vector<256x1xf32> to vector<256x128xf32>
    %add3A_1850 = vector.broadcast %get3A_1846 : vector<1x128xf32> to vector<256x128xf32>
    %add3A_1851 = arith.addf %add3A_1849, %add3A_1850 : vector<256x128xf32>
    %mul3A_1852 = arith.constant 2.000000e+00 : f32
    %mul3A_1853 = vector.broadcast %mul3A_1852 : f32 to vector<256x128xf32>
    %mul3A_1854 = arith.mulf %mul3A_1853, %dot_general3A_1848 : vector<256x128xf32>
    %sub3A_1855 = arith.subf %add3A_1851, %mul3A_1854 : vector<256x128xf32>
    %max3A_1856 = arith.constant 0.000000e+00 : f32
    %max3A_1857 = vector.broadcast %max3A_1856 : f32 to vector<256x128xf32>
    %max3A_1858 = arith.maximumf %sub3A_1855, %max3A_1857 : vector<256x128xf32>
    %bitcast_convert_type3A_1859 = tpu.bitcast %max3A_1858 : vector<256x128xf32> -> vector<256x128xi32>
    %and3A_1860 = arith.constant -64 : i32
    %and3A_1861 = vector.broadcast %and3A_1860 : i32 to vector<256x128xi32>
    %and3A_1862 = arith.andi %bitcast_convert_type3A_1859, %and3A_1861 : vector<256x128xi32>
    %or3A_1863 = arith.constant 51 : i32
    %or3A_1864 = vector.broadcast %or3A_1863 : i32 to vector<256x128xi32>
    %or3A_1865 = arith.ori %and3A_1862, %or3A_1864 : vector<256x128xi32>
    %min3A_1866 = arith.minsi %min3A_1830, %or3A_1865 : vector<256x128xi32>
    %max3A_1867 = arith.maxsi %min3A_1830, %or3A_1865 : vector<256x128xi32>
    %min3A_1868 = arith.minsi %min3A_1832, %max3A_1867 : vector<256x128xi32>
    %max3A_1869 = arith.maxsi %min3A_1832, %max3A_1867 : vector<256x128xi32>
    %min3A_1870 = arith.minsi %min3A_1834, %max3A_1869 : vector<256x128xi32>
    %max3A_1871 = arith.maxsi %min3A_1834, %max3A_1869 : vector<256x128xi32>
    %min3A_1872 = arith.minsi %min3A_1836, %max3A_1871 : vector<256x128xi32>
    %max3A_1873 = arith.maxsi %min3A_1836, %max3A_1871 : vector<256x128xi32>
    %min3A_1874 = arith.minsi %min3A_1838, %max3A_1873 : vector<256x128xi32>
    %max3A_1875 = arith.maxsi %min3A_1838, %max3A_1873 : vector<256x128xi32>
    %min3A_1876 = arith.minsi %min3A_1840, %max3A_1875 : vector<256x128xi32>
    %get3A_1877 = arith.constant 0 : index
    %get3A_1878 = arith.constant 6656 : index
    %get3A_1879 = vector.load %arg2[%get3A_1877, %get3A_1878] : memref<8x8192xf32, #tpu.memory_space<vmem>>, vector<4x128xf32>
    %get3A_1880 = arith.constant 5 : index
    %get3A_1881 = arith.constant 6656 : index
    %get3A_1882 = vector.load %arg2[%get3A_1880, %get3A_1881] : memref<8x8192xf32, #tpu.memory_space<vmem>>, vector<1x128xf32>
    %dot_general3A_1883 = arith.constant dense<0.000000e+00> : vector<256x128xf32>
    %dot_general3A_1884 = tpu.matmul %slice3A, %get3A_1879, %dot_general3A_1883 {dimension_numbers = #tpu.dot_dimension_numbers<[1], [0], [0], [1], [0, 0, 1, 1], [], []>, transpose_lhs_hint = false} : vector<256x4xf32>, vector<4x128xf32>, vector<256x128xf32> -> vector<256x128xf32>
    %add3A_1885 = vector.broadcast %slice3A_2 : vector<256x1xf32> to vector<256x128xf32>
    %add3A_1886 = vector.broadcast %get3A_1882 : vector<1x128xf32> to vector<256x128xf32>
    %add3A_1887 = arith.addf %add3A_1885, %add3A_1886 : vector<256x128xf32>
    %mul3A_1888 = arith.constant 2.000000e+00 : f32
    %mul3A_1889 = vector.broadcast %mul3A_1888 : f32 to vector<256x128xf32>
    %mul3A_1890 = arith.mulf %mul3A_1889, %dot_general3A_1884 : vector<256x128xf32>
    %sub3A_1891 = arith.subf %add3A_1887, %mul3A_1890 : vector<256x128xf32>
    %max3A_1892 = arith.constant 0.000000e+00 : f32
    %max3A_1893 = vector.broadcast %max3A_1892 : f32 to vector<256x128xf32>
    %max3A_1894 = arith.maximumf %sub3A_1891, %max3A_1893 : vector<256x128xf32>
    %bitcast_convert_type3A_1895 = tpu.bitcast %max3A_1894 : vector<256x128xf32> -> vector<256x128xi32>
    %and3A_1896 = arith.constant -64 : i32
    %and3A_1897 = vector.broadcast %and3A_1896 : i32 to vector<256x128xi32>
    %and3A_1898 = arith.andi %bitcast_convert_type3A_1895, %and3A_1897 : vector<256x128xi32>
    %or3A_1899 = arith.constant 52 : i32
    %or3A_1900 = vector.broadcast %or3A_1899 : i32 to vector<256x128xi32>
    %or3A_1901 = arith.ori %and3A_1898, %or3A_1900 : vector<256x128xi32>
    %min3A_1902 = arith.minsi %min3A_1866, %or3A_1901 : vector<256x128xi32>
    %max3A_1903 = arith.maxsi %min3A_1866, %or3A_1901 : vector<256x128xi32>
    %min3A_1904 = arith.minsi %min3A_1868, %max3A_1903 : vector<256x128xi32>
    %max3A_1905 = arith.maxsi %min3A_1868, %max3A_1903 : vector<256x128xi32>
    %min3A_1906 = arith.minsi %min3A_1870, %max3A_1905 : vector<256x128xi32>
    %max3A_1907 = arith.maxsi %min3A_1870, %max3A_1905 : vector<256x128xi32>
    %min3A_1908 = arith.minsi %min3A_1872, %max3A_1907 : vector<256x128xi32>
    %max3A_1909 = arith.maxsi %min3A_1872, %max3A_1907 : vector<256x128xi32>
    %min3A_1910 = arith.minsi %min3A_1874, %max3A_1909 : vector<256x128xi32>
    %max3A_1911 = arith.maxsi %min3A_1874, %max3A_1909 : vector<256x128xi32>
    %min3A_1912 = arith.minsi %min3A_1876, %max3A_1911 : vector<256x128xi32>
    %get3A_1913 = arith.constant 0 : index
    %get3A_1914 = arith.constant 6784 : index
    %get3A_1915 = vector.load %arg2[%get3A_1913, %get3A_1914] : memref<8x8192xf32, #tpu.memory_space<vmem>>, vector<4x128xf32>
    %get3A_1916 = arith.constant 5 : index
    %get3A_1917 = arith.constant 6784 : index
    %get3A_1918 = vector.load %arg2[%get3A_1916, %get3A_1917] : memref<8x8192xf32, #tpu.memory_space<vmem>>, vector<1x128xf32>
    %dot_general3A_1919 = arith.constant dense<0.000000e+00> : vector<256x128xf32>
    %dot_general3A_1920 = tpu.matmul %slice3A, %get3A_1915, %dot_general3A_1919 {dimension_numbers = #tpu.dot_dimension_numbers<[1], [0], [0], [1], [0, 0, 1, 1], [], []>, transpose_lhs_hint = false} : vector<256x4xf32>, vector<4x128xf32>, vector<256x128xf32> -> vector<256x128xf32>
    %add3A_1921 = vector.broadcast %slice3A_2 : vector<256x1xf32> to vector<256x128xf32>
    %add3A_1922 = vector.broadcast %get3A_1918 : vector<1x128xf32> to vector<256x128xf32>
    %add3A_1923 = arith.addf %add3A_1921, %add3A_1922 : vector<256x128xf32>
    %mul3A_1924 = arith.constant 2.000000e+00 : f32
    %mul3A_1925 = vector.broadcast %mul3A_1924 : f32 to vector<256x128xf32>
    %mul3A_1926 = arith.mulf %mul3A_1925, %dot_general3A_1920 : vector<256x128xf32>
    %sub3A_1927 = arith.subf %add3A_1923, %mul3A_1926 : vector<256x128xf32>
    %max3A_1928 = arith.constant 0.000000e+00 : f32
    %max3A_1929 = vector.broadcast %max3A_1928 : f32 to vector<256x128xf32>
    %max3A_1930 = arith.maximumf %sub3A_1927, %max3A_1929 : vector<256x128xf32>
    %bitcast_convert_type3A_1931 = tpu.bitcast %max3A_1930 : vector<256x128xf32> -> vector<256x128xi32>
    %and3A_1932 = arith.constant -64 : i32
    %and3A_1933 = vector.broadcast %and3A_1932 : i32 to vector<256x128xi32>
    %and3A_1934 = arith.andi %bitcast_convert_type3A_1931, %and3A_1933 : vector<256x128xi32>
    %or3A_1935 = arith.constant 53 : i32
    %or3A_1936 = vector.broadcast %or3A_1935 : i32 to vector<256x128xi32>
    %or3A_1937 = arith.ori %and3A_1934, %or3A_1936 : vector<256x128xi32>
    %min3A_1938 = arith.minsi %min3A_1902, %or3A_1937 : vector<256x128xi32>
    %max3A_1939 = arith.maxsi %min3A_1902, %or3A_1937 : vector<256x128xi32>
    %min3A_1940 = arith.minsi %min3A_1904, %max3A_1939 : vector<256x128xi32>
    %max3A_1941 = arith.maxsi %min3A_1904, %max3A_1939 : vector<256x128xi32>
    %min3A_1942 = arith.minsi %min3A_1906, %max3A_1941 : vector<256x128xi32>
    %max3A_1943 = arith.maxsi %min3A_1906, %max3A_1941 : vector<256x128xi32>
    %min3A_1944 = arith.minsi %min3A_1908, %max3A_1943 : vector<256x128xi32>
    %max3A_1945 = arith.maxsi %min3A_1908, %max3A_1943 : vector<256x128xi32>
    %min3A_1946 = arith.minsi %min3A_1910, %max3A_1945 : vector<256x128xi32>
    %max3A_1947 = arith.maxsi %min3A_1910, %max3A_1945 : vector<256x128xi32>
    %min3A_1948 = arith.minsi %min3A_1912, %max3A_1947 : vector<256x128xi32>
    %get3A_1949 = arith.constant 0 : index
    %get3A_1950 = arith.constant 6912 : index
    %get3A_1951 = vector.load %arg2[%get3A_1949, %get3A_1950] : memref<8x8192xf32, #tpu.memory_space<vmem>>, vector<4x128xf32>
    %get3A_1952 = arith.constant 5 : index
    %get3A_1953 = arith.constant 6912 : index
    %get3A_1954 = vector.load %arg2[%get3A_1952, %get3A_1953] : memref<8x8192xf32, #tpu.memory_space<vmem>>, vector<1x128xf32>
    %dot_general3A_1955 = arith.constant dense<0.000000e+00> : vector<256x128xf32>
    %dot_general3A_1956 = tpu.matmul %slice3A, %get3A_1951, %dot_general3A_1955 {dimension_numbers = #tpu.dot_dimension_numbers<[1], [0], [0], [1], [0, 0, 1, 1], [], []>, transpose_lhs_hint = false} : vector<256x4xf32>, vector<4x128xf32>, vector<256x128xf32> -> vector<256x128xf32>
    %add3A_1957 = vector.broadcast %slice3A_2 : vector<256x1xf32> to vector<256x128xf32>
    %add3A_1958 = vector.broadcast %get3A_1954 : vector<1x128xf32> to vector<256x128xf32>
    %add3A_1959 = arith.addf %add3A_1957, %add3A_1958 : vector<256x128xf32>
    %mul3A_1960 = arith.constant 2.000000e+00 : f32
    %mul3A_1961 = vector.broadcast %mul3A_1960 : f32 to vector<256x128xf32>
    %mul3A_1962 = arith.mulf %mul3A_1961, %dot_general3A_1956 : vector<256x128xf32>
    %sub3A_1963 = arith.subf %add3A_1959, %mul3A_1962 : vector<256x128xf32>
    %max3A_1964 = arith.constant 0.000000e+00 : f32
    %max3A_1965 = vector.broadcast %max3A_1964 : f32 to vector<256x128xf32>
    %max3A_1966 = arith.maximumf %sub3A_1963, %max3A_1965 : vector<256x128xf32>
    %bitcast_convert_type3A_1967 = tpu.bitcast %max3A_1966 : vector<256x128xf32> -> vector<256x128xi32>
    %and3A_1968 = arith.constant -64 : i32
    %and3A_1969 = vector.broadcast %and3A_1968 : i32 to vector<256x128xi32>
    %and3A_1970 = arith.andi %bitcast_convert_type3A_1967, %and3A_1969 : vector<256x128xi32>
    %or3A_1971 = arith.constant 54 : i32
    %or3A_1972 = vector.broadcast %or3A_1971 : i32 to vector<256x128xi32>
    %or3A_1973 = arith.ori %and3A_1970, %or3A_1972 : vector<256x128xi32>
    %min3A_1974 = arith.minsi %min3A_1938, %or3A_1973 : vector<256x128xi32>
    %max3A_1975 = arith.maxsi %min3A_1938, %or3A_1973 : vector<256x128xi32>
    %min3A_1976 = arith.minsi %min3A_1940, %max3A_1975 : vector<256x128xi32>
    %max3A_1977 = arith.maxsi %min3A_1940, %max3A_1975 : vector<256x128xi32>
    %min3A_1978 = arith.minsi %min3A_1942, %max3A_1977 : vector<256x128xi32>
    %max3A_1979 = arith.maxsi %min3A_1942, %max3A_1977 : vector<256x128xi32>
    %min3A_1980 = arith.minsi %min3A_1944, %max3A_1979 : vector<256x128xi32>
    %max3A_1981 = arith.maxsi %min3A_1944, %max3A_1979 : vector<256x128xi32>
    %min3A_1982 = arith.minsi %min3A_1946, %max3A_1981 : vector<256x128xi32>
    %max3A_1983 = arith.maxsi %min3A_1946, %max3A_1981 : vector<256x128xi32>
    %min3A_1984 = arith.minsi %min3A_1948, %max3A_1983 : vector<256x128xi32>
    %get3A_1985 = arith.constant 0 : index
    %get3A_1986 = arith.constant 7040 : index
    %get3A_1987 = vector.load %arg2[%get3A_1985, %get3A_1986] : memref<8x8192xf32, #tpu.memory_space<vmem>>, vector<4x128xf32>
    %get3A_1988 = arith.constant 5 : index
    %get3A_1989 = arith.constant 7040 : index
    %get3A_1990 = vector.load %arg2[%get3A_1988, %get3A_1989] : memref<8x8192xf32, #tpu.memory_space<vmem>>, vector<1x128xf32>
    %dot_general3A_1991 = arith.constant dense<0.000000e+00> : vector<256x128xf32>
    %dot_general3A_1992 = tpu.matmul %slice3A, %get3A_1987, %dot_general3A_1991 {dimension_numbers = #tpu.dot_dimension_numbers<[1], [0], [0], [1], [0, 0, 1, 1], [], []>, transpose_lhs_hint = false} : vector<256x4xf32>, vector<4x128xf32>, vector<256x128xf32> -> vector<256x128xf32>
    %add3A_1993 = vector.broadcast %slice3A_2 : vector<256x1xf32> to vector<256x128xf32>
    %add3A_1994 = vector.broadcast %get3A_1990 : vector<1x128xf32> to vector<256x128xf32>
    %add3A_1995 = arith.addf %add3A_1993, %add3A_1994 : vector<256x128xf32>
    %mul3A_1996 = arith.constant 2.000000e+00 : f32
    %mul3A_1997 = vector.broadcast %mul3A_1996 : f32 to vector<256x128xf32>
    %mul3A_1998 = arith.mulf %mul3A_1997, %dot_general3A_1992 : vector<256x128xf32>
    %sub3A_1999 = arith.subf %add3A_1995, %mul3A_1998 : vector<256x128xf32>
    %max3A_2000 = arith.constant 0.000000e+00 : f32
    %max3A_2001 = vector.broadcast %max3A_2000 : f32 to vector<256x128xf32>
    %max3A_2002 = arith.maximumf %sub3A_1999, %max3A_2001 : vector<256x128xf32>
    %bitcast_convert_type3A_2003 = tpu.bitcast %max3A_2002 : vector<256x128xf32> -> vector<256x128xi32>
    %and3A_2004 = arith.constant -64 : i32
    %and3A_2005 = vector.broadcast %and3A_2004 : i32 to vector<256x128xi32>
    %and3A_2006 = arith.andi %bitcast_convert_type3A_2003, %and3A_2005 : vector<256x128xi32>
    %or3A_2007 = arith.constant 55 : i32
    %or3A_2008 = vector.broadcast %or3A_2007 : i32 to vector<256x128xi32>
    %or3A_2009 = arith.ori %and3A_2006, %or3A_2008 : vector<256x128xi32>
    %min3A_2010 = arith.minsi %min3A_1974, %or3A_2009 : vector<256x128xi32>
    %max3A_2011 = arith.maxsi %min3A_1974, %or3A_2009 : vector<256x128xi32>
    %min3A_2012 = arith.minsi %min3A_1976, %max3A_2011 : vector<256x128xi32>
    %max3A_2013 = arith.maxsi %min3A_1976, %max3A_2011 : vector<256x128xi32>
    %min3A_2014 = arith.minsi %min3A_1978, %max3A_2013 : vector<256x128xi32>
    %max3A_2015 = arith.maxsi %min3A_1978, %max3A_2013 : vector<256x128xi32>
    %min3A_2016 = arith.minsi %min3A_1980, %max3A_2015 : vector<256x128xi32>
    %max3A_2017 = arith.maxsi %min3A_1980, %max3A_2015 : vector<256x128xi32>
    %min3A_2018 = arith.minsi %min3A_1982, %max3A_2017 : vector<256x128xi32>
    %max3A_2019 = arith.maxsi %min3A_1982, %max3A_2017 : vector<256x128xi32>
    %min3A_2020 = arith.minsi %min3A_1984, %max3A_2019 : vector<256x128xi32>
    %get3A_2021 = arith.constant 0 : index
    %get3A_2022 = arith.constant 7168 : index
    %get3A_2023 = vector.load %arg2[%get3A_2021, %get3A_2022] : memref<8x8192xf32, #tpu.memory_space<vmem>>, vector<4x128xf32>
    %get3A_2024 = arith.constant 5 : index
    %get3A_2025 = arith.constant 7168 : index
    %get3A_2026 = vector.load %arg2[%get3A_2024, %get3A_2025] : memref<8x8192xf32, #tpu.memory_space<vmem>>, vector<1x128xf32>
    %dot_general3A_2027 = arith.constant dense<0.000000e+00> : vector<256x128xf32>
    %dot_general3A_2028 = tpu.matmul %slice3A, %get3A_2023, %dot_general3A_2027 {dimension_numbers = #tpu.dot_dimension_numbers<[1], [0], [0], [1], [0, 0, 1, 1], [], []>, transpose_lhs_hint = false} : vector<256x4xf32>, vector<4x128xf32>, vector<256x128xf32> -> vector<256x128xf32>
    %add3A_2029 = vector.broadcast %slice3A_2 : vector<256x1xf32> to vector<256x128xf32>
    %add3A_2030 = vector.broadcast %get3A_2026 : vector<1x128xf32> to vector<256x128xf32>
    %add3A_2031 = arith.addf %add3A_2029, %add3A_2030 : vector<256x128xf32>
    %mul3A_2032 = arith.constant 2.000000e+00 : f32
    %mul3A_2033 = vector.broadcast %mul3A_2032 : f32 to vector<256x128xf32>
    %mul3A_2034 = arith.mulf %mul3A_2033, %dot_general3A_2028 : vector<256x128xf32>
    %sub3A_2035 = arith.subf %add3A_2031, %mul3A_2034 : vector<256x128xf32>
    %max3A_2036 = arith.constant 0.000000e+00 : f32
    %max3A_2037 = vector.broadcast %max3A_2036 : f32 to vector<256x128xf32>
    %max3A_2038 = arith.maximumf %sub3A_2035, %max3A_2037 : vector<256x128xf32>
    %bitcast_convert_type3A_2039 = tpu.bitcast %max3A_2038 : vector<256x128xf32> -> vector<256x128xi32>
    %and3A_2040 = arith.constant -64 : i32
    %and3A_2041 = vector.broadcast %and3A_2040 : i32 to vector<256x128xi32>
    %and3A_2042 = arith.andi %bitcast_convert_type3A_2039, %and3A_2041 : vector<256x128xi32>
    %or3A_2043 = arith.constant 56 : i32
    %or3A_2044 = vector.broadcast %or3A_2043 : i32 to vector<256x128xi32>
    %or3A_2045 = arith.ori %and3A_2042, %or3A_2044 : vector<256x128xi32>
    %min3A_2046 = arith.minsi %min3A_2010, %or3A_2045 : vector<256x128xi32>
    %max3A_2047 = arith.maxsi %min3A_2010, %or3A_2045 : vector<256x128xi32>
    %min3A_2048 = arith.minsi %min3A_2012, %max3A_2047 : vector<256x128xi32>
    %max3A_2049 = arith.maxsi %min3A_2012, %max3A_2047 : vector<256x128xi32>
    %min3A_2050 = arith.minsi %min3A_2014, %max3A_2049 : vector<256x128xi32>
    %max3A_2051 = arith.maxsi %min3A_2014, %max3A_2049 : vector<256x128xi32>
    %min3A_2052 = arith.minsi %min3A_2016, %max3A_2051 : vector<256x128xi32>
    %max3A_2053 = arith.maxsi %min3A_2016, %max3A_2051 : vector<256x128xi32>
    %min3A_2054 = arith.minsi %min3A_2018, %max3A_2053 : vector<256x128xi32>
    %max3A_2055 = arith.maxsi %min3A_2018, %max3A_2053 : vector<256x128xi32>
    %min3A_2056 = arith.minsi %min3A_2020, %max3A_2055 : vector<256x128xi32>
    %get3A_2057 = arith.constant 0 : index
    %get3A_2058 = arith.constant 7296 : index
    %get3A_2059 = vector.load %arg2[%get3A_2057, %get3A_2058] : memref<8x8192xf32, #tpu.memory_space<vmem>>, vector<4x128xf32>
    %get3A_2060 = arith.constant 5 : index
    %get3A_2061 = arith.constant 7296 : index
    %get3A_2062 = vector.load %arg2[%get3A_2060, %get3A_2061] : memref<8x8192xf32, #tpu.memory_space<vmem>>, vector<1x128xf32>
    %dot_general3A_2063 = arith.constant dense<0.000000e+00> : vector<256x128xf32>
    %dot_general3A_2064 = tpu.matmul %slice3A, %get3A_2059, %dot_general3A_2063 {dimension_numbers = #tpu.dot_dimension_numbers<[1], [0], [0], [1], [0, 0, 1, 1], [], []>, transpose_lhs_hint = false} : vector<256x4xf32>, vector<4x128xf32>, vector<256x128xf32> -> vector<256x128xf32>
    %add3A_2065 = vector.broadcast %slice3A_2 : vector<256x1xf32> to vector<256x128xf32>
    %add3A_2066 = vector.broadcast %get3A_2062 : vector<1x128xf32> to vector<256x128xf32>
    %add3A_2067 = arith.addf %add3A_2065, %add3A_2066 : vector<256x128xf32>
    %mul3A_2068 = arith.constant 2.000000e+00 : f32
    %mul3A_2069 = vector.broadcast %mul3A_2068 : f32 to vector<256x128xf32>
    %mul3A_2070 = arith.mulf %mul3A_2069, %dot_general3A_2064 : vector<256x128xf32>
    %sub3A_2071 = arith.subf %add3A_2067, %mul3A_2070 : vector<256x128xf32>
    %max3A_2072 = arith.constant 0.000000e+00 : f32
    %max3A_2073 = vector.broadcast %max3A_2072 : f32 to vector<256x128xf32>
    %max3A_2074 = arith.maximumf %sub3A_2071, %max3A_2073 : vector<256x128xf32>
    %bitcast_convert_type3A_2075 = tpu.bitcast %max3A_2074 : vector<256x128xf32> -> vector<256x128xi32>
    %and3A_2076 = arith.constant -64 : i32
    %and3A_2077 = vector.broadcast %and3A_2076 : i32 to vector<256x128xi32>
    %and3A_2078 = arith.andi %bitcast_convert_type3A_2075, %and3A_2077 : vector<256x128xi32>
    %or3A_2079 = arith.constant 57 : i32
    %or3A_2080 = vector.broadcast %or3A_2079 : i32 to vector<256x128xi32>
    %or3A_2081 = arith.ori %and3A_2078, %or3A_2080 : vector<256x128xi32>
    %min3A_2082 = arith.minsi %min3A_2046, %or3A_2081 : vector<256x128xi32>
    %max3A_2083 = arith.maxsi %min3A_2046, %or3A_2081 : vector<256x128xi32>
    %min3A_2084 = arith.minsi %min3A_2048, %max3A_2083 : vector<256x128xi32>
    %max3A_2085 = arith.maxsi %min3A_2048, %max3A_2083 : vector<256x128xi32>
    %min3A_2086 = arith.minsi %min3A_2050, %max3A_2085 : vector<256x128xi32>
    %max3A_2087 = arith.maxsi %min3A_2050, %max3A_2085 : vector<256x128xi32>
    %min3A_2088 = arith.minsi %min3A_2052, %max3A_2087 : vector<256x128xi32>
    %max3A_2089 = arith.maxsi %min3A_2052, %max3A_2087 : vector<256x128xi32>
    %min3A_2090 = arith.minsi %min3A_2054, %max3A_2089 : vector<256x128xi32>
    %max3A_2091 = arith.maxsi %min3A_2054, %max3A_2089 : vector<256x128xi32>
    %min3A_2092 = arith.minsi %min3A_2056, %max3A_2091 : vector<256x128xi32>
    %get3A_2093 = arith.constant 0 : index
    %get3A_2094 = arith.constant 7424 : index
    %get3A_2095 = vector.load %arg2[%get3A_2093, %get3A_2094] : memref<8x8192xf32, #tpu.memory_space<vmem>>, vector<4x128xf32>
    %get3A_2096 = arith.constant 5 : index
    %get3A_2097 = arith.constant 7424 : index
    %get3A_2098 = vector.load %arg2[%get3A_2096, %get3A_2097] : memref<8x8192xf32, #tpu.memory_space<vmem>>, vector<1x128xf32>
    %dot_general3A_2099 = arith.constant dense<0.000000e+00> : vector<256x128xf32>
    %dot_general3A_2100 = tpu.matmul %slice3A, %get3A_2095, %dot_general3A_2099 {dimension_numbers = #tpu.dot_dimension_numbers<[1], [0], [0], [1], [0, 0, 1, 1], [], []>, transpose_lhs_hint = false} : vector<256x4xf32>, vector<4x128xf32>, vector<256x128xf32> -> vector<256x128xf32>
    %add3A_2101 = vector.broadcast %slice3A_2 : vector<256x1xf32> to vector<256x128xf32>
    %add3A_2102 = vector.broadcast %get3A_2098 : vector<1x128xf32> to vector<256x128xf32>
    %add3A_2103 = arith.addf %add3A_2101, %add3A_2102 : vector<256x128xf32>
    %mul3A_2104 = arith.constant 2.000000e+00 : f32
    %mul3A_2105 = vector.broadcast %mul3A_2104 : f32 to vector<256x128xf32>
    %mul3A_2106 = arith.mulf %mul3A_2105, %dot_general3A_2100 : vector<256x128xf32>
    %sub3A_2107 = arith.subf %add3A_2103, %mul3A_2106 : vector<256x128xf32>
    %max3A_2108 = arith.constant 0.000000e+00 : f32
    %max3A_2109 = vector.broadcast %max3A_2108 : f32 to vector<256x128xf32>
    %max3A_2110 = arith.maximumf %sub3A_2107, %max3A_2109 : vector<256x128xf32>
    %bitcast_convert_type3A_2111 = tpu.bitcast %max3A_2110 : vector<256x128xf32> -> vector<256x128xi32>
    %and3A_2112 = arith.constant -64 : i32
    %and3A_2113 = vector.broadcast %and3A_2112 : i32 to vector<256x128xi32>
    %and3A_2114 = arith.andi %bitcast_convert_type3A_2111, %and3A_2113 : vector<256x128xi32>
    %or3A_2115 = arith.constant 58 : i32
    %or3A_2116 = vector.broadcast %or3A_2115 : i32 to vector<256x128xi32>
    %or3A_2117 = arith.ori %and3A_2114, %or3A_2116 : vector<256x128xi32>
    %min3A_2118 = arith.minsi %min3A_2082, %or3A_2117 : vector<256x128xi32>
    %max3A_2119 = arith.maxsi %min3A_2082, %or3A_2117 : vector<256x128xi32>
    %min3A_2120 = arith.minsi %min3A_2084, %max3A_2119 : vector<256x128xi32>
    %max3A_2121 = arith.maxsi %min3A_2084, %max3A_2119 : vector<256x128xi32>
    %min3A_2122 = arith.minsi %min3A_2086, %max3A_2121 : vector<256x128xi32>
    %max3A_2123 = arith.maxsi %min3A_2086, %max3A_2121 : vector<256x128xi32>
    %min3A_2124 = arith.minsi %min3A_2088, %max3A_2123 : vector<256x128xi32>
    %max3A_2125 = arith.maxsi %min3A_2088, %max3A_2123 : vector<256x128xi32>
    %min3A_2126 = arith.minsi %min3A_2090, %max3A_2125 : vector<256x128xi32>
    %max3A_2127 = arith.maxsi %min3A_2090, %max3A_2125 : vector<256x128xi32>
    %min3A_2128 = arith.minsi %min3A_2092, %max3A_2127 : vector<256x128xi32>
    %get3A_2129 = arith.constant 0 : index
    %get3A_2130 = arith.constant 7552 : index
    %get3A_2131 = vector.load %arg2[%get3A_2129, %get3A_2130] : memref<8x8192xf32, #tpu.memory_space<vmem>>, vector<4x128xf32>
    %get3A_2132 = arith.constant 5 : index
    %get3A_2133 = arith.constant 7552 : index
    %get3A_2134 = vector.load %arg2[%get3A_2132, %get3A_2133] : memref<8x8192xf32, #tpu.memory_space<vmem>>, vector<1x128xf32>
    %dot_general3A_2135 = arith.constant dense<0.000000e+00> : vector<256x128xf32>
    %dot_general3A_2136 = tpu.matmul %slice3A, %get3A_2131, %dot_general3A_2135 {dimension_numbers = #tpu.dot_dimension_numbers<[1], [0], [0], [1], [0, 0, 1, 1], [], []>, transpose_lhs_hint = false} : vector<256x4xf32>, vector<4x128xf32>, vector<256x128xf32> -> vector<256x128xf32>
    %add3A_2137 = vector.broadcast %slice3A_2 : vector<256x1xf32> to vector<256x128xf32>
    %add3A_2138 = vector.broadcast %get3A_2134 : vector<1x128xf32> to vector<256x128xf32>
    %add3A_2139 = arith.addf %add3A_2137, %add3A_2138 : vector<256x128xf32>
    %mul3A_2140 = arith.constant 2.000000e+00 : f32
    %mul3A_2141 = vector.broadcast %mul3A_2140 : f32 to vector<256x128xf32>
    %mul3A_2142 = arith.mulf %mul3A_2141, %dot_general3A_2136 : vector<256x128xf32>
    %sub3A_2143 = arith.subf %add3A_2139, %mul3A_2142 : vector<256x128xf32>
    %max3A_2144 = arith.constant 0.000000e+00 : f32
    %max3A_2145 = vector.broadcast %max3A_2144 : f32 to vector<256x128xf32>
    %max3A_2146 = arith.maximumf %sub3A_2143, %max3A_2145 : vector<256x128xf32>
    %bitcast_convert_type3A_2147 = tpu.bitcast %max3A_2146 : vector<256x128xf32> -> vector<256x128xi32>
    %and3A_2148 = arith.constant -64 : i32
    %and3A_2149 = vector.broadcast %and3A_2148 : i32 to vector<256x128xi32>
    %and3A_2150 = arith.andi %bitcast_convert_type3A_2147, %and3A_2149 : vector<256x128xi32>
    %or3A_2151 = arith.constant 59 : i32
    %or3A_2152 = vector.broadcast %or3A_2151 : i32 to vector<256x128xi32>
    %or3A_2153 = arith.ori %and3A_2150, %or3A_2152 : vector<256x128xi32>
    %min3A_2154 = arith.minsi %min3A_2118, %or3A_2153 : vector<256x128xi32>
    %max3A_2155 = arith.maxsi %min3A_2118, %or3A_2153 : vector<256x128xi32>
    %min3A_2156 = arith.minsi %min3A_2120, %max3A_2155 : vector<256x128xi32>
    %max3A_2157 = arith.maxsi %min3A_2120, %max3A_2155 : vector<256x128xi32>
    %min3A_2158 = arith.minsi %min3A_2122, %max3A_2157 : vector<256x128xi32>
    %max3A_2159 = arith.maxsi %min3A_2122, %max3A_2157 : vector<256x128xi32>
    %min3A_2160 = arith.minsi %min3A_2124, %max3A_2159 : vector<256x128xi32>
    %max3A_2161 = arith.maxsi %min3A_2124, %max3A_2159 : vector<256x128xi32>
    %min3A_2162 = arith.minsi %min3A_2126, %max3A_2161 : vector<256x128xi32>
    %max3A_2163 = arith.maxsi %min3A_2126, %max3A_2161 : vector<256x128xi32>
    %min3A_2164 = arith.minsi %min3A_2128, %max3A_2163 : vector<256x128xi32>
    %get3A_2165 = arith.constant 0 : index
    %get3A_2166 = arith.constant 7680 : index
    %get3A_2167 = vector.load %arg2[%get3A_2165, %get3A_2166] : memref<8x8192xf32, #tpu.memory_space<vmem>>, vector<4x128xf32>
    %get3A_2168 = arith.constant 5 : index
    %get3A_2169 = arith.constant 7680 : index
    %get3A_2170 = vector.load %arg2[%get3A_2168, %get3A_2169] : memref<8x8192xf32, #tpu.memory_space<vmem>>, vector<1x128xf32>
    %dot_general3A_2171 = arith.constant dense<0.000000e+00> : vector<256x128xf32>
    %dot_general3A_2172 = tpu.matmul %slice3A, %get3A_2167, %dot_general3A_2171 {dimension_numbers = #tpu.dot_dimension_numbers<[1], [0], [0], [1], [0, 0, 1, 1], [], []>, transpose_lhs_hint = false} : vector<256x4xf32>, vector<4x128xf32>, vector<256x128xf32> -> vector<256x128xf32>
    %add3A_2173 = vector.broadcast %slice3A_2 : vector<256x1xf32> to vector<256x128xf32>
    %add3A_2174 = vector.broadcast %get3A_2170 : vector<1x128xf32> to vector<256x128xf32>
    %add3A_2175 = arith.addf %add3A_2173, %add3A_2174 : vector<256x128xf32>
    %mul3A_2176 = arith.constant 2.000000e+00 : f32
    %mul3A_2177 = vector.broadcast %mul3A_2176 : f32 to vector<256x128xf32>
    %mul3A_2178 = arith.mulf %mul3A_2177, %dot_general3A_2172 : vector<256x128xf32>
    %sub3A_2179 = arith.subf %add3A_2175, %mul3A_2178 : vector<256x128xf32>
    %max3A_2180 = arith.constant 0.000000e+00 : f32
    %max3A_2181 = vector.broadcast %max3A_2180 : f32 to vector<256x128xf32>
    %max3A_2182 = arith.maximumf %sub3A_2179, %max3A_2181 : vector<256x128xf32>
    %bitcast_convert_type3A_2183 = tpu.bitcast %max3A_2182 : vector<256x128xf32> -> vector<256x128xi32>
    %and3A_2184 = arith.constant -64 : i32
    %and3A_2185 = vector.broadcast %and3A_2184 : i32 to vector<256x128xi32>
    %and3A_2186 = arith.andi %bitcast_convert_type3A_2183, %and3A_2185 : vector<256x128xi32>
    %or3A_2187 = arith.constant 60 : i32
    %or3A_2188 = vector.broadcast %or3A_2187 : i32 to vector<256x128xi32>
    %or3A_2189 = arith.ori %and3A_2186, %or3A_2188 : vector<256x128xi32>
    %min3A_2190 = arith.minsi %min3A_2154, %or3A_2189 : vector<256x128xi32>
    %max3A_2191 = arith.maxsi %min3A_2154, %or3A_2189 : vector<256x128xi32>
    %min3A_2192 = arith.minsi %min3A_2156, %max3A_2191 : vector<256x128xi32>
    %max3A_2193 = arith.maxsi %min3A_2156, %max3A_2191 : vector<256x128xi32>
    %min3A_2194 = arith.minsi %min3A_2158, %max3A_2193 : vector<256x128xi32>
    %max3A_2195 = arith.maxsi %min3A_2158, %max3A_2193 : vector<256x128xi32>
    %min3A_2196 = arith.minsi %min3A_2160, %max3A_2195 : vector<256x128xi32>
    %max3A_2197 = arith.maxsi %min3A_2160, %max3A_2195 : vector<256x128xi32>
    %min3A_2198 = arith.minsi %min3A_2162, %max3A_2197 : vector<256x128xi32>
    %max3A_2199 = arith.maxsi %min3A_2162, %max3A_2197 : vector<256x128xi32>
    %min3A_2200 = arith.minsi %min3A_2164, %max3A_2199 : vector<256x128xi32>
    %get3A_2201 = arith.constant 0 : index
    %get3A_2202 = arith.constant 7808 : index
    %get3A_2203 = vector.load %arg2[%get3A_2201, %get3A_2202] : memref<8x8192xf32, #tpu.memory_space<vmem>>, vector<4x128xf32>
    %get3A_2204 = arith.constant 5 : index
    %get3A_2205 = arith.constant 7808 : index
    %get3A_2206 = vector.load %arg2[%get3A_2204, %get3A_2205] : memref<8x8192xf32, #tpu.memory_space<vmem>>, vector<1x128xf32>
    %dot_general3A_2207 = arith.constant dense<0.000000e+00> : vector<256x128xf32>
    %dot_general3A_2208 = tpu.matmul %slice3A, %get3A_2203, %dot_general3A_2207 {dimension_numbers = #tpu.dot_dimension_numbers<[1], [0], [0], [1], [0, 0, 1, 1], [], []>, transpose_lhs_hint = false} : vector<256x4xf32>, vector<4x128xf32>, vector<256x128xf32> -> vector<256x128xf32>
    %add3A_2209 = vector.broadcast %slice3A_2 : vector<256x1xf32> to vector<256x128xf32>
    %add3A_2210 = vector.broadcast %get3A_2206 : vector<1x128xf32> to vector<256x128xf32>
    %add3A_2211 = arith.addf %add3A_2209, %add3A_2210 : vector<256x128xf32>
    %mul3A_2212 = arith.constant 2.000000e+00 : f32
    %mul3A_2213 = vector.broadcast %mul3A_2212 : f32 to vector<256x128xf32>
    %mul3A_2214 = arith.mulf %mul3A_2213, %dot_general3A_2208 : vector<256x128xf32>
    %sub3A_2215 = arith.subf %add3A_2211, %mul3A_2214 : vector<256x128xf32>
    %max3A_2216 = arith.constant 0.000000e+00 : f32
    %max3A_2217 = vector.broadcast %max3A_2216 : f32 to vector<256x128xf32>
    %max3A_2218 = arith.maximumf %sub3A_2215, %max3A_2217 : vector<256x128xf32>
    %bitcast_convert_type3A_2219 = tpu.bitcast %max3A_2218 : vector<256x128xf32> -> vector<256x128xi32>
    %and3A_2220 = arith.constant -64 : i32
    %and3A_2221 = vector.broadcast %and3A_2220 : i32 to vector<256x128xi32>
    %and3A_2222 = arith.andi %bitcast_convert_type3A_2219, %and3A_2221 : vector<256x128xi32>
    %or3A_2223 = arith.constant 61 : i32
    %or3A_2224 = vector.broadcast %or3A_2223 : i32 to vector<256x128xi32>
    %or3A_2225 = arith.ori %and3A_2222, %or3A_2224 : vector<256x128xi32>
    %min3A_2226 = arith.minsi %min3A_2190, %or3A_2225 : vector<256x128xi32>
    %max3A_2227 = arith.maxsi %min3A_2190, %or3A_2225 : vector<256x128xi32>
    %min3A_2228 = arith.minsi %min3A_2192, %max3A_2227 : vector<256x128xi32>
    %max3A_2229 = arith.maxsi %min3A_2192, %max3A_2227 : vector<256x128xi32>
    %min3A_2230 = arith.minsi %min3A_2194, %max3A_2229 : vector<256x128xi32>
    %max3A_2231 = arith.maxsi %min3A_2194, %max3A_2229 : vector<256x128xi32>
    %min3A_2232 = arith.minsi %min3A_2196, %max3A_2231 : vector<256x128xi32>
    %max3A_2233 = arith.maxsi %min3A_2196, %max3A_2231 : vector<256x128xi32>
    %min3A_2234 = arith.minsi %min3A_2198, %max3A_2233 : vector<256x128xi32>
    %max3A_2235 = arith.maxsi %min3A_2198, %max3A_2233 : vector<256x128xi32>
    %min3A_2236 = arith.minsi %min3A_2200, %max3A_2235 : vector<256x128xi32>
    %get3A_2237 = arith.constant 0 : index
    %get3A_2238 = arith.constant 7936 : index
    %get3A_2239 = vector.load %arg2[%get3A_2237, %get3A_2238] : memref<8x8192xf32, #tpu.memory_space<vmem>>, vector<4x128xf32>
    %get3A_2240 = arith.constant 5 : index
    %get3A_2241 = arith.constant 7936 : index
    %get3A_2242 = vector.load %arg2[%get3A_2240, %get3A_2241] : memref<8x8192xf32, #tpu.memory_space<vmem>>, vector<1x128xf32>
    %dot_general3A_2243 = arith.constant dense<0.000000e+00> : vector<256x128xf32>
    %dot_general3A_2244 = tpu.matmul %slice3A, %get3A_2239, %dot_general3A_2243 {dimension_numbers = #tpu.dot_dimension_numbers<[1], [0], [0], [1], [0, 0, 1, 1], [], []>, transpose_lhs_hint = false} : vector<256x4xf32>, vector<4x128xf32>, vector<256x128xf32> -> vector<256x128xf32>
    %add3A_2245 = vector.broadcast %slice3A_2 : vector<256x1xf32> to vector<256x128xf32>
    %add3A_2246 = vector.broadcast %get3A_2242 : vector<1x128xf32> to vector<256x128xf32>
    %add3A_2247 = arith.addf %add3A_2245, %add3A_2246 : vector<256x128xf32>
    %mul3A_2248 = arith.constant 2.000000e+00 : f32
    %mul3A_2249 = vector.broadcast %mul3A_2248 : f32 to vector<256x128xf32>
    %mul3A_2250 = arith.mulf %mul3A_2249, %dot_general3A_2244 : vector<256x128xf32>
    %sub3A_2251 = arith.subf %add3A_2247, %mul3A_2250 : vector<256x128xf32>
    %max3A_2252 = arith.constant 0.000000e+00 : f32
    %max3A_2253 = vector.broadcast %max3A_2252 : f32 to vector<256x128xf32>
    %max3A_2254 = arith.maximumf %sub3A_2251, %max3A_2253 : vector<256x128xf32>
    %bitcast_convert_type3A_2255 = tpu.bitcast %max3A_2254 : vector<256x128xf32> -> vector<256x128xi32>
    %and3A_2256 = arith.constant -64 : i32
    %and3A_2257 = vector.broadcast %and3A_2256 : i32 to vector<256x128xi32>
    %and3A_2258 = arith.andi %bitcast_convert_type3A_2255, %and3A_2257 : vector<256x128xi32>
    %or3A_2259 = arith.constant 62 : i32
    %or3A_2260 = vector.broadcast %or3A_2259 : i32 to vector<256x128xi32>
    %or3A_2261 = arith.ori %and3A_2258, %or3A_2260 : vector<256x128xi32>
    %min3A_2262 = arith.minsi %min3A_2226, %or3A_2261 : vector<256x128xi32>
    %max3A_2263 = arith.maxsi %min3A_2226, %or3A_2261 : vector<256x128xi32>
    %min3A_2264 = arith.minsi %min3A_2228, %max3A_2263 : vector<256x128xi32>
    %max3A_2265 = arith.maxsi %min3A_2228, %max3A_2263 : vector<256x128xi32>
    %min3A_2266 = arith.minsi %min3A_2230, %max3A_2265 : vector<256x128xi32>
    %max3A_2267 = arith.maxsi %min3A_2230, %max3A_2265 : vector<256x128xi32>
    %min3A_2268 = arith.minsi %min3A_2232, %max3A_2267 : vector<256x128xi32>
    %max3A_2269 = arith.maxsi %min3A_2232, %max3A_2267 : vector<256x128xi32>
    %min3A_2270 = arith.minsi %min3A_2234, %max3A_2269 : vector<256x128xi32>
    %max3A_2271 = arith.maxsi %min3A_2234, %max3A_2269 : vector<256x128xi32>
    %min3A_2272 = arith.minsi %min3A_2236, %max3A_2271 : vector<256x128xi32>
    %get3A_2273 = arith.constant 0 : index
    %get3A_2274 = arith.constant 8064 : index
    %get3A_2275 = vector.load %arg2[%get3A_2273, %get3A_2274] : memref<8x8192xf32, #tpu.memory_space<vmem>>, vector<4x128xf32>
    %get3A_2276 = arith.constant 5 : index
    %get3A_2277 = arith.constant 8064 : index
    %get3A_2278 = vector.load %arg2[%get3A_2276, %get3A_2277] : memref<8x8192xf32, #tpu.memory_space<vmem>>, vector<1x128xf32>
    %dot_general3A_2279 = arith.constant dense<0.000000e+00> : vector<256x128xf32>
    %dot_general3A_2280 = tpu.matmul %slice3A, %get3A_2275, %dot_general3A_2279 {dimension_numbers = #tpu.dot_dimension_numbers<[1], [0], [0], [1], [0, 0, 1, 1], [], []>, transpose_lhs_hint = false} : vector<256x4xf32>, vector<4x128xf32>, vector<256x128xf32> -> vector<256x128xf32>
    %add3A_2281 = vector.broadcast %slice3A_2 : vector<256x1xf32> to vector<256x128xf32>
    %add3A_2282 = vector.broadcast %get3A_2278 : vector<1x128xf32> to vector<256x128xf32>
    %add3A_2283 = arith.addf %add3A_2281, %add3A_2282 : vector<256x128xf32>
    %mul3A_2284 = arith.constant 2.000000e+00 : f32
    %mul3A_2285 = vector.broadcast %mul3A_2284 : f32 to vector<256x128xf32>
    %mul3A_2286 = arith.mulf %mul3A_2285, %dot_general3A_2280 : vector<256x128xf32>
    %sub3A_2287 = arith.subf %add3A_2283, %mul3A_2286 : vector<256x128xf32>
    %max3A_2288 = arith.constant 0.000000e+00 : f32
    %max3A_2289 = vector.broadcast %max3A_2288 : f32 to vector<256x128xf32>
    %max3A_2290 = arith.maximumf %sub3A_2287, %max3A_2289 : vector<256x128xf32>
    %bitcast_convert_type3A_2291 = tpu.bitcast %max3A_2290 : vector<256x128xf32> -> vector<256x128xi32>
    %and3A_2292 = arith.constant -64 : i32
    %and3A_2293 = vector.broadcast %and3A_2292 : i32 to vector<256x128xi32>
    %and3A_2294 = arith.andi %bitcast_convert_type3A_2291, %and3A_2293 : vector<256x128xi32>
    %or3A_2295 = arith.constant 63 : i32
    %or3A_2296 = vector.broadcast %or3A_2295 : i32 to vector<256x128xi32>
    %or3A_2297 = arith.ori %and3A_2294, %or3A_2296 : vector<256x128xi32>
    %min3A_2298 = arith.minsi %min3A_2262, %or3A_2297 : vector<256x128xi32>
    %max3A_2299 = arith.maxsi %min3A_2262, %or3A_2297 : vector<256x128xi32>
    %min3A_2300 = arith.minsi %min3A_2264, %max3A_2299 : vector<256x128xi32>
    %max3A_2301 = arith.maxsi %min3A_2264, %max3A_2299 : vector<256x128xi32>
    %min3A_2302 = arith.minsi %min3A_2266, %max3A_2301 : vector<256x128xi32>
    %max3A_2303 = arith.maxsi %min3A_2266, %max3A_2301 : vector<256x128xi32>
    %min3A_2304 = arith.minsi %min3A_2268, %max3A_2303 : vector<256x128xi32>
    %max3A_2305 = arith.maxsi %min3A_2268, %max3A_2303 : vector<256x128xi32>
    %min3A_2306 = arith.minsi %min3A_2270, %max3A_2305 : vector<256x128xi32>
    %max3A_2307 = arith.maxsi %min3A_2270, %max3A_2305 : vector<256x128xi32>
    %min3A_2308 = arith.minsi %min3A_2272, %max3A_2307 : vector<256x128xi32>
    %reduce_min3A = arith.constant dense<2147483647> : vector<256xi32>
    %reduce_min3A_2309 = vector.multi_reduction <minsi>, %min3A_2298, %reduce_min3A [1] : vector<256x128xi32> to vector<256xi32>
    %broadcast_in_dim3A_2310 = vector.shape_cast %reduce_min3A_2309 : vector<256xi32> to vector<256x1xi32>
    %eq3A = vector.broadcast %broadcast_in_dim3A_2310 : vector<256x1xi32> to vector<256x128xi32>
    %eq3A_2311 = arith.cmpi eq, %min3A_2298, %eq3A : vector<256x128xi32>
    %jit3A = arith.constant 8192 : i32
    %broadcast_in_dim3A_2312 = vector.broadcast %jit3A : i32 to vector<256x128xi32>
    %select_n3A = arith.select %eq3A_2311, %iota3A, %broadcast_in_dim3A_2312 : vector<256x128xi1>, vector<256x128xi32>
    %reduce_min3A_2313 = arith.constant dense<2147483647> : vector<256xi32>
    %reduce_min3A_2314 = vector.multi_reduction <minsi>, %select_n3A, %reduce_min3A_2313 [1] : vector<256x128xi32> to vector<256xi32>
    %broadcast_in_dim3A_2315 = vector.shape_cast %reduce_min3A_2314 : vector<256xi32> to vector<256x1xi32>
    %eq3A_2316 = vector.broadcast %broadcast_in_dim3A_2315 : vector<256x1xi32> to vector<256x128xi32>
    %eq3A_2317 = arith.cmpi eq, %iota3A, %eq3A_2316 : vector<256x128xi32>
    %and3A_2318 = arith.andi %eq3A_2311, %eq3A_2317 : vector<256x128xi1>
    %and3A_2319 = arith.constant 63 : i32
    %and3A_2320 = vector.broadcast %and3A_2319 : i32 to vector<256x1xi32>
    %and3A_2321 = arith.andi %broadcast_in_dim3A_2310, %and3A_2320 : vector<256x1xi32>
    %mul3A_2322 = arith.constant 128 : i32
    %mul3A_2323 = vector.broadcast %mul3A_2322 : i32 to vector<256x1xi32>
    %mul3A_2324 = arith.muli %and3A_2321, %mul3A_2323 : vector<256x1xi32>
    %add3A_2325 = arith.addi %mul3A_2324, %broadcast_in_dim3A_2315 : vector<256x1xi32>
    %select_n3A_2326 = arith.select %and3A_2318, %min3A_2300, %min3A_2298 : vector<256x128xi1>, vector<256x128xi32>
    %select_n3A_2327 = arith.select %and3A_2318, %min3A_2302, %min3A_2300 : vector<256x128xi1>, vector<256x128xi32>
    %select_n3A_2328 = arith.select %and3A_2318, %min3A_2304, %min3A_2302 : vector<256x128xi1>, vector<256x128xi32>
    %select_n3A_2329 = arith.select %and3A_2318, %min3A_2306, %min3A_2304 : vector<256x128xi1>, vector<256x128xi32>
    %select_n3A_2330 = arith.select %and3A_2318, %min3A_2308, %min3A_2306 : vector<256x128xi1>, vector<256x128xi32>
    %jit3A_2331 = arith.constant 2147483647 : i32
    %broadcast_in_dim3A_2332 = vector.broadcast %jit3A_2331 : i32 to vector<256x128xi32>
    %select_n3A_2333 = arith.select %and3A_2318, %broadcast_in_dim3A_2332, %min3A_2308 : vector<256x128xi1>, vector<256x128xi32>
    %reduce_min3A_2334 = arith.constant dense<2147483647> : vector<256xi32>
    %reduce_min3A_2335 = vector.multi_reduction <minsi>, %select_n3A_2326, %reduce_min3A_2334 [1] : vector<256x128xi32> to vector<256xi32>
    %broadcast_in_dim3A_2336 = vector.shape_cast %reduce_min3A_2335 : vector<256xi32> to vector<256x1xi32>
    %eq3A_2337 = vector.broadcast %broadcast_in_dim3A_2336 : vector<256x1xi32> to vector<256x128xi32>
    %eq3A_2338 = arith.cmpi eq, %select_n3A_2326, %eq3A_2337 : vector<256x128xi32>
    %jit3A_2339 = arith.constant 8192 : i32
    %broadcast_in_dim3A_2340 = vector.broadcast %jit3A_2339 : i32 to vector<256x128xi32>
    %select_n3A_2341 = arith.select %eq3A_2338, %iota3A, %broadcast_in_dim3A_2340 : vector<256x128xi1>, vector<256x128xi32>
    %reduce_min3A_2342 = arith.constant dense<2147483647> : vector<256xi32>
    %reduce_min3A_2343 = vector.multi_reduction <minsi>, %select_n3A_2341, %reduce_min3A_2342 [1] : vector<256x128xi32> to vector<256xi32>
    %broadcast_in_dim3A_2344 = vector.shape_cast %reduce_min3A_2343 : vector<256xi32> to vector<256x1xi32>
    %eq3A_2345 = vector.broadcast %broadcast_in_dim3A_2344 : vector<256x1xi32> to vector<256x128xi32>
    %eq3A_2346 = arith.cmpi eq, %iota3A, %eq3A_2345 : vector<256x128xi32>
    %and3A_2347 = arith.andi %eq3A_2338, %eq3A_2346 : vector<256x128xi1>
    %and3A_2348 = arith.constant 63 : i32
    %and3A_2349 = vector.broadcast %and3A_2348 : i32 to vector<256x1xi32>
    %and3A_2350 = arith.andi %broadcast_in_dim3A_2336, %and3A_2349 : vector<256x1xi32>
    %mul3A_2351 = arith.constant 128 : i32
    %mul3A_2352 = vector.broadcast %mul3A_2351 : i32 to vector<256x1xi32>
    %mul3A_2353 = arith.muli %and3A_2350, %mul3A_2352 : vector<256x1xi32>
    %add3A_2354 = arith.addi %mul3A_2353, %broadcast_in_dim3A_2344 : vector<256x1xi32>
    %select_n3A_2355 = arith.select %and3A_2347, %select_n3A_2327, %select_n3A_2326 : vector<256x128xi1>, vector<256x128xi32>
    %select_n3A_2356 = arith.select %and3A_2347, %select_n3A_2328, %select_n3A_2327 : vector<256x128xi1>, vector<256x128xi32>
    %select_n3A_2357 = arith.select %and3A_2347, %select_n3A_2329, %select_n3A_2328 : vector<256x128xi1>, vector<256x128xi32>
    %select_n3A_2358 = arith.select %and3A_2347, %select_n3A_2330, %select_n3A_2329 : vector<256x128xi1>, vector<256x128xi32>
    %select_n3A_2359 = arith.select %and3A_2347, %select_n3A_2333, %select_n3A_2330 : vector<256x128xi1>, vector<256x128xi32>
    %jit3A_2360 = arith.constant 2147483647 : i32
    %broadcast_in_dim3A_2361 = vector.broadcast %jit3A_2360 : i32 to vector<256x128xi32>
    %select_n3A_2362 = arith.select %and3A_2347, %broadcast_in_dim3A_2361, %select_n3A_2333 : vector<256x128xi1>, vector<256x128xi32>
    %reduce_min3A_2363 = arith.constant dense<2147483647> : vector<256xi32>
    %reduce_min3A_2364 = vector.multi_reduction <minsi>, %select_n3A_2355, %reduce_min3A_2363 [1] : vector<256x128xi32> to vector<256xi32>
    %broadcast_in_dim3A_2365 = vector.shape_cast %reduce_min3A_2364 : vector<256xi32> to vector<256x1xi32>
    %eq3A_2366 = vector.broadcast %broadcast_in_dim3A_2365 : vector<256x1xi32> to vector<256x128xi32>
    %eq3A_2367 = arith.cmpi eq, %select_n3A_2355, %eq3A_2366 : vector<256x128xi32>
    %jit3A_2368 = arith.constant 8192 : i32
    %broadcast_in_dim3A_2369 = vector.broadcast %jit3A_2368 : i32 to vector<256x128xi32>
    %select_n3A_2370 = arith.select %eq3A_2367, %iota3A, %broadcast_in_dim3A_2369 : vector<256x128xi1>, vector<256x128xi32>
    %reduce_min3A_2371 = arith.constant dense<2147483647> : vector<256xi32>
    %reduce_min3A_2372 = vector.multi_reduction <minsi>, %select_n3A_2370, %reduce_min3A_2371 [1] : vector<256x128xi32> to vector<256xi32>
    %broadcast_in_dim3A_2373 = vector.shape_cast %reduce_min3A_2372 : vector<256xi32> to vector<256x1xi32>
    %eq3A_2374 = vector.broadcast %broadcast_in_dim3A_2373 : vector<256x1xi32> to vector<256x128xi32>
    %eq3A_2375 = arith.cmpi eq, %iota3A, %eq3A_2374 : vector<256x128xi32>
    %and3A_2376 = arith.andi %eq3A_2367, %eq3A_2375 : vector<256x128xi1>
    %and3A_2377 = arith.constant 63 : i32
    %and3A_2378 = vector.broadcast %and3A_2377 : i32 to vector<256x1xi32>
    %and3A_2379 = arith.andi %broadcast_in_dim3A_2365, %and3A_2378 : vector<256x1xi32>
    %mul3A_2380 = arith.constant 128 : i32
    %mul3A_2381 = vector.broadcast %mul3A_2380 : i32 to vector<256x1xi32>
    %mul3A_2382 = arith.muli %and3A_2379, %mul3A_2381 : vector<256x1xi32>
    %add3A_2383 = arith.addi %mul3A_2382, %broadcast_in_dim3A_2373 : vector<256x1xi32>
    %select_n3A_2384 = arith.select %and3A_2376, %select_n3A_2356, %select_n3A_2355 : vector<256x128xi1>, vector<256x128xi32>
    %select_n3A_2385 = arith.select %and3A_2376, %select_n3A_2357, %select_n3A_2356 : vector<256x128xi1>, vector<256x128xi32>
    %select_n3A_2386 = arith.select %and3A_2376, %select_n3A_2358, %select_n3A_2357 : vector<256x128xi1>, vector<256x128xi32>
    %select_n3A_2387 = arith.select %and3A_2376, %select_n3A_2359, %select_n3A_2358 : vector<256x128xi1>, vector<256x128xi32>
    %select_n3A_2388 = arith.select %and3A_2376, %select_n3A_2362, %select_n3A_2359 : vector<256x128xi1>, vector<256x128xi32>
    %jit3A_2389 = arith.constant 2147483647 : i32
    %broadcast_in_dim3A_2390 = vector.broadcast %jit3A_2389 : i32 to vector<256x128xi32>
    %select_n3A_2391 = arith.select %and3A_2376, %broadcast_in_dim3A_2390, %select_n3A_2362 : vector<256x128xi1>, vector<256x128xi32>
    %reduce_min3A_2392 = arith.constant dense<2147483647> : vector<256xi32>
    %reduce_min3A_2393 = vector.multi_reduction <minsi>, %select_n3A_2384, %reduce_min3A_2392 [1] : vector<256x128xi32> to vector<256xi32>
    %broadcast_in_dim3A_2394 = vector.shape_cast %reduce_min3A_2393 : vector<256xi32> to vector<256x1xi32>
    %eq3A_2395 = vector.broadcast %broadcast_in_dim3A_2394 : vector<256x1xi32> to vector<256x128xi32>
    %eq3A_2396 = arith.cmpi eq, %select_n3A_2384, %eq3A_2395 : vector<256x128xi32>
    %jit3A_2397 = arith.constant 8192 : i32
    %broadcast_in_dim3A_2398 = vector.broadcast %jit3A_2397 : i32 to vector<256x128xi32>
    %select_n3A_2399 = arith.select %eq3A_2396, %iota3A, %broadcast_in_dim3A_2398 : vector<256x128xi1>, vector<256x128xi32>
    %reduce_min3A_2400 = arith.constant dense<2147483647> : vector<256xi32>
    %reduce_min3A_2401 = vector.multi_reduction <minsi>, %select_n3A_2399, %reduce_min3A_2400 [1] : vector<256x128xi32> to vector<256xi32>
    %broadcast_in_dim3A_2402 = vector.shape_cast %reduce_min3A_2401 : vector<256xi32> to vector<256x1xi32>
    %eq3A_2403 = vector.broadcast %broadcast_in_dim3A_2402 : vector<256x1xi32> to vector<256x128xi32>
    %eq3A_2404 = arith.cmpi eq, %iota3A, %eq3A_2403 : vector<256x128xi32>
    %and3A_2405 = arith.andi %eq3A_2396, %eq3A_2404 : vector<256x128xi1>
    %and3A_2406 = arith.constant 63 : i32
    %and3A_2407 = vector.broadcast %and3A_2406 : i32 to vector<256x1xi32>
    %and3A_2408 = arith.andi %broadcast_in_dim3A_2394, %and3A_2407 : vector<256x1xi32>
    %mul3A_2409 = arith.constant 128 : i32
    %mul3A_2410 = vector.broadcast %mul3A_2409 : i32 to vector<256x1xi32>
    %mul3A_2411 = arith.muli %and3A_2408, %mul3A_2410 : vector<256x1xi32>
    %add3A_2412 = arith.addi %mul3A_2411, %broadcast_in_dim3A_2402 : vector<256x1xi32>
    %select_n3A_2413 = arith.select %and3A_2405, %select_n3A_2385, %select_n3A_2384 : vector<256x128xi1>, vector<256x128xi32>
    %select_n3A_2414 = arith.select %and3A_2405, %select_n3A_2386, %select_n3A_2385 : vector<256x128xi1>, vector<256x128xi32>
    %select_n3A_2415 = arith.select %and3A_2405, %select_n3A_2387, %select_n3A_2386 : vector<256x128xi1>, vector<256x128xi32>
    %select_n3A_2416 = arith.select %and3A_2405, %select_n3A_2388, %select_n3A_2387 : vector<256x128xi1>, vector<256x128xi32>
    %select_n3A_2417 = arith.select %and3A_2405, %select_n3A_2391, %select_n3A_2388 : vector<256x128xi1>, vector<256x128xi32>
    %jit3A_2418 = arith.constant 2147483647 : i32
    %broadcast_in_dim3A_2419 = vector.broadcast %jit3A_2418 : i32 to vector<256x128xi32>
    %select_n3A_2420 = arith.select %and3A_2405, %broadcast_in_dim3A_2419, %select_n3A_2391 : vector<256x128xi1>, vector<256x128xi32>
    %reduce_min3A_2421 = arith.constant dense<2147483647> : vector<256xi32>
    %reduce_min3A_2422 = vector.multi_reduction <minsi>, %select_n3A_2413, %reduce_min3A_2421 [1] : vector<256x128xi32> to vector<256xi32>
    %broadcast_in_dim3A_2423 = vector.shape_cast %reduce_min3A_2422 : vector<256xi32> to vector<256x1xi32>
    %eq3A_2424 = vector.broadcast %broadcast_in_dim3A_2423 : vector<256x1xi32> to vector<256x128xi32>
    %eq3A_2425 = arith.cmpi eq, %select_n3A_2413, %eq3A_2424 : vector<256x128xi32>
    %jit3A_2426 = arith.constant 8192 : i32
    %broadcast_in_dim3A_2427 = vector.broadcast %jit3A_2426 : i32 to vector<256x128xi32>
    %select_n3A_2428 = arith.select %eq3A_2425, %iota3A, %broadcast_in_dim3A_2427 : vector<256x128xi1>, vector<256x128xi32>
    %reduce_min3A_2429 = arith.constant dense<2147483647> : vector<256xi32>
    %reduce_min3A_2430 = vector.multi_reduction <minsi>, %select_n3A_2428, %reduce_min3A_2429 [1] : vector<256x128xi32> to vector<256xi32>
    %broadcast_in_dim3A_2431 = vector.shape_cast %reduce_min3A_2430 : vector<256xi32> to vector<256x1xi32>
    %eq3A_2432 = vector.broadcast %broadcast_in_dim3A_2431 : vector<256x1xi32> to vector<256x128xi32>
    %eq3A_2433 = arith.cmpi eq, %iota3A, %eq3A_2432 : vector<256x128xi32>
    %and3A_2434 = arith.andi %eq3A_2425, %eq3A_2433 : vector<256x128xi1>
    %and3A_2435 = arith.constant 63 : i32
    %and3A_2436 = vector.broadcast %and3A_2435 : i32 to vector<256x1xi32>
    %and3A_2437 = arith.andi %broadcast_in_dim3A_2423, %and3A_2436 : vector<256x1xi32>
    %mul3A_2438 = arith.constant 128 : i32
    %mul3A_2439 = vector.broadcast %mul3A_2438 : i32 to vector<256x1xi32>
    %mul3A_2440 = arith.muli %and3A_2437, %mul3A_2439 : vector<256x1xi32>
    %add3A_2441 = arith.addi %mul3A_2440, %broadcast_in_dim3A_2431 : vector<256x1xi32>
    %select_n3A_2442 = arith.select %and3A_2434, %select_n3A_2414, %select_n3A_2413 : vector<256x128xi1>, vector<256x128xi32>
    %select_n3A_2443 = arith.select %and3A_2434, %select_n3A_2415, %select_n3A_2414 : vector<256x128xi1>, vector<256x128xi32>
    %select_n3A_2444 = arith.select %and3A_2434, %select_n3A_2416, %select_n3A_2415 : vector<256x128xi1>, vector<256x128xi32>
    %select_n3A_2445 = arith.select %and3A_2434, %select_n3A_2417, %select_n3A_2416 : vector<256x128xi1>, vector<256x128xi32>
    %select_n3A_2446 = arith.select %and3A_2434, %select_n3A_2420, %select_n3A_2417 : vector<256x128xi1>, vector<256x128xi32>
    %jit3A_2447 = arith.constant 2147483647 : i32
    %broadcast_in_dim3A_2448 = vector.broadcast %jit3A_2447 : i32 to vector<256x128xi32>
    %select_n3A_2449 = arith.select %and3A_2434, %broadcast_in_dim3A_2448, %select_n3A_2420 : vector<256x128xi1>, vector<256x128xi32>
    %reduce_min3A_2450 = arith.constant dense<2147483647> : vector<256xi32>
    %reduce_min3A_2451 = vector.multi_reduction <minsi>, %select_n3A_2442, %reduce_min3A_2450 [1] : vector<256x128xi32> to vector<256xi32>
    %broadcast_in_dim3A_2452 = vector.shape_cast %reduce_min3A_2451 : vector<256xi32> to vector<256x1xi32>
    %eq3A_2453 = vector.broadcast %broadcast_in_dim3A_2452 : vector<256x1xi32> to vector<256x128xi32>
    %eq3A_2454 = arith.cmpi eq, %select_n3A_2442, %eq3A_2453 : vector<256x128xi32>
    %jit3A_2455 = arith.constant 8192 : i32
    %broadcast_in_dim3A_2456 = vector.broadcast %jit3A_2455 : i32 to vector<256x128xi32>
    %select_n3A_2457 = arith.select %eq3A_2454, %iota3A, %broadcast_in_dim3A_2456 : vector<256x128xi1>, vector<256x128xi32>
    %reduce_min3A_2458 = arith.constant dense<2147483647> : vector<256xi32>
    %reduce_min3A_2459 = vector.multi_reduction <minsi>, %select_n3A_2457, %reduce_min3A_2458 [1] : vector<256x128xi32> to vector<256xi32>
    %broadcast_in_dim3A_2460 = vector.shape_cast %reduce_min3A_2459 : vector<256xi32> to vector<256x1xi32>
    %eq3A_2461 = vector.broadcast %broadcast_in_dim3A_2460 : vector<256x1xi32> to vector<256x128xi32>
    %eq3A_2462 = arith.cmpi eq, %iota3A, %eq3A_2461 : vector<256x128xi32>
    %and3A_2463 = arith.andi %eq3A_2454, %eq3A_2462 : vector<256x128xi1>
    %and3A_2464 = arith.constant 63 : i32
    %and3A_2465 = vector.broadcast %and3A_2464 : i32 to vector<256x1xi32>
    %and3A_2466 = arith.andi %broadcast_in_dim3A_2452, %and3A_2465 : vector<256x1xi32>
    %mul3A_2467 = arith.constant 128 : i32
    %mul3A_2468 = vector.broadcast %mul3A_2467 : i32 to vector<256x1xi32>
    %mul3A_2469 = arith.muli %and3A_2466, %mul3A_2468 : vector<256x1xi32>
    %add3A_2470 = arith.addi %mul3A_2469, %broadcast_in_dim3A_2460 : vector<256x1xi32>
    %select_n3A_2471 = arith.select %and3A_2463, %select_n3A_2443, %select_n3A_2442 : vector<256x128xi1>, vector<256x128xi32>
    %select_n3A_2472 = arith.select %and3A_2463, %select_n3A_2444, %select_n3A_2443 : vector<256x128xi1>, vector<256x128xi32>
    %select_n3A_2473 = arith.select %and3A_2463, %select_n3A_2445, %select_n3A_2444 : vector<256x128xi1>, vector<256x128xi32>
    %select_n3A_2474 = arith.select %and3A_2463, %select_n3A_2446, %select_n3A_2445 : vector<256x128xi1>, vector<256x128xi32>
    %select_n3A_2475 = arith.select %and3A_2463, %select_n3A_2449, %select_n3A_2446 : vector<256x128xi1>, vector<256x128xi32>
    %jit3A_2476 = arith.constant 2147483647 : i32
    %broadcast_in_dim3A_2477 = vector.broadcast %jit3A_2476 : i32 to vector<256x128xi32>
    %select_n3A_2478 = arith.select %and3A_2463, %broadcast_in_dim3A_2477, %select_n3A_2449 : vector<256x128xi1>, vector<256x128xi32>
    %reduce_min3A_2479 = arith.constant dense<2147483647> : vector<256xi32>
    %reduce_min3A_2480 = vector.multi_reduction <minsi>, %select_n3A_2471, %reduce_min3A_2479 [1] : vector<256x128xi32> to vector<256xi32>
    %broadcast_in_dim3A_2481 = vector.shape_cast %reduce_min3A_2480 : vector<256xi32> to vector<256x1xi32>
    %eq3A_2482 = vector.broadcast %broadcast_in_dim3A_2481 : vector<256x1xi32> to vector<256x128xi32>
    %eq3A_2483 = arith.cmpi eq, %select_n3A_2471, %eq3A_2482 : vector<256x128xi32>
    %jit3A_2484 = arith.constant 8192 : i32
    %broadcast_in_dim3A_2485 = vector.broadcast %jit3A_2484 : i32 to vector<256x128xi32>
    %select_n3A_2486 = arith.select %eq3A_2483, %iota3A, %broadcast_in_dim3A_2485 : vector<256x128xi1>, vector<256x128xi32>
    %reduce_min3A_2487 = arith.constant dense<2147483647> : vector<256xi32>
    %reduce_min3A_2488 = vector.multi_reduction <minsi>, %select_n3A_2486, %reduce_min3A_2487 [1] : vector<256x128xi32> to vector<256xi32>
    %broadcast_in_dim3A_2489 = vector.shape_cast %reduce_min3A_2488 : vector<256xi32> to vector<256x1xi32>
    %eq3A_2490 = vector.broadcast %broadcast_in_dim3A_2489 : vector<256x1xi32> to vector<256x128xi32>
    %eq3A_2491 = arith.cmpi eq, %iota3A, %eq3A_2490 : vector<256x128xi32>
    %and3A_2492 = arith.andi %eq3A_2483, %eq3A_2491 : vector<256x128xi1>
    %and3A_2493 = arith.constant 63 : i32
    %and3A_2494 = vector.broadcast %and3A_2493 : i32 to vector<256x1xi32>
    %and3A_2495 = arith.andi %broadcast_in_dim3A_2481, %and3A_2494 : vector<256x1xi32>
    %mul3A_2496 = arith.constant 128 : i32
    %mul3A_2497 = vector.broadcast %mul3A_2496 : i32 to vector<256x1xi32>
    %mul3A_2498 = arith.muli %and3A_2495, %mul3A_2497 : vector<256x1xi32>
    %add3A_2499 = arith.addi %mul3A_2498, %broadcast_in_dim3A_2489 : vector<256x1xi32>
    %select_n3A_2500 = arith.select %and3A_2492, %select_n3A_2472, %select_n3A_2471 : vector<256x128xi1>, vector<256x128xi32>
    %select_n3A_2501 = arith.select %and3A_2492, %select_n3A_2473, %select_n3A_2472 : vector<256x128xi1>, vector<256x128xi32>
    %select_n3A_2502 = arith.select %and3A_2492, %select_n3A_2474, %select_n3A_2473 : vector<256x128xi1>, vector<256x128xi32>
    %select_n3A_2503 = arith.select %and3A_2492, %select_n3A_2475, %select_n3A_2474 : vector<256x128xi1>, vector<256x128xi32>
    %select_n3A_2504 = arith.select %and3A_2492, %select_n3A_2478, %select_n3A_2475 : vector<256x128xi1>, vector<256x128xi32>
    %jit3A_2505 = arith.constant 2147483647 : i32
    %broadcast_in_dim3A_2506 = vector.broadcast %jit3A_2505 : i32 to vector<256x128xi32>
    %select_n3A_2507 = arith.select %and3A_2492, %broadcast_in_dim3A_2506, %select_n3A_2478 : vector<256x128xi1>, vector<256x128xi32>
    %reduce_min3A_2508 = arith.constant dense<2147483647> : vector<256xi32>
    %reduce_min3A_2509 = vector.multi_reduction <minsi>, %select_n3A_2500, %reduce_min3A_2508 [1] : vector<256x128xi32> to vector<256xi32>
    %broadcast_in_dim3A_2510 = vector.shape_cast %reduce_min3A_2509 : vector<256xi32> to vector<256x1xi32>
    %eq3A_2511 = vector.broadcast %broadcast_in_dim3A_2510 : vector<256x1xi32> to vector<256x128xi32>
    %eq3A_2512 = arith.cmpi eq, %select_n3A_2500, %eq3A_2511 : vector<256x128xi32>
    %jit3A_2513 = arith.constant 8192 : i32
    %broadcast_in_dim3A_2514 = vector.broadcast %jit3A_2513 : i32 to vector<256x128xi32>
    %select_n3A_2515 = arith.select %eq3A_2512, %iota3A, %broadcast_in_dim3A_2514 : vector<256x128xi1>, vector<256x128xi32>
    %reduce_min3A_2516 = arith.constant dense<2147483647> : vector<256xi32>
    %reduce_min3A_2517 = vector.multi_reduction <minsi>, %select_n3A_2515, %reduce_min3A_2516 [1] : vector<256x128xi32> to vector<256xi32>
    %broadcast_in_dim3A_2518 = vector.shape_cast %reduce_min3A_2517 : vector<256xi32> to vector<256x1xi32>
    %eq3A_2519 = vector.broadcast %broadcast_in_dim3A_2518 : vector<256x1xi32> to vector<256x128xi32>
    %eq3A_2520 = arith.cmpi eq, %iota3A, %eq3A_2519 : vector<256x128xi32>
    %and3A_2521 = arith.andi %eq3A_2512, %eq3A_2520 : vector<256x128xi1>
    %and3A_2522 = arith.constant 63 : i32
    %and3A_2523 = vector.broadcast %and3A_2522 : i32 to vector<256x1xi32>
    %and3A_2524 = arith.andi %broadcast_in_dim3A_2510, %and3A_2523 : vector<256x1xi32>
    %mul3A_2525 = arith.constant 128 : i32
    %mul3A_2526 = vector.broadcast %mul3A_2525 : i32 to vector<256x1xi32>
    %mul3A_2527 = arith.muli %and3A_2524, %mul3A_2526 : vector<256x1xi32>
    %add3A_2528 = arith.addi %mul3A_2527, %broadcast_in_dim3A_2518 : vector<256x1xi32>
    %select_n3A_2529 = arith.select %and3A_2521, %select_n3A_2501, %select_n3A_2500 : vector<256x128xi1>, vector<256x128xi32>
    %select_n3A_2530 = arith.select %and3A_2521, %select_n3A_2502, %select_n3A_2501 : vector<256x128xi1>, vector<256x128xi32>
    %select_n3A_2531 = arith.select %and3A_2521, %select_n3A_2503, %select_n3A_2502 : vector<256x128xi1>, vector<256x128xi32>
    %select_n3A_2532 = arith.select %and3A_2521, %select_n3A_2504, %select_n3A_2503 : vector<256x128xi1>, vector<256x128xi32>
    %select_n3A_2533 = arith.select %and3A_2521, %select_n3A_2507, %select_n3A_2504 : vector<256x128xi1>, vector<256x128xi32>
    %jit3A_2534 = arith.constant 2147483647 : i32
    %broadcast_in_dim3A_2535 = vector.broadcast %jit3A_2534 : i32 to vector<256x128xi32>
    %select_n3A_2536 = arith.select %and3A_2521, %broadcast_in_dim3A_2535, %select_n3A_2507 : vector<256x128xi1>, vector<256x128xi32>
    %reduce_min3A_2537 = arith.constant dense<2147483647> : vector<256xi32>
    %reduce_min3A_2538 = vector.multi_reduction <minsi>, %select_n3A_2529, %reduce_min3A_2537 [1] : vector<256x128xi32> to vector<256xi32>
    %broadcast_in_dim3A_2539 = vector.shape_cast %reduce_min3A_2538 : vector<256xi32> to vector<256x1xi32>
    %eq3A_2540 = vector.broadcast %broadcast_in_dim3A_2539 : vector<256x1xi32> to vector<256x128xi32>
    %eq3A_2541 = arith.cmpi eq, %select_n3A_2529, %eq3A_2540 : vector<256x128xi32>
    %jit3A_2542 = arith.constant 8192 : i32
    %broadcast_in_dim3A_2543 = vector.broadcast %jit3A_2542 : i32 to vector<256x128xi32>
    %select_n3A_2544 = arith.select %eq3A_2541, %iota3A, %broadcast_in_dim3A_2543 : vector<256x128xi1>, vector<256x128xi32>
    %reduce_min3A_2545 = arith.constant dense<2147483647> : vector<256xi32>
    %reduce_min3A_2546 = vector.multi_reduction <minsi>, %select_n3A_2544, %reduce_min3A_2545 [1] : vector<256x128xi32> to vector<256xi32>
    %broadcast_in_dim3A_2547 = vector.shape_cast %reduce_min3A_2546 : vector<256xi32> to vector<256x1xi32>
    %eq3A_2548 = vector.broadcast %broadcast_in_dim3A_2547 : vector<256x1xi32> to vector<256x128xi32>
    %eq3A_2549 = arith.cmpi eq, %iota3A, %eq3A_2548 : vector<256x128xi32>
    %and3A_2550 = arith.andi %eq3A_2541, %eq3A_2549 : vector<256x128xi1>
    %and3A_2551 = arith.constant 63 : i32
    %and3A_2552 = vector.broadcast %and3A_2551 : i32 to vector<256x1xi32>
    %and3A_2553 = arith.andi %broadcast_in_dim3A_2539, %and3A_2552 : vector<256x1xi32>
    %mul3A_2554 = arith.constant 128 : i32
    %mul3A_2555 = vector.broadcast %mul3A_2554 : i32 to vector<256x1xi32>
    %mul3A_2556 = arith.muli %and3A_2553, %mul3A_2555 : vector<256x1xi32>
    %add3A_2557 = arith.addi %mul3A_2556, %broadcast_in_dim3A_2547 : vector<256x1xi32>
    %select_n3A_2558 = arith.select %and3A_2550, %select_n3A_2530, %select_n3A_2529 : vector<256x128xi1>, vector<256x128xi32>
    %select_n3A_2559 = arith.select %and3A_2550, %select_n3A_2531, %select_n3A_2530 : vector<256x128xi1>, vector<256x128xi32>
    %select_n3A_2560 = arith.select %and3A_2550, %select_n3A_2532, %select_n3A_2531 : vector<256x128xi1>, vector<256x128xi32>
    %select_n3A_2561 = arith.select %and3A_2550, %select_n3A_2533, %select_n3A_2532 : vector<256x128xi1>, vector<256x128xi32>
    %select_n3A_2562 = arith.select %and3A_2550, %select_n3A_2536, %select_n3A_2533 : vector<256x128xi1>, vector<256x128xi32>
    %jit3A_2563 = arith.constant 2147483647 : i32
    %broadcast_in_dim3A_2564 = vector.broadcast %jit3A_2563 : i32 to vector<256x128xi32>
    %select_n3A_2565 = arith.select %and3A_2550, %broadcast_in_dim3A_2564, %select_n3A_2536 : vector<256x128xi1>, vector<256x128xi32>
    %reduce_min3A_2566 = arith.constant dense<2147483647> : vector<256xi32>
    %reduce_min3A_2567 = vector.multi_reduction <minsi>, %select_n3A_2558, %reduce_min3A_2566 [1] : vector<256x128xi32> to vector<256xi32>
    %broadcast_in_dim3A_2568 = vector.shape_cast %reduce_min3A_2567 : vector<256xi32> to vector<256x1xi32>
    %eq3A_2569 = vector.broadcast %broadcast_in_dim3A_2568 : vector<256x1xi32> to vector<256x128xi32>
    %eq3A_2570 = arith.cmpi eq, %select_n3A_2558, %eq3A_2569 : vector<256x128xi32>
    %jit3A_2571 = arith.constant 8192 : i32
    %broadcast_in_dim3A_2572 = vector.broadcast %jit3A_2571 : i32 to vector<256x128xi32>
    %select_n3A_2573 = arith.select %eq3A_2570, %iota3A, %broadcast_in_dim3A_2572 : vector<256x128xi1>, vector<256x128xi32>
    %reduce_min3A_2574 = arith.constant dense<2147483647> : vector<256xi32>
    %reduce_min3A_2575 = vector.multi_reduction <minsi>, %select_n3A_2573, %reduce_min3A_2574 [1] : vector<256x128xi32> to vector<256xi32>
    %broadcast_in_dim3A_2576 = vector.shape_cast %reduce_min3A_2575 : vector<256xi32> to vector<256x1xi32>
    %eq3A_2577 = vector.broadcast %broadcast_in_dim3A_2576 : vector<256x1xi32> to vector<256x128xi32>
    %eq3A_2578 = arith.cmpi eq, %iota3A, %eq3A_2577 : vector<256x128xi32>
    %and3A_2579 = arith.andi %eq3A_2570, %eq3A_2578 : vector<256x128xi1>
    %and3A_2580 = arith.constant 63 : i32
    %and3A_2581 = vector.broadcast %and3A_2580 : i32 to vector<256x1xi32>
    %and3A_2582 = arith.andi %broadcast_in_dim3A_2568, %and3A_2581 : vector<256x1xi32>
    %mul3A_2583 = arith.constant 128 : i32
    %mul3A_2584 = vector.broadcast %mul3A_2583 : i32 to vector<256x1xi32>
    %mul3A_2585 = arith.muli %and3A_2582, %mul3A_2584 : vector<256x1xi32>
    %add3A_2586 = arith.addi %mul3A_2585, %broadcast_in_dim3A_2576 : vector<256x1xi32>
    %select_n3A_2587 = arith.select %and3A_2579, %select_n3A_2559, %select_n3A_2558 : vector<256x128xi1>, vector<256x128xi32>
    %select_n3A_2588 = arith.select %and3A_2579, %select_n3A_2560, %select_n3A_2559 : vector<256x128xi1>, vector<256x128xi32>
    %select_n3A_2589 = arith.select %and3A_2579, %select_n3A_2561, %select_n3A_2560 : vector<256x128xi1>, vector<256x128xi32>
    %select_n3A_2590 = arith.select %and3A_2579, %select_n3A_2562, %select_n3A_2561 : vector<256x128xi1>, vector<256x128xi32>
    %select_n3A_2591 = arith.select %and3A_2579, %select_n3A_2565, %select_n3A_2562 : vector<256x128xi1>, vector<256x128xi32>
    %jit3A_2592 = arith.constant 2147483647 : i32
    %broadcast_in_dim3A_2593 = vector.broadcast %jit3A_2592 : i32 to vector<256x128xi32>
    %select_n3A_2594 = arith.select %and3A_2579, %broadcast_in_dim3A_2593, %select_n3A_2565 : vector<256x128xi1>, vector<256x128xi32>
    %reduce_min3A_2595 = arith.constant dense<2147483647> : vector<256xi32>
    %reduce_min3A_2596 = vector.multi_reduction <minsi>, %select_n3A_2587, %reduce_min3A_2595 [1] : vector<256x128xi32> to vector<256xi32>
    %broadcast_in_dim3A_2597 = vector.shape_cast %reduce_min3A_2596 : vector<256xi32> to vector<256x1xi32>
    %eq3A_2598 = vector.broadcast %broadcast_in_dim3A_2597 : vector<256x1xi32> to vector<256x128xi32>
    %eq3A_2599 = arith.cmpi eq, %select_n3A_2587, %eq3A_2598 : vector<256x128xi32>
    %jit3A_2600 = arith.constant 8192 : i32
    %broadcast_in_dim3A_2601 = vector.broadcast %jit3A_2600 : i32 to vector<256x128xi32>
    %select_n3A_2602 = arith.select %eq3A_2599, %iota3A, %broadcast_in_dim3A_2601 : vector<256x128xi1>, vector<256x128xi32>
    %reduce_min3A_2603 = arith.constant dense<2147483647> : vector<256xi32>
    %reduce_min3A_2604 = vector.multi_reduction <minsi>, %select_n3A_2602, %reduce_min3A_2603 [1] : vector<256x128xi32> to vector<256xi32>
    %broadcast_in_dim3A_2605 = vector.shape_cast %reduce_min3A_2604 : vector<256xi32> to vector<256x1xi32>
    %eq3A_2606 = vector.broadcast %broadcast_in_dim3A_2605 : vector<256x1xi32> to vector<256x128xi32>
    %eq3A_2607 = arith.cmpi eq, %iota3A, %eq3A_2606 : vector<256x128xi32>
    %and3A_2608 = arith.andi %eq3A_2599, %eq3A_2607 : vector<256x128xi1>
    %and3A_2609 = arith.constant 63 : i32
    %and3A_2610 = vector.broadcast %and3A_2609 : i32 to vector<256x1xi32>
    %and3A_2611 = arith.andi %broadcast_in_dim3A_2597, %and3A_2610 : vector<256x1xi32>
    %mul3A_2612 = arith.constant 128 : i32
    %mul3A_2613 = vector.broadcast %mul3A_2612 : i32 to vector<256x1xi32>
    %mul3A_2614 = arith.muli %and3A_2611, %mul3A_2613 : vector<256x1xi32>
    %add3A_2615 = arith.addi %mul3A_2614, %broadcast_in_dim3A_2605 : vector<256x1xi32>
    %select_n3A_2616 = arith.select %and3A_2608, %select_n3A_2588, %select_n3A_2587 : vector<256x128xi1>, vector<256x128xi32>
    %select_n3A_2617 = arith.select %and3A_2608, %select_n3A_2589, %select_n3A_2588 : vector<256x128xi1>, vector<256x128xi32>
    %select_n3A_2618 = arith.select %and3A_2608, %select_n3A_2590, %select_n3A_2589 : vector<256x128xi1>, vector<256x128xi32>
    %select_n3A_2619 = arith.select %and3A_2608, %select_n3A_2591, %select_n3A_2590 : vector<256x128xi1>, vector<256x128xi32>
    %select_n3A_2620 = arith.select %and3A_2608, %select_n3A_2594, %select_n3A_2591 : vector<256x128xi1>, vector<256x128xi32>
    %jit3A_2621 = arith.constant 2147483647 : i32
    %broadcast_in_dim3A_2622 = vector.broadcast %jit3A_2621 : i32 to vector<256x128xi32>
    %select_n3A_2623 = arith.select %and3A_2608, %broadcast_in_dim3A_2622, %select_n3A_2594 : vector<256x128xi1>, vector<256x128xi32>
    %reduce_min3A_2624 = arith.constant dense<2147483647> : vector<256xi32>
    %reduce_min3A_2625 = vector.multi_reduction <minsi>, %select_n3A_2616, %reduce_min3A_2624 [1] : vector<256x128xi32> to vector<256xi32>
    %broadcast_in_dim3A_2626 = vector.shape_cast %reduce_min3A_2625 : vector<256xi32> to vector<256x1xi32>
    %eq3A_2627 = vector.broadcast %broadcast_in_dim3A_2626 : vector<256x1xi32> to vector<256x128xi32>
    %eq3A_2628 = arith.cmpi eq, %select_n3A_2616, %eq3A_2627 : vector<256x128xi32>
    %jit3A_2629 = arith.constant 8192 : i32
    %broadcast_in_dim3A_2630 = vector.broadcast %jit3A_2629 : i32 to vector<256x128xi32>
    %select_n3A_2631 = arith.select %eq3A_2628, %iota3A, %broadcast_in_dim3A_2630 : vector<256x128xi1>, vector<256x128xi32>
    %reduce_min3A_2632 = arith.constant dense<2147483647> : vector<256xi32>
    %reduce_min3A_2633 = vector.multi_reduction <minsi>, %select_n3A_2631, %reduce_min3A_2632 [1] : vector<256x128xi32> to vector<256xi32>
    %broadcast_in_dim3A_2634 = vector.shape_cast %reduce_min3A_2633 : vector<256xi32> to vector<256x1xi32>
    %eq3A_2635 = vector.broadcast %broadcast_in_dim3A_2634 : vector<256x1xi32> to vector<256x128xi32>
    %eq3A_2636 = arith.cmpi eq, %iota3A, %eq3A_2635 : vector<256x128xi32>
    %and3A_2637 = arith.andi %eq3A_2628, %eq3A_2636 : vector<256x128xi1>
    %and3A_2638 = arith.constant 63 : i32
    %and3A_2639 = vector.broadcast %and3A_2638 : i32 to vector<256x1xi32>
    %and3A_2640 = arith.andi %broadcast_in_dim3A_2626, %and3A_2639 : vector<256x1xi32>
    %mul3A_2641 = arith.constant 128 : i32
    %mul3A_2642 = vector.broadcast %mul3A_2641 : i32 to vector<256x1xi32>
    %mul3A_2643 = arith.muli %and3A_2640, %mul3A_2642 : vector<256x1xi32>
    %add3A_2644 = arith.addi %mul3A_2643, %broadcast_in_dim3A_2634 : vector<256x1xi32>
    %select_n3A_2645 = arith.select %and3A_2637, %select_n3A_2617, %select_n3A_2616 : vector<256x128xi1>, vector<256x128xi32>
    %select_n3A_2646 = arith.select %and3A_2637, %select_n3A_2618, %select_n3A_2617 : vector<256x128xi1>, vector<256x128xi32>
    %select_n3A_2647 = arith.select %and3A_2637, %select_n3A_2619, %select_n3A_2618 : vector<256x128xi1>, vector<256x128xi32>
    %select_n3A_2648 = arith.select %and3A_2637, %select_n3A_2620, %select_n3A_2619 : vector<256x128xi1>, vector<256x128xi32>
    %select_n3A_2649 = arith.select %and3A_2637, %select_n3A_2623, %select_n3A_2620 : vector<256x128xi1>, vector<256x128xi32>
    %jit3A_2650 = arith.constant 2147483647 : i32
    %broadcast_in_dim3A_2651 = vector.broadcast %jit3A_2650 : i32 to vector<256x128xi32>
    %select_n3A_2652 = arith.select %and3A_2637, %broadcast_in_dim3A_2651, %select_n3A_2623 : vector<256x128xi1>, vector<256x128xi32>
    %reduce_min3A_2653 = arith.constant dense<2147483647> : vector<256xi32>
    %reduce_min3A_2654 = vector.multi_reduction <minsi>, %select_n3A_2645, %reduce_min3A_2653 [1] : vector<256x128xi32> to vector<256xi32>
    %broadcast_in_dim3A_2655 = vector.shape_cast %reduce_min3A_2654 : vector<256xi32> to vector<256x1xi32>
    %eq3A_2656 = vector.broadcast %broadcast_in_dim3A_2655 : vector<256x1xi32> to vector<256x128xi32>
    %eq3A_2657 = arith.cmpi eq, %select_n3A_2645, %eq3A_2656 : vector<256x128xi32>
    %jit3A_2658 = arith.constant 8192 : i32
    %broadcast_in_dim3A_2659 = vector.broadcast %jit3A_2658 : i32 to vector<256x128xi32>
    %select_n3A_2660 = arith.select %eq3A_2657, %iota3A, %broadcast_in_dim3A_2659 : vector<256x128xi1>, vector<256x128xi32>
    %reduce_min3A_2661 = arith.constant dense<2147483647> : vector<256xi32>
    %reduce_min3A_2662 = vector.multi_reduction <minsi>, %select_n3A_2660, %reduce_min3A_2661 [1] : vector<256x128xi32> to vector<256xi32>
    %broadcast_in_dim3A_2663 = vector.shape_cast %reduce_min3A_2662 : vector<256xi32> to vector<256x1xi32>
    %eq3A_2664 = vector.broadcast %broadcast_in_dim3A_2663 : vector<256x1xi32> to vector<256x128xi32>
    %eq3A_2665 = arith.cmpi eq, %iota3A, %eq3A_2664 : vector<256x128xi32>
    %and3A_2666 = arith.andi %eq3A_2657, %eq3A_2665 : vector<256x128xi1>
    %and3A_2667 = arith.constant 63 : i32
    %and3A_2668 = vector.broadcast %and3A_2667 : i32 to vector<256x1xi32>
    %and3A_2669 = arith.andi %broadcast_in_dim3A_2655, %and3A_2668 : vector<256x1xi32>
    %mul3A_2670 = arith.constant 128 : i32
    %mul3A_2671 = vector.broadcast %mul3A_2670 : i32 to vector<256x1xi32>
    %mul3A_2672 = arith.muli %and3A_2669, %mul3A_2671 : vector<256x1xi32>
    %add3A_2673 = arith.addi %mul3A_2672, %broadcast_in_dim3A_2663 : vector<256x1xi32>
    %select_n3A_2674 = arith.select %and3A_2666, %select_n3A_2646, %select_n3A_2645 : vector<256x128xi1>, vector<256x128xi32>
    %select_n3A_2675 = arith.select %and3A_2666, %select_n3A_2647, %select_n3A_2646 : vector<256x128xi1>, vector<256x128xi32>
    %select_n3A_2676 = arith.select %and3A_2666, %select_n3A_2648, %select_n3A_2647 : vector<256x128xi1>, vector<256x128xi32>
    %select_n3A_2677 = arith.select %and3A_2666, %select_n3A_2649, %select_n3A_2648 : vector<256x128xi1>, vector<256x128xi32>
    %select_n3A_2678 = arith.select %and3A_2666, %select_n3A_2652, %select_n3A_2649 : vector<256x128xi1>, vector<256x128xi32>
    %jit3A_2679 = arith.constant 2147483647 : i32
    %broadcast_in_dim3A_2680 = vector.broadcast %jit3A_2679 : i32 to vector<256x128xi32>
    %select_n3A_2681 = arith.select %and3A_2666, %broadcast_in_dim3A_2680, %select_n3A_2652 : vector<256x128xi1>, vector<256x128xi32>
    %reduce_min3A_2682 = arith.constant dense<2147483647> : vector<256xi32>
    %reduce_min3A_2683 = vector.multi_reduction <minsi>, %select_n3A_2674, %reduce_min3A_2682 [1] : vector<256x128xi32> to vector<256xi32>
    %broadcast_in_dim3A_2684 = vector.shape_cast %reduce_min3A_2683 : vector<256xi32> to vector<256x1xi32>
    %eq3A_2685 = vector.broadcast %broadcast_in_dim3A_2684 : vector<256x1xi32> to vector<256x128xi32>
    %eq3A_2686 = arith.cmpi eq, %select_n3A_2674, %eq3A_2685 : vector<256x128xi32>
    %jit3A_2687 = arith.constant 8192 : i32
    %broadcast_in_dim3A_2688 = vector.broadcast %jit3A_2687 : i32 to vector<256x128xi32>
    %select_n3A_2689 = arith.select %eq3A_2686, %iota3A, %broadcast_in_dim3A_2688 : vector<256x128xi1>, vector<256x128xi32>
    %reduce_min3A_2690 = arith.constant dense<2147483647> : vector<256xi32>
    %reduce_min3A_2691 = vector.multi_reduction <minsi>, %select_n3A_2689, %reduce_min3A_2690 [1] : vector<256x128xi32> to vector<256xi32>
    %broadcast_in_dim3A_2692 = vector.shape_cast %reduce_min3A_2691 : vector<256xi32> to vector<256x1xi32>
    %eq3A_2693 = vector.broadcast %broadcast_in_dim3A_2692 : vector<256x1xi32> to vector<256x128xi32>
    %eq3A_2694 = arith.cmpi eq, %iota3A, %eq3A_2693 : vector<256x128xi32>
    %and3A_2695 = arith.andi %eq3A_2686, %eq3A_2694 : vector<256x128xi1>
    %and3A_2696 = arith.constant 63 : i32
    %and3A_2697 = vector.broadcast %and3A_2696 : i32 to vector<256x1xi32>
    %and3A_2698 = arith.andi %broadcast_in_dim3A_2684, %and3A_2697 : vector<256x1xi32>
    %mul3A_2699 = arith.constant 128 : i32
    %mul3A_2700 = vector.broadcast %mul3A_2699 : i32 to vector<256x1xi32>
    %mul3A_2701 = arith.muli %and3A_2698, %mul3A_2700 : vector<256x1xi32>
    %add3A_2702 = arith.addi %mul3A_2701, %broadcast_in_dim3A_2692 : vector<256x1xi32>
    %select_n3A_2703 = arith.select %and3A_2695, %select_n3A_2675, %select_n3A_2674 : vector<256x128xi1>, vector<256x128xi32>
    %select_n3A_2704 = arith.select %and3A_2695, %select_n3A_2676, %select_n3A_2675 : vector<256x128xi1>, vector<256x128xi32>
    %select_n3A_2705 = arith.select %and3A_2695, %select_n3A_2677, %select_n3A_2676 : vector<256x128xi1>, vector<256x128xi32>
    %select_n3A_2706 = arith.select %and3A_2695, %select_n3A_2678, %select_n3A_2677 : vector<256x128xi1>, vector<256x128xi32>
    %select_n3A_2707 = arith.select %and3A_2695, %select_n3A_2681, %select_n3A_2678 : vector<256x128xi1>, vector<256x128xi32>
    %jit3A_2708 = arith.constant 2147483647 : i32
    %broadcast_in_dim3A_2709 = vector.broadcast %jit3A_2708 : i32 to vector<256x128xi32>
    %select_n3A_2710 = arith.select %and3A_2695, %broadcast_in_dim3A_2709, %select_n3A_2681 : vector<256x128xi1>, vector<256x128xi32>
    %reduce_min3A_2711 = arith.constant dense<2147483647> : vector<256xi32>
    %reduce_min3A_2712 = vector.multi_reduction <minsi>, %select_n3A_2703, %reduce_min3A_2711 [1] : vector<256x128xi32> to vector<256xi32>
    %broadcast_in_dim3A_2713 = vector.shape_cast %reduce_min3A_2712 : vector<256xi32> to vector<256x1xi32>
    %eq3A_2714 = vector.broadcast %broadcast_in_dim3A_2713 : vector<256x1xi32> to vector<256x128xi32>
    %eq3A_2715 = arith.cmpi eq, %select_n3A_2703, %eq3A_2714 : vector<256x128xi32>
    %jit3A_2716 = arith.constant 8192 : i32
    %broadcast_in_dim3A_2717 = vector.broadcast %jit3A_2716 : i32 to vector<256x128xi32>
    %select_n3A_2718 = arith.select %eq3A_2715, %iota3A, %broadcast_in_dim3A_2717 : vector<256x128xi1>, vector<256x128xi32>
    %reduce_min3A_2719 = arith.constant dense<2147483647> : vector<256xi32>
    %reduce_min3A_2720 = vector.multi_reduction <minsi>, %select_n3A_2718, %reduce_min3A_2719 [1] : vector<256x128xi32> to vector<256xi32>
    %broadcast_in_dim3A_2721 = vector.shape_cast %reduce_min3A_2720 : vector<256xi32> to vector<256x1xi32>
    %eq3A_2722 = vector.broadcast %broadcast_in_dim3A_2721 : vector<256x1xi32> to vector<256x128xi32>
    %eq3A_2723 = arith.cmpi eq, %iota3A, %eq3A_2722 : vector<256x128xi32>
    %and3A_2724 = arith.andi %eq3A_2715, %eq3A_2723 : vector<256x128xi1>
    %and3A_2725 = arith.constant 63 : i32
    %and3A_2726 = vector.broadcast %and3A_2725 : i32 to vector<256x1xi32>
    %and3A_2727 = arith.andi %broadcast_in_dim3A_2713, %and3A_2726 : vector<256x1xi32>
    %mul3A_2728 = arith.constant 128 : i32
    %mul3A_2729 = vector.broadcast %mul3A_2728 : i32 to vector<256x1xi32>
    %mul3A_2730 = arith.muli %and3A_2727, %mul3A_2729 : vector<256x1xi32>
    %add3A_2731 = arith.addi %mul3A_2730, %broadcast_in_dim3A_2721 : vector<256x1xi32>
    %select_n3A_2732 = arith.select %and3A_2724, %select_n3A_2704, %select_n3A_2703 : vector<256x128xi1>, vector<256x128xi32>
    %select_n3A_2733 = arith.select %and3A_2724, %select_n3A_2705, %select_n3A_2704 : vector<256x128xi1>, vector<256x128xi32>
    %select_n3A_2734 = arith.select %and3A_2724, %select_n3A_2706, %select_n3A_2705 : vector<256x128xi1>, vector<256x128xi32>
    %select_n3A_2735 = arith.select %and3A_2724, %select_n3A_2707, %select_n3A_2706 : vector<256x128xi1>, vector<256x128xi32>
    %select_n3A_2736 = arith.select %and3A_2724, %select_n3A_2710, %select_n3A_2707 : vector<256x128xi1>, vector<256x128xi32>
    %jit3A_2737 = arith.constant 2147483647 : i32
    %broadcast_in_dim3A_2738 = vector.broadcast %jit3A_2737 : i32 to vector<256x128xi32>
    %select_n3A_2739 = arith.select %and3A_2724, %broadcast_in_dim3A_2738, %select_n3A_2710 : vector<256x128xi1>, vector<256x128xi32>
    %reduce_min3A_2740 = arith.constant dense<2147483647> : vector<256xi32>
    %reduce_min3A_2741 = vector.multi_reduction <minsi>, %select_n3A_2732, %reduce_min3A_2740 [1] : vector<256x128xi32> to vector<256xi32>
    %broadcast_in_dim3A_2742 = vector.shape_cast %reduce_min3A_2741 : vector<256xi32> to vector<256x1xi32>
    %eq3A_2743 = vector.broadcast %broadcast_in_dim3A_2742 : vector<256x1xi32> to vector<256x128xi32>
    %eq3A_2744 = arith.cmpi eq, %select_n3A_2732, %eq3A_2743 : vector<256x128xi32>
    %jit3A_2745 = arith.constant 8192 : i32
    %broadcast_in_dim3A_2746 = vector.broadcast %jit3A_2745 : i32 to vector<256x128xi32>
    %select_n3A_2747 = arith.select %eq3A_2744, %iota3A, %broadcast_in_dim3A_2746 : vector<256x128xi1>, vector<256x128xi32>
    %reduce_min3A_2748 = arith.constant dense<2147483647> : vector<256xi32>
    %reduce_min3A_2749 = vector.multi_reduction <minsi>, %select_n3A_2747, %reduce_min3A_2748 [1] : vector<256x128xi32> to vector<256xi32>
    %broadcast_in_dim3A_2750 = vector.shape_cast %reduce_min3A_2749 : vector<256xi32> to vector<256x1xi32>
    %eq3A_2751 = vector.broadcast %broadcast_in_dim3A_2750 : vector<256x1xi32> to vector<256x128xi32>
    %eq3A_2752 = arith.cmpi eq, %iota3A, %eq3A_2751 : vector<256x128xi32>
    %and3A_2753 = arith.andi %eq3A_2744, %eq3A_2752 : vector<256x128xi1>
    %and3A_2754 = arith.constant 63 : i32
    %and3A_2755 = vector.broadcast %and3A_2754 : i32 to vector<256x1xi32>
    %and3A_2756 = arith.andi %broadcast_in_dim3A_2742, %and3A_2755 : vector<256x1xi32>
    %mul3A_2757 = arith.constant 128 : i32
    %mul3A_2758 = vector.broadcast %mul3A_2757 : i32 to vector<256x1xi32>
    %mul3A_2759 = arith.muli %and3A_2756, %mul3A_2758 : vector<256x1xi32>
    %add3A_2760 = arith.addi %mul3A_2759, %broadcast_in_dim3A_2750 : vector<256x1xi32>
    %select_n3A_2761 = arith.select %and3A_2753, %select_n3A_2733, %select_n3A_2732 : vector<256x128xi1>, vector<256x128xi32>
    %select_n3A_2762 = arith.select %and3A_2753, %select_n3A_2734, %select_n3A_2733 : vector<256x128xi1>, vector<256x128xi32>
    %select_n3A_2763 = arith.select %and3A_2753, %select_n3A_2735, %select_n3A_2734 : vector<256x128xi1>, vector<256x128xi32>
    %select_n3A_2764 = arith.select %and3A_2753, %select_n3A_2736, %select_n3A_2735 : vector<256x128xi1>, vector<256x128xi32>
    %select_n3A_2765 = arith.select %and3A_2753, %select_n3A_2739, %select_n3A_2736 : vector<256x128xi1>, vector<256x128xi32>
    %jit3A_2766 = arith.constant 2147483647 : i32
    %broadcast_in_dim3A_2767 = vector.broadcast %jit3A_2766 : i32 to vector<256x128xi32>
    %select_n3A_2768 = arith.select %and3A_2753, %broadcast_in_dim3A_2767, %select_n3A_2739 : vector<256x128xi1>, vector<256x128xi32>
    %reduce_min3A_2769 = arith.constant dense<2147483647> : vector<256xi32>
    %reduce_min3A_2770 = vector.multi_reduction <minsi>, %select_n3A_2761, %reduce_min3A_2769 [1] : vector<256x128xi32> to vector<256xi32>
    %broadcast_in_dim3A_2771 = vector.shape_cast %reduce_min3A_2770 : vector<256xi32> to vector<256x1xi32>
    %eq3A_2772 = vector.broadcast %broadcast_in_dim3A_2771 : vector<256x1xi32> to vector<256x128xi32>
    %eq3A_2773 = arith.cmpi eq, %select_n3A_2761, %eq3A_2772 : vector<256x128xi32>
    %jit3A_2774 = arith.constant 8192 : i32
    %broadcast_in_dim3A_2775 = vector.broadcast %jit3A_2774 : i32 to vector<256x128xi32>
    %select_n3A_2776 = arith.select %eq3A_2773, %iota3A, %broadcast_in_dim3A_2775 : vector<256x128xi1>, vector<256x128xi32>
    %reduce_min3A_2777 = arith.constant dense<2147483647> : vector<256xi32>
    %reduce_min3A_2778 = vector.multi_reduction <minsi>, %select_n3A_2776, %reduce_min3A_2777 [1] : vector<256x128xi32> to vector<256xi32>
    %broadcast_in_dim3A_2779 = vector.shape_cast %reduce_min3A_2778 : vector<256xi32> to vector<256x1xi32>
    %eq3A_2780 = vector.broadcast %broadcast_in_dim3A_2779 : vector<256x1xi32> to vector<256x128xi32>
    %eq3A_2781 = arith.cmpi eq, %iota3A, %eq3A_2780 : vector<256x128xi32>
    %and3A_2782 = arith.andi %eq3A_2773, %eq3A_2781 : vector<256x128xi1>
    %and3A_2783 = arith.constant 63 : i32
    %and3A_2784 = vector.broadcast %and3A_2783 : i32 to vector<256x1xi32>
    %and3A_2785 = arith.andi %broadcast_in_dim3A_2771, %and3A_2784 : vector<256x1xi32>
    %mul3A_2786 = arith.constant 128 : i32
    %mul3A_2787 = vector.broadcast %mul3A_2786 : i32 to vector<256x1xi32>
    %mul3A_2788 = arith.muli %and3A_2785, %mul3A_2787 : vector<256x1xi32>
    %add3A_2789 = arith.addi %mul3A_2788, %broadcast_in_dim3A_2779 : vector<256x1xi32>
    %select_n3A_2790 = arith.select %and3A_2782, %select_n3A_2762, %select_n3A_2761 : vector<256x128xi1>, vector<256x128xi32>
    %select_n3A_2791 = arith.select %and3A_2782, %select_n3A_2763, %select_n3A_2762 : vector<256x128xi1>, vector<256x128xi32>
    %select_n3A_2792 = arith.select %and3A_2782, %select_n3A_2764, %select_n3A_2763 : vector<256x128xi1>, vector<256x128xi32>
    %select_n3A_2793 = arith.select %and3A_2782, %select_n3A_2765, %select_n3A_2764 : vector<256x128xi1>, vector<256x128xi32>
    %select_n3A_2794 = arith.select %and3A_2782, %select_n3A_2768, %select_n3A_2765 : vector<256x128xi1>, vector<256x128xi32>
    %jit3A_2795 = arith.constant 2147483647 : i32
    %broadcast_in_dim3A_2796 = vector.broadcast %jit3A_2795 : i32 to vector<256x128xi32>
    %select_n3A_2797 = arith.select %and3A_2782, %broadcast_in_dim3A_2796, %select_n3A_2768 : vector<256x128xi1>, vector<256x128xi32>
    %reduce_min3A_2798 = arith.constant dense<2147483647> : vector<256xi32>
    %reduce_min3A_2799 = vector.multi_reduction <minsi>, %select_n3A_2790, %reduce_min3A_2798 [1] : vector<256x128xi32> to vector<256xi32>
    %broadcast_in_dim3A_2800 = vector.shape_cast %reduce_min3A_2799 : vector<256xi32> to vector<256x1xi32>
    %eq3A_2801 = vector.broadcast %broadcast_in_dim3A_2800 : vector<256x1xi32> to vector<256x128xi32>
    %eq3A_2802 = arith.cmpi eq, %select_n3A_2790, %eq3A_2801 : vector<256x128xi32>
    %jit3A_2803 = arith.constant 8192 : i32
    %broadcast_in_dim3A_2804 = vector.broadcast %jit3A_2803 : i32 to vector<256x128xi32>
    %select_n3A_2805 = arith.select %eq3A_2802, %iota3A, %broadcast_in_dim3A_2804 : vector<256x128xi1>, vector<256x128xi32>
    %reduce_min3A_2806 = arith.constant dense<2147483647> : vector<256xi32>
    %reduce_min3A_2807 = vector.multi_reduction <minsi>, %select_n3A_2805, %reduce_min3A_2806 [1] : vector<256x128xi32> to vector<256xi32>
    %broadcast_in_dim3A_2808 = vector.shape_cast %reduce_min3A_2807 : vector<256xi32> to vector<256x1xi32>
    %eq3A_2809 = vector.broadcast %broadcast_in_dim3A_2808 : vector<256x1xi32> to vector<256x128xi32>
    %eq3A_2810 = arith.cmpi eq, %iota3A, %eq3A_2809 : vector<256x128xi32>
    %and3A_2811 = arith.andi %eq3A_2802, %eq3A_2810 : vector<256x128xi1>
    %and3A_2812 = arith.constant 63 : i32
    %and3A_2813 = vector.broadcast %and3A_2812 : i32 to vector<256x1xi32>
    %and3A_2814 = arith.andi %broadcast_in_dim3A_2800, %and3A_2813 : vector<256x1xi32>
    %mul3A_2815 = arith.constant 128 : i32
    %mul3A_2816 = vector.broadcast %mul3A_2815 : i32 to vector<256x1xi32>
    %mul3A_2817 = arith.muli %and3A_2814, %mul3A_2816 : vector<256x1xi32>
    %add3A_2818 = arith.addi %mul3A_2817, %broadcast_in_dim3A_2808 : vector<256x1xi32>
    %select_n3A_2819 = arith.select %and3A_2811, %select_n3A_2791, %select_n3A_2790 : vector<256x128xi1>, vector<256x128xi32>
    %select_n3A_2820 = arith.select %and3A_2811, %select_n3A_2792, %select_n3A_2791 : vector<256x128xi1>, vector<256x128xi32>
    %select_n3A_2821 = arith.select %and3A_2811, %select_n3A_2793, %select_n3A_2792 : vector<256x128xi1>, vector<256x128xi32>
    %select_n3A_2822 = arith.select %and3A_2811, %select_n3A_2794, %select_n3A_2793 : vector<256x128xi1>, vector<256x128xi32>
    %select_n3A_2823 = arith.select %and3A_2811, %select_n3A_2797, %select_n3A_2794 : vector<256x128xi1>, vector<256x128xi32>
    %jit3A_2824 = arith.constant 2147483647 : i32
    %broadcast_in_dim3A_2825 = vector.broadcast %jit3A_2824 : i32 to vector<256x128xi32>
    %select_n3A_2826 = arith.select %and3A_2811, %broadcast_in_dim3A_2825, %select_n3A_2797 : vector<256x128xi1>, vector<256x128xi32>
    %reduce_min3A_2827 = arith.constant dense<2147483647> : vector<256xi32>
    %reduce_min3A_2828 = vector.multi_reduction <minsi>, %select_n3A_2819, %reduce_min3A_2827 [1] : vector<256x128xi32> to vector<256xi32>
    %broadcast_in_dim3A_2829 = vector.shape_cast %reduce_min3A_2828 : vector<256xi32> to vector<256x1xi32>
    %eq3A_2830 = vector.broadcast %broadcast_in_dim3A_2829 : vector<256x1xi32> to vector<256x128xi32>
    %eq3A_2831 = arith.cmpi eq, %select_n3A_2819, %eq3A_2830 : vector<256x128xi32>
    %jit3A_2832 = arith.constant 8192 : i32
    %broadcast_in_dim3A_2833 = vector.broadcast %jit3A_2832 : i32 to vector<256x128xi32>
    %select_n3A_2834 = arith.select %eq3A_2831, %iota3A, %broadcast_in_dim3A_2833 : vector<256x128xi1>, vector<256x128xi32>
    %reduce_min3A_2835 = arith.constant dense<2147483647> : vector<256xi32>
    %reduce_min3A_2836 = vector.multi_reduction <minsi>, %select_n3A_2834, %reduce_min3A_2835 [1] : vector<256x128xi32> to vector<256xi32>
    %broadcast_in_dim3A_2837 = vector.shape_cast %reduce_min3A_2836 : vector<256xi32> to vector<256x1xi32>
    %eq3A_2838 = vector.broadcast %broadcast_in_dim3A_2837 : vector<256x1xi32> to vector<256x128xi32>
    %eq3A_2839 = arith.cmpi eq, %iota3A, %eq3A_2838 : vector<256x128xi32>
    %and3A_2840 = arith.andi %eq3A_2831, %eq3A_2839 : vector<256x128xi1>
    %and3A_2841 = arith.constant 63 : i32
    %and3A_2842 = vector.broadcast %and3A_2841 : i32 to vector<256x1xi32>
    %and3A_2843 = arith.andi %broadcast_in_dim3A_2829, %and3A_2842 : vector<256x1xi32>
    %mul3A_2844 = arith.constant 128 : i32
    %mul3A_2845 = vector.broadcast %mul3A_2844 : i32 to vector<256x1xi32>
    %mul3A_2846 = arith.muli %and3A_2843, %mul3A_2845 : vector<256x1xi32>
    %add3A_2847 = arith.addi %mul3A_2846, %broadcast_in_dim3A_2837 : vector<256x1xi32>
    %select_n3A_2848 = arith.select %and3A_2840, %select_n3A_2820, %select_n3A_2819 : vector<256x128xi1>, vector<256x128xi32>
    %select_n3A_2849 = arith.select %and3A_2840, %select_n3A_2821, %select_n3A_2820 : vector<256x128xi1>, vector<256x128xi32>
    %select_n3A_2850 = arith.select %and3A_2840, %select_n3A_2822, %select_n3A_2821 : vector<256x128xi1>, vector<256x128xi32>
    %select_n3A_2851 = arith.select %and3A_2840, %select_n3A_2823, %select_n3A_2822 : vector<256x128xi1>, vector<256x128xi32>
    %select_n3A_2852 = arith.select %and3A_2840, %select_n3A_2826, %select_n3A_2823 : vector<256x128xi1>, vector<256x128xi32>
    %jit3A_2853 = arith.constant 2147483647 : i32
    %broadcast_in_dim3A_2854 = vector.broadcast %jit3A_2853 : i32 to vector<256x128xi32>
    %select_n3A_2855 = arith.select %and3A_2840, %broadcast_in_dim3A_2854, %select_n3A_2826 : vector<256x128xi1>, vector<256x128xi32>
    %reduce_min3A_2856 = arith.constant dense<2147483647> : vector<256xi32>
    %reduce_min3A_2857 = vector.multi_reduction <minsi>, %select_n3A_2848, %reduce_min3A_2856 [1] : vector<256x128xi32> to vector<256xi32>
    %broadcast_in_dim3A_2858 = vector.shape_cast %reduce_min3A_2857 : vector<256xi32> to vector<256x1xi32>
    %eq3A_2859 = vector.broadcast %broadcast_in_dim3A_2858 : vector<256x1xi32> to vector<256x128xi32>
    %eq3A_2860 = arith.cmpi eq, %select_n3A_2848, %eq3A_2859 : vector<256x128xi32>
    %jit3A_2861 = arith.constant 8192 : i32
    %broadcast_in_dim3A_2862 = vector.broadcast %jit3A_2861 : i32 to vector<256x128xi32>
    %select_n3A_2863 = arith.select %eq3A_2860, %iota3A, %broadcast_in_dim3A_2862 : vector<256x128xi1>, vector<256x128xi32>
    %reduce_min3A_2864 = arith.constant dense<2147483647> : vector<256xi32>
    %reduce_min3A_2865 = vector.multi_reduction <minsi>, %select_n3A_2863, %reduce_min3A_2864 [1] : vector<256x128xi32> to vector<256xi32>
    %broadcast_in_dim3A_2866 = vector.shape_cast %reduce_min3A_2865 : vector<256xi32> to vector<256x1xi32>
    %eq3A_2867 = vector.broadcast %broadcast_in_dim3A_2866 : vector<256x1xi32> to vector<256x128xi32>
    %eq3A_2868 = arith.cmpi eq, %iota3A, %eq3A_2867 : vector<256x128xi32>
    %and3A_2869 = arith.andi %eq3A_2860, %eq3A_2868 : vector<256x128xi1>
    %and3A_2870 = arith.constant 63 : i32
    %and3A_2871 = vector.broadcast %and3A_2870 : i32 to vector<256x1xi32>
    %and3A_2872 = arith.andi %broadcast_in_dim3A_2858, %and3A_2871 : vector<256x1xi32>
    %mul3A_2873 = arith.constant 128 : i32
    %mul3A_2874 = vector.broadcast %mul3A_2873 : i32 to vector<256x1xi32>
    %mul3A_2875 = arith.muli %and3A_2872, %mul3A_2874 : vector<256x1xi32>
    %add3A_2876 = arith.addi %mul3A_2875, %broadcast_in_dim3A_2866 : vector<256x1xi32>
    %select_n3A_2877 = arith.select %and3A_2869, %select_n3A_2849, %select_n3A_2848 : vector<256x128xi1>, vector<256x128xi32>
    %select_n3A_2878 = arith.select %and3A_2869, %select_n3A_2850, %select_n3A_2849 : vector<256x128xi1>, vector<256x128xi32>
    %select_n3A_2879 = arith.select %and3A_2869, %select_n3A_2851, %select_n3A_2850 : vector<256x128xi1>, vector<256x128xi32>
    %select_n3A_2880 = arith.select %and3A_2869, %select_n3A_2852, %select_n3A_2851 : vector<256x128xi1>, vector<256x128xi32>
    %select_n3A_2881 = arith.select %and3A_2869, %select_n3A_2855, %select_n3A_2852 : vector<256x128xi1>, vector<256x128xi32>
    %jit3A_2882 = arith.constant 2147483647 : i32
    %broadcast_in_dim3A_2883 = vector.broadcast %jit3A_2882 : i32 to vector<256x128xi32>
    %select_n3A_2884 = arith.select %and3A_2869, %broadcast_in_dim3A_2883, %select_n3A_2855 : vector<256x128xi1>, vector<256x128xi32>
    %reduce_min3A_2885 = arith.constant dense<2147483647> : vector<256xi32>
    %reduce_min3A_2886 = vector.multi_reduction <minsi>, %select_n3A_2877, %reduce_min3A_2885 [1] : vector<256x128xi32> to vector<256xi32>
    %broadcast_in_dim3A_2887 = vector.shape_cast %reduce_min3A_2886 : vector<256xi32> to vector<256x1xi32>
    %eq3A_2888 = vector.broadcast %broadcast_in_dim3A_2887 : vector<256x1xi32> to vector<256x128xi32>
    %eq3A_2889 = arith.cmpi eq, %select_n3A_2877, %eq3A_2888 : vector<256x128xi32>
    %jit3A_2890 = arith.constant 8192 : i32
    %broadcast_in_dim3A_2891 = vector.broadcast %jit3A_2890 : i32 to vector<256x128xi32>
    %select_n3A_2892 = arith.select %eq3A_2889, %iota3A, %broadcast_in_dim3A_2891 : vector<256x128xi1>, vector<256x128xi32>
    %reduce_min3A_2893 = arith.constant dense<2147483647> : vector<256xi32>
    %reduce_min3A_2894 = vector.multi_reduction <minsi>, %select_n3A_2892, %reduce_min3A_2893 [1] : vector<256x128xi32> to vector<256xi32>
    %broadcast_in_dim3A_2895 = vector.shape_cast %reduce_min3A_2894 : vector<256xi32> to vector<256x1xi32>
    %eq3A_2896 = vector.broadcast %broadcast_in_dim3A_2895 : vector<256x1xi32> to vector<256x128xi32>
    %eq3A_2897 = arith.cmpi eq, %iota3A, %eq3A_2896 : vector<256x128xi32>
    %and3A_2898 = arith.andi %eq3A_2889, %eq3A_2897 : vector<256x128xi1>
    %and3A_2899 = arith.constant 63 : i32
    %and3A_2900 = vector.broadcast %and3A_2899 : i32 to vector<256x1xi32>
    %and3A_2901 = arith.andi %broadcast_in_dim3A_2887, %and3A_2900 : vector<256x1xi32>
    %mul3A_2902 = arith.constant 128 : i32
    %mul3A_2903 = vector.broadcast %mul3A_2902 : i32 to vector<256x1xi32>
    %mul3A_2904 = arith.muli %and3A_2901, %mul3A_2903 : vector<256x1xi32>
    %add3A_2905 = arith.addi %mul3A_2904, %broadcast_in_dim3A_2895 : vector<256x1xi32>
    %select_n3A_2906 = arith.select %and3A_2898, %select_n3A_2878, %select_n3A_2877 : vector<256x128xi1>, vector<256x128xi32>
    %select_n3A_2907 = arith.select %and3A_2898, %select_n3A_2879, %select_n3A_2878 : vector<256x128xi1>, vector<256x128xi32>
    %select_n3A_2908 = arith.select %and3A_2898, %select_n3A_2880, %select_n3A_2879 : vector<256x128xi1>, vector<256x128xi32>
    %select_n3A_2909 = arith.select %and3A_2898, %select_n3A_2881, %select_n3A_2880 : vector<256x128xi1>, vector<256x128xi32>
    %select_n3A_2910 = arith.select %and3A_2898, %select_n3A_2884, %select_n3A_2881 : vector<256x128xi1>, vector<256x128xi32>
    %jit3A_2911 = arith.constant 2147483647 : i32
    %broadcast_in_dim3A_2912 = vector.broadcast %jit3A_2911 : i32 to vector<256x128xi32>
    %select_n3A_2913 = arith.select %and3A_2898, %broadcast_in_dim3A_2912, %select_n3A_2884 : vector<256x128xi1>, vector<256x128xi32>
    %reduce_min3A_2914 = arith.constant dense<2147483647> : vector<256xi32>
    %reduce_min3A_2915 = vector.multi_reduction <minsi>, %select_n3A_2906, %reduce_min3A_2914 [1] : vector<256x128xi32> to vector<256xi32>
    %broadcast_in_dim3A_2916 = vector.shape_cast %reduce_min3A_2915 : vector<256xi32> to vector<256x1xi32>
    %eq3A_2917 = vector.broadcast %broadcast_in_dim3A_2916 : vector<256x1xi32> to vector<256x128xi32>
    %eq3A_2918 = arith.cmpi eq, %select_n3A_2906, %eq3A_2917 : vector<256x128xi32>
    %jit3A_2919 = arith.constant 8192 : i32
    %broadcast_in_dim3A_2920 = vector.broadcast %jit3A_2919 : i32 to vector<256x128xi32>
    %select_n3A_2921 = arith.select %eq3A_2918, %iota3A, %broadcast_in_dim3A_2920 : vector<256x128xi1>, vector<256x128xi32>
    %reduce_min3A_2922 = arith.constant dense<2147483647> : vector<256xi32>
    %reduce_min3A_2923 = vector.multi_reduction <minsi>, %select_n3A_2921, %reduce_min3A_2922 [1] : vector<256x128xi32> to vector<256xi32>
    %broadcast_in_dim3A_2924 = vector.shape_cast %reduce_min3A_2923 : vector<256xi32> to vector<256x1xi32>
    %eq3A_2925 = vector.broadcast %broadcast_in_dim3A_2924 : vector<256x1xi32> to vector<256x128xi32>
    %eq3A_2926 = arith.cmpi eq, %iota3A, %eq3A_2925 : vector<256x128xi32>
    %and3A_2927 = arith.andi %eq3A_2918, %eq3A_2926 : vector<256x128xi1>
    %and3A_2928 = arith.constant 63 : i32
    %and3A_2929 = vector.broadcast %and3A_2928 : i32 to vector<256x1xi32>
    %and3A_2930 = arith.andi %broadcast_in_dim3A_2916, %and3A_2929 : vector<256x1xi32>
    %mul3A_2931 = arith.constant 128 : i32
    %mul3A_2932 = vector.broadcast %mul3A_2931 : i32 to vector<256x1xi32>
    %mul3A_2933 = arith.muli %and3A_2930, %mul3A_2932 : vector<256x1xi32>
    %add3A_2934 = arith.addi %mul3A_2933, %broadcast_in_dim3A_2924 : vector<256x1xi32>
    %select_n3A_2935 = arith.select %and3A_2927, %select_n3A_2907, %select_n3A_2906 : vector<256x128xi1>, vector<256x128xi32>
    %select_n3A_2936 = arith.select %and3A_2927, %select_n3A_2908, %select_n3A_2907 : vector<256x128xi1>, vector<256x128xi32>
    %select_n3A_2937 = arith.select %and3A_2927, %select_n3A_2909, %select_n3A_2908 : vector<256x128xi1>, vector<256x128xi32>
    %select_n3A_2938 = arith.select %and3A_2927, %select_n3A_2910, %select_n3A_2909 : vector<256x128xi1>, vector<256x128xi32>
    %select_n3A_2939 = arith.select %and3A_2927, %select_n3A_2913, %select_n3A_2910 : vector<256x128xi1>, vector<256x128xi32>
    %jit3A_2940 = arith.constant 2147483647 : i32
    %broadcast_in_dim3A_2941 = vector.broadcast %jit3A_2940 : i32 to vector<256x128xi32>
    %select_n3A_2942 = arith.select %and3A_2927, %broadcast_in_dim3A_2941, %select_n3A_2913 : vector<256x128xi1>, vector<256x128xi32>
    %reduce_min3A_2943 = arith.constant dense<2147483647> : vector<256xi32>
    %reduce_min3A_2944 = vector.multi_reduction <minsi>, %select_n3A_2935, %reduce_min3A_2943 [1] : vector<256x128xi32> to vector<256xi32>
    %broadcast_in_dim3A_2945 = vector.shape_cast %reduce_min3A_2944 : vector<256xi32> to vector<256x1xi32>
    %eq3A_2946 = vector.broadcast %broadcast_in_dim3A_2945 : vector<256x1xi32> to vector<256x128xi32>
    %eq3A_2947 = arith.cmpi eq, %select_n3A_2935, %eq3A_2946 : vector<256x128xi32>
    %jit3A_2948 = arith.constant 8192 : i32
    %broadcast_in_dim3A_2949 = vector.broadcast %jit3A_2948 : i32 to vector<256x128xi32>
    %select_n3A_2950 = arith.select %eq3A_2947, %iota3A, %broadcast_in_dim3A_2949 : vector<256x128xi1>, vector<256x128xi32>
    %reduce_min3A_2951 = arith.constant dense<2147483647> : vector<256xi32>
    %reduce_min3A_2952 = vector.multi_reduction <minsi>, %select_n3A_2950, %reduce_min3A_2951 [1] : vector<256x128xi32> to vector<256xi32>
    %broadcast_in_dim3A_2953 = vector.shape_cast %reduce_min3A_2952 : vector<256xi32> to vector<256x1xi32>
    %eq3A_2954 = vector.broadcast %broadcast_in_dim3A_2953 : vector<256x1xi32> to vector<256x128xi32>
    %eq3A_2955 = arith.cmpi eq, %iota3A, %eq3A_2954 : vector<256x128xi32>
    %and3A_2956 = arith.andi %eq3A_2947, %eq3A_2955 : vector<256x128xi1>
    %and3A_2957 = arith.constant 63 : i32
    %and3A_2958 = vector.broadcast %and3A_2957 : i32 to vector<256x1xi32>
    %and3A_2959 = arith.andi %broadcast_in_dim3A_2945, %and3A_2958 : vector<256x1xi32>
    %mul3A_2960 = arith.constant 128 : i32
    %mul3A_2961 = vector.broadcast %mul3A_2960 : i32 to vector<256x1xi32>
    %mul3A_2962 = arith.muli %and3A_2959, %mul3A_2961 : vector<256x1xi32>
    %add3A_2963 = arith.addi %mul3A_2962, %broadcast_in_dim3A_2953 : vector<256x1xi32>
    %select_n3A_2964 = arith.select %and3A_2956, %select_n3A_2936, %select_n3A_2935 : vector<256x128xi1>, vector<256x128xi32>
    %select_n3A_2965 = arith.select %and3A_2956, %select_n3A_2937, %select_n3A_2936 : vector<256x128xi1>, vector<256x128xi32>
    %select_n3A_2966 = arith.select %and3A_2956, %select_n3A_2938, %select_n3A_2937 : vector<256x128xi1>, vector<256x128xi32>
    %select_n3A_2967 = arith.select %and3A_2956, %select_n3A_2939, %select_n3A_2938 : vector<256x128xi1>, vector<256x128xi32>
    %select_n3A_2968 = arith.select %and3A_2956, %select_n3A_2942, %select_n3A_2939 : vector<256x128xi1>, vector<256x128xi32>
    %jit3A_2969 = arith.constant 2147483647 : i32
    %broadcast_in_dim3A_2970 = vector.broadcast %jit3A_2969 : i32 to vector<256x128xi32>
    %select_n3A_2971 = arith.select %and3A_2956, %broadcast_in_dim3A_2970, %select_n3A_2942 : vector<256x128xi1>, vector<256x128xi32>
    %reduce_min3A_2972 = arith.constant dense<2147483647> : vector<256xi32>
    %reduce_min3A_2973 = vector.multi_reduction <minsi>, %select_n3A_2964, %reduce_min3A_2972 [1] : vector<256x128xi32> to vector<256xi32>
    %broadcast_in_dim3A_2974 = vector.shape_cast %reduce_min3A_2973 : vector<256xi32> to vector<256x1xi32>
    %eq3A_2975 = vector.broadcast %broadcast_in_dim3A_2974 : vector<256x1xi32> to vector<256x128xi32>
    %eq3A_2976 = arith.cmpi eq, %select_n3A_2964, %eq3A_2975 : vector<256x128xi32>
    %jit3A_2977 = arith.constant 8192 : i32
    %broadcast_in_dim3A_2978 = vector.broadcast %jit3A_2977 : i32 to vector<256x128xi32>
    %select_n3A_2979 = arith.select %eq3A_2976, %iota3A, %broadcast_in_dim3A_2978 : vector<256x128xi1>, vector<256x128xi32>
    %reduce_min3A_2980 = arith.constant dense<2147483647> : vector<256xi32>
    %reduce_min3A_2981 = vector.multi_reduction <minsi>, %select_n3A_2979, %reduce_min3A_2980 [1] : vector<256x128xi32> to vector<256xi32>
    %broadcast_in_dim3A_2982 = vector.shape_cast %reduce_min3A_2981 : vector<256xi32> to vector<256x1xi32>
    %eq3A_2983 = vector.broadcast %broadcast_in_dim3A_2982 : vector<256x1xi32> to vector<256x128xi32>
    %eq3A_2984 = arith.cmpi eq, %iota3A, %eq3A_2983 : vector<256x128xi32>
    %and3A_2985 = arith.andi %eq3A_2976, %eq3A_2984 : vector<256x128xi1>
    %and3A_2986 = arith.constant 63 : i32
    %and3A_2987 = vector.broadcast %and3A_2986 : i32 to vector<256x1xi32>
    %and3A_2988 = arith.andi %broadcast_in_dim3A_2974, %and3A_2987 : vector<256x1xi32>
    %mul3A_2989 = arith.constant 128 : i32
    %mul3A_2990 = vector.broadcast %mul3A_2989 : i32 to vector<256x1xi32>
    %mul3A_2991 = arith.muli %and3A_2988, %mul3A_2990 : vector<256x1xi32>
    %add3A_2992 = arith.addi %mul3A_2991, %broadcast_in_dim3A_2982 : vector<256x1xi32>
    %select_n3A_2993 = arith.select %and3A_2985, %select_n3A_2965, %select_n3A_2964 : vector<256x128xi1>, vector<256x128xi32>
    %select_n3A_2994 = arith.select %and3A_2985, %select_n3A_2966, %select_n3A_2965 : vector<256x128xi1>, vector<256x128xi32>
    %select_n3A_2995 = arith.select %and3A_2985, %select_n3A_2967, %select_n3A_2966 : vector<256x128xi1>, vector<256x128xi32>
    %select_n3A_2996 = arith.select %and3A_2985, %select_n3A_2968, %select_n3A_2967 : vector<256x128xi1>, vector<256x128xi32>
    %select_n3A_2997 = arith.select %and3A_2985, %select_n3A_2971, %select_n3A_2968 : vector<256x128xi1>, vector<256x128xi32>
    %jit3A_2998 = arith.constant 2147483647 : i32
    %broadcast_in_dim3A_2999 = vector.broadcast %jit3A_2998 : i32 to vector<256x128xi32>
    %select_n3A_3000 = arith.select %and3A_2985, %broadcast_in_dim3A_2999, %select_n3A_2971 : vector<256x128xi1>, vector<256x128xi32>
    %reduce_min3A_3001 = arith.constant dense<2147483647> : vector<256xi32>
    %reduce_min3A_3002 = vector.multi_reduction <minsi>, %select_n3A_2993, %reduce_min3A_3001 [1] : vector<256x128xi32> to vector<256xi32>
    %broadcast_in_dim3A_3003 = vector.shape_cast %reduce_min3A_3002 : vector<256xi32> to vector<256x1xi32>
    %eq3A_3004 = vector.broadcast %broadcast_in_dim3A_3003 : vector<256x1xi32> to vector<256x128xi32>
    %eq3A_3005 = arith.cmpi eq, %select_n3A_2993, %eq3A_3004 : vector<256x128xi32>
    %jit3A_3006 = arith.constant 8192 : i32
    %broadcast_in_dim3A_3007 = vector.broadcast %jit3A_3006 : i32 to vector<256x128xi32>
    %select_n3A_3008 = arith.select %eq3A_3005, %iota3A, %broadcast_in_dim3A_3007 : vector<256x128xi1>, vector<256x128xi32>
    %reduce_min3A_3009 = arith.constant dense<2147483647> : vector<256xi32>
    %reduce_min3A_3010 = vector.multi_reduction <minsi>, %select_n3A_3008, %reduce_min3A_3009 [1] : vector<256x128xi32> to vector<256xi32>
    %broadcast_in_dim3A_3011 = vector.shape_cast %reduce_min3A_3010 : vector<256xi32> to vector<256x1xi32>
    %eq3A_3012 = vector.broadcast %broadcast_in_dim3A_3011 : vector<256x1xi32> to vector<256x128xi32>
    %eq3A_3013 = arith.cmpi eq, %iota3A, %eq3A_3012 : vector<256x128xi32>
    %and3A_3014 = arith.andi %eq3A_3005, %eq3A_3013 : vector<256x128xi1>
    %and3A_3015 = arith.constant 63 : i32
    %and3A_3016 = vector.broadcast %and3A_3015 : i32 to vector<256x1xi32>
    %and3A_3017 = arith.andi %broadcast_in_dim3A_3003, %and3A_3016 : vector<256x1xi32>
    %mul3A_3018 = arith.constant 128 : i32
    %mul3A_3019 = vector.broadcast %mul3A_3018 : i32 to vector<256x1xi32>
    %mul3A_3020 = arith.muli %and3A_3017, %mul3A_3019 : vector<256x1xi32>
    %add3A_3021 = arith.addi %mul3A_3020, %broadcast_in_dim3A_3011 : vector<256x1xi32>
    %select_n3A_3022 = arith.select %and3A_3014, %select_n3A_2994, %select_n3A_2993 : vector<256x128xi1>, vector<256x128xi32>
    %select_n3A_3023 = arith.select %and3A_3014, %select_n3A_2995, %select_n3A_2994 : vector<256x128xi1>, vector<256x128xi32>
    %select_n3A_3024 = arith.select %and3A_3014, %select_n3A_2996, %select_n3A_2995 : vector<256x128xi1>, vector<256x128xi32>
    %select_n3A_3025 = arith.select %and3A_3014, %select_n3A_2997, %select_n3A_2996 : vector<256x128xi1>, vector<256x128xi32>
    %select_n3A_3026 = arith.select %and3A_3014, %select_n3A_3000, %select_n3A_2997 : vector<256x128xi1>, vector<256x128xi32>
    %jit3A_3027 = arith.constant 2147483647 : i32
    %broadcast_in_dim3A_3028 = vector.broadcast %jit3A_3027 : i32 to vector<256x128xi32>
    %select_n3A_3029 = arith.select %and3A_3014, %broadcast_in_dim3A_3028, %select_n3A_3000 : vector<256x128xi1>, vector<256x128xi32>
    %reduce_min3A_3030 = arith.constant dense<2147483647> : vector<256xi32>
    %reduce_min3A_3031 = vector.multi_reduction <minsi>, %select_n3A_3022, %reduce_min3A_3030 [1] : vector<256x128xi32> to vector<256xi32>
    %broadcast_in_dim3A_3032 = vector.shape_cast %reduce_min3A_3031 : vector<256xi32> to vector<256x1xi32>
    %eq3A_3033 = vector.broadcast %broadcast_in_dim3A_3032 : vector<256x1xi32> to vector<256x128xi32>
    %eq3A_3034 = arith.cmpi eq, %select_n3A_3022, %eq3A_3033 : vector<256x128xi32>
    %jit3A_3035 = arith.constant 8192 : i32
    %broadcast_in_dim3A_3036 = vector.broadcast %jit3A_3035 : i32 to vector<256x128xi32>
    %select_n3A_3037 = arith.select %eq3A_3034, %iota3A, %broadcast_in_dim3A_3036 : vector<256x128xi1>, vector<256x128xi32>
    %reduce_min3A_3038 = arith.constant dense<2147483647> : vector<256xi32>
    %reduce_min3A_3039 = vector.multi_reduction <minsi>, %select_n3A_3037, %reduce_min3A_3038 [1] : vector<256x128xi32> to vector<256xi32>
    %broadcast_in_dim3A_3040 = vector.shape_cast %reduce_min3A_3039 : vector<256xi32> to vector<256x1xi32>
    %eq3A_3041 = vector.broadcast %broadcast_in_dim3A_3040 : vector<256x1xi32> to vector<256x128xi32>
    %eq3A_3042 = arith.cmpi eq, %iota3A, %eq3A_3041 : vector<256x128xi32>
    %and3A_3043 = arith.andi %eq3A_3034, %eq3A_3042 : vector<256x128xi1>
    %and3A_3044 = arith.constant 63 : i32
    %and3A_3045 = vector.broadcast %and3A_3044 : i32 to vector<256x1xi32>
    %and3A_3046 = arith.andi %broadcast_in_dim3A_3032, %and3A_3045 : vector<256x1xi32>
    %mul3A_3047 = arith.constant 128 : i32
    %mul3A_3048 = vector.broadcast %mul3A_3047 : i32 to vector<256x1xi32>
    %mul3A_3049 = arith.muli %and3A_3046, %mul3A_3048 : vector<256x1xi32>
    %add3A_3050 = arith.addi %mul3A_3049, %broadcast_in_dim3A_3040 : vector<256x1xi32>
    %select_n3A_3051 = arith.select %and3A_3043, %select_n3A_3023, %select_n3A_3022 : vector<256x128xi1>, vector<256x128xi32>
    %select_n3A_3052 = arith.select %and3A_3043, %select_n3A_3024, %select_n3A_3023 : vector<256x128xi1>, vector<256x128xi32>
    %select_n3A_3053 = arith.select %and3A_3043, %select_n3A_3025, %select_n3A_3024 : vector<256x128xi1>, vector<256x128xi32>
    %select_n3A_3054 = arith.select %and3A_3043, %select_n3A_3026, %select_n3A_3025 : vector<256x128xi1>, vector<256x128xi32>
    %select_n3A_3055 = arith.select %and3A_3043, %select_n3A_3029, %select_n3A_3026 : vector<256x128xi1>, vector<256x128xi32>
    %jit3A_3056 = arith.constant 2147483647 : i32
    %broadcast_in_dim3A_3057 = vector.broadcast %jit3A_3056 : i32 to vector<256x128xi32>
    %select_n3A_3058 = arith.select %and3A_3043, %broadcast_in_dim3A_3057, %select_n3A_3029 : vector<256x128xi1>, vector<256x128xi32>
    %reduce_min3A_3059 = arith.constant dense<2147483647> : vector<256xi32>
    %reduce_min3A_3060 = vector.multi_reduction <minsi>, %select_n3A_3051, %reduce_min3A_3059 [1] : vector<256x128xi32> to vector<256xi32>
    %broadcast_in_dim3A_3061 = vector.shape_cast %reduce_min3A_3060 : vector<256xi32> to vector<256x1xi32>
    %eq3A_3062 = vector.broadcast %broadcast_in_dim3A_3061 : vector<256x1xi32> to vector<256x128xi32>
    %eq3A_3063 = arith.cmpi eq, %select_n3A_3051, %eq3A_3062 : vector<256x128xi32>
    %jit3A_3064 = arith.constant 8192 : i32
    %broadcast_in_dim3A_3065 = vector.broadcast %jit3A_3064 : i32 to vector<256x128xi32>
    %select_n3A_3066 = arith.select %eq3A_3063, %iota3A, %broadcast_in_dim3A_3065 : vector<256x128xi1>, vector<256x128xi32>
    %reduce_min3A_3067 = arith.constant dense<2147483647> : vector<256xi32>
    %reduce_min3A_3068 = vector.multi_reduction <minsi>, %select_n3A_3066, %reduce_min3A_3067 [1] : vector<256x128xi32> to vector<256xi32>
    %broadcast_in_dim3A_3069 = vector.shape_cast %reduce_min3A_3068 : vector<256xi32> to vector<256x1xi32>
    %eq3A_3070 = vector.broadcast %broadcast_in_dim3A_3069 : vector<256x1xi32> to vector<256x128xi32>
    %eq3A_3071 = arith.cmpi eq, %iota3A, %eq3A_3070 : vector<256x128xi32>
    %and3A_3072 = arith.andi %eq3A_3063, %eq3A_3071 : vector<256x128xi1>
    %and3A_3073 = arith.constant 63 : i32
    %and3A_3074 = vector.broadcast %and3A_3073 : i32 to vector<256x1xi32>
    %and3A_3075 = arith.andi %broadcast_in_dim3A_3061, %and3A_3074 : vector<256x1xi32>
    %mul3A_3076 = arith.constant 128 : i32
    %mul3A_3077 = vector.broadcast %mul3A_3076 : i32 to vector<256x1xi32>
    %mul3A_3078 = arith.muli %and3A_3075, %mul3A_3077 : vector<256x1xi32>
    %add3A_3079 = arith.addi %mul3A_3078, %broadcast_in_dim3A_3069 : vector<256x1xi32>
    %select_n3A_3080 = arith.select %and3A_3072, %select_n3A_3052, %select_n3A_3051 : vector<256x128xi1>, vector<256x128xi32>
    %select_n3A_3081 = arith.select %and3A_3072, %select_n3A_3053, %select_n3A_3052 : vector<256x128xi1>, vector<256x128xi32>
    %select_n3A_3082 = arith.select %and3A_3072, %select_n3A_3054, %select_n3A_3053 : vector<256x128xi1>, vector<256x128xi32>
    %select_n3A_3083 = arith.select %and3A_3072, %select_n3A_3055, %select_n3A_3054 : vector<256x128xi1>, vector<256x128xi32>
    %select_n3A_3084 = arith.select %and3A_3072, %select_n3A_3058, %select_n3A_3055 : vector<256x128xi1>, vector<256x128xi32>
    %jit3A_3085 = arith.constant 2147483647 : i32
    %broadcast_in_dim3A_3086 = vector.broadcast %jit3A_3085 : i32 to vector<256x128xi32>
    %select_n3A_3087 = arith.select %and3A_3072, %broadcast_in_dim3A_3086, %select_n3A_3058 : vector<256x128xi1>, vector<256x128xi32>
    %reduce_min3A_3088 = arith.constant dense<2147483647> : vector<256xi32>
    %reduce_min3A_3089 = vector.multi_reduction <minsi>, %select_n3A_3080, %reduce_min3A_3088 [1] : vector<256x128xi32> to vector<256xi32>
    %broadcast_in_dim3A_3090 = vector.shape_cast %reduce_min3A_3089 : vector<256xi32> to vector<256x1xi32>
    %eq3A_3091 = vector.broadcast %broadcast_in_dim3A_3090 : vector<256x1xi32> to vector<256x128xi32>
    %eq3A_3092 = arith.cmpi eq, %select_n3A_3080, %eq3A_3091 : vector<256x128xi32>
    %jit3A_3093 = arith.constant 8192 : i32
    %broadcast_in_dim3A_3094 = vector.broadcast %jit3A_3093 : i32 to vector<256x128xi32>
    %select_n3A_3095 = arith.select %eq3A_3092, %iota3A, %broadcast_in_dim3A_3094 : vector<256x128xi1>, vector<256x128xi32>
    %reduce_min3A_3096 = arith.constant dense<2147483647> : vector<256xi32>
    %reduce_min3A_3097 = vector.multi_reduction <minsi>, %select_n3A_3095, %reduce_min3A_3096 [1] : vector<256x128xi32> to vector<256xi32>
    %broadcast_in_dim3A_3098 = vector.shape_cast %reduce_min3A_3097 : vector<256xi32> to vector<256x1xi32>
    %eq3A_3099 = vector.broadcast %broadcast_in_dim3A_3098 : vector<256x1xi32> to vector<256x128xi32>
    %eq3A_3100 = arith.cmpi eq, %iota3A, %eq3A_3099 : vector<256x128xi32>
    %and3A_3101 = arith.andi %eq3A_3092, %eq3A_3100 : vector<256x128xi1>
    %and3A_3102 = arith.constant 63 : i32
    %and3A_3103 = vector.broadcast %and3A_3102 : i32 to vector<256x1xi32>
    %and3A_3104 = arith.andi %broadcast_in_dim3A_3090, %and3A_3103 : vector<256x1xi32>
    %mul3A_3105 = arith.constant 128 : i32
    %mul3A_3106 = vector.broadcast %mul3A_3105 : i32 to vector<256x1xi32>
    %mul3A_3107 = arith.muli %and3A_3104, %mul3A_3106 : vector<256x1xi32>
    %add3A_3108 = arith.addi %mul3A_3107, %broadcast_in_dim3A_3098 : vector<256x1xi32>
    %select_n3A_3109 = arith.select %and3A_3101, %select_n3A_3081, %select_n3A_3080 : vector<256x128xi1>, vector<256x128xi32>
    %select_n3A_3110 = arith.select %and3A_3101, %select_n3A_3082, %select_n3A_3081 : vector<256x128xi1>, vector<256x128xi32>
    %select_n3A_3111 = arith.select %and3A_3101, %select_n3A_3083, %select_n3A_3082 : vector<256x128xi1>, vector<256x128xi32>
    %select_n3A_3112 = arith.select %and3A_3101, %select_n3A_3084, %select_n3A_3083 : vector<256x128xi1>, vector<256x128xi32>
    %select_n3A_3113 = arith.select %and3A_3101, %select_n3A_3087, %select_n3A_3084 : vector<256x128xi1>, vector<256x128xi32>
    %jit3A_3114 = arith.constant 2147483647 : i32
    %broadcast_in_dim3A_3115 = vector.broadcast %jit3A_3114 : i32 to vector<256x128xi32>
    %select_n3A_3116 = arith.select %and3A_3101, %broadcast_in_dim3A_3115, %select_n3A_3087 : vector<256x128xi1>, vector<256x128xi32>
    %reduce_min3A_3117 = arith.constant dense<2147483647> : vector<256xi32>
    %reduce_min3A_3118 = vector.multi_reduction <minsi>, %select_n3A_3109, %reduce_min3A_3117 [1] : vector<256x128xi32> to vector<256xi32>
    %broadcast_in_dim3A_3119 = vector.shape_cast %reduce_min3A_3118 : vector<256xi32> to vector<256x1xi32>
    %eq3A_3120 = vector.broadcast %broadcast_in_dim3A_3119 : vector<256x1xi32> to vector<256x128xi32>
    %eq3A_3121 = arith.cmpi eq, %select_n3A_3109, %eq3A_3120 : vector<256x128xi32>
    %jit3A_3122 = arith.constant 8192 : i32
    %broadcast_in_dim3A_3123 = vector.broadcast %jit3A_3122 : i32 to vector<256x128xi32>
    %select_n3A_3124 = arith.select %eq3A_3121, %iota3A, %broadcast_in_dim3A_3123 : vector<256x128xi1>, vector<256x128xi32>
    %reduce_min3A_3125 = arith.constant dense<2147483647> : vector<256xi32>
    %reduce_min3A_3126 = vector.multi_reduction <minsi>, %select_n3A_3124, %reduce_min3A_3125 [1] : vector<256x128xi32> to vector<256xi32>
    %broadcast_in_dim3A_3127 = vector.shape_cast %reduce_min3A_3126 : vector<256xi32> to vector<256x1xi32>
    %eq3A_3128 = vector.broadcast %broadcast_in_dim3A_3127 : vector<256x1xi32> to vector<256x128xi32>
    %eq3A_3129 = arith.cmpi eq, %iota3A, %eq3A_3128 : vector<256x128xi32>
    %and3A_3130 = arith.andi %eq3A_3121, %eq3A_3129 : vector<256x128xi1>
    %and3A_3131 = arith.constant 63 : i32
    %and3A_3132 = vector.broadcast %and3A_3131 : i32 to vector<256x1xi32>
    %and3A_3133 = arith.andi %broadcast_in_dim3A_3119, %and3A_3132 : vector<256x1xi32>
    %mul3A_3134 = arith.constant 128 : i32
    %mul3A_3135 = vector.broadcast %mul3A_3134 : i32 to vector<256x1xi32>
    %mul3A_3136 = arith.muli %and3A_3133, %mul3A_3135 : vector<256x1xi32>
    %add3A_3137 = arith.addi %mul3A_3136, %broadcast_in_dim3A_3127 : vector<256x1xi32>
    %select_n3A_3138 = arith.select %and3A_3130, %select_n3A_3110, %select_n3A_3109 : vector<256x128xi1>, vector<256x128xi32>
    %select_n3A_3139 = arith.select %and3A_3130, %select_n3A_3111, %select_n3A_3110 : vector<256x128xi1>, vector<256x128xi32>
    %select_n3A_3140 = arith.select %and3A_3130, %select_n3A_3112, %select_n3A_3111 : vector<256x128xi1>, vector<256x128xi32>
    %select_n3A_3141 = arith.select %and3A_3130, %select_n3A_3113, %select_n3A_3112 : vector<256x128xi1>, vector<256x128xi32>
    %select_n3A_3142 = arith.select %and3A_3130, %select_n3A_3116, %select_n3A_3113 : vector<256x128xi1>, vector<256x128xi32>
    %jit3A_3143 = arith.constant 2147483647 : i32
    %broadcast_in_dim3A_3144 = vector.broadcast %jit3A_3143 : i32 to vector<256x128xi32>
    %select_n3A_3145 = arith.select %and3A_3130, %broadcast_in_dim3A_3144, %select_n3A_3116 : vector<256x128xi1>, vector<256x128xi32>
    %reduce_min3A_3146 = arith.constant dense<2147483647> : vector<256xi32>
    %reduce_min3A_3147 = vector.multi_reduction <minsi>, %select_n3A_3138, %reduce_min3A_3146 [1] : vector<256x128xi32> to vector<256xi32>
    %broadcast_in_dim3A_3148 = vector.shape_cast %reduce_min3A_3147 : vector<256xi32> to vector<256x1xi32>
    %eq3A_3149 = vector.broadcast %broadcast_in_dim3A_3148 : vector<256x1xi32> to vector<256x128xi32>
    %eq3A_3150 = arith.cmpi eq, %select_n3A_3138, %eq3A_3149 : vector<256x128xi32>
    %jit3A_3151 = arith.constant 8192 : i32
    %broadcast_in_dim3A_3152 = vector.broadcast %jit3A_3151 : i32 to vector<256x128xi32>
    %select_n3A_3153 = arith.select %eq3A_3150, %iota3A, %broadcast_in_dim3A_3152 : vector<256x128xi1>, vector<256x128xi32>
    %reduce_min3A_3154 = arith.constant dense<2147483647> : vector<256xi32>
    %reduce_min3A_3155 = vector.multi_reduction <minsi>, %select_n3A_3153, %reduce_min3A_3154 [1] : vector<256x128xi32> to vector<256xi32>
    %broadcast_in_dim3A_3156 = vector.shape_cast %reduce_min3A_3155 : vector<256xi32> to vector<256x1xi32>
    %eq3A_3157 = vector.broadcast %broadcast_in_dim3A_3156 : vector<256x1xi32> to vector<256x128xi32>
    %eq3A_3158 = arith.cmpi eq, %iota3A, %eq3A_3157 : vector<256x128xi32>
    %and3A_3159 = arith.andi %eq3A_3150, %eq3A_3158 : vector<256x128xi1>
    %and3A_3160 = arith.constant 63 : i32
    %and3A_3161 = vector.broadcast %and3A_3160 : i32 to vector<256x1xi32>
    %and3A_3162 = arith.andi %broadcast_in_dim3A_3148, %and3A_3161 : vector<256x1xi32>
    %mul3A_3163 = arith.constant 128 : i32
    %mul3A_3164 = vector.broadcast %mul3A_3163 : i32 to vector<256x1xi32>
    %mul3A_3165 = arith.muli %and3A_3162, %mul3A_3164 : vector<256x1xi32>
    %add3A_3166 = arith.addi %mul3A_3165, %broadcast_in_dim3A_3156 : vector<256x1xi32>
    %select_n3A_3167 = arith.select %and3A_3159, %select_n3A_3139, %select_n3A_3138 : vector<256x128xi1>, vector<256x128xi32>
    %select_n3A_3168 = arith.select %and3A_3159, %select_n3A_3140, %select_n3A_3139 : vector<256x128xi1>, vector<256x128xi32>
    %select_n3A_3169 = arith.select %and3A_3159, %select_n3A_3141, %select_n3A_3140 : vector<256x128xi1>, vector<256x128xi32>
    %select_n3A_3170 = arith.select %and3A_3159, %select_n3A_3142, %select_n3A_3141 : vector<256x128xi1>, vector<256x128xi32>
    %select_n3A_3171 = arith.select %and3A_3159, %select_n3A_3145, %select_n3A_3142 : vector<256x128xi1>, vector<256x128xi32>
    %jit3A_3172 = arith.constant 2147483647 : i32
    %broadcast_in_dim3A_3173 = vector.broadcast %jit3A_3172 : i32 to vector<256x128xi32>
    %select_n3A_3174 = arith.select %and3A_3159, %broadcast_in_dim3A_3173, %select_n3A_3145 : vector<256x128xi1>, vector<256x128xi32>
    %reduce_min3A_3175 = arith.constant dense<2147483647> : vector<256xi32>
    %reduce_min3A_3176 = vector.multi_reduction <minsi>, %select_n3A_3167, %reduce_min3A_3175 [1] : vector<256x128xi32> to vector<256xi32>
    %broadcast_in_dim3A_3177 = vector.shape_cast %reduce_min3A_3176 : vector<256xi32> to vector<256x1xi32>
    %eq3A_3178 = vector.broadcast %broadcast_in_dim3A_3177 : vector<256x1xi32> to vector<256x128xi32>
    %eq3A_3179 = arith.cmpi eq, %select_n3A_3167, %eq3A_3178 : vector<256x128xi32>
    %jit3A_3180 = arith.constant 8192 : i32
    %broadcast_in_dim3A_3181 = vector.broadcast %jit3A_3180 : i32 to vector<256x128xi32>
    %select_n3A_3182 = arith.select %eq3A_3179, %iota3A, %broadcast_in_dim3A_3181 : vector<256x128xi1>, vector<256x128xi32>
    %reduce_min3A_3183 = arith.constant dense<2147483647> : vector<256xi32>
    %reduce_min3A_3184 = vector.multi_reduction <minsi>, %select_n3A_3182, %reduce_min3A_3183 [1] : vector<256x128xi32> to vector<256xi32>
    %broadcast_in_dim3A_3185 = vector.shape_cast %reduce_min3A_3184 : vector<256xi32> to vector<256x1xi32>
    %eq3A_3186 = vector.broadcast %broadcast_in_dim3A_3185 : vector<256x1xi32> to vector<256x128xi32>
    %eq3A_3187 = arith.cmpi eq, %iota3A, %eq3A_3186 : vector<256x128xi32>
    %and3A_3188 = arith.andi %eq3A_3179, %eq3A_3187 : vector<256x128xi1>
    %and3A_3189 = arith.constant 63 : i32
    %and3A_3190 = vector.broadcast %and3A_3189 : i32 to vector<256x1xi32>
    %and3A_3191 = arith.andi %broadcast_in_dim3A_3177, %and3A_3190 : vector<256x1xi32>
    %mul3A_3192 = arith.constant 128 : i32
    %mul3A_3193 = vector.broadcast %mul3A_3192 : i32 to vector<256x1xi32>
    %mul3A_3194 = arith.muli %and3A_3191, %mul3A_3193 : vector<256x1xi32>
    %add3A_3195 = arith.addi %mul3A_3194, %broadcast_in_dim3A_3185 : vector<256x1xi32>
    %select_n3A_3196 = arith.select %and3A_3188, %select_n3A_3168, %select_n3A_3167 : vector<256x128xi1>, vector<256x128xi32>
    %select_n3A_3197 = arith.select %and3A_3188, %select_n3A_3169, %select_n3A_3168 : vector<256x128xi1>, vector<256x128xi32>
    %select_n3A_3198 = arith.select %and3A_3188, %select_n3A_3170, %select_n3A_3169 : vector<256x128xi1>, vector<256x128xi32>
    %select_n3A_3199 = arith.select %and3A_3188, %select_n3A_3171, %select_n3A_3170 : vector<256x128xi1>, vector<256x128xi32>
    %select_n3A_3200 = arith.select %and3A_3188, %select_n3A_3174, %select_n3A_3171 : vector<256x128xi1>, vector<256x128xi32>
    %jit3A_3201 = arith.constant 2147483647 : i32
    %broadcast_in_dim3A_3202 = vector.broadcast %jit3A_3201 : i32 to vector<256x128xi32>
    %select_n3A_3203 = arith.select %and3A_3188, %broadcast_in_dim3A_3202, %select_n3A_3174 : vector<256x128xi1>, vector<256x128xi32>
    %reduce_min3A_3204 = arith.constant dense<2147483647> : vector<256xi32>
    %reduce_min3A_3205 = vector.multi_reduction <minsi>, %select_n3A_3196, %reduce_min3A_3204 [1] : vector<256x128xi32> to vector<256xi32>
    %broadcast_in_dim3A_3206 = vector.shape_cast %reduce_min3A_3205 : vector<256xi32> to vector<256x1xi32>
    %eq3A_3207 = vector.broadcast %broadcast_in_dim3A_3206 : vector<256x1xi32> to vector<256x128xi32>
    %eq3A_3208 = arith.cmpi eq, %select_n3A_3196, %eq3A_3207 : vector<256x128xi32>
    %jit3A_3209 = arith.constant 8192 : i32
    %broadcast_in_dim3A_3210 = vector.broadcast %jit3A_3209 : i32 to vector<256x128xi32>
    %select_n3A_3211 = arith.select %eq3A_3208, %iota3A, %broadcast_in_dim3A_3210 : vector<256x128xi1>, vector<256x128xi32>
    %reduce_min3A_3212 = arith.constant dense<2147483647> : vector<256xi32>
    %reduce_min3A_3213 = vector.multi_reduction <minsi>, %select_n3A_3211, %reduce_min3A_3212 [1] : vector<256x128xi32> to vector<256xi32>
    %broadcast_in_dim3A_3214 = vector.shape_cast %reduce_min3A_3213 : vector<256xi32> to vector<256x1xi32>
    %eq3A_3215 = vector.broadcast %broadcast_in_dim3A_3214 : vector<256x1xi32> to vector<256x128xi32>
    %eq3A_3216 = arith.cmpi eq, %iota3A, %eq3A_3215 : vector<256x128xi32>
    %and3A_3217 = arith.andi %eq3A_3208, %eq3A_3216 : vector<256x128xi1>
    %and3A_3218 = arith.constant 63 : i32
    %and3A_3219 = vector.broadcast %and3A_3218 : i32 to vector<256x1xi32>
    %and3A_3220 = arith.andi %broadcast_in_dim3A_3206, %and3A_3219 : vector<256x1xi32>
    %mul3A_3221 = arith.constant 128 : i32
    %mul3A_3222 = vector.broadcast %mul3A_3221 : i32 to vector<256x1xi32>
    %mul3A_3223 = arith.muli %and3A_3220, %mul3A_3222 : vector<256x1xi32>
    %add3A_3224 = arith.addi %mul3A_3223, %broadcast_in_dim3A_3214 : vector<256x1xi32>
    %select_n3A_3225 = arith.select %and3A_3217, %select_n3A_3197, %select_n3A_3196 : vector<256x128xi1>, vector<256x128xi32>
    %select_n3A_3226 = arith.select %and3A_3217, %select_n3A_3198, %select_n3A_3197 : vector<256x128xi1>, vector<256x128xi32>
    %select_n3A_3227 = arith.select %and3A_3217, %select_n3A_3199, %select_n3A_3198 : vector<256x128xi1>, vector<256x128xi32>
    %select_n3A_3228 = arith.select %and3A_3217, %select_n3A_3200, %select_n3A_3199 : vector<256x128xi1>, vector<256x128xi32>
    %select_n3A_3229 = arith.select %and3A_3217, %select_n3A_3203, %select_n3A_3200 : vector<256x128xi1>, vector<256x128xi32>
    %jit3A_3230 = arith.constant 2147483647 : i32
    %broadcast_in_dim3A_3231 = vector.broadcast %jit3A_3230 : i32 to vector<256x128xi32>
    %select_n3A_3232 = arith.select %and3A_3217, %broadcast_in_dim3A_3231, %select_n3A_3203 : vector<256x128xi1>, vector<256x128xi32>
    %reduce_min3A_3233 = arith.constant dense<2147483647> : vector<256xi32>
    %reduce_min3A_3234 = vector.multi_reduction <minsi>, %select_n3A_3225, %reduce_min3A_3233 [1] : vector<256x128xi32> to vector<256xi32>
    %broadcast_in_dim3A_3235 = vector.shape_cast %reduce_min3A_3234 : vector<256xi32> to vector<256x1xi32>
    %eq3A_3236 = vector.broadcast %broadcast_in_dim3A_3235 : vector<256x1xi32> to vector<256x128xi32>
    %eq3A_3237 = arith.cmpi eq, %select_n3A_3225, %eq3A_3236 : vector<256x128xi32>
    %jit3A_3238 = arith.constant 8192 : i32
    %broadcast_in_dim3A_3239 = vector.broadcast %jit3A_3238 : i32 to vector<256x128xi32>
    %select_n3A_3240 = arith.select %eq3A_3237, %iota3A, %broadcast_in_dim3A_3239 : vector<256x128xi1>, vector<256x128xi32>
    %reduce_min3A_3241 = arith.constant dense<2147483647> : vector<256xi32>
    %reduce_min3A_3242 = vector.multi_reduction <minsi>, %select_n3A_3240, %reduce_min3A_3241 [1] : vector<256x128xi32> to vector<256xi32>
    %broadcast_in_dim3A_3243 = vector.shape_cast %reduce_min3A_3242 : vector<256xi32> to vector<256x1xi32>
    %eq3A_3244 = vector.broadcast %broadcast_in_dim3A_3243 : vector<256x1xi32> to vector<256x128xi32>
    %eq3A_3245 = arith.cmpi eq, %iota3A, %eq3A_3244 : vector<256x128xi32>
    %and3A_3246 = arith.andi %eq3A_3237, %eq3A_3245 : vector<256x128xi1>
    %and3A_3247 = arith.constant 63 : i32
    %and3A_3248 = vector.broadcast %and3A_3247 : i32 to vector<256x1xi32>
    %and3A_3249 = arith.andi %broadcast_in_dim3A_3235, %and3A_3248 : vector<256x1xi32>
    %mul3A_3250 = arith.constant 128 : i32
    %mul3A_3251 = vector.broadcast %mul3A_3250 : i32 to vector<256x1xi32>
    %mul3A_3252 = arith.muli %and3A_3249, %mul3A_3251 : vector<256x1xi32>
    %add3A_3253 = arith.addi %mul3A_3252, %broadcast_in_dim3A_3243 : vector<256x1xi32>
    %select_n3A_3254 = arith.select %and3A_3246, %select_n3A_3226, %select_n3A_3225 : vector<256x128xi1>, vector<256x128xi32>
    %select_n3A_3255 = arith.select %and3A_3246, %select_n3A_3227, %select_n3A_3226 : vector<256x128xi1>, vector<256x128xi32>
    %select_n3A_3256 = arith.select %and3A_3246, %select_n3A_3228, %select_n3A_3227 : vector<256x128xi1>, vector<256x128xi32>
    %select_n3A_3257 = arith.select %and3A_3246, %select_n3A_3229, %select_n3A_3228 : vector<256x128xi1>, vector<256x128xi32>
    %select_n3A_3258 = arith.select %and3A_3246, %select_n3A_3232, %select_n3A_3229 : vector<256x128xi1>, vector<256x128xi32>
    %jit3A_3259 = arith.constant 2147483647 : i32
    %broadcast_in_dim3A_3260 = vector.broadcast %jit3A_3259 : i32 to vector<256x128xi32>
    %select_n3A_3261 = arith.select %and3A_3246, %broadcast_in_dim3A_3260, %select_n3A_3232 : vector<256x128xi1>, vector<256x128xi32>
    %reduce_min3A_3262 = arith.constant dense<2147483647> : vector<256xi32>
    %reduce_min3A_3263 = vector.multi_reduction <minsi>, %select_n3A_3254, %reduce_min3A_3262 [1] : vector<256x128xi32> to vector<256xi32>
    %broadcast_in_dim3A_3264 = vector.shape_cast %reduce_min3A_3263 : vector<256xi32> to vector<256x1xi32>
    %eq3A_3265 = vector.broadcast %broadcast_in_dim3A_3264 : vector<256x1xi32> to vector<256x128xi32>
    %eq3A_3266 = arith.cmpi eq, %select_n3A_3254, %eq3A_3265 : vector<256x128xi32>
    %jit3A_3267 = arith.constant 8192 : i32
    %broadcast_in_dim3A_3268 = vector.broadcast %jit3A_3267 : i32 to vector<256x128xi32>
    %select_n3A_3269 = arith.select %eq3A_3266, %iota3A, %broadcast_in_dim3A_3268 : vector<256x128xi1>, vector<256x128xi32>
    %reduce_min3A_3270 = arith.constant dense<2147483647> : vector<256xi32>
    %reduce_min3A_3271 = vector.multi_reduction <minsi>, %select_n3A_3269, %reduce_min3A_3270 [1] : vector<256x128xi32> to vector<256xi32>
    %broadcast_in_dim3A_3272 = vector.shape_cast %reduce_min3A_3271 : vector<256xi32> to vector<256x1xi32>
    %eq3A_3273 = vector.broadcast %broadcast_in_dim3A_3272 : vector<256x1xi32> to vector<256x128xi32>
    %eq3A_3274 = arith.cmpi eq, %iota3A, %eq3A_3273 : vector<256x128xi32>
    %and3A_3275 = arith.andi %eq3A_3266, %eq3A_3274 : vector<256x128xi1>
    %and3A_3276 = arith.constant 63 : i32
    %and3A_3277 = vector.broadcast %and3A_3276 : i32 to vector<256x1xi32>
    %and3A_3278 = arith.andi %broadcast_in_dim3A_3264, %and3A_3277 : vector<256x1xi32>
    %mul3A_3279 = arith.constant 128 : i32
    %mul3A_3280 = vector.broadcast %mul3A_3279 : i32 to vector<256x1xi32>
    %mul3A_3281 = arith.muli %and3A_3278, %mul3A_3280 : vector<256x1xi32>
    %add3A_3282 = arith.addi %mul3A_3281, %broadcast_in_dim3A_3272 : vector<256x1xi32>
    %select_n3A_3283 = arith.select %and3A_3275, %select_n3A_3255, %select_n3A_3254 : vector<256x128xi1>, vector<256x128xi32>
    %select_n3A_3284 = arith.select %and3A_3275, %select_n3A_3256, %select_n3A_3255 : vector<256x128xi1>, vector<256x128xi32>
    %select_n3A_3285 = arith.select %and3A_3275, %select_n3A_3257, %select_n3A_3256 : vector<256x128xi1>, vector<256x128xi32>
    %select_n3A_3286 = arith.select %and3A_3275, %select_n3A_3258, %select_n3A_3257 : vector<256x128xi1>, vector<256x128xi32>
    %select_n3A_3287 = arith.select %and3A_3275, %select_n3A_3261, %select_n3A_3258 : vector<256x128xi1>, vector<256x128xi32>
    %jit3A_3288 = arith.constant 2147483647 : i32
    %broadcast_in_dim3A_3289 = vector.broadcast %jit3A_3288 : i32 to vector<256x128xi32>
    %select_n3A_3290 = arith.select %and3A_3275, %broadcast_in_dim3A_3289, %select_n3A_3261 : vector<256x128xi1>, vector<256x128xi32>
    %reduce_min3A_3291 = arith.constant dense<2147483647> : vector<256xi32>
    %reduce_min3A_3292 = vector.multi_reduction <minsi>, %select_n3A_3283, %reduce_min3A_3291 [1] : vector<256x128xi32> to vector<256xi32>
    %broadcast_in_dim3A_3293 = vector.shape_cast %reduce_min3A_3292 : vector<256xi32> to vector<256x1xi32>
    %eq3A_3294 = vector.broadcast %broadcast_in_dim3A_3293 : vector<256x1xi32> to vector<256x128xi32>
    %eq3A_3295 = arith.cmpi eq, %select_n3A_3283, %eq3A_3294 : vector<256x128xi32>
    %jit3A_3296 = arith.constant 8192 : i32
    %broadcast_in_dim3A_3297 = vector.broadcast %jit3A_3296 : i32 to vector<256x128xi32>
    %select_n3A_3298 = arith.select %eq3A_3295, %iota3A, %broadcast_in_dim3A_3297 : vector<256x128xi1>, vector<256x128xi32>
    %reduce_min3A_3299 = arith.constant dense<2147483647> : vector<256xi32>
    %reduce_min3A_3300 = vector.multi_reduction <minsi>, %select_n3A_3298, %reduce_min3A_3299 [1] : vector<256x128xi32> to vector<256xi32>
    %broadcast_in_dim3A_3301 = vector.shape_cast %reduce_min3A_3300 : vector<256xi32> to vector<256x1xi32>
    %eq3A_3302 = vector.broadcast %broadcast_in_dim3A_3301 : vector<256x1xi32> to vector<256x128xi32>
    %eq3A_3303 = arith.cmpi eq, %iota3A, %eq3A_3302 : vector<256x128xi32>
    %and3A_3304 = arith.andi %eq3A_3295, %eq3A_3303 : vector<256x128xi1>
    %and3A_3305 = arith.constant 63 : i32
    %and3A_3306 = vector.broadcast %and3A_3305 : i32 to vector<256x1xi32>
    %and3A_3307 = arith.andi %broadcast_in_dim3A_3293, %and3A_3306 : vector<256x1xi32>
    %mul3A_3308 = arith.constant 128 : i32
    %mul3A_3309 = vector.broadcast %mul3A_3308 : i32 to vector<256x1xi32>
    %mul3A_3310 = arith.muli %and3A_3307, %mul3A_3309 : vector<256x1xi32>
    %add3A_3311 = arith.addi %mul3A_3310, %broadcast_in_dim3A_3301 : vector<256x1xi32>
    %select_n3A_3312 = arith.select %and3A_3304, %select_n3A_3284, %select_n3A_3283 : vector<256x128xi1>, vector<256x128xi32>
    %select_n3A_3313 = arith.select %and3A_3304, %select_n3A_3285, %select_n3A_3284 : vector<256x128xi1>, vector<256x128xi32>
    %select_n3A_3314 = arith.select %and3A_3304, %select_n3A_3286, %select_n3A_3285 : vector<256x128xi1>, vector<256x128xi32>
    %select_n3A_3315 = arith.select %and3A_3304, %select_n3A_3287, %select_n3A_3286 : vector<256x128xi1>, vector<256x128xi32>
    %select_n3A_3316 = arith.select %and3A_3304, %select_n3A_3290, %select_n3A_3287 : vector<256x128xi1>, vector<256x128xi32>
    %reduce_min3A_3317 = arith.constant dense<2147483647> : vector<256xi32>
    %reduce_min3A_3318 = vector.multi_reduction <minsi>, %select_n3A_3312, %reduce_min3A_3317 [1] : vector<256x128xi32> to vector<256xi32>
    %broadcast_in_dim3A_3319 = vector.shape_cast %reduce_min3A_3318 : vector<256xi32> to vector<256x1xi32>
    %eq3A_3320 = vector.broadcast %broadcast_in_dim3A_3319 : vector<256x1xi32> to vector<256x128xi32>
    %eq3A_3321 = arith.cmpi eq, %select_n3A_3312, %eq3A_3320 : vector<256x128xi32>
    %jit3A_3322 = arith.constant 8192 : i32
    %broadcast_in_dim3A_3323 = vector.broadcast %jit3A_3322 : i32 to vector<256x128xi32>
    %select_n3A_3324 = arith.select %eq3A_3321, %iota3A, %broadcast_in_dim3A_3323 : vector<256x128xi1>, vector<256x128xi32>
    %reduce_min3A_3325 = arith.constant dense<2147483647> : vector<256xi32>
    %reduce_min3A_3326 = vector.multi_reduction <minsi>, %select_n3A_3324, %reduce_min3A_3325 [1] : vector<256x128xi32> to vector<256xi32>
    %broadcast_in_dim3A_3327 = vector.shape_cast %reduce_min3A_3326 : vector<256xi32> to vector<256x1xi32>
    %eq3A_3328 = vector.broadcast %broadcast_in_dim3A_3327 : vector<256x1xi32> to vector<256x128xi32>
    %eq3A_3329 = arith.cmpi eq, %iota3A, %eq3A_3328 : vector<256x128xi32>
    %and3A_3330 = arith.andi %eq3A_3321, %eq3A_3329 : vector<256x128xi1>
    %and3A_3331 = arith.constant 63 : i32
    %and3A_3332 = vector.broadcast %and3A_3331 : i32 to vector<256x1xi32>
    %and3A_3333 = arith.andi %broadcast_in_dim3A_3319, %and3A_3332 : vector<256x1xi32>
    %mul3A_3334 = arith.constant 128 : i32
    %mul3A_3335 = vector.broadcast %mul3A_3334 : i32 to vector<256x1xi32>
    %mul3A_3336 = arith.muli %and3A_3333, %mul3A_3335 : vector<256x1xi32>
    %add3A_3337 = arith.addi %mul3A_3336, %broadcast_in_dim3A_3327 : vector<256x1xi32>
    %select_n3A_3338 = arith.select %and3A_3330, %select_n3A_3313, %select_n3A_3312 : vector<256x128xi1>, vector<256x128xi32>
    %select_n3A_3339 = arith.select %and3A_3330, %select_n3A_3314, %select_n3A_3313 : vector<256x128xi1>, vector<256x128xi32>
    %select_n3A_3340 = arith.select %and3A_3330, %select_n3A_3315, %select_n3A_3314 : vector<256x128xi1>, vector<256x128xi32>
    %select_n3A_3341 = arith.select %and3A_3330, %select_n3A_3316, %select_n3A_3315 : vector<256x128xi1>, vector<256x128xi32>
    %reduce_min3A_3342 = arith.constant dense<2147483647> : vector<256xi32>
    %reduce_min3A_3343 = vector.multi_reduction <minsi>, %select_n3A_3338, %reduce_min3A_3342 [1] : vector<256x128xi32> to vector<256xi32>
    %broadcast_in_dim3A_3344 = vector.shape_cast %reduce_min3A_3343 : vector<256xi32> to vector<256x1xi32>
    %eq3A_3345 = vector.broadcast %broadcast_in_dim3A_3344 : vector<256x1xi32> to vector<256x128xi32>
    %eq3A_3346 = arith.cmpi eq, %select_n3A_3338, %eq3A_3345 : vector<256x128xi32>
    %jit3A_3347 = arith.constant 8192 : i32
    %broadcast_in_dim3A_3348 = vector.broadcast %jit3A_3347 : i32 to vector<256x128xi32>
    %select_n3A_3349 = arith.select %eq3A_3346, %iota3A, %broadcast_in_dim3A_3348 : vector<256x128xi1>, vector<256x128xi32>
    %reduce_min3A_3350 = arith.constant dense<2147483647> : vector<256xi32>
    %reduce_min3A_3351 = vector.multi_reduction <minsi>, %select_n3A_3349, %reduce_min3A_3350 [1] : vector<256x128xi32> to vector<256xi32>
    %broadcast_in_dim3A_3352 = vector.shape_cast %reduce_min3A_3351 : vector<256xi32> to vector<256x1xi32>
    %eq3A_3353 = vector.broadcast %broadcast_in_dim3A_3352 : vector<256x1xi32> to vector<256x128xi32>
    %eq3A_3354 = arith.cmpi eq, %iota3A, %eq3A_3353 : vector<256x128xi32>
    %and3A_3355 = arith.andi %eq3A_3346, %eq3A_3354 : vector<256x128xi1>
    %and3A_3356 = arith.constant 63 : i32
    %and3A_3357 = vector.broadcast %and3A_3356 : i32 to vector<256x1xi32>
    %and3A_3358 = arith.andi %broadcast_in_dim3A_3344, %and3A_3357 : vector<256x1xi32>
    %mul3A_3359 = arith.constant 128 : i32
    %mul3A_3360 = vector.broadcast %mul3A_3359 : i32 to vector<256x1xi32>
    %mul3A_3361 = arith.muli %and3A_3358, %mul3A_3360 : vector<256x1xi32>
    %add3A_3362 = arith.addi %mul3A_3361, %broadcast_in_dim3A_3352 : vector<256x1xi32>
    %select_n3A_3363 = arith.select %and3A_3355, %select_n3A_3339, %select_n3A_3338 : vector<256x128xi1>, vector<256x128xi32>
    %select_n3A_3364 = arith.select %and3A_3355, %select_n3A_3340, %select_n3A_3339 : vector<256x128xi1>, vector<256x128xi32>
    %select_n3A_3365 = arith.select %and3A_3355, %select_n3A_3341, %select_n3A_3340 : vector<256x128xi1>, vector<256x128xi32>
    %reduce_min3A_3366 = arith.constant dense<2147483647> : vector<256xi32>
    %reduce_min3A_3367 = vector.multi_reduction <minsi>, %select_n3A_3363, %reduce_min3A_3366 [1] : vector<256x128xi32> to vector<256xi32>
    %broadcast_in_dim3A_3368 = vector.shape_cast %reduce_min3A_3367 : vector<256xi32> to vector<256x1xi32>
    %eq3A_3369 = vector.broadcast %broadcast_in_dim3A_3368 : vector<256x1xi32> to vector<256x128xi32>
    %eq3A_3370 = arith.cmpi eq, %select_n3A_3363, %eq3A_3369 : vector<256x128xi32>
    %jit3A_3371 = arith.constant 8192 : i32
    %broadcast_in_dim3A_3372 = vector.broadcast %jit3A_3371 : i32 to vector<256x128xi32>
    %select_n3A_3373 = arith.select %eq3A_3370, %iota3A, %broadcast_in_dim3A_3372 : vector<256x128xi1>, vector<256x128xi32>
    %reduce_min3A_3374 = arith.constant dense<2147483647> : vector<256xi32>
    %reduce_min3A_3375 = vector.multi_reduction <minsi>, %select_n3A_3373, %reduce_min3A_3374 [1] : vector<256x128xi32> to vector<256xi32>
    %broadcast_in_dim3A_3376 = vector.shape_cast %reduce_min3A_3375 : vector<256xi32> to vector<256x1xi32>
    %eq3A_3377 = vector.broadcast %broadcast_in_dim3A_3376 : vector<256x1xi32> to vector<256x128xi32>
    %eq3A_3378 = arith.cmpi eq, %iota3A, %eq3A_3377 : vector<256x128xi32>
    %and3A_3379 = arith.andi %eq3A_3370, %eq3A_3378 : vector<256x128xi1>
    %and3A_3380 = arith.constant 63 : i32
    %and3A_3381 = vector.broadcast %and3A_3380 : i32 to vector<256x1xi32>
    %and3A_3382 = arith.andi %broadcast_in_dim3A_3368, %and3A_3381 : vector<256x1xi32>
    %mul3A_3383 = arith.constant 128 : i32
    %mul3A_3384 = vector.broadcast %mul3A_3383 : i32 to vector<256x1xi32>
    %mul3A_3385 = arith.muli %and3A_3382, %mul3A_3384 : vector<256x1xi32>
    %add3A_3386 = arith.addi %mul3A_3385, %broadcast_in_dim3A_3376 : vector<256x1xi32>
    %select_n3A_3387 = arith.select %and3A_3379, %select_n3A_3364, %select_n3A_3363 : vector<256x128xi1>, vector<256x128xi32>
    %select_n3A_3388 = arith.select %and3A_3379, %select_n3A_3365, %select_n3A_3364 : vector<256x128xi1>, vector<256x128xi32>
    %reduce_min3A_3389 = arith.constant dense<2147483647> : vector<256xi32>
    %reduce_min3A_3390 = vector.multi_reduction <minsi>, %select_n3A_3387, %reduce_min3A_3389 [1] : vector<256x128xi32> to vector<256xi32>
    %broadcast_in_dim3A_3391 = vector.shape_cast %reduce_min3A_3390 : vector<256xi32> to vector<256x1xi32>
    %eq3A_3392 = vector.broadcast %broadcast_in_dim3A_3391 : vector<256x1xi32> to vector<256x128xi32>
    %eq3A_3393 = arith.cmpi eq, %select_n3A_3387, %eq3A_3392 : vector<256x128xi32>
    %jit3A_3394 = arith.constant 8192 : i32
    %broadcast_in_dim3A_3395 = vector.broadcast %jit3A_3394 : i32 to vector<256x128xi32>
    %select_n3A_3396 = arith.select %eq3A_3393, %iota3A, %broadcast_in_dim3A_3395 : vector<256x128xi1>, vector<256x128xi32>
    %reduce_min3A_3397 = arith.constant dense<2147483647> : vector<256xi32>
    %reduce_min3A_3398 = vector.multi_reduction <minsi>, %select_n3A_3396, %reduce_min3A_3397 [1] : vector<256x128xi32> to vector<256xi32>
    %broadcast_in_dim3A_3399 = vector.shape_cast %reduce_min3A_3398 : vector<256xi32> to vector<256x1xi32>
    %eq3A_3400 = vector.broadcast %broadcast_in_dim3A_3399 : vector<256x1xi32> to vector<256x128xi32>
    %eq3A_3401 = arith.cmpi eq, %iota3A, %eq3A_3400 : vector<256x128xi32>
    %and3A_3402 = arith.andi %eq3A_3393, %eq3A_3401 : vector<256x128xi1>
    %and3A_3403 = arith.constant 63 : i32
    %and3A_3404 = vector.broadcast %and3A_3403 : i32 to vector<256x1xi32>
    %and3A_3405 = arith.andi %broadcast_in_dim3A_3391, %and3A_3404 : vector<256x1xi32>
    %mul3A_3406 = arith.constant 128 : i32
    %mul3A_3407 = vector.broadcast %mul3A_3406 : i32 to vector<256x1xi32>
    %mul3A_3408 = arith.muli %and3A_3405, %mul3A_3407 : vector<256x1xi32>
    %add3A_3409 = arith.addi %mul3A_3408, %broadcast_in_dim3A_3399 : vector<256x1xi32>
    %select_n3A_3410 = arith.select %and3A_3402, %select_n3A_3388, %select_n3A_3387 : vector<256x128xi1>, vector<256x128xi32>
    %reduce_min3A_3411 = arith.constant dense<2147483647> : vector<256xi32>
    %reduce_min3A_3412 = vector.multi_reduction <minsi>, %select_n3A_3410, %reduce_min3A_3411 [1] : vector<256x128xi32> to vector<256xi32>
    %broadcast_in_dim3A_3413 = vector.shape_cast %reduce_min3A_3412 : vector<256xi32> to vector<256x1xi32>
    %eq3A_3414 = vector.broadcast %broadcast_in_dim3A_3413 : vector<256x1xi32> to vector<256x128xi32>
    %eq3A_3415 = arith.cmpi eq, %select_n3A_3410, %eq3A_3414 : vector<256x128xi32>
    %jit3A_3416 = arith.constant 8192 : i32
    %broadcast_in_dim3A_3417 = vector.broadcast %jit3A_3416 : i32 to vector<256x128xi32>
    %select_n3A_3418 = arith.select %eq3A_3415, %iota3A, %broadcast_in_dim3A_3417 : vector<256x128xi1>, vector<256x128xi32>
    %reduce_min3A_3419 = arith.constant dense<2147483647> : vector<256xi32>
    %reduce_min3A_3420 = vector.multi_reduction <minsi>, %select_n3A_3418, %reduce_min3A_3419 [1] : vector<256x128xi32> to vector<256xi32>
    %broadcast_in_dim3A_3421 = vector.shape_cast %reduce_min3A_3420 : vector<256xi32> to vector<256x1xi32>
    %and3A_3422 = arith.constant 63 : i32
    %and3A_3423 = vector.broadcast %and3A_3422 : i32 to vector<256x1xi32>
    %and3A_3424 = arith.andi %broadcast_in_dim3A_3413, %and3A_3423 : vector<256x1xi32>
    %mul3A_3425 = arith.constant 128 : i32
    %mul3A_3426 = vector.broadcast %mul3A_3425 : i32 to vector<256x1xi32>
    %mul3A_3427 = arith.muli %and3A_3424, %mul3A_3426 : vector<256x1xi32>
    %add3A_3428 = arith.addi %mul3A_3427, %broadcast_in_dim3A_3421 : vector<256x1xi32>
    %concatenate3A = tpu.concatenate %add3A_2325, %add3A_2354, %add3A_2383, %add3A_2412, %add3A_2441, %add3A_2470, %add3A_2499, %add3A_2528, %add3A_2557, %add3A_2586, %add3A_2615, %add3A_2644, %add3A_2673, %add3A_2702, %add3A_2731, %add3A_2760, %add3A_2789, %add3A_2818, %add3A_2847, %add3A_2876, %add3A_2905, %add3A_2934, %add3A_2963, %add3A_2992, %add3A_3021, %add3A_3050, %add3A_3079, %add3A_3108, %add3A_3137, %add3A_3166, %add3A_3195, %add3A_3224, %add3A_3253, %add3A_3282, %add3A_3311, %add3A_3337, %add3A_3362, %add3A_3386, %add3A_3409, %add3A_3428 in 1 : vector<256x1xi32>, vector<256x1xi32>, vector<256x1xi32>, vector<256x1xi32>, vector<256x1xi32>, vector<256x1xi32>, vector<256x1xi32>, vector<256x1xi32>, vector<256x1xi32>, vector<256x1xi32>, vector<256x1xi32>, vector<256x1xi32>, vector<256x1xi32>, vector<256x1xi32>, vector<256x1xi32>, vector<256x1xi32>, vector<256x1xi32>, vector<256x1xi32>, vector<256x1xi32>, vector<256x1xi32>, vector<256x1xi32>, vector<256x1xi32>, vector<256x1xi32>, vector<256x1xi32>, vector<256x1xi32>, vector<256x1xi32>, vector<256x1xi32>, vector<256x1xi32>, vector<256x1xi32>, vector<256x1xi32>, vector<256x1xi32>, vector<256x1xi32>, vector<256x1xi32>, vector<256x1xi32>, vector<256x1xi32>, vector<256x1xi32>, vector<256x1xi32>, vector<256x1xi32>, vector<256x1xi32>, vector<256x1xi32> -> vector<256x40xi32>
    %swap3A = arith.constant 0 : index
    %swap3A_3429 = arith.constant 0 : index
    %swap3A_3430 = vector.load %arg3[%swap3A, %swap3A_3429] : memref<256x40xi32, #tpu.memory_space<vmem>>, vector<256x40xi32>
    tpu.vector_store %arg3[%swap3A, %swap3A_3429], %concatenate3A {strides = array<i32>} : memref<256x40xi32, #tpu.memory_space<vmem>>, vector<256x40xi32>,
    return
  }
  func.func @transform_0(%arg0: i32) -> (i32, i32) {
    %c0_i32 = arith.constant 0 : i32
    %c0_i32_0 = arith.constant 0 : i32
    return %arg0, %c0_i32 : i32, i32
  }
  func.func @transform_1(%arg0: i32) -> (i32, i32) {
    %c0_i32 = arith.constant 0 : i32
    %c0_i32_0 = arith.constant 0 : i32
    %c0_i32_1 = arith.constant 0 : i32
    return %c0_i32, %c0_i32_0 : i32, i32
  }
  func.func @transform_2(%arg0: i32) -> (i32, i32) {
    %c0_i32 = arith.constant 0 : i32
    %c0_i32_0 = arith.constant 0 : i32
    return %arg0, %c0_i32 : i32, i32
  }
}

module attributes {stable_mosaic.version = 14 : i64} {
  func.func @_aggproj_body(%arg0: i32, %arg1: memref<256x40x128xf32, #tpu.memory_space<vmem>>, %arg2: memref<256x128xf32, #tpu.memory_space<vmem>>, %arg3: memref<256x36xf32, #tpu.memory_space<vmem>>, %arg4: memref<44x36xf32, #tpu.memory_space<vmem>>, %arg5: memref<1x36xf32, #tpu.memory_space<vmem>>, %arg6: memref<36x4xf32, #tpu.memory_space<vmem>>, %arg7: memref<1x4xf32, #tpu.memory_space<vmem>>, %arg8: memref<36x22xf32, #tpu.memory_space<vmem>>, %arg9: memref<1x22xf32, #tpu.memory_space<vmem>>, %arg10: memref<36x36xf32, #tpu.memory_space<vmem>>, %arg11: memref<256x36xf32, #tpu.memory_space<vmem>>, %arg12: memref<256x8xf32, #tpu.memory_space<vmem>>, %arg13: memref<256x128xf32, #tpu.memory_space<vmem>>, %arg14: memref<256x36xf32, #tpu.memory_space<vmem>>) attributes {dimension_semantics = [#tpu.dimension_semantics<arbitrary>], iteration_bounds = array<i64: 32>, scalar_prefetch = 0 : i64, scratch_operands = 0 : i64, tpu.core_type = #tpu.core_type<tc>, window_params = [{transform_indices = @transform_0, window_bounds = array<i64: 256, 40, 128>}, {transform_indices = @transform_1, window_bounds = array<i64: 256, 128>}, {transform_indices = @transform_2, window_bounds = array<i64: 256, 36>}, {pipeline_mode = #tpu.pipeline_mode<synchronous>, transform_indices = @transform_3, window_bounds = array<i64: 44, 36>}, {pipeline_mode = #tpu.pipeline_mode<synchronous>, transform_indices = @transform_4, window_bounds = array<i64: 1, 36>}, {pipeline_mode = #tpu.pipeline_mode<synchronous>, transform_indices = @transform_5, window_bounds = array<i64: 36, 4>}, {pipeline_mode = #tpu.pipeline_mode<synchronous>, transform_indices = @transform_6, window_bounds = array<i64: 1, 4>}, {pipeline_mode = #tpu.pipeline_mode<synchronous>, transform_indices = @transform_7, window_bounds = array<i64: 36, 22>}, {pipeline_mode = #tpu.pipeline_mode<synchronous>, transform_indices = @transform_8, window_bounds = array<i64: 1, 22>}, {pipeline_mode = #tpu.pipeline_mode<synchronous>, transform_indices = @transform_9, window_bounds = array<i64: 36, 36>}, {transform_indices = @transform_10, window_bounds = array<i64: 256, 36>}, {transform_indices = @transform_11, window_bounds = array<i64: 256, 8>}, {transform_indices = @transform_12, window_bounds = array<i64: 256, 128>}, {transform_indices = @transform_13, window_bounds = array<i64: 256, 36>}]} {
    %get3A = arith.constant 0 : index
    %get3A_0 = arith.constant 0 : index
    %get3A_1 = arith.constant 0 : index
    %get3A_2 = vector.load %arg1[%get3A, %get3A_0, %get3A_1] : memref<256x40x128xf32, #tpu.memory_space<vmem>>, vector<256x40x128xf32>
    %get3A_3 = arith.constant 0 : index
    %get3A_4 = arith.constant 0 : index
    %get3A_5 = vector.load %arg2[%get3A_3, %get3A_4] : memref<256x128xf32, #tpu.memory_space<vmem>>, vector<256x128xf32>
    %get3A_6 = arith.constant 0 : index
    %get3A_7 = arith.constant 0 : index
    %get3A_8 = vector.load %arg3[%get3A_6, %get3A_7] : memref<256x36xf32, #tpu.memory_space<vmem>>, vector<256x36xf32>
    %get3A_9 = arith.constant 0 : index
    %get3A_10 = arith.constant 0 : index
    %get3A_11 = vector.load %arg4[%get3A_9, %get3A_10] : memref<44x36xf32, #tpu.memory_space<vmem>>, vector<44x36xf32>
    %get3A_12 = arith.constant 0 : index
    %get3A_13 = arith.constant 0 : index
    %get3A_14 = vector.load %arg5[%get3A_12, %get3A_13] : memref<1x36xf32, #tpu.memory_space<vmem>>, vector<1x36xf32>
    %slice3A = vector.extract_strided_slice %get3A_5 {offsets = [0, 0], sizes = [256, 4], strides = [1, 1]} : vector<256x128xf32> to vector<256x4xf32>
    %slice3A_15 = vector.extract_strided_slice %get3A_2 {offsets = [0, 0, 0], sizes = [256, 40, 4], strides = [1, 1, 1]} : vector<256x40x128xf32> to vector<256x40x4xf32>
    %broadcast_in_dim3A = vector.shape_cast %slice3A : vector<256x4xf32> to vector<256x1x4xf32>
    %sub3A = vector.broadcast %broadcast_in_dim3A : vector<256x1x4xf32> to vector<256x40x4xf32>
    %sub3A_16 = arith.subf %slice3A_15, %sub3A : vector<256x40x4xf32>
    %mul3A = arith.mulf %sub3A_16, %sub3A_16 : vector<256x40x4xf32>
    %reduce_sum3A = arith.constant dense<0.000000e+00> : vector<256x40xf32>
    %reduce_sum3A_17 = vector.multi_reduction <add>, %mul3A, %reduce_sum3A [2] : vector<256x40x4xf32> to vector<256x40xf32>
    %mul3A_18 = arith.constant -1.000000e+01 : f32
    %mul3A_19 = vector.broadcast %mul3A_18 : f32 to vector<256x40xf32>
    %mul3A_20 = arith.mulf %mul3A_19, %reduce_sum3A_17 : vector<256x40xf32>
    %exp3A = math.exp %mul3A_20 : vector<256x40xf32>
    %slice3A_21 = vector.extract_strided_slice %get3A_2 {offsets = [0, 0, 4], sizes = [256, 40, 22], strides = [1, 1, 1]} : vector<256x40x128xf32> to vector<256x40x22xf32>
    %broadcast_in_dim3A_22 = vector.shape_cast %exp3A : vector<256x40xf32> to vector<256x40x1xf32>
    %mul3A_23 = vector.broadcast %broadcast_in_dim3A_22 : vector<256x40x1xf32> to vector<256x40x22xf32>
    %mul3A_24 = arith.mulf %slice3A_21, %mul3A_23 : vector<256x40x22xf32>
    %reduce_sum3A_25 = arith.constant dense<0.000000e+00> : vector<256x22xf32>
    %reduce_sum3A_26 = vector.multi_reduction <add>, %mul3A_24, %reduce_sum3A_25 [1] : vector<256x40x22xf32> to vector<256x22xf32>
    %mul3A_27 = arith.constant 2.500000e-02 : f32
    %mul3A_28 = vector.broadcast %mul3A_27 : f32 to vector<256x22xf32>
    %mul3A_29 = arith.mulf %reduce_sum3A_26, %mul3A_28 : vector<256x22xf32>
    %reduce_max3A = arith.constant dense<0xFF800000> : vector<256x22xf32>
    %reduce_max3A_30 = vector.multi_reduction <maximumf>, %mul3A_24, %reduce_max3A [1] : vector<256x40x22xf32> to vector<256x22xf32>
    %concatenate3A = tpu.concatenate %mul3A_29, %reduce_max3A_30 in 1 : vector<256x22xf32>, vector<256x22xf32> -> vector<256x44xf32>
    %dot_general3A = arith.constant dense<0.000000e+00> : vector<256x36xf32>
    %dot_general3A_31 = tpu.matmul %concatenate3A, %get3A_11, %dot_general3A {dimension_numbers = #tpu.dot_dimension_numbers<[1], [0], [0], [1], [0, 0, 1, 1], [], []>, transpose_lhs_hint = false} : vector<256x44xf32>, vector<44x36xf32>, vector<256x36xf32> -> vector<256x36xf32>
    %add3A = arith.addf %get3A_8, %dot_general3A_31 : vector<256x36xf32>
    %add3A_32 = vector.broadcast %get3A_14 : vector<1x36xf32> to vector<256x36xf32>
    %add3A_33 = arith.addf %add3A, %add3A_32 : vector<256x36xf32>
    %swap3A = arith.constant 0 : index
    %swap3A_34 = arith.constant 0 : index
    %swap3A_35 = vector.load %arg11[%swap3A, %swap3A_34] : memref<256x36xf32, #tpu.memory_space<vmem>>, vector<256x36xf32>
    tpu.vector_store %arg11[%swap3A, %swap3A_34], %add3A_33 {strides = array<i32>} : memref<256x36xf32, #tpu.memory_space<vmem>>, vector<256x36xf32>,
    %get3A_36 = arith.constant 0 : index
    %get3A_37 = arith.constant 0 : index
    %get3A_38 = vector.load %arg6[%get3A_36, %get3A_37] : memref<36x4xf32, #tpu.memory_space<vmem>>, vector<36x4xf32>
    %get3A_39 = arith.constant 0 : index
    %get3A_40 = arith.constant 0 : index
    %get3A_41 = vector.load %arg7[%get3A_39, %get3A_40] : memref<1x4xf32, #tpu.memory_space<vmem>>, vector<1x4xf32>
    %get3A_42 = arith.constant 0 : index
    %get3A_43 = arith.constant 0 : index
    %get3A_44 = vector.load %arg8[%get3A_42, %get3A_43] : memref<36x22xf32, #tpu.memory_space<vmem>>, vector<36x22xf32>
    %get3A_45 = arith.constant 0 : index
    %get3A_46 = arith.constant 0 : index
    %get3A_47 = vector.load %arg9[%get3A_45, %get3A_46] : memref<1x22xf32, #tpu.memory_space<vmem>>, vector<1x22xf32>
    %get3A_48 = arith.constant 0 : index
    %get3A_49 = arith.constant 0 : index
    %get3A_50 = vector.load %arg10[%get3A_48, %get3A_49] : memref<36x36xf32, #tpu.memory_space<vmem>>, vector<36x36xf32>
    %dot_general3A_51 = arith.constant dense<0.000000e+00> : vector<256x4xf32>
    %dot_general3A_52 = tpu.matmul %add3A_33, %get3A_38, %dot_general3A_51 {dimension_numbers = #tpu.dot_dimension_numbers<[1], [0], [0], [1], [0, 0, 1, 1], [], []>, transpose_lhs_hint = false} : vector<256x36xf32>, vector<36x4xf32>, vector<256x4xf32> -> vector<256x4xf32>
    %add3A_53 = vector.broadcast %get3A_41 : vector<1x4xf32> to vector<256x4xf32>
    %add3A_54 = arith.addf %dot_general3A_52, %add3A_53 : vector<256x4xf32>
    %dot_general3A_55 = arith.constant dense<0.000000e+00> : vector<256x22xf32>
    %dot_general3A_56 = tpu.matmul %add3A_33, %get3A_44, %dot_general3A_55 {dimension_numbers = #tpu.dot_dimension_numbers<[1], [0], [0], [1], [0, 0, 1, 1], [], []>, transpose_lhs_hint = false} : vector<256x36xf32>, vector<36x22xf32>, vector<256x22xf32> -> vector<256x22xf32>
    %add3A_57 = vector.broadcast %get3A_47 : vector<1x22xf32> to vector<256x22xf32>
    %add3A_58 = arith.addf %dot_general3A_56, %add3A_57 : vector<256x22xf32>
    %mul3A_59 = arith.mulf %add3A_54, %add3A_54 : vector<256x4xf32>
    %reduce_sum3A_60 = arith.constant dense<0.000000e+00> : vector<256xf32>
    %reduce_sum3A_61 = vector.multi_reduction <add>, %mul3A_59, %reduce_sum3A_60 [1] : vector<256x4xf32> to vector<256xf32>
    %broadcast_in_dim3A_62 = vector.shape_cast %reduce_sum3A_61 : vector<256xf32> to vector<256x1xf32>
    %broadcast_in_dim3A_63 = arith.constant 1.000000e+00 : f32
    %broadcast_in_dim3A_64 = vector.broadcast %broadcast_in_dim3A_63 : f32 to vector<256x1xf32>
    %broadcast_in_dim3A_65 = arith.constant 0.000000e+00 : f32
    %broadcast_in_dim3A_66 = vector.broadcast %broadcast_in_dim3A_65 : f32 to vector<256x2xf32>
    %concatenate3A_67 = tpu.concatenate %add3A_54, %broadcast_in_dim3A_64, %broadcast_in_dim3A_62, %broadcast_in_dim3A_66 in 1 : vector<256x4xf32>, vector<256x1xf32>, vector<256x1xf32>, vector<256x2xf32> -> vector<256x8xf32>
    %swap3A_68 = arith.constant 0 : index
    %swap3A_69 = arith.constant 0 : index
    %swap3A_70 = vector.load %arg12[%swap3A_68, %swap3A_69] : memref<256x8xf32, #tpu.memory_space<vmem>>, vector<256x8xf32>
    tpu.vector_store %arg12[%swap3A_68, %swap3A_69], %concatenate3A_67 {strides = array<i32>} : memref<256x8xf32, #tpu.memory_space<vmem>>, vector<256x8xf32>,
    %broadcast_in_dim3A_71 = arith.constant 0.000000e+00 : f32
    %broadcast_in_dim3A_72 = vector.broadcast %broadcast_in_dim3A_71 : f32 to vector<256x102xf32>
    %concatenate3A_73 = tpu.concatenate %add3A_54, %add3A_58, %broadcast_in_dim3A_72 in 1 : vector<256x4xf32>, vector<256x22xf32>, vector<256x102xf32> -> vector<256x128xf32>
    %swap3A_74 = arith.constant 0 : index
    %swap3A_75 = arith.constant 0 : index
    %swap3A_76 = vector.load %arg13[%swap3A_74, %swap3A_75] : memref<256x128xf32, #tpu.memory_space<vmem>>, vector<256x128xf32>
    tpu.vector_store %arg13[%swap3A_74, %swap3A_75], %concatenate3A_73 {strides = array<i32>} : memref<256x128xf32, #tpu.memory_space<vmem>>, vector<256x128xf32>,
    %dot_general3A_77 = arith.constant dense<0.000000e+00> : vector<256x36xf32>
    %dot_general3A_78 = tpu.matmul %add3A_33, %get3A_50, %dot_general3A_77 {dimension_numbers = #tpu.dot_dimension_numbers<[1], [0], [0], [1], [0, 0, 1, 1], [], []>, transpose_lhs_hint = false} : vector<256x36xf32>, vector<36x36xf32>, vector<256x36xf32> -> vector<256x36xf32>
    %swap3A_79 = arith.constant 0 : index
    %swap3A_80 = arith.constant 0 : index
    %swap3A_81 = vector.load %arg14[%swap3A_79, %swap3A_80] : memref<256x36xf32, #tpu.memory_space<vmem>>, vector<256x36xf32>
    tpu.vector_store %arg14[%swap3A_79, %swap3A_80], %dot_general3A_78 {strides = array<i32>} : memref<256x36xf32, #tpu.memory_space<vmem>>, vector<256x36xf32>,
    return
  }
  func.func @transform_0(%arg0: i32) -> (i32, i32, i32) {
    %c0_i32 = arith.constant 0 : i32
    %c0_i32_0 = arith.constant 0 : i32
    %c0_i32_1 = arith.constant 0 : i32
    return %arg0, %c0_i32, %c0_i32_0 : i32, i32, i32
  }
  func.func @transform_1(%arg0: i32) -> (i32, i32) {
    %c0_i32 = arith.constant 0 : i32
    %c0_i32_0 = arith.constant 0 : i32
    return %arg0, %c0_i32 : i32, i32
  }
  func.func @transform_2(%arg0: i32) -> (i32, i32) {
    %c0_i32 = arith.constant 0 : i32
    %c0_i32_0 = arith.constant 0 : i32
    return %arg0, %c0_i32 : i32, i32
  }
  func.func @transform_3(%arg0: i32) -> (i32, i32) {
    %c0_i32 = arith.constant 0 : i32
    %c0_i32_0 = arith.constant 0 : i32
    %c0_i32_1 = arith.constant 0 : i32
    return %c0_i32, %c0_i32_0 : i32, i32
  }
  func.func @transform_4(%arg0: i32) -> (i32, i32) {
    %c0_i32 = arith.constant 0 : i32
    %c0_i32_0 = arith.constant 0 : i32
    %c0_i32_1 = arith.constant 0 : i32
    return %c0_i32, %c0_i32_0 : i32, i32
  }
  func.func @transform_5(%arg0: i32) -> (i32, i32) {
    %c0_i32 = arith.constant 0 : i32
    %c0_i32_0 = arith.constant 0 : i32
    %c0_i32_1 = arith.constant 0 : i32
    return %c0_i32, %c0_i32_0 : i32, i32
  }
  func.func @transform_6(%arg0: i32) -> (i32, i32) {
    %c0_i32 = arith.constant 0 : i32
    %c0_i32_0 = arith.constant 0 : i32
    %c0_i32_1 = arith.constant 0 : i32
    return %c0_i32, %c0_i32_0 : i32, i32
  }
  func.func @transform_7(%arg0: i32) -> (i32, i32) {
    %c0_i32 = arith.constant 0 : i32
    %c0_i32_0 = arith.constant 0 : i32
    %c0_i32_1 = arith.constant 0 : i32
    return %c0_i32, %c0_i32_0 : i32, i32
  }
  func.func @transform_8(%arg0: i32) -> (i32, i32) {
    %c0_i32 = arith.constant 0 : i32
    %c0_i32_0 = arith.constant 0 : i32
    %c0_i32_1 = arith.constant 0 : i32
    return %c0_i32, %c0_i32_0 : i32, i32
  }
  func.func @transform_9(%arg0: i32) -> (i32, i32) {
    %c0_i32 = arith.constant 0 : i32
    %c0_i32_0 = arith.constant 0 : i32
    %c0_i32_1 = arith.constant 0 : i32
    return %c0_i32, %c0_i32_0 : i32, i32
  }
  func.func @transform_10(%arg0: i32) -> (i32, i32) {
    %c0_i32 = arith.constant 0 : i32
    %c0_i32_0 = arith.constant 0 : i32
    return %arg0, %c0_i32 : i32, i32
  }
  func.func @transform_11(%arg0: i32) -> (i32, i32) {
    %c0_i32 = arith.constant 0 : i32
    %c0_i32_0 = arith.constant 0 : i32
    return %arg0, %c0_i32 : i32, i32
  }
  func.func @transform_12(%arg0: i32) -> (i32, i32) {
    %c0_i32 = arith.constant 0 : i32
    %c0_i32_0 = arith.constant 0 : i32
    return %arg0, %c0_i32 : i32, i32
  }
  func.func @transform_13(%arg0: i32) -> (i32, i32) {
    %c0_i32 = arith.constant 0 : i32
    %c0_i32_0 = arith.constant 0 : i32
    return %arg0, %c0_i32 : i32, i32
  }
}

module attributes {stable_mosaic.version = 14 : i64} {
  func.func @_aggproj_body(%arg0: i32, %arg1: memref<256x40x128xf32, #tpu.memory_space<vmem>>, %arg2: memref<256x128xf32, #tpu.memory_space<vmem>>, %arg3: memref<256x36xf32, #tpu.memory_space<vmem>>, %arg4: memref<44x36xf32, #tpu.memory_space<vmem>>, %arg5: memref<1x36xf32, #tpu.memory_space<vmem>>, %arg6: memref<36x4xf32, #tpu.memory_space<vmem>>, %arg7: memref<1x4xf32, #tpu.memory_space<vmem>>, %arg8: memref<36x22xf32, #tpu.memory_space<vmem>>, %arg9: memref<1x22xf32, #tpu.memory_space<vmem>>, %arg10: memref<36x48xf32, #tpu.memory_space<vmem>>, %arg11: memref<256x36xf32, #tpu.memory_space<vmem>>, %arg12: memref<256x8xf32, #tpu.memory_space<vmem>>, %arg13: memref<256x128xf32, #tpu.memory_space<vmem>>, %arg14: memref<256x48xf32, #tpu.memory_space<vmem>>) attributes {dimension_semantics = [#tpu.dimension_semantics<arbitrary>], iteration_bounds = array<i64: 32>, scalar_prefetch = 0 : i64, scratch_operands = 0 : i64, tpu.core_type = #tpu.core_type<tc>, window_params = [{transform_indices = @transform_0, window_bounds = array<i64: 256, 40, 128>}, {transform_indices = @transform_1, window_bounds = array<i64: 256, 128>}, {transform_indices = @transform_2, window_bounds = array<i64: 256, 36>}, {pipeline_mode = #tpu.pipeline_mode<synchronous>, transform_indices = @transform_3, window_bounds = array<i64: 44, 36>}, {pipeline_mode = #tpu.pipeline_mode<synchronous>, transform_indices = @transform_4, window_bounds = array<i64: 1, 36>}, {pipeline_mode = #tpu.pipeline_mode<synchronous>, transform_indices = @transform_5, window_bounds = array<i64: 36, 4>}, {pipeline_mode = #tpu.pipeline_mode<synchronous>, transform_indices = @transform_6, window_bounds = array<i64: 1, 4>}, {pipeline_mode = #tpu.pipeline_mode<synchronous>, transform_indices = @transform_7, window_bounds = array<i64: 36, 22>}, {pipeline_mode = #tpu.pipeline_mode<synchronous>, transform_indices = @transform_8, window_bounds = array<i64: 1, 22>}, {pipeline_mode = #tpu.pipeline_mode<synchronous>, transform_indices = @transform_9, window_bounds = array<i64: 36, 48>}, {transform_indices = @transform_10, window_bounds = array<i64: 256, 36>}, {transform_indices = @transform_11, window_bounds = array<i64: 256, 8>}, {transform_indices = @transform_12, window_bounds = array<i64: 256, 128>}, {transform_indices = @transform_13, window_bounds = array<i64: 256, 48>}]} {
    %get3A = arith.constant 0 : index
    %get3A_0 = arith.constant 0 : index
    %get3A_1 = arith.constant 0 : index
    %get3A_2 = vector.load %arg1[%get3A, %get3A_0, %get3A_1] : memref<256x40x128xf32, #tpu.memory_space<vmem>>, vector<256x40x128xf32>
    %get3A_3 = arith.constant 0 : index
    %get3A_4 = arith.constant 0 : index
    %get3A_5 = vector.load %arg2[%get3A_3, %get3A_4] : memref<256x128xf32, #tpu.memory_space<vmem>>, vector<256x128xf32>
    %get3A_6 = arith.constant 0 : index
    %get3A_7 = arith.constant 0 : index
    %get3A_8 = vector.load %arg3[%get3A_6, %get3A_7] : memref<256x36xf32, #tpu.memory_space<vmem>>, vector<256x36xf32>
    %get3A_9 = arith.constant 0 : index
    %get3A_10 = arith.constant 0 : index
    %get3A_11 = vector.load %arg4[%get3A_9, %get3A_10] : memref<44x36xf32, #tpu.memory_space<vmem>>, vector<44x36xf32>
    %get3A_12 = arith.constant 0 : index
    %get3A_13 = arith.constant 0 : index
    %get3A_14 = vector.load %arg5[%get3A_12, %get3A_13] : memref<1x36xf32, #tpu.memory_space<vmem>>, vector<1x36xf32>
    %slice3A = vector.extract_strided_slice %get3A_5 {offsets = [0, 0], sizes = [256, 4], strides = [1, 1]} : vector<256x128xf32> to vector<256x4xf32>
    %slice3A_15 = vector.extract_strided_slice %get3A_2 {offsets = [0, 0, 0], sizes = [256, 40, 4], strides = [1, 1, 1]} : vector<256x40x128xf32> to vector<256x40x4xf32>
    %broadcast_in_dim3A = vector.shape_cast %slice3A : vector<256x4xf32> to vector<256x1x4xf32>
    %sub3A = vector.broadcast %broadcast_in_dim3A : vector<256x1x4xf32> to vector<256x40x4xf32>
    %sub3A_16 = arith.subf %slice3A_15, %sub3A : vector<256x40x4xf32>
    %mul3A = arith.mulf %sub3A_16, %sub3A_16 : vector<256x40x4xf32>
    %reduce_sum3A = arith.constant dense<0.000000e+00> : vector<256x40xf32>
    %reduce_sum3A_17 = vector.multi_reduction <add>, %mul3A, %reduce_sum3A [2] : vector<256x40x4xf32> to vector<256x40xf32>
    %mul3A_18 = arith.constant -1.000000e+01 : f32
    %mul3A_19 = vector.broadcast %mul3A_18 : f32 to vector<256x40xf32>
    %mul3A_20 = arith.mulf %mul3A_19, %reduce_sum3A_17 : vector<256x40xf32>
    %exp3A = math.exp %mul3A_20 : vector<256x40xf32>
    %slice3A_21 = vector.extract_strided_slice %get3A_2 {offsets = [0, 0, 4], sizes = [256, 40, 22], strides = [1, 1, 1]} : vector<256x40x128xf32> to vector<256x40x22xf32>
    %broadcast_in_dim3A_22 = vector.shape_cast %exp3A : vector<256x40xf32> to vector<256x40x1xf32>
    %mul3A_23 = vector.broadcast %broadcast_in_dim3A_22 : vector<256x40x1xf32> to vector<256x40x22xf32>
    %mul3A_24 = arith.mulf %slice3A_21, %mul3A_23 : vector<256x40x22xf32>
    %reduce_sum3A_25 = arith.constant dense<0.000000e+00> : vector<256x22xf32>
    %reduce_sum3A_26 = vector.multi_reduction <add>, %mul3A_24, %reduce_sum3A_25 [1] : vector<256x40x22xf32> to vector<256x22xf32>
    %mul3A_27 = arith.constant 2.500000e-02 : f32
    %mul3A_28 = vector.broadcast %mul3A_27 : f32 to vector<256x22xf32>
    %mul3A_29 = arith.mulf %reduce_sum3A_26, %mul3A_28 : vector<256x22xf32>
    %reduce_max3A = arith.constant dense<0xFF800000> : vector<256x22xf32>
    %reduce_max3A_30 = vector.multi_reduction <maximumf>, %mul3A_24, %reduce_max3A [1] : vector<256x40x22xf32> to vector<256x22xf32>
    %concatenate3A = tpu.concatenate %mul3A_29, %reduce_max3A_30 in 1 : vector<256x22xf32>, vector<256x22xf32> -> vector<256x44xf32>
    %dot_general3A = arith.constant dense<0.000000e+00> : vector<256x36xf32>
    %dot_general3A_31 = tpu.matmul %concatenate3A, %get3A_11, %dot_general3A {dimension_numbers = #tpu.dot_dimension_numbers<[1], [0], [0], [1], [0, 0, 1, 1], [], []>, transpose_lhs_hint = false} : vector<256x44xf32>, vector<44x36xf32>, vector<256x36xf32> -> vector<256x36xf32>
    %add3A = arith.addf %get3A_8, %dot_general3A_31 : vector<256x36xf32>
    %add3A_32 = vector.broadcast %get3A_14 : vector<1x36xf32> to vector<256x36xf32>
    %add3A_33 = arith.addf %add3A, %add3A_32 : vector<256x36xf32>
    %swap3A = arith.constant 0 : index
    %swap3A_34 = arith.constant 0 : index
    %swap3A_35 = vector.load %arg11[%swap3A, %swap3A_34] : memref<256x36xf32, #tpu.memory_space<vmem>>, vector<256x36xf32>
    tpu.vector_store %arg11[%swap3A, %swap3A_34], %add3A_33 {strides = array<i32>} : memref<256x36xf32, #tpu.memory_space<vmem>>, vector<256x36xf32>,
    %get3A_36 = arith.constant 0 : index
    %get3A_37 = arith.constant 0 : index
    %get3A_38 = vector.load %arg6[%get3A_36, %get3A_37] : memref<36x4xf32, #tpu.memory_space<vmem>>, vector<36x4xf32>
    %get3A_39 = arith.constant 0 : index
    %get3A_40 = arith.constant 0 : index
    %get3A_41 = vector.load %arg7[%get3A_39, %get3A_40] : memref<1x4xf32, #tpu.memory_space<vmem>>, vector<1x4xf32>
    %get3A_42 = arith.constant 0 : index
    %get3A_43 = arith.constant 0 : index
    %get3A_44 = vector.load %arg8[%get3A_42, %get3A_43] : memref<36x22xf32, #tpu.memory_space<vmem>>, vector<36x22xf32>
    %get3A_45 = arith.constant 0 : index
    %get3A_46 = arith.constant 0 : index
    %get3A_47 = vector.load %arg9[%get3A_45, %get3A_46] : memref<1x22xf32, #tpu.memory_space<vmem>>, vector<1x22xf32>
    %get3A_48 = arith.constant 0 : index
    %get3A_49 = arith.constant 0 : index
    %get3A_50 = vector.load %arg10[%get3A_48, %get3A_49] : memref<36x48xf32, #tpu.memory_space<vmem>>, vector<36x48xf32>
    %dot_general3A_51 = arith.constant dense<0.000000e+00> : vector<256x4xf32>
    %dot_general3A_52 = tpu.matmul %add3A_33, %get3A_38, %dot_general3A_51 {dimension_numbers = #tpu.dot_dimension_numbers<[1], [0], [0], [1], [0, 0, 1, 1], [], []>, transpose_lhs_hint = false} : vector<256x36xf32>, vector<36x4xf32>, vector<256x4xf32> -> vector<256x4xf32>
    %add3A_53 = vector.broadcast %get3A_41 : vector<1x4xf32> to vector<256x4xf32>
    %add3A_54 = arith.addf %dot_general3A_52, %add3A_53 : vector<256x4xf32>
    %dot_general3A_55 = arith.constant dense<0.000000e+00> : vector<256x22xf32>
    %dot_general3A_56 = tpu.matmul %add3A_33, %get3A_44, %dot_general3A_55 {dimension_numbers = #tpu.dot_dimension_numbers<[1], [0], [0], [1], [0, 0, 1, 1], [], []>, transpose_lhs_hint = false} : vector<256x36xf32>, vector<36x22xf32>, vector<256x22xf32> -> vector<256x22xf32>
    %add3A_57 = vector.broadcast %get3A_47 : vector<1x22xf32> to vector<256x22xf32>
    %add3A_58 = arith.addf %dot_general3A_56, %add3A_57 : vector<256x22xf32>
    %mul3A_59 = arith.mulf %add3A_54, %add3A_54 : vector<256x4xf32>
    %reduce_sum3A_60 = arith.constant dense<0.000000e+00> : vector<256xf32>
    %reduce_sum3A_61 = vector.multi_reduction <add>, %mul3A_59, %reduce_sum3A_60 [1] : vector<256x4xf32> to vector<256xf32>
    %broadcast_in_dim3A_62 = vector.shape_cast %reduce_sum3A_61 : vector<256xf32> to vector<256x1xf32>
    %broadcast_in_dim3A_63 = arith.constant 1.000000e+00 : f32
    %broadcast_in_dim3A_64 = vector.broadcast %broadcast_in_dim3A_63 : f32 to vector<256x1xf32>
    %broadcast_in_dim3A_65 = arith.constant 0.000000e+00 : f32
    %broadcast_in_dim3A_66 = vector.broadcast %broadcast_in_dim3A_65 : f32 to vector<256x2xf32>
    %concatenate3A_67 = tpu.concatenate %add3A_54, %broadcast_in_dim3A_64, %broadcast_in_dim3A_62, %broadcast_in_dim3A_66 in 1 : vector<256x4xf32>, vector<256x1xf32>, vector<256x1xf32>, vector<256x2xf32> -> vector<256x8xf32>
    %swap3A_68 = arith.constant 0 : index
    %swap3A_69 = arith.constant 0 : index
    %swap3A_70 = vector.load %arg12[%swap3A_68, %swap3A_69] : memref<256x8xf32, #tpu.memory_space<vmem>>, vector<256x8xf32>
    tpu.vector_store %arg12[%swap3A_68, %swap3A_69], %concatenate3A_67 {strides = array<i32>} : memref<256x8xf32, #tpu.memory_space<vmem>>, vector<256x8xf32>,
    %broadcast_in_dim3A_71 = arith.constant 0.000000e+00 : f32
    %broadcast_in_dim3A_72 = vector.broadcast %broadcast_in_dim3A_71 : f32 to vector<256x102xf32>
    %concatenate3A_73 = tpu.concatenate %add3A_54, %add3A_58, %broadcast_in_dim3A_72 in 1 : vector<256x4xf32>, vector<256x22xf32>, vector<256x102xf32> -> vector<256x128xf32>
    %swap3A_74 = arith.constant 0 : index
    %swap3A_75 = arith.constant 0 : index
    %swap3A_76 = vector.load %arg13[%swap3A_74, %swap3A_75] : memref<256x128xf32, #tpu.memory_space<vmem>>, vector<256x128xf32>
    tpu.vector_store %arg13[%swap3A_74, %swap3A_75], %concatenate3A_73 {strides = array<i32>} : memref<256x128xf32, #tpu.memory_space<vmem>>, vector<256x128xf32>,
    %dot_general3A_77 = arith.constant dense<0.000000e+00> : vector<256x48xf32>
    %dot_general3A_78 = tpu.matmul %add3A_33, %get3A_50, %dot_general3A_77 {dimension_numbers = #tpu.dot_dimension_numbers<[1], [0], [0], [1], [0, 0, 1, 1], [], []>, transpose_lhs_hint = false} : vector<256x36xf32>, vector<36x48xf32>, vector<256x48xf32> -> vector<256x48xf32>
    %swap3A_79 = arith.constant 0 : index
    %swap3A_80 = arith.constant 0 : index
    %swap3A_81 = vector.load %arg14[%swap3A_79, %swap3A_80] : memref<256x48xf32, #tpu.memory_space<vmem>>, vector<256x48xf32>
    tpu.vector_store %arg14[%swap3A_79, %swap3A_80], %dot_general3A_78 {strides = array<i32>} : memref<256x48xf32, #tpu.memory_space<vmem>>, vector<256x48xf32>,
    return
  }
  func.func @transform_0(%arg0: i32) -> (i32, i32, i32) {
    %c0_i32 = arith.constant 0 : i32
    %c0_i32_0 = arith.constant 0 : i32
    %c0_i32_1 = arith.constant 0 : i32
    return %arg0, %c0_i32, %c0_i32_0 : i32, i32, i32
  }
  func.func @transform_1(%arg0: i32) -> (i32, i32) {
    %c0_i32 = arith.constant 0 : i32
    %c0_i32_0 = arith.constant 0 : i32
    return %arg0, %c0_i32 : i32, i32
  }
  func.func @transform_2(%arg0: i32) -> (i32, i32) {
    %c0_i32 = arith.constant 0 : i32
    %c0_i32_0 = arith.constant 0 : i32
    return %arg0, %c0_i32 : i32, i32
  }
  func.func @transform_3(%arg0: i32) -> (i32, i32) {
    %c0_i32 = arith.constant 0 : i32
    %c0_i32_0 = arith.constant 0 : i32
    %c0_i32_1 = arith.constant 0 : i32
    return %c0_i32, %c0_i32_0 : i32, i32
  }
  func.func @transform_4(%arg0: i32) -> (i32, i32) {
    %c0_i32 = arith.constant 0 : i32
    %c0_i32_0 = arith.constant 0 : i32
    %c0_i32_1 = arith.constant 0 : i32
    return %c0_i32, %c0_i32_0 : i32, i32
  }
  func.func @transform_5(%arg0: i32) -> (i32, i32) {
    %c0_i32 = arith.constant 0 : i32
    %c0_i32_0 = arith.constant 0 : i32
    %c0_i32_1 = arith.constant 0 : i32
    return %c0_i32, %c0_i32_0 : i32, i32
  }
  func.func @transform_6(%arg0: i32) -> (i32, i32) {
    %c0_i32 = arith.constant 0 : i32
    %c0_i32_0 = arith.constant 0 : i32
    %c0_i32_1 = arith.constant 0 : i32
    return %c0_i32, %c0_i32_0 : i32, i32
  }
  func.func @transform_7(%arg0: i32) -> (i32, i32) {
    %c0_i32 = arith.constant 0 : i32
    %c0_i32_0 = arith.constant 0 : i32
    %c0_i32_1 = arith.constant 0 : i32
    return %c0_i32, %c0_i32_0 : i32, i32
  }
  func.func @transform_8(%arg0: i32) -> (i32, i32) {
    %c0_i32 = arith.constant 0 : i32
    %c0_i32_0 = arith.constant 0 : i32
    %c0_i32_1 = arith.constant 0 : i32
    return %c0_i32, %c0_i32_0 : i32, i32
  }
  func.func @transform_9(%arg0: i32) -> (i32, i32) {
    %c0_i32 = arith.constant 0 : i32
    %c0_i32_0 = arith.constant 0 : i32
    %c0_i32_1 = arith.constant 0 : i32
    return %c0_i32, %c0_i32_0 : i32, i32
  }
  func.func @transform_10(%arg0: i32) -> (i32, i32) {
    %c0_i32 = arith.constant 0 : i32
    %c0_i32_0 = arith.constant 0 : i32
    return %arg0, %c0_i32 : i32, i32
  }
  func.func @transform_11(%arg0: i32) -> (i32, i32) {
    %c0_i32 = arith.constant 0 : i32
    %c0_i32_0 = arith.constant 0 : i32
    return %arg0, %c0_i32 : i32, i32
  }
  func.func @transform_12(%arg0: i32) -> (i32, i32) {
    %c0_i32 = arith.constant 0 : i32
    %c0_i32_0 = arith.constant 0 : i32
    return %arg0, %c0_i32 : i32, i32
  }
  func.func @transform_13(%arg0: i32) -> (i32, i32) {
    %c0_i32 = arith.constant 0 : i32
    %c0_i32_0 = arith.constant 0 : i32
    return %arg0, %c0_i32 : i32, i32
  }
}

module attributes {stable_mosaic.version = 14 : i64} {
  func.func @_aggproj_body(%arg0: i32, %arg1: memref<256x40x128xf32, #tpu.memory_space<vmem>>, %arg2: memref<256x128xf32, #tpu.memory_space<vmem>>, %arg3: memref<256x48xf32, #tpu.memory_space<vmem>>, %arg4: memref<44x48xf32, #tpu.memory_space<vmem>>, %arg5: memref<1x48xf32, #tpu.memory_space<vmem>>, %arg6: memref<48x4xf32, #tpu.memory_space<vmem>>, %arg7: memref<1x4xf32, #tpu.memory_space<vmem>>, %arg8: memref<48x22xf32, #tpu.memory_space<vmem>>, %arg9: memref<1x22xf32, #tpu.memory_space<vmem>>, %arg10: memref<48x48xf32, #tpu.memory_space<vmem>>, %arg11: memref<256x48xf32, #tpu.memory_space<vmem>>, %arg12: memref<256x8xf32, #tpu.memory_space<vmem>>, %arg13: memref<256x128xf32, #tpu.memory_space<vmem>>, %arg14: memref<256x48xf32, #tpu.memory_space<vmem>>) attributes {dimension_semantics = [#tpu.dimension_semantics<arbitrary>], iteration_bounds = array<i64: 32>, scalar_prefetch = 0 : i64, scratch_operands = 0 : i64, tpu.core_type = #tpu.core_type<tc>, window_params = [{transform_indices = @transform_0, window_bounds = array<i64: 256, 40, 128>}, {transform_indices = @transform_1, window_bounds = array<i64: 256, 128>}, {transform_indices = @transform_2, window_bounds = array<i64: 256, 48>}, {pipeline_mode = #tpu.pipeline_mode<synchronous>, transform_indices = @transform_3, window_bounds = array<i64: 44, 48>}, {pipeline_mode = #tpu.pipeline_mode<synchronous>, transform_indices = @transform_4, window_bounds = array<i64: 1, 48>}, {pipeline_mode = #tpu.pipeline_mode<synchronous>, transform_indices = @transform_5, window_bounds = array<i64: 48, 4>}, {pipeline_mode = #tpu.pipeline_mode<synchronous>, transform_indices = @transform_6, window_bounds = array<i64: 1, 4>}, {pipeline_mode = #tpu.pipeline_mode<synchronous>, transform_indices = @transform_7, window_bounds = array<i64: 48, 22>}, {pipeline_mode = #tpu.pipeline_mode<synchronous>, transform_indices = @transform_8, window_bounds = array<i64: 1, 22>}, {pipeline_mode = #tpu.pipeline_mode<synchronous>, transform_indices = @transform_9, window_bounds = array<i64: 48, 48>}, {transform_indices = @transform_10, window_bounds = array<i64: 256, 48>}, {transform_indices = @transform_11, window_bounds = array<i64: 256, 8>}, {transform_indices = @transform_12, window_bounds = array<i64: 256, 128>}, {transform_indices = @transform_13, window_bounds = array<i64: 256, 48>}]} {
    %get3A = arith.constant 0 : index
    %get3A_0 = arith.constant 0 : index
    %get3A_1 = arith.constant 0 : index
    %get3A_2 = vector.load %arg1[%get3A, %get3A_0, %get3A_1] : memref<256x40x128xf32, #tpu.memory_space<vmem>>, vector<256x40x128xf32>
    %get3A_3 = arith.constant 0 : index
    %get3A_4 = arith.constant 0 : index
    %get3A_5 = vector.load %arg2[%get3A_3, %get3A_4] : memref<256x128xf32, #tpu.memory_space<vmem>>, vector<256x128xf32>
    %get3A_6 = arith.constant 0 : index
    %get3A_7 = arith.constant 0 : index
    %get3A_8 = vector.load %arg3[%get3A_6, %get3A_7] : memref<256x48xf32, #tpu.memory_space<vmem>>, vector<256x48xf32>
    %get3A_9 = arith.constant 0 : index
    %get3A_10 = arith.constant 0 : index
    %get3A_11 = vector.load %arg4[%get3A_9, %get3A_10] : memref<44x48xf32, #tpu.memory_space<vmem>>, vector<44x48xf32>
    %get3A_12 = arith.constant 0 : index
    %get3A_13 = arith.constant 0 : index
    %get3A_14 = vector.load %arg5[%get3A_12, %get3A_13] : memref<1x48xf32, #tpu.memory_space<vmem>>, vector<1x48xf32>
    %slice3A = vector.extract_strided_slice %get3A_5 {offsets = [0, 0], sizes = [256, 4], strides = [1, 1]} : vector<256x128xf32> to vector<256x4xf32>
    %slice3A_15 = vector.extract_strided_slice %get3A_2 {offsets = [0, 0, 0], sizes = [256, 40, 4], strides = [1, 1, 1]} : vector<256x40x128xf32> to vector<256x40x4xf32>
    %broadcast_in_dim3A = vector.shape_cast %slice3A : vector<256x4xf32> to vector<256x1x4xf32>
    %sub3A = vector.broadcast %broadcast_in_dim3A : vector<256x1x4xf32> to vector<256x40x4xf32>
    %sub3A_16 = arith.subf %slice3A_15, %sub3A : vector<256x40x4xf32>
    %mul3A = arith.mulf %sub3A_16, %sub3A_16 : vector<256x40x4xf32>
    %reduce_sum3A = arith.constant dense<0.000000e+00> : vector<256x40xf32>
    %reduce_sum3A_17 = vector.multi_reduction <add>, %mul3A, %reduce_sum3A [2] : vector<256x40x4xf32> to vector<256x40xf32>
    %mul3A_18 = arith.constant -1.000000e+01 : f32
    %mul3A_19 = vector.broadcast %mul3A_18 : f32 to vector<256x40xf32>
    %mul3A_20 = arith.mulf %mul3A_19, %reduce_sum3A_17 : vector<256x40xf32>
    %exp3A = math.exp %mul3A_20 : vector<256x40xf32>
    %slice3A_21 = vector.extract_strided_slice %get3A_2 {offsets = [0, 0, 4], sizes = [256, 40, 22], strides = [1, 1, 1]} : vector<256x40x128xf32> to vector<256x40x22xf32>
    %broadcast_in_dim3A_22 = vector.shape_cast %exp3A : vector<256x40xf32> to vector<256x40x1xf32>
    %mul3A_23 = vector.broadcast %broadcast_in_dim3A_22 : vector<256x40x1xf32> to vector<256x40x22xf32>
    %mul3A_24 = arith.mulf %slice3A_21, %mul3A_23 : vector<256x40x22xf32>
    %reduce_sum3A_25 = arith.constant dense<0.000000e+00> : vector<256x22xf32>
    %reduce_sum3A_26 = vector.multi_reduction <add>, %mul3A_24, %reduce_sum3A_25 [1] : vector<256x40x22xf32> to vector<256x22xf32>
    %mul3A_27 = arith.constant 2.500000e-02 : f32
    %mul3A_28 = vector.broadcast %mul3A_27 : f32 to vector<256x22xf32>
    %mul3A_29 = arith.mulf %reduce_sum3A_26, %mul3A_28 : vector<256x22xf32>
    %reduce_max3A = arith.constant dense<0xFF800000> : vector<256x22xf32>
    %reduce_max3A_30 = vector.multi_reduction <maximumf>, %mul3A_24, %reduce_max3A [1] : vector<256x40x22xf32> to vector<256x22xf32>
    %concatenate3A = tpu.concatenate %mul3A_29, %reduce_max3A_30 in 1 : vector<256x22xf32>, vector<256x22xf32> -> vector<256x44xf32>
    %dot_general3A = arith.constant dense<0.000000e+00> : vector<256x48xf32>
    %dot_general3A_31 = tpu.matmul %concatenate3A, %get3A_11, %dot_general3A {dimension_numbers = #tpu.dot_dimension_numbers<[1], [0], [0], [1], [0, 0, 1, 1], [], []>, transpose_lhs_hint = false} : vector<256x44xf32>, vector<44x48xf32>, vector<256x48xf32> -> vector<256x48xf32>
    %add3A = arith.addf %get3A_8, %dot_general3A_31 : vector<256x48xf32>
    %add3A_32 = vector.broadcast %get3A_14 : vector<1x48xf32> to vector<256x48xf32>
    %add3A_33 = arith.addf %add3A, %add3A_32 : vector<256x48xf32>
    %swap3A = arith.constant 0 : index
    %swap3A_34 = arith.constant 0 : index
    %swap3A_35 = vector.load %arg11[%swap3A, %swap3A_34] : memref<256x48xf32, #tpu.memory_space<vmem>>, vector<256x48xf32>
    tpu.vector_store %arg11[%swap3A, %swap3A_34], %add3A_33 {strides = array<i32>} : memref<256x48xf32, #tpu.memory_space<vmem>>, vector<256x48xf32>,
    %get3A_36 = arith.constant 0 : index
    %get3A_37 = arith.constant 0 : index
    %get3A_38 = vector.load %arg6[%get3A_36, %get3A_37] : memref<48x4xf32, #tpu.memory_space<vmem>>, vector<48x4xf32>
    %get3A_39 = arith.constant 0 : index
    %get3A_40 = arith.constant 0 : index
    %get3A_41 = vector.load %arg7[%get3A_39, %get3A_40] : memref<1x4xf32, #tpu.memory_space<vmem>>, vector<1x4xf32>
    %get3A_42 = arith.constant 0 : index
    %get3A_43 = arith.constant 0 : index
    %get3A_44 = vector.load %arg8[%get3A_42, %get3A_43] : memref<48x22xf32, #tpu.memory_space<vmem>>, vector<48x22xf32>
    %get3A_45 = arith.constant 0 : index
    %get3A_46 = arith.constant 0 : index
    %get3A_47 = vector.load %arg9[%get3A_45, %get3A_46] : memref<1x22xf32, #tpu.memory_space<vmem>>, vector<1x22xf32>
    %get3A_48 = arith.constant 0 : index
    %get3A_49 = arith.constant 0 : index
    %get3A_50 = vector.load %arg10[%get3A_48, %get3A_49] : memref<48x48xf32, #tpu.memory_space<vmem>>, vector<48x48xf32>
    %dot_general3A_51 = arith.constant dense<0.000000e+00> : vector<256x4xf32>
    %dot_general3A_52 = tpu.matmul %add3A_33, %get3A_38, %dot_general3A_51 {dimension_numbers = #tpu.dot_dimension_numbers<[1], [0], [0], [1], [0, 0, 1, 1], [], []>, transpose_lhs_hint = false} : vector<256x48xf32>, vector<48x4xf32>, vector<256x4xf32> -> vector<256x4xf32>
    %add3A_53 = vector.broadcast %get3A_41 : vector<1x4xf32> to vector<256x4xf32>
    %add3A_54 = arith.addf %dot_general3A_52, %add3A_53 : vector<256x4xf32>
    %dot_general3A_55 = arith.constant dense<0.000000e+00> : vector<256x22xf32>
    %dot_general3A_56 = tpu.matmul %add3A_33, %get3A_44, %dot_general3A_55 {dimension_numbers = #tpu.dot_dimension_numbers<[1], [0], [0], [1], [0, 0, 1, 1], [], []>, transpose_lhs_hint = false} : vector<256x48xf32>, vector<48x22xf32>, vector<256x22xf32> -> vector<256x22xf32>
    %add3A_57 = vector.broadcast %get3A_47 : vector<1x22xf32> to vector<256x22xf32>
    %add3A_58 = arith.addf %dot_general3A_56, %add3A_57 : vector<256x22xf32>
    %mul3A_59 = arith.mulf %add3A_54, %add3A_54 : vector<256x4xf32>
    %reduce_sum3A_60 = arith.constant dense<0.000000e+00> : vector<256xf32>
    %reduce_sum3A_61 = vector.multi_reduction <add>, %mul3A_59, %reduce_sum3A_60 [1] : vector<256x4xf32> to vector<256xf32>
    %broadcast_in_dim3A_62 = vector.shape_cast %reduce_sum3A_61 : vector<256xf32> to vector<256x1xf32>
    %broadcast_in_dim3A_63 = arith.constant 1.000000e+00 : f32
    %broadcast_in_dim3A_64 = vector.broadcast %broadcast_in_dim3A_63 : f32 to vector<256x1xf32>
    %broadcast_in_dim3A_65 = arith.constant 0.000000e+00 : f32
    %broadcast_in_dim3A_66 = vector.broadcast %broadcast_in_dim3A_65 : f32 to vector<256x2xf32>
    %concatenate3A_67 = tpu.concatenate %add3A_54, %broadcast_in_dim3A_64, %broadcast_in_dim3A_62, %broadcast_in_dim3A_66 in 1 : vector<256x4xf32>, vector<256x1xf32>, vector<256x1xf32>, vector<256x2xf32> -> vector<256x8xf32>
    %swap3A_68 = arith.constant 0 : index
    %swap3A_69 = arith.constant 0 : index
    %swap3A_70 = vector.load %arg12[%swap3A_68, %swap3A_69] : memref<256x8xf32, #tpu.memory_space<vmem>>, vector<256x8xf32>
    tpu.vector_store %arg12[%swap3A_68, %swap3A_69], %concatenate3A_67 {strides = array<i32>} : memref<256x8xf32, #tpu.memory_space<vmem>>, vector<256x8xf32>,
    %broadcast_in_dim3A_71 = arith.constant 0.000000e+00 : f32
    %broadcast_in_dim3A_72 = vector.broadcast %broadcast_in_dim3A_71 : f32 to vector<256x102xf32>
    %concatenate3A_73 = tpu.concatenate %add3A_54, %add3A_58, %broadcast_in_dim3A_72 in 1 : vector<256x4xf32>, vector<256x22xf32>, vector<256x102xf32> -> vector<256x128xf32>
    %swap3A_74 = arith.constant 0 : index
    %swap3A_75 = arith.constant 0 : index
    %swap3A_76 = vector.load %arg13[%swap3A_74, %swap3A_75] : memref<256x128xf32, #tpu.memory_space<vmem>>, vector<256x128xf32>
    tpu.vector_store %arg13[%swap3A_74, %swap3A_75], %concatenate3A_73 {strides = array<i32>} : memref<256x128xf32, #tpu.memory_space<vmem>>, vector<256x128xf32>,
    %dot_general3A_77 = arith.constant dense<0.000000e+00> : vector<256x48xf32>
    %dot_general3A_78 = tpu.matmul %add3A_33, %get3A_50, %dot_general3A_77 {dimension_numbers = #tpu.dot_dimension_numbers<[1], [0], [0], [1], [0, 0, 1, 1], [], []>, transpose_lhs_hint = false} : vector<256x48xf32>, vector<48x48xf32>, vector<256x48xf32> -> vector<256x48xf32>
    %swap3A_79 = arith.constant 0 : index
    %swap3A_80 = arith.constant 0 : index
    %swap3A_81 = vector.load %arg14[%swap3A_79, %swap3A_80] : memref<256x48xf32, #tpu.memory_space<vmem>>, vector<256x48xf32>
    tpu.vector_store %arg14[%swap3A_79, %swap3A_80], %dot_general3A_78 {strides = array<i32>} : memref<256x48xf32, #tpu.memory_space<vmem>>, vector<256x48xf32>,
    return
  }
  func.func @transform_0(%arg0: i32) -> (i32, i32, i32) {
    %c0_i32 = arith.constant 0 : i32
    %c0_i32_0 = arith.constant 0 : i32
    %c0_i32_1 = arith.constant 0 : i32
    return %arg0, %c0_i32, %c0_i32_0 : i32, i32, i32
  }
  func.func @transform_1(%arg0: i32) -> (i32, i32) {
    %c0_i32 = arith.constant 0 : i32
    %c0_i32_0 = arith.constant 0 : i32
    return %arg0, %c0_i32 : i32, i32
  }
  func.func @transform_2(%arg0: i32) -> (i32, i32) {
    %c0_i32 = arith.constant 0 : i32
    %c0_i32_0 = arith.constant 0 : i32
    return %arg0, %c0_i32 : i32, i32
  }
  func.func @transform_3(%arg0: i32) -> (i32, i32) {
    %c0_i32 = arith.constant 0 : i32
    %c0_i32_0 = arith.constant 0 : i32
    %c0_i32_1 = arith.constant 0 : i32
    return %c0_i32, %c0_i32_0 : i32, i32
  }
  func.func @transform_4(%arg0: i32) -> (i32, i32) {
    %c0_i32 = arith.constant 0 : i32
    %c0_i32_0 = arith.constant 0 : i32
    %c0_i32_1 = arith.constant 0 : i32
    return %c0_i32, %c0_i32_0 : i32, i32
  }
  func.func @transform_5(%arg0: i32) -> (i32, i32) {
    %c0_i32 = arith.constant 0 : i32
    %c0_i32_0 = arith.constant 0 : i32
    %c0_i32_1 = arith.constant 0 : i32
    return %c0_i32, %c0_i32_0 : i32, i32
  }
  func.func @transform_6(%arg0: i32) -> (i32, i32) {
    %c0_i32 = arith.constant 0 : i32
    %c0_i32_0 = arith.constant 0 : i32
    %c0_i32_1 = arith.constant 0 : i32
    return %c0_i32, %c0_i32_0 : i32, i32
  }
  func.func @transform_7(%arg0: i32) -> (i32, i32) {
    %c0_i32 = arith.constant 0 : i32
    %c0_i32_0 = arith.constant 0 : i32
    %c0_i32_1 = arith.constant 0 : i32
    return %c0_i32, %c0_i32_0 : i32, i32
  }
  func.func @transform_8(%arg0: i32) -> (i32, i32) {
    %c0_i32 = arith.constant 0 : i32
    %c0_i32_0 = arith.constant 0 : i32
    %c0_i32_1 = arith.constant 0 : i32
    return %c0_i32, %c0_i32_0 : i32, i32
  }
  func.func @transform_9(%arg0: i32) -> (i32, i32) {
    %c0_i32 = arith.constant 0 : i32
    %c0_i32_0 = arith.constant 0 : i32
    %c0_i32_1 = arith.constant 0 : i32
    return %c0_i32, %c0_i32_0 : i32, i32
  }
  func.func @transform_10(%arg0: i32) -> (i32, i32) {
    %c0_i32 = arith.constant 0 : i32
    %c0_i32_0 = arith.constant 0 : i32
    return %arg0, %c0_i32 : i32, i32
  }
  func.func @transform_11(%arg0: i32) -> (i32, i32) {
    %c0_i32 = arith.constant 0 : i32
    %c0_i32_0 = arith.constant 0 : i32
    return %arg0, %c0_i32 : i32, i32
  }
  func.func @transform_12(%arg0: i32) -> (i32, i32) {
    %c0_i32 = arith.constant 0 : i32
    %c0_i32_0 = arith.constant 0 : i32
    return %arg0, %c0_i32 : i32, i32
  }
  func.func @transform_13(%arg0: i32) -> (i32, i32) {
    %c0_i32 = arith.constant 0 : i32
    %c0_i32_0 = arith.constant 0 : i32
    return %arg0, %c0_i32 : i32, i32
  }
}

module attributes {stable_mosaic.version = 14 : i64} {
  func.func @_agg_body(%arg0: i32, %arg1: memref<256x40x128xf32, #tpu.memory_space<vmem>>, %arg2: memref<256x128xf32, #tpu.memory_space<vmem>>, %arg3: memref<256x48xf32, #tpu.memory_space<vmem>>, %arg4: memref<44x48xf32, #tpu.memory_space<vmem>>, %arg5: memref<1x48xf32, #tpu.memory_space<vmem>>, %arg6: memref<256x48xf32, #tpu.memory_space<vmem>>) attributes {dimension_semantics = [#tpu.dimension_semantics<arbitrary>], iteration_bounds = array<i64: 32>, scalar_prefetch = 0 : i64, scratch_operands = 0 : i64, tpu.core_type = #tpu.core_type<tc>, window_params = [{transform_indices = @transform_0, window_bounds = array<i64: 256, 40, 128>}, {transform_indices = @transform_1, window_bounds = array<i64: 256, 128>}, {transform_indices = @transform_2, window_bounds = array<i64: 256, 48>}, {pipeline_mode = #tpu.pipeline_mode<synchronous>, transform_indices = @transform_3, window_bounds = array<i64: 44, 48>}, {pipeline_mode = #tpu.pipeline_mode<synchronous>, transform_indices = @transform_4, window_bounds = array<i64: 1, 48>}, {transform_indices = @transform_5, window_bounds = array<i64: 256, 48>}]} {
    %get3A = arith.constant 0 : index
    %get3A_0 = arith.constant 0 : index
    %get3A_1 = arith.constant 0 : index
    %get3A_2 = vector.load %arg1[%get3A, %get3A_0, %get3A_1] : memref<256x40x128xf32, #tpu.memory_space<vmem>>, vector<256x40x128xf32>
    %get3A_3 = arith.constant 0 : index
    %get3A_4 = arith.constant 0 : index
    %get3A_5 = vector.load %arg2[%get3A_3, %get3A_4] : memref<256x128xf32, #tpu.memory_space<vmem>>, vector<256x128xf32>
    %get3A_6 = arith.constant 0 : index
    %get3A_7 = arith.constant 0 : index
    %get3A_8 = vector.load %arg3[%get3A_6, %get3A_7] : memref<256x48xf32, #tpu.memory_space<vmem>>, vector<256x48xf32>
    %get3A_9 = arith.constant 0 : index
    %get3A_10 = arith.constant 0 : index
    %get3A_11 = vector.load %arg4[%get3A_9, %get3A_10] : memref<44x48xf32, #tpu.memory_space<vmem>>, vector<44x48xf32>
    %get3A_12 = arith.constant 0 : index
    %get3A_13 = arith.constant 0 : index
    %get3A_14 = vector.load %arg5[%get3A_12, %get3A_13] : memref<1x48xf32, #tpu.memory_space<vmem>>, vector<1x48xf32>
    %slice3A = vector.extract_strided_slice %get3A_5 {offsets = [0, 0], sizes = [256, 4], strides = [1, 1]} : vector<256x128xf32> to vector<256x4xf32>
    %slice3A_15 = vector.extract_strided_slice %get3A_2 {offsets = [0, 0, 0], sizes = [256, 40, 4], strides = [1, 1, 1]} : vector<256x40x128xf32> to vector<256x40x4xf32>
    %broadcast_in_dim3A = vector.shape_cast %slice3A : vector<256x4xf32> to vector<256x1x4xf32>
    %sub3A = vector.broadcast %broadcast_in_dim3A : vector<256x1x4xf32> to vector<256x40x4xf32>
    %sub3A_16 = arith.subf %slice3A_15, %sub3A : vector<256x40x4xf32>
    %mul3A = arith.mulf %sub3A_16, %sub3A_16 : vector<256x40x4xf32>
    %reduce_sum3A = arith.constant dense<0.000000e+00> : vector<256x40xf32>
    %reduce_sum3A_17 = vector.multi_reduction <add>, %mul3A, %reduce_sum3A [2] : vector<256x40x4xf32> to vector<256x40xf32>
    %mul3A_18 = arith.constant -1.000000e+01 : f32
    %mul3A_19 = vector.broadcast %mul3A_18 : f32 to vector<256x40xf32>
    %mul3A_20 = arith.mulf %mul3A_19, %reduce_sum3A_17 : vector<256x40xf32>
    %exp3A = math.exp %mul3A_20 : vector<256x40xf32>
    %slice3A_21 = vector.extract_strided_slice %get3A_2 {offsets = [0, 0, 4], sizes = [256, 40, 22], strides = [1, 1, 1]} : vector<256x40x128xf32> to vector<256x40x22xf32>
    %broadcast_in_dim3A_22 = vector.shape_cast %exp3A : vector<256x40xf32> to vector<256x40x1xf32>
    %mul3A_23 = vector.broadcast %broadcast_in_dim3A_22 : vector<256x40x1xf32> to vector<256x40x22xf32>
    %mul3A_24 = arith.mulf %slice3A_21, %mul3A_23 : vector<256x40x22xf32>
    %reduce_sum3A_25 = arith.constant dense<0.000000e+00> : vector<256x22xf32>
    %reduce_sum3A_26 = vector.multi_reduction <add>, %mul3A_24, %reduce_sum3A_25 [1] : vector<256x40x22xf32> to vector<256x22xf32>
    %mul3A_27 = arith.constant 2.500000e-02 : f32
    %mul3A_28 = vector.broadcast %mul3A_27 : f32 to vector<256x22xf32>
    %mul3A_29 = arith.mulf %reduce_sum3A_26, %mul3A_28 : vector<256x22xf32>
    %reduce_max3A = arith.constant dense<0xFF800000> : vector<256x22xf32>
    %reduce_max3A_30 = vector.multi_reduction <maximumf>, %mul3A_24, %reduce_max3A [1] : vector<256x40x22xf32> to vector<256x22xf32>
    %concatenate3A = tpu.concatenate %mul3A_29, %reduce_max3A_30 in 1 : vector<256x22xf32>, vector<256x22xf32> -> vector<256x44xf32>
    %dot_general3A = arith.constant dense<0.000000e+00> : vector<256x48xf32>
    %dot_general3A_31 = tpu.matmul %concatenate3A, %get3A_11, %dot_general3A {dimension_numbers = #tpu.dot_dimension_numbers<[1], [0], [0], [1], [0, 0, 1, 1], [], []>, transpose_lhs_hint = false} : vector<256x44xf32>, vector<44x48xf32>, vector<256x48xf32> -> vector<256x48xf32>
    %add3A = arith.addf %get3A_8, %dot_general3A_31 : vector<256x48xf32>
    %add3A_32 = vector.broadcast %get3A_14 : vector<1x48xf32> to vector<256x48xf32>
    %add3A_33 = arith.addf %add3A, %add3A_32 : vector<256x48xf32>
    %swap3A = arith.constant 0 : index
    %swap3A_34 = arith.constant 0 : index
    %swap3A_35 = vector.load %arg6[%swap3A, %swap3A_34] : memref<256x48xf32, #tpu.memory_space<vmem>>, vector<256x48xf32>
    tpu.vector_store %arg6[%swap3A, %swap3A_34], %add3A_33 {strides = array<i32>} : memref<256x48xf32, #tpu.memory_space<vmem>>, vector<256x48xf32>,
    return
  }
  func.func @transform_0(%arg0: i32) -> (i32, i32, i32) {
    %c0_i32 = arith.constant 0 : i32
    %c0_i32_0 = arith.constant 0 : i32
    %c0_i32_1 = arith.constant 0 : i32
    return %arg0, %c0_i32, %c0_i32_0 : i32, i32, i32
  }
  func.func @transform_1(%arg0: i32) -> (i32, i32) {
    %c0_i32 = arith.constant 0 : i32
    %c0_i32_0 = arith.constant 0 : i32
    return %arg0, %c0_i32 : i32, i32
  }
  func.func @transform_2(%arg0: i32) -> (i32, i32) {
    %c0_i32 = arith.constant 0 : i32
    %c0_i32_0 = arith.constant 0 : i32
    return %arg0, %c0_i32 : i32, i32
  }
  func.func @transform_3(%arg0: i32) -> (i32, i32) {
    %c0_i32 = arith.constant 0 : i32
    %c0_i32_0 = arith.constant 0 : i32
    %c0_i32_1 = arith.constant 0 : i32
    return %c0_i32, %c0_i32_0 : i32, i32
  }
  func.func @transform_4(%arg0: i32) -> (i32, i32) {
    %c0_i32 = arith.constant 0 : i32
    %c0_i32_0 = arith.constant 0 : i32
    %c0_i32_1 = arith.constant 0 : i32
    return %c0_i32, %c0_i32_0 : i32, i32
  }
  func.func @transform_5(%arg0: i32) -> (i32, i32) {
    %c0_i32 = arith.constant 0 : i32
    %c0_i32_0 = arith.constant 0 : i32
    return %arg0, %c0_i32 : i32, i32
  }
}

module attributes {stable_mosaic.version = 14 : i64} {
  func.func @_mlp_body(%arg0: i32, %arg1: memref<512x168xf32, #tpu.memory_space<vmem>>, %arg2: memref<168x64xf32, #tpu.memory_space<vmem>>, %arg3: memref<1x64xf32, #tpu.memory_space<vmem>>, %arg4: memref<64x8xf32, #tpu.memory_space<vmem>>, %arg5: memref<1x8xf32, #tpu.memory_space<vmem>>, %arg6: memref<512x8xf32, #tpu.memory_space<vmem>>) attributes {dimension_semantics = [#tpu.dimension_semantics<arbitrary>], iteration_bounds = array<i64: 16>, scalar_prefetch = 0 : i64, scratch_operands = 0 : i64, tpu.core_type = #tpu.core_type<tc>, window_params = [{transform_indices = @transform_0, window_bounds = array<i64: 512, 168>}, {pipeline_mode = #tpu.pipeline_mode<synchronous>, transform_indices = @transform_1, window_bounds = array<i64: 168, 64>}, {pipeline_mode = #tpu.pipeline_mode<synchronous>, transform_indices = @transform_2, window_bounds = array<i64: 1, 64>}, {pipeline_mode = #tpu.pipeline_mode<synchronous>, transform_indices = @transform_3, window_bounds = array<i64: 64, 8>}, {pipeline_mode = #tpu.pipeline_mode<synchronous>, transform_indices = @transform_4, window_bounds = array<i64: 1, 8>}, {transform_indices = @transform_5, window_bounds = array<i64: 512, 8>}]} {
    %get3A = arith.constant 0 : index
    %get3A_0 = arith.constant 0 : index
    %get3A_1 = vector.load %arg1[%get3A, %get3A_0] : memref<512x168xf32, #tpu.memory_space<vmem>>, vector<512x168xf32>
    %get3A_2 = arith.constant 0 : index
    %get3A_3 = arith.constant 0 : index
    %get3A_4 = vector.load %arg2[%get3A_2, %get3A_3] : memref<168x64xf32, #tpu.memory_space<vmem>>, vector<168x64xf32>
    %dot_general3A = arith.constant dense<0.000000e+00> : vector<512x64xf32>
    %dot_general3A_5 = tpu.matmul %get3A_1, %get3A_4, %dot_general3A {dimension_numbers = #tpu.dot_dimension_numbers<[1], [0], [0], [1], [0, 0, 1, 1], [], []>, transpose_lhs_hint = false} : vector<512x168xf32>, vector<168x64xf32>, vector<512x64xf32> -> vector<512x64xf32>
    %get3A_6 = arith.constant 0 : index
    %get3A_7 = arith.constant 0 : index
    %get3A_8 = vector.load %arg3[%get3A_6, %get3A_7] : memref<1x64xf32, #tpu.memory_space<vmem>>, vector<1x64xf32>
    %add3A = vector.broadcast %get3A_8 : vector<1x64xf32> to vector<512x64xf32>
    %add3A_9 = arith.addf %dot_general3A_5, %add3A : vector<512x64xf32>
    %max3A = arith.constant 0.000000e+00 : f32
    %max3A_10 = vector.broadcast %max3A : f32 to vector<512x64xf32>
    %max3A_11 = arith.maximumf %add3A_9, %max3A_10 : vector<512x64xf32>
    %get3A_12 = arith.constant 0 : index
    %get3A_13 = arith.constant 0 : index
    %get3A_14 = vector.load %arg4[%get3A_12, %get3A_13] : memref<64x8xf32, #tpu.memory_space<vmem>>, vector<64x8xf32>
    %dot_general3A_15 = arith.constant dense<0.000000e+00> : vector<512x8xf32>
    %dot_general3A_16 = tpu.matmul %max3A_11, %get3A_14, %dot_general3A_15 {dimension_numbers = #tpu.dot_dimension_numbers<[1], [0], [0], [1], [0, 0, 1, 1], [], []>, transpose_lhs_hint = false} : vector<512x64xf32>, vector<64x8xf32>, vector<512x8xf32> -> vector<512x8xf32>
    %get3A_17 = arith.constant 0 : index
    %get3A_18 = arith.constant 0 : index
    %get3A_19 = vector.load %arg5[%get3A_17, %get3A_18] : memref<1x8xf32, #tpu.memory_space<vmem>>, vector<1x8xf32>
    %add3A_20 = vector.broadcast %get3A_19 : vector<1x8xf32> to vector<512x8xf32>
    %add3A_21 = arith.addf %dot_general3A_16, %add3A_20 : vector<512x8xf32>
    %swap3A = arith.constant 0 : index
    %swap3A_22 = arith.constant 0 : index
    %swap3A_23 = vector.load %arg6[%swap3A, %swap3A_22] : memref<512x8xf32, #tpu.memory_space<vmem>>, vector<512x8xf32>
    tpu.vector_store %arg6[%swap3A, %swap3A_22], %add3A_21 {strides = array<i32>} : memref<512x8xf32, #tpu.memory_space<vmem>>, vector<512x8xf32>,
    return
  }
  func.func @transform_0(%arg0: i32) -> (i32, i32) {
    %c0_i32 = arith.constant 0 : i32
    %c0_i32_0 = arith.constant 0 : i32
    return %arg0, %c0_i32 : i32, i32
  }
  func.func @transform_1(%arg0: i32) -> (i32, i32) {
    %c0_i32 = arith.constant 0 : i32
    %c0_i32_0 = arith.constant 0 : i32
    %c0_i32_1 = arith.constant 0 : i32
    return %c0_i32, %c0_i32_0 : i32, i32
  }
  func.func @transform_2(%arg0: i32) -> (i32, i32) {
    %c0_i32 = arith.constant 0 : i32
    %c0_i32_0 = arith.constant 0 : i32
    %c0_i32_1 = arith.constant 0 : i32
    return %c0_i32, %c0_i32_0 : i32, i32
  }
  func.func @transform_3(%arg0: i32) -> (i32, i32) {
    %c0_i32 = arith.constant 0 : i32
    %c0_i32_0 = arith.constant 0 : i32
    %c0_i32_1 = arith.constant 0 : i32
    return %c0_i32, %c0_i32_0 : i32, i32
  }
  func.func @transform_4(%arg0: i32) -> (i32, i32) {
    %c0_i32 = arith.constant 0 : i32
    %c0_i32_0 = arith.constant 0 : i32
    %c0_i32_1 = arith.constant 0 : i32
    return %c0_i32, %c0_i32_0 : i32, i32
  }
  func.func @transform_5(%arg0: i32) -> (i32, i32) {
    %c0_i32 = arith.constant 0 : i32
    %c0_i32_0 = arith.constant 0 : i32
    return %arg0, %c0_i32 : i32, i32
  }
}

</mosaic_0001>

<sc_bundles>
// kernel: kernel.16.cloned.1.call-start
scs
__scs_entry_jumppad:
0x0: {  	(pc) =	sbr.rel $0x88, $3  }
0x1: {  	(tag) =	ssettag $0x0;
	lr =	simm.s32 $0x1  }
0x2: {  	[smem:$0x3F80] =	sst lr;
	_ =	strace $0xD0000000  }
0x3: {  	_ = 	snop  }
0x4: {  	_ = 	snop  }
0x5: {  	_ = 	snop  }
0x6: {  	_ = 	snop  }
0x7: {  	_ = 	snop  }
__scs_overlays_trampoline_lowered:
0x8: {  	[smem:$0x3F8F] =	sst s0  }
0x9: {  	[smem:$0x3F90] =	sst s1  }
0xa: {  	[smem:$0x3F91] =	sst s2  }
0xb: {  	[smem:$0x3F92] =	sst s3  }
0xc: {  	[smem:$0x3F93] =	sst s4  }
0xd: {  	[smem:$0x3F94] =	sst s5  }
0xe: {  	[smem:$0x3F95] =	sst s6  }
0xf: {  	[smem:$0x3F96] =	sst s7  }
0x10: {  	[smem:$0x3F97] =	sst s8  }
0x11: {  	[smem:$0x3F98] =	sst s9;
	s0 =	simm.s32 @!p0 $0x0  }
0x12: {  	s1 =	sld [smem:$0x3F7E];
	s0 =	simm.s32 @p0 $0x1  }
0x13: {  	[smem:$0x3F99] =	sst s0;
	s0 =	simm.s32 @!p1 $0x0  }
0x14: {  	s2 =	sld [smem:$0x3F7D];
	s0 =	simm.s32 @p1 $0x1  }
0x15: {  	[smem:$0x3F9A] =	sst s0;
	s0 =	simm.s32 @!p2 $0x0  }
0x16: {  	s3 =	sld [smem:$0x3FDB];
	s0 =	simm.s32 @p2 $0x1  }
0x17: {  	s4 =	simm.s32 $0x1BF5;
	[smem:$0x3F9C] =	sst s0  }
0x18: {  	s0 =	sld [smem:$0x3F7F];
	_ =	swait.ge [sflag:s4], $0x0  }
0x19: {  	s7 =	sld [smem:$0x3F80]  }
0x1a: {  	s8 =	sadd.s32 $0xFFFFE003, lr  }
0x1b: {  	s9 =	sadd.s32 $0xFFFFFEF7, lr;
	s5 =	simm.s32 $0xFFFFFFFF;
	p2 =	slt.u32 s8, $0xFFFFF086  }
0x1c: {  	p1 =	slt.u32 s9, $0xF7A;
	s5 =	simm.s32 @!p2 $0x0  }
0x1d: {  	s5 =	simm.s32 @p1 $0x1;
	p0 =	seq.s32 s7, s2  }
0x1e: {  	s7 =	smul.u32 @!p0 $0xF7A, s2;
	p2 =	seq.s32 @!p0 s5, $0x0  }
0x1f: {  	s9 =	smul.u32 $0xF7A, s1;
	s8 =	simm.s32 @!p0 $0x1BF5;
	p2 =	por !p2, p0  }
0x20: {  	[sflag:s8] =	ssyncset.s32 @!p0 $0xFFFFF086;
	s6 =	sadd.s32 @!p0 s3, s7;
	s7 =	simm.s32 @!p0 $0x108  }
0x21: {  	s3 =	sadd.s32 s3, s9;
	s6 =	sadd.s32 @!p0 $0x88, s6;
	s7 =	simm.s32 @p2 $0x1082  }
0x22: {  	[simem:s7], [sflag:s8] =	dma.local @!p0 [hbm:s6], $0xF7A  }
0x23: {  	s9 =	sor.u32 $0xD0000000, s2;
	s6 =	simm.s32 $0x108;
	_ =	swait.ge @!p0 [sflag:s8], $0x0  }
0x24: {  	s3 =	sadd.s32 $0x88, s3;
	s6 =	simm.s32 @!p1 $0x1082;
	[sflag:s4] =	ssyncset.s32 $0xFFFFF086  }
0x25: {  	[simem:s6], [sflag:s4] =	dma.local [hbm:s3], $0xF7A  }
0x26: {  	[smem:$0x3F80] =	sst s1;
	(tag) =	ssettag s2;
	_ =	strace s9  }
0x27: {  	s1 =	sld [smem:$0x3F90]  }
0x28: {  	s2 =	sld [smem:$0x3F91]  }
0x29: {  	s4 =	sld [smem:$0x3F93]  }
0x2a: {  	p0 =	seq.s32 s5, $0x0;
	s5 =	sld [smem:$0x3F94]  }
0x2b: {  	s6 =	sld [smem:$0x3F95]  }
0x2c: {  	s7 =	sld [smem:$0x3F96]  }
0x2d: {  	s3 =	simm.s32 $0x108;
	s8 =	sld [smem:$0x3F97]  }
0x2e: {  	s3 =	simm.s32 @!p0 $0x1082;
	s9 =	sld [smem:$0x3F98]  }
0x2f: {  	lr =	sadd.s32 s0, s3;
	s0 =	sld [smem:$0x3F8F]  }
0x30: {  	s3 =	sld [smem:$0x3F92]  }
0x31: {  	[smem:$0x3F9B] =	sst s10  }
0x32: {  	s10 =	sld [smem:$0x3F99];
	_ =	sdelay $0x3  }
0x33: {  	p0 =	seq.s32 s10, $0x1;
	s10 =	sld [smem:$0x3F9B];
	_ =	sdelay $0x3  }
0x34: {  	[smem:$0x3F9B] =	sst s10  }
0x35: {  	s10 =	sld [smem:$0x3F9A];
	_ =	sdelay $0x3  }
0x36: {  	p1 =	seq.s32 s10, $0x1;
	s10 =	sld [smem:$0x3F9B];
	_ =	sdelay $0x3  }
0x37: {  	[smem:$0x3F9B] =	sst s10  }
0x38: {  	s10 =	sld [smem:$0x3F9C]  }
0x39: {  	_ = 	snop;
	(pc) =	sbr.ind lr, $3  }
0x3a: {  	_ = 	snop  }
0x3b: {  	_ = 	snop  }
0x3c: {  	p2 =	seq.s32 s10, $0x1;
	s10 =	sld [smem:$0x3F9B]  }
0x3d: {  	_ =	shalt  }
0x3e: {  	_ =	shalt  }
0x3f: {  	_ =	shalt  }
0x40: {  	_ =	shalt  }
0x41: {  	_ =	shalt  }
0x42: {  	_ =	shalt  }
0x43: {  	_ =	shalt  }
0x44: {  	_ =	shalt  }
0x45: {  	_ =	shalt  }
0x46: {  	_ =	shalt  }
0x47: {  	_ =	shalt  }
0x48: {  	_ =	shalt  }
0x49: {  	_ =	shalt  }
0x4a: {  	_ =	shalt  }
0x4b: {  	_ =	shalt  }
0x4c: {  	_ =	shalt  }
0x4d: {  	_ =	shalt  }
0x4e: {  	_ =	shalt  }
0x4f: {  	_ =	shalt  }
0x50: {  	_ =	shalt  }
0x51: {  	_ =	shalt  }
0x52: {  	_ =	shalt  }
0x53: {  	_ =	shalt  }
0x54: {  	_ =	shalt  }
0x55: {  	_ =	shalt  }
0x56: {  	_ =	shalt  }
0x57: {  	_ =	shalt  }
0x58: {  	_ =	shalt  }
0x59: {  	_ =	shalt  }
0x5a: {  	_ =	shalt  }
0x5b: {  	_ =	shalt  }
0x5c: {  	_ =	shalt  }
0x5d: {  	_ =	shalt  }
0x5e: {  	_ =	shalt  }
0x5f: {  	_ =	shalt  }
0x60: {  	_ =	shalt  }
0x61: {  	_ =	shalt  }
0x62: {  	_ =	shalt  }
0x63: {  	_ =	shalt  }
0x64: {  	_ =	shalt  }
0x65: {  	_ =	shalt  }
0x66: {  	_ =	shalt  }
0x67: {  	_ =	shalt  }
0x68: {  	_ =	shalt  }
0x69: {  	_ =	shalt  }
0x6a: {  	_ =	shalt  }
0x6b: {  	_ =	shalt  }
0x6c: {  	_ =	shalt  }
0x6d: {  	_ =	shalt  }
0x6e: {  	_ =	shalt  }
0x6f: {  	_ =	shalt  }
0x70: {  	_ =	shalt  }
0x71: {  	_ =	shalt  }
0x72: {  	_ =	shalt  }
0x73: {  	_ =	shalt  }
0x74: {  	_ =	shalt  }
0x75: {  	_ =	shalt  }
0x76: {  	_ =	shalt  }
0x77: {  	_ =	shalt  }
0x78: {  	_ =	shalt  }
0x79: {  	_ =	shalt  }
0x7a: {  	_ =	shalt  }
0x7b: {  	_ =	shalt  }
0x7c: {  	_ =	shalt  }
0x7d: {  	_ =	shalt  }
0x7e: {  	_ =	shalt  }
0x7f: {  	_ =	shalt  }
0x80: {  	_ =	shalt  }
0x81: {  	_ =	shalt  }
0x82: {  	_ =	shalt  }
0x83: {  	_ =	shalt  }
0x84: {  	_ =	shalt  }
0x85: {  	_ =	shalt  }
0x86: {  	_ =	shalt  }
0x87: {  	_ =	shalt  }
.Lfunc_end0:
.L_simem_size_0:
called_computation_lowered:
.L_overlay_start_0:
0x88: {  	s2 =	sld [smem:$0x3FD9]  }
0x89: {  	s3 =	sld [smem:$0x3FFE];
	_ =	sdelay $0x1  }
0x8a: {  	s1 =	srdreg.scid  }
0x8b: {  	s0 =	sand.u32 $0x1, s1  }
0x8c: {  	s16 =	sshll.u32 s0, $0xA;
	s2 =	sadd.s32 s3, s2  }
0x8d: {  	s2 =	sadd.s32 s2, s16  }
0x8e: {  	[smem:$0x3FA7] =	sst s2  }
0x8f: {  	_ = 	snop  }
0x90: {  	(tm) =	ssettm $0x1  }
0x91: {  	s17 =	sld [smem:$0x3FFB];
	_ =	sdelay $0x3  }
0x92: {  	_ =	strace s17  }
0x93: {  	s2 =	sld [smem:$0x3FFC];
	_ =	sdelay $0x3  }
0x94: {  	_ =	strace s2  }
0x95: {  	s2 =	sld [smem:$0x3FFD];
	_ =	sdelay $0x3  }
0x96: {  	_ =	strace s2  }
0x97: {  	_ =	strace $0x8FFFFFFF  }
0x98: {  	s18 =	sld [smem:$0x3FDB];
	_ =	sdelay $0x1  }
0x99: {  	s19 =	simm.s32 $_scs_section_size  }
0x9a: {  	s4 =	simm.s32 $_size__tile_overlayer_lowered;
	s5 =	simm.s32 $_tile_overlayer_lowered  }
0x9b: {  	s22 =	simm.s32 $0x1BFF;
	s21 =	sshll.u32 s5, $0x1;
	s2 =	sadd.s32 s19, s18  }
0x9c: {  	s6 =	simm.s32 $0x0;
	s20 =	sshll.u32 s4, $0x1;
	s4 =	sadd.s32 s21, s2  }
0x9d: {  	[timem:s6], [sflag:s22] =	dma.local [hbm:s4], s20  }
0x9e: {  	_ =	swait.ge [sflag:s22], s20  }
0x9f: {  	s3 =	ssub.s32 $0x0, s20;
	[sflag:s22] =	ssyncset.done $0x0  }
0xa0: {  	[sflag:s22] =	ssyncadd.s32 s3;
	_ =	sdelay $0x1  }
0xa1: {  	s23 =	simm.s32 $0x1B8B  }
0xa2: {  	_ =	swait.ge [sflag:s23], $0x1  }
0xa3: {  	[sflag:s23] =	ssyncset.done $0x0  }
0xa4: {  	s25 =	simm.s32 $0x1B8E;
	s24 =	sld [smem:$0x3FFE];
	[sflag:s23] =	ssyncadd.s32 $0xFFFFFFFF  }
0xa5: {  	s26 =	simm.s32 $execute0_lowered;
	[smem:$0x3FD2] =	sst s25  }
0xa6: {  	s4 =	sshll.u32 s26, $0x1;
	_ =	strace $0x80000046;
	[dreg:$0x1] =	wrdreg $0xFFFFFFFF  }
0xa7: {  	s28 =	simm.s32 $_size_execute0_lowered;
	s2 =	sadd.s32 s2, s4;
	[dreg:$0x0] =	wrdreg $0x0  }
0xa8: {  	s4 =	sshll.u32 s28, $0x1;
	[dreg:$0x2] =	wrdreg s2  }
0xa9: {  	[dreg:$0x3] =	wrdreg s4  }
0xaa: {  	[dreg:$0x4] =	wrdreg $0xC0  }
0xab: {  	_ =	task [dreg:s6], $0x5FFFF  }
0xac: {  	[dreg:$0x1] =	wrdreg $0xFFFFFFFF  }
0xad: {  	[dreg:$0x0] =	wrdreg $0x60  }
0xae: {  	[dreg:$0x2] =	wrdreg s24  }
0xaf: {  	[dreg:$0x3] =	wrdreg $0x9  }
0xb0: {  	_ =	task.clear_ibuf [dreg:s6], $0x4FFFF;
	_ =	strace $0x90000046  }
0xb1: {  	s29 =	simm.s32 $0x9;
	_ =	strace $0x80000048  }
0xb2: {  	_ =	swait.ge [sflag:s29], $0x1  }
0xb3: {  	[sflag:s29] =	ssyncadd.s32 $0xFFFFFFFF  }
0xb4: {  	_ =	strace $0x90000048  }
0xb5: {  	_ =	sfence  }
0xb6: {  	s30 =	sld [smem:$0x0];
	_ =	sdelay $0x2  }
0xb7: {  	s31 =	sshll.u32 s1, $0xD;
	s1 =	sshrl.u32 s1, $0x2  }
0xb8: {  	s3 =	sand.u32 $0x4000, s31;
	s1 =	sadd.s32 s1, s30  }
0xb9: {  	s0 =	sor.u32 s3, s0;
	s1 =	sshll.u32 s1, $0x11  }
0xba: {  	s0 =	sor.u32 s1, s0  }
0xbb: {  	s0 =	sadd.s32 $0x8F2B, s0  }
0xbc: {  	[sflag:s0] =	ssyncadd.remote.s32 $0x1  }
0xbd: {  	_ =	sfence.sel $0xFFFF  }
0xbe: {  	[dreg:$0x0] =	wrdreg $0xFFFFFFFF;
	(pc) =	sbr.abs _section_cstart, $3  }
0xbf: {  	[dreg:$0x1] =	wrdreg $0xFFFFFFFF  }
0xc0: {  	_ =	task.clear_ibuf [dreg:s6], $0x2FFFF;
	_ =	strace $0x9FFFFFFF  }
0xc1: {  	(tm) =	ssettm $0x7FFFFFFF  }
tec
execute0_lowered:
.L_overlay_start_1:
0x0: {  	(tag) =	ssettag $0x1  }
0x1: {  	s1 =	srdreg.scid  }
0x2: {  	s0 =	stileid.u32;
	s4 =	rddreg [dreg:$0x0];
	s2 =	simm.s32 $0x0  }
0x3: {  	s9 =	simm.s32 $0x2800;
	s10 =	simm.s32 $0xC800;
	s11 =	simm.s32 $0x1  }
0x4: {  	s12 =	simm.s32 $0x2;
	s13 =	simm.s32 $0x0;
	s5 =	sand.u32 $0x1, s1  }
0x5: {  	s3 =	sshll.u32 s0, $0x1;
	[smem:$0x7FF] =	sst s2;
	s7 =	smul.u32 $0x50000, s0  }
0x6: {  	s3 =	sor.u32 s5, s3;
	s8 =	ssub.s32 $0x2, s5;
	s5 =	smul.u32 $0x28000, s5  }
0x7: {  	s1 =	rddreg [dreg:$0x1];
	_ =	strace $0x80000047;
	s6 =	smul.u32 $0x2800, s3  }
0x8: {  	s3 =	sadd.s32 $0x7A00, s4;
	s7 =	sadd.s32 s7, s4;
	s30 =	sshrl.u32 s8, $0x1  }
0x9: {  	s8 =	ssub.s32 s8, s30;
	s31 =	sadd.s32 s5, s7;
	s6 =	sshrl.u32 s6, $0x3  }
0xa: {  	s7 =	simm.s32 $0x3;
	s5 =	smax.u32 s8, $0x1;
	s6 =	sadd.s32 s6, s4  }
0xb: {  	s8 =	simm.s32 $0x140;
	s4 =	sadd.s32 $0x47A00, s6;
	s6 =	sadd.s32 $0x52E00, s31  }
.LBB2_1:
0xc: {  	[tilespmem:s2], [sflag:$0x3] =	stream.linear.gather [hbm4b:s4+s2], $0x2800, $0x38;
	[tilespmem:$0x16800] =	vst v63  }
0xd: {  	_ =	swait.ge [sflag:s7], $0x2800  }
0xe: {  	[sflag:s7] =	ssyncset.done $0x0  }
0xf: {  	s14 =	simm.s32 $0x0;
	[sflag:s7] =	ssyncadd.s32 $0xFFFFD800  }
0x10: {  	[tilespmem:s9], [sflag:$0x1] =	stream.indirect.gather [hbm4b:s3+s8], $0x80, s14, s8, $0xb8;
	[tilespmem:$0x16800] =	vst v63  }
0x11: {  	s30 =	simm.s32 $0x140  }
0x12: {  	[tilespmem:s10], [sflag:$0x2] =	stream.indirect.gather [hbm4b:s3+s8], $0x80, s30, s8, $0xb8;
	[tilespmem:$0x16800] =	vst v63  }
0x13: {  	_ =	swait.ge [sflag:s11], $0xA000  }
0x14: {  	[sflag:s11] =	ssyncset.done $0x0  }
0x15: {  	s31 =	sadd.s32 $0xFFFFEC00, s6;
	[sflag:s11] =	ssyncadd.s32 $0xFFFF6000  }
0x16: {  	[hbm4b:s31+s2] =	stream.linear.scatter [tilespmem:s9], [sflag:$0x3], $0xA000, $0x38;
	[tilespmem:$0x16800] =	vst v63  }
0x17: {  	_ =	swait.ge [sflag:s7], $0xA000  }
0x18: {  	[sflag:s7] =	ssyncset.done $0x0  }
0x19: {  	[sflag:s7] =	ssyncadd.s32 $0xFFFF6000  }
0x1a: {  	_ =	swait.ge [sflag:s12], $0xA000  }
0x1b: {  	[sflag:s12] =	ssyncset.done $0x0  }
0x1c: {  	[sflag:s12] =	ssyncadd.s32 $0xFFFF6000  }
0x1d: {  	[hbm4b:s6+s2] =	stream.linear.scatter [tilespmem:s10], [sflag:$0x3], $0xA000, $0x38;
	[tilespmem:$0x16800] =	vst v63  }
0x1e: {  	s15 =	simm.s32 $0xA00;
	_ =	swait.ge [sflag:s7], $0xA000  }
0x1f: {  	s16 =	simm.s32 $0x1400;
	s14 =	sadd.s32 $0x2800, s6;
	[sflag:s7] =	ssyncset.done $0x0  }
.LBB2_2:
0x20: {  	s17 =	sshra.s32 s15, $0x2  }
0x21: {  	[sflag:s7] =	ssyncadd.s32 $0xFFFF6000;
	s15 =	smov.u32 s16;
	s18 =	sadd.s32 $0xA00, s16  }
0x22: {  	[tilespmem:s9], [sflag:$0x1] =	stream.indirect.gather [hbm4b:s3+s8], $0x80, s17, s8, $0xb8;
	[tilespmem:$0x16800] =	vst v63  }
0x23: {  	p0 =	sne.s32 s16, $0x9600;
	s16 =	sadd.s32 $0x140, s17  }
0x24: {  	[tilespmem:s10], [sflag:$0x2] =	stream.indirect.gather [hbm4b:s3+s8], $0x80, s16, s8, $0xb8;
	[tilespmem:$0x16800] =	vst v63  }
0x25: {  	_ =	swait.ge [sflag:s11], $0xA000  }
0x26: {  	[sflag:s11] =	ssyncset.done $0x0  }
0x27: {  	s16 =	sadd.s32 $0xFFFFEC00, s14;
	[sflag:s11] =	ssyncadd.s32 $0xFFFF6000  }
0x28: {  	[hbm4b:s16+s2] =	stream.linear.scatter [tilespmem:s9], [sflag:$0x3], $0xA000, $0x38;
	[tilespmem:$0x16800] =	vst v63  }
0x29: {  	_ =	swait.ge [sflag:s7], $0xA000  }
0x2a: {  	[sflag:s7] =	ssyncset.done $0x0  }
0x2b: {  	[sflag:s7] =	ssyncadd.s32 $0xFFFF6000  }
0x2c: {  	_ =	swait.ge [sflag:s12], $0xA000  }
.Ltmp0:
0x2d: {  	[sflag:s12] =	ssyncset.done $0x0;
	(pc) =	sbr.rel @p0 .LBB2_2-.Ltmp0, $4  }
0x2e: {  	[sflag:s12] =	ssyncadd.s32 $0xFFFF6000  }
0x2f: {  	[hbm4b:s14+s2] =	stream.linear.scatter [tilespmem:s10], [sflag:$0x3], $0xA000, $0x38;
	[tilespmem:$0x16800] =	vst v63  }
0x30: {  	_ =	swait.ge [sflag:s7], $0xA000  }
0x31: {  	s16 =	smov.u32 s18;
	s14 =	sadd.s32 $0x2800, s14;
	[sflag:s7] =	ssyncset.done $0x0  }
0x32: {  	s15 =	sshra.s32 s15, $0x2;
	[sflag:s7] =	ssyncadd.s32 $0xFFFF6000  }
0x33: {  	[tilespmem:s9], [sflag:$0x1] =	stream.indirect.gather [hbm4b:s3+s8], $0x80, s15, s8, $0xb8;
	[tilespmem:$0x16800] =	vst v63  }
0x34: {  	s15 =	sadd.s32 $0x140, s15  }
0x35: {  	[tilespmem:s10], [sflag:$0x2] =	stream.indirect.gather [hbm4b:s3+s8], $0x80, s15, s8, $0xb8;
	[tilespmem:$0x16800] =	vst v63  }
0x36: {  	_ =	swait.ge [sflag:s11], $0xA000  }
0x37: {  	[sflag:s11] =	ssyncset.done $0x0  }
0x38: {  	s31 =	sadd.s32 $0xFFFFEC00, s14;
	[sflag:s11] =	ssyncadd.s32 $0xFFFF6000  }
0x39: {  	[hbm4b:s31+s2] =	stream.linear.scatter [tilespmem:s9], [sflag:$0x3], $0xA000, $0x38;
	[tilespmem:$0x16800] =	vst v63  }
0x3a: {  	_ =	swait.ge [sflag:s7], $0xA000  }
0x3b: {  	[sflag:s7] =	ssyncset.done $0x0  }
0x3c: {  	[sflag:s7] =	ssyncadd.s32 $0xFFFF6000  }
0x3d: {  	s13 =	sadd.s32 $0x1, s13;
	_ =	swait.ge [sflag:s12], $0xA000  }
0x3e: {  	p0 =	sne.s32 s13, s5;
	[sflag:s12] =	ssyncset.done $0x0  }
.Ltmp1:
0x3f: {  	[sflag:s12] =	ssyncadd.s32 $0xFFFF6000;
	(pc) =	sbr.rel @p0 .LBB2_1-.Ltmp1, $4  }
0x40: {  	[hbm4b:s14+s2] =	stream.linear.scatter [tilespmem:s10], [sflag:$0x3], $0xA000, $0x38;
	[tilespmem:$0x16800] =	vst v63  }
0x41: {  	_ =	swait.ge [sflag:s7], $0xA000  }
0x42: {  	[sflag:s7] =	ssyncset.done $0x0  }
0x43: {  	[sflag:s7] =	ssyncadd.s32 $0xFFFF6000  }
0x44: {  	_ =	sfence.sel $0x180000  }
0x45: {  	[bflag:$0x0] =	sbarrier.arrive $0xFFFF  }
0x46: {  	p0 =	sne.s32 s0, $0x0;
	_ =	strace $0x90000047  }
0x47: {  	s0 =	sadd.s32 @!p0 $0x100000, s1;
	[bflag:$0x2] =	sbarrier.arrive $0xFFFF  }
0x48: {  	[sflag:s0] =	ssyncadd.tile.s32 @!p0 $0x1;
	_ =	shalt  }
.Lfunc_end2:
_tile_overlayer_lowered:
.L_overlay_start_2:
0x49: {  	(tag) =	ssettag $0x2  }
0x4a: {  	s0 =	rddreg [dreg:$0x0];
	s2 =	stileid.u32  }
0x4b: {  	s1 =	rddreg [dreg:$0x1];
	p0 =	sne.s32 s2, $0x0  }
0x4c: {  	s3 =	rddreg [dreg:$0x2];
	[bflag:$0x3] =	sbarrier.arrive $0xFFFF;
	s2 =	simm.s32 @!p0 $0x1C03  }
0x4d: {  	[timem:s3], [sflag:s2] =	dma.local @!p0 [hbm:s0], s1  }
0x4e: {  	s0 =	simm.s32 @!p0 $0x3  }
0x4f: {  	_ =	swait.ge @!p0 [sflag:s0], s1  }
0x50: {  	s1 =	ssub.s32 @!p0 $0x0, s1;
	[sflag:s0] =	ssyncset.done @!p0 $0x0  }
0x51: {  	[sflag:s0] =	ssyncadd.s32 @!p0 s1  }
0x52: {  	[bflag:$0x3] =	sbarrier.arrive $0xFFFF  }
0x53: {  	_ =	shalt  }

// kernel: kernel.19.cloned.1.call-start
scs
__scs_entry_jumppad:
0x0: {  	(pc) =	sbr.rel $0x88, $3  }
0x1: {  	(tag) =	ssettag $0x0;
	lr =	simm.s32 $0x1  }
0x2: {  	[smem:$0x3F80] =	sst lr;
	_ =	strace $0xD0000000  }
0x3: {  	_ = 	snop  }
0x4: {  	_ = 	snop  }
0x5: {  	_ = 	snop  }
0x6: {  	_ = 	snop  }
0x7: {  	_ = 	snop  }
__scs_overlays_trampoline_lowered:
0x8: {  	[smem:$0x3F8F] =	sst s0  }
0x9: {  	[smem:$0x3F90] =	sst s1  }
0xa: {  	[smem:$0x3F91] =	sst s2  }
0xb: {  	[smem:$0x3F92] =	sst s3  }
0xc: {  	[smem:$0x3F93] =	sst s4  }
0xd: {  	[smem:$0x3F94] =	sst s5  }
0xe: {  	[smem:$0x3F95] =	sst s6  }
0xf: {  	[smem:$0x3F96] =	sst s7  }
0x10: {  	[smem:$0x3F97] =	sst s8  }
0x11: {  	[smem:$0x3F98] =	sst s9;
	s0 =	simm.s32 @!p0 $0x0  }
0x12: {  	s1 =	sld [smem:$0x3F7E];
	s0 =	simm.s32 @p0 $0x1  }
0x13: {  	[smem:$0x3F99] =	sst s0;
	s0 =	simm.s32 @!p1 $0x0  }
0x14: {  	s2 =	sld [smem:$0x3F7D];
	s0 =	simm.s32 @p1 $0x1  }
0x15: {  	[smem:$0x3F9A] =	sst s0;
	s0 =	simm.s32 @!p2 $0x0  }
0x16: {  	s3 =	sld [smem:$0x3FDB];
	s0 =	simm.s32 @p2 $0x1  }
0x17: {  	s4 =	simm.s32 $0x1BF5;
	[smem:$0x3F9C] =	sst s0  }
0x18: {  	s0 =	sld [smem:$0x3F7F];
	_ =	swait.ge [sflag:s4], $0x0  }
0x19: {  	s7 =	sld [smem:$0x3F80]  }
0x1a: {  	s8 =	sadd.s32 $0xFFFFE003, lr  }
0x1b: {  	s9 =	sadd.s32 $0xFFFFFEF7, lr;
	s5 =	simm.s32 $0xFFFFFFFF;
	p2 =	slt.u32 s8, $0xFFFFF086  }
0x1c: {  	p1 =	slt.u32 s9, $0xF7A;
	s5 =	simm.s32 @!p2 $0x0  }
0x1d: {  	s5 =	simm.s32 @p1 $0x1;
	p0 =	seq.s32 s7, s2  }
0x1e: {  	s7 =	smul.u32 @!p0 $0xF7A, s2;
	p2 =	seq.s32 @!p0 s5, $0x0  }
0x1f: {  	s9 =	smul.u32 $0xF7A, s1;
	s8 =	simm.s32 @!p0 $0x1BF5;
	p2 =	por !p2, p0  }
0x20: {  	[sflag:s8] =	ssyncset.s32 @!p0 $0xFFFFF086;
	s6 =	sadd.s32 @!p0 s3, s7;
	s7 =	simm.s32 @!p0 $0x108  }
0x21: {  	s3 =	sadd.s32 s3, s9;
	s6 =	sadd.s32 @!p0 $0x88, s6;
	s7 =	simm.s32 @p2 $0x1082  }
0x22: {  	[simem:s7], [sflag:s8] =	dma.local @!p0 [hbm:s6], $0xF7A  }
0x23: {  	s9 =	sor.u32 $0xD0000000, s2;
	s6 =	simm.s32 $0x108;
	_ =	swait.ge @!p0 [sflag:s8], $0x0  }
0x24: {  	s3 =	sadd.s32 $0x88, s3;
	s6 =	simm.s32 @!p1 $0x1082;
	[sflag:s4] =	ssyncset.s32 $0xFFFFF086  }
0x25: {  	[simem:s6], [sflag:s4] =	dma.local [hbm:s3], $0xF7A  }
0x26: {  	[smem:$0x3F80] =	sst s1;
	(tag) =	ssettag s2;
	_ =	strace s9  }
0x27: {  	s1 =	sld [smem:$0x3F90]  }
0x28: {  	s2 =	sld [smem:$0x3F91]  }
0x29: {  	s4 =	sld [smem:$0x3F93]  }
0x2a: {  	p0 =	seq.s32 s5, $0x0;
	s5 =	sld [smem:$0x3F94]  }
0x2b: {  	s6 =	sld [smem:$0x3F95]  }
0x2c: {  	s7 =	sld [smem:$0x3F96]  }
0x2d: {  	s3 =	simm.s32 $0x108;
	s8 =	sld [smem:$0x3F97]  }
0x2e: {  	s3 =	simm.s32 @!p0 $0x1082;
	s9 =	sld [smem:$0x3F98]  }
0x2f: {  	lr =	sadd.s32 s0, s3;
	s0 =	sld [smem:$0x3F8F]  }
0x30: {  	s3 =	sld [smem:$0x3F92]  }
0x31: {  	[smem:$0x3F9B] =	sst s10  }
0x32: {  	s10 =	sld [smem:$0x3F99];
	_ =	sdelay $0x3  }
0x33: {  	p0 =	seq.s32 s10, $0x1;
	s10 =	sld [smem:$0x3F9B];
	_ =	sdelay $0x3  }
0x34: {  	[smem:$0x3F9B] =	sst s10  }
0x35: {  	s10 =	sld [smem:$0x3F9A];
	_ =	sdelay $0x3  }
0x36: {  	p1 =	seq.s32 s10, $0x1;
	s10 =	sld [smem:$0x3F9B];
	_ =	sdelay $0x3  }
0x37: {  	[smem:$0x3F9B] =	sst s10  }
0x38: {  	s10 =	sld [smem:$0x3F9C]  }
0x39: {  	_ = 	snop;
	(pc) =	sbr.ind lr, $3  }
0x3a: {  	_ = 	snop  }
0x3b: {  	_ = 	snop  }
0x3c: {  	p2 =	seq.s32 s10, $0x1;
	s10 =	sld [smem:$0x3F9B]  }
0x3d: {  	_ =	shalt  }
0x3e: {  	_ =	shalt  }
0x3f: {  	_ =	shalt  }
0x40: {  	_ =	shalt  }
0x41: {  	_ =	shalt  }
0x42: {  	_ =	shalt  }
0x43: {  	_ =	shalt  }
0x44: {  	_ =	shalt  }
0x45: {  	_ =	shalt  }
0x46: {  	_ =	shalt  }
0x47: {  	_ =	shalt  }
0x48: {  	_ =	shalt  }
0x49: {  	_ =	shalt  }
0x4a: {  	_ =	shalt  }
0x4b: {  	_ =	shalt  }
0x4c: {  	_ =	shalt  }
0x4d: {  	_ =	shalt  }
0x4e: {  	_ =	shalt  }
0x4f: {  	_ =	shalt  }
0x50: {  	_ =	shalt  }
0x51: {  	_ =	shalt  }
0x52: {  	_ =	shalt  }
0x53: {  	_ =	shalt  }
0x54: {  	_ =	shalt  }
0x55: {  	_ =	shalt  }
0x56: {  	_ =	shalt  }
0x57: {  	_ =	shalt  }
0x58: {  	_ =	shalt  }
0x59: {  	_ =	shalt  }
0x5a: {  	_ =	shalt  }
0x5b: {  	_ =	shalt  }
0x5c: {  	_ =	shalt  }
0x5d: {  	_ =	shalt  }
0x5e: {  	_ =	shalt  }
0x5f: {  	_ =	shalt  }
0x60: {  	_ =	shalt  }
0x61: {  	_ =	shalt  }
0x62: {  	_ =	shalt  }
0x63: {  	_ =	shalt  }
0x64: {  	_ =	shalt  }
0x65: {  	_ =	shalt  }
0x66: {  	_ =	shalt  }
0x67: {  	_ =	shalt  }
0x68: {  	_ =	shalt  }
0x69: {  	_ =	shalt  }
0x6a: {  	_ =	shalt  }
0x6b: {  	_ =	shalt  }
0x6c: {  	_ =	shalt  }
0x6d: {  	_ =	shalt  }
0x6e: {  	_ =	shalt  }
0x6f: {  	_ =	shalt  }
0x70: {  	_ =	shalt  }
0x71: {  	_ =	shalt  }
0x72: {  	_ =	shalt  }
0x73: {  	_ =	shalt  }
0x74: {  	_ =	shalt  }
0x75: {  	_ =	shalt  }
0x76: {  	_ =	shalt  }
0x77: {  	_ =	shalt  }
0x78: {  	_ =	shalt  }
0x79: {  	_ =	shalt  }
0x7a: {  	_ =	shalt  }
0x7b: {  	_ =	shalt  }
0x7c: {  	_ =	shalt  }
0x7d: {  	_ =	shalt  }
0x7e: {  	_ =	shalt  }
0x7f: {  	_ =	shalt  }
0x80: {  	_ =	shalt  }
0x81: {  	_ =	shalt  }
0x82: {  	_ =	shalt  }
0x83: {  	_ =	shalt  }
0x84: {  	_ =	shalt  }
0x85: {  	_ =	shalt  }
0x86: {  	_ =	shalt  }
0x87: {  	_ =	shalt  }
.Lfunc_end0:
.L_simem_size_0:
called_computation.1_lowered:
.L_overlay_start_0:
0x88: {  	s2 =	sld [smem:$0x3FD9]  }
0x89: {  	s3 =	sld [smem:$0x3FFE];
	_ =	sdelay $0x1  }
0x8a: {  	s1 =	srdreg.scid  }
0x8b: {  	s0 =	sand.u32 $0x1, s1  }
0x8c: {  	s16 =	sshll.u32 s0, $0xA;
	s2 =	sadd.s32 s3, s2  }
0x8d: {  	s2 =	sadd.s32 s2, s16  }
0x8e: {  	[smem:$0x3FA7] =	sst s2  }
0x8f: {  	_ = 	snop  }
0x90: {  	(tm) =	ssettm $0x1  }
0x91: {  	s17 =	sld [smem:$0x3FFB];
	_ =	sdelay $0x3  }
0x92: {  	_ =	strace s17  }
0x93: {  	s2 =	sld [smem:$0x3FFC];
	_ =	sdelay $0x3  }
0x94: {  	_ =	strace s2  }
0x95: {  	s2 =	sld [smem:$0x3FFD];
	_ =	sdelay $0x3  }
0x96: {  	_ =	strace s2  }
0x97: {  	_ =	strace $0x8FFFFFFF  }
0x98: {  	s18 =	sld [smem:$0x3FDB];
	_ =	sdelay $0x1  }
0x99: {  	s19 =	simm.s32 $_scs_section_size  }
0x9a: {  	s4 =	simm.s32 $_size__tile_overlayer_lowered;
	s5 =	simm.s32 $_tile_overlayer_lowered  }
0x9b: {  	s22 =	simm.s32 $0x1BFF;
	s21 =	sshll.u32 s5, $0x1;
	s2 =	sadd.s32 s19, s18  }
0x9c: {  	s6 =	simm.s32 $0x0;
	s20 =	sshll.u32 s4, $0x1;
	s4 =	sadd.s32 s21, s2  }
0x9d: {  	[timem:s6], [sflag:s22] =	dma.local [hbm:s4], s20  }
0x9e: {  	_ =	swait.ge [sflag:s22], s20  }
0x9f: {  	s3 =	ssub.s32 $0x0, s20;
	[sflag:s22] =	ssyncset.done $0x0  }
0xa0: {  	[sflag:s22] =	ssyncadd.s32 s3;
	_ =	sdelay $0x1  }
0xa1: {  	s23 =	simm.s32 $0x1B8B  }
0xa2: {  	_ =	swait.ge [sflag:s23], $0x1  }
0xa3: {  	[sflag:s23] =	ssyncset.done $0x0  }
0xa4: {  	s25 =	simm.s32 $0x1B8E;
	s24 =	sld [smem:$0x3FFE];
	[sflag:s23] =	ssyncadd.s32 $0xFFFFFFFF  }
0xa5: {  	s26 =	simm.s32 $execute0_lowered;
	[smem:$0x3FD2] =	sst s25  }
0xa6: {  	s4 =	sshll.u32 s26, $0x1;
	_ =	strace $0x80000049;
	[dreg:$0x1] =	wrdreg $0xFFFFFFFF  }
0xa7: {  	s28 =	simm.s32 $_size_execute0_lowered;
	s2 =	sadd.s32 s2, s4;
	[dreg:$0x0] =	wrdreg $0x0  }
0xa8: {  	s4 =	sshll.u32 s28, $0x1;
	[dreg:$0x2] =	wrdreg s2  }
0xa9: {  	[dreg:$0x3] =	wrdreg s4  }
0xaa: {  	[dreg:$0x4] =	wrdreg $0xC0  }
0xab: {  	_ =	task [dreg:s6], $0x5FFFF  }
0xac: {  	[dreg:$0x1] =	wrdreg $0xFFFFFFFF  }
0xad: {  	[dreg:$0x0] =	wrdreg $0x60  }
0xae: {  	[dreg:$0x2] =	wrdreg s24  }
0xaf: {  	[dreg:$0x3] =	wrdreg $0x9  }
0xb0: {  	_ =	task.clear_ibuf [dreg:s6], $0x4FFFF;
	_ =	strace $0x90000049  }
0xb1: {  	s29 =	simm.s32 $0x9;
	_ =	strace $0x8000004B  }
0xb2: {  	_ =	swait.ge [sflag:s29], $0x1  }
0xb3: {  	[sflag:s29] =	ssyncadd.s32 $0xFFFFFFFF  }
0xb4: {  	_ =	strace $0x9000004B  }
0xb5: {  	_ =	sfence  }
0xb6: {  	s30 =	sld [smem:$0x0];
	_ =	sdelay $0x2  }
0xb7: {  	s31 =	sshll.u32 s1, $0xD;
	s1 =	sshrl.u32 s1, $0x2  }
0xb8: {  	s3 =	sand.u32 $0x4000, s31;
	s1 =	sadd.s32 s1, s30  }
0xb9: {  	s0 =	sor.u32 s3, s0;
	s1 =	sshll.u32 s1, $0x11  }
0xba: {  	s0 =	sor.u32 s1, s0  }
0xbb: {  	s0 =	sadd.s32 $0x8F2B, s0  }
0xbc: {  	[sflag:s0] =	ssyncadd.remote.s32 $0x1  }
0xbd: {  	_ =	sfence.sel $0xFFFF  }
0xbe: {  	[dreg:$0x0] =	wrdreg $0xFFFFFFFF;
	(pc) =	sbr.abs _section_cstart, $3  }
0xbf: {  	[dreg:$0x1] =	wrdreg $0xFFFFFFFF  }
0xc0: {  	_ =	task.clear_ibuf [dreg:s6], $0x2FFFF;
	_ =	strace $0x9FFFFFFF  }
0xc1: {  	(tm) =	ssettm $0x7FFFFFFF  }
tec
execute0_lowered:
.L_overlay_start_1:
0x0: {  	(tag) =	ssettag $0x1  }
0x1: {  	s1 =	srdreg.scid  }
0x2: {  	s0 =	stileid.u32;
	s4 =	rddreg [dreg:$0x0];
	s2 =	simm.s32 $0x0  }
0x3: {  	s9 =	simm.s32 $0x2800;
	s10 =	simm.s32 $0xC800;
	s11 =	simm.s32 $0x1  }
0x4: {  	s12 =	simm.s32 $0x2;
	s13 =	simm.s32 $0x0;
	s5 =	sand.u32 $0x1, s1  }
0x5: {  	s3 =	sshll.u32 s0, $0x1;
	[smem:$0x7FF] =	sst s2;
	s7 =	smul.u32 $0x50000, s0  }
0x6: {  	s3 =	sor.u32 s5, s3;
	s8 =	ssub.s32 $0x2, s5;
	s5 =	smul.u32 $0x28000, s5  }
0x7: {  	s1 =	rddreg [dreg:$0x1];
	_ =	strace $0x8000004A;
	s6 =	smul.u32 $0x2800, s3  }
0x8: {  	s3 =	sadd.s32 $0x7A00, s4;
	s7 =	sadd.s32 s7, s4;
	s30 =	sshrl.u32 s8, $0x1  }
0x9: {  	s8 =	ssub.s32 s8, s30;
	s31 =	sadd.s32 s5, s7;
	s6 =	sshrl.u32 s6, $0x3  }
0xa: {  	s7 =	simm.s32 $0x3;
	s5 =	smax.u32 s8, $0x1;
	s6 =	sadd.s32 s6, s4  }
0xb: {  	s8 =	simm.s32 $0x140;
	s4 =	sadd.s32 $0x67A00, s6;
	s6 =	sadd.s32 $0x72E00, s31  }
.LBB2_1:
0xc: {  	[tilespmem:s2], [sflag:$0x3] =	stream.linear.gather [hbm4b:s4+s2], $0x2800, $0x38;
	[tilespmem:$0x16800] =	vst v63  }
0xd: {  	_ =	swait.ge [sflag:s7], $0x2800  }
0xe: {  	[sflag:s7] =	ssyncset.done $0x0  }
0xf: {  	s14 =	simm.s32 $0x0;
	[sflag:s7] =	ssyncadd.s32 $0xFFFFD800  }
0x10: {  	[tilespmem:s9], [sflag:$0x1] =	stream.indirect.gather [hbm4b:s3+s8], $0x80, s14, s8, $0xb8;
	[tilespmem:$0x16800] =	vst v63  }
0x11: {  	s30 =	simm.s32 $0x140  }
0x12: {  	[tilespmem:s10], [sflag:$0x2] =	stream.indirect.gather [hbm4b:s3+s8], $0x80, s30, s8, $0xb8;
	[tilespmem:$0x16800] =	vst v63  }
0x13: {  	_ =	swait.ge [sflag:s11], $0xA000  }
0x14: {  	[sflag:s11] =	ssyncset.done $0x0  }
0x15: {  	s31 =	sadd.s32 $0xFFFFEC00, s6;
	[sflag:s11] =	ssyncadd.s32 $0xFFFF6000  }
0x16: {  	[hbm4b:s31+s2] =	stream.linear.scatter [tilespmem:s9], [sflag:$0x3], $0xA000, $0x38;
	[tilespmem:$0x16800] =	vst v63  }
0x17: {  	_ =	swait.ge [sflag:s7], $0xA000  }
0x18: {  	[sflag:s7] =	ssyncset.done $0x0  }
0x19: {  	[sflag:s7] =	ssyncadd.s32 $0xFFFF6000  }
0x1a: {  	_ =	swait.ge [sflag:s12], $0xA000  }
0x1b: {  	[sflag:s12] =	ssyncset.done $0x0  }
0x1c: {  	[sflag:s12] =	ssyncadd.s32 $0xFFFF6000  }
0x1d: {  	[hbm4b:s6+s2] =	stream.linear.scatter [tilespmem:s10], [sflag:$0x3], $0xA000, $0x38;
	[tilespmem:$0x16800] =	vst v63  }
0x1e: {  	s15 =	simm.s32 $0xA00;
	_ =	swait.ge [sflag:s7], $0xA000  }
0x1f: {  	s16 =	simm.s32 $0x1400;
	s14 =	sadd.s32 $0x2800, s6;
	[sflag:s7] =	ssyncset.done $0x0  }
.LBB2_2:
0x20: {  	s17 =	sshra.s32 s15, $0x2  }
0x21: {  	[sflag:s7] =	ssyncadd.s32 $0xFFFF6000;
	s15 =	smov.u32 s16;
	s18 =	sadd.s32 $0xA00, s16  }
0x22: {  	[tilespmem:s9], [sflag:$0x1] =	stream.indirect.gather [hbm4b:s3+s8], $0x80, s17, s8, $0xb8;
	[tilespmem:$0x16800] =	vst v63  }
0x23: {  	p0 =	sne.s32 s16, $0x9600;
	s16 =	sadd.s32 $0x140, s17  }
0x24: {  	[tilespmem:s10], [sflag:$0x2] =	stream.indirect.gather [hbm4b:s3+s8], $0x80, s16, s8, $0xb8;
	[tilespmem:$0x16800] =	vst v63  }
0x25: {  	_ =	swait.ge [sflag:s11], $0xA000  }
0x26: {  	[sflag:s11] =	ssyncset.done $0x0  }
0x27: {  	s16 =	sadd.s32 $0xFFFFEC00, s14;
	[sflag:s11] =	ssyncadd.s32 $0xFFFF6000  }
0x28: {  	[hbm4b:s16+s2] =	stream.linear.scatter [tilespmem:s9], [sflag:$0x3], $0xA000, $0x38;
	[tilespmem:$0x16800] =	vst v63  }
0x29: {  	_ =	swait.ge [sflag:s7], $0xA000  }
0x2a: {  	[sflag:s7] =	ssyncset.done $0x0  }
0x2b: {  	[sflag:s7] =	ssyncadd.s32 $0xFFFF6000  }
0x2c: {  	_ =	swait.ge [sflag:s12], $0xA000  }
.Ltmp0:
0x2d: {  	[sflag:s12] =	ssyncset.done $0x0;
	(pc) =	sbr.rel @p0 .LBB2_2-.Ltmp0, $4  }
0x2e: {  	[sflag:s12] =	ssyncadd.s32 $0xFFFF6000  }
0x2f: {  	[hbm4b:s14+s2] =	stream.linear.scatter [tilespmem:s10], [sflag:$0x3], $0xA000, $0x38;
	[tilespmem:$0x16800] =	vst v63  }
0x30: {  	_ =	swait.ge [sflag:s7], $0xA000  }
0x31: {  	s16 =	smov.u32 s18;
	s14 =	sadd.s32 $0x2800, s14;
	[sflag:s7] =	ssyncset.done $0x0  }
0x32: {  	s15 =	sshra.s32 s15, $0x2;
	[sflag:s7] =	ssyncadd.s32 $0xFFFF6000  }
0x33: {  	[tilespmem:s9], [sflag:$0x1] =	stream.indirect.gather [hbm4b:s3+s8], $0x80, s15, s8, $0xb8;
	[tilespmem:$0x16800] =	vst v63  }
0x34: {  	s15 =	sadd.s32 $0x140, s15  }
0x35: {  	[tilespmem:s10], [sflag:$0x2] =	stream.indirect.gather [hbm4b:s3+s8], $0x80, s15, s8, $0xb8;
	[tilespmem:$0x16800] =	vst v63  }
0x36: {  	_ =	swait.ge [sflag:s11], $0xA000  }
0x37: {  	[sflag:s11] =	ssyncset.done $0x0  }
0x38: {  	s31 =	sadd.s32 $0xFFFFEC00, s14;
	[sflag:s11] =	ssyncadd.s32 $0xFFFF6000  }
0x39: {  	[hbm4b:s31+s2] =	stream.linear.scatter [tilespmem:s9], [sflag:$0x3], $0xA000, $0x38;
	[tilespmem:$0x16800] =	vst v63  }
0x3a: {  	_ =	swait.ge [sflag:s7], $0xA000  }
0x3b: {  	[sflag:s7] =	ssyncset.done $0x0  }
0x3c: {  	[sflag:s7] =	ssyncadd.s32 $0xFFFF6000  }
0x3d: {  	s13 =	sadd.s32 $0x1, s13;
	_ =	swait.ge [sflag:s12], $0xA000  }
0x3e: {  	p0 =	sne.s32 s13, s5;
	[sflag:s12] =	ssyncset.done $0x0  }
.Ltmp1:
0x3f: {  	[sflag:s12] =	ssyncadd.s32 $0xFFFF6000;
	(pc) =	sbr.rel @p0 .LBB2_1-.Ltmp1, $4  }
0x40: {  	[hbm4b:s14+s2] =	stream.linear.scatter [tilespmem:s10], [sflag:$0x3], $0xA000, $0x38;
	[tilespmem:$0x16800] =	vst v63  }
0x41: {  	_ =	swait.ge [sflag:s7], $0xA000  }
0x42: {  	[sflag:s7] =	ssyncset.done $0x0  }
0x43: {  	[sflag:s7] =	ssyncadd.s32 $0xFFFF6000  }
0x44: {  	_ =	sfence.sel $0x180000  }
0x45: {  	[bflag:$0x0] =	sbarrier.arrive $0xFFFF  }
0x46: {  	p0 =	sne.s32 s0, $0x0;
	_ =	strace $0x9000004A  }
0x47: {  	s0 =	sadd.s32 @!p0 $0x100000, s1;
	[bflag:$0x2] =	sbarrier.arrive $0xFFFF  }
0x48: {  	[sflag:s0] =	ssyncadd.tile.s32 @!p0 $0x1;
	_ =	shalt  }
.Lfunc_end2:
_tile_overlayer_lowered:
.L_overlay_start_2:
0x49: {  	(tag) =	ssettag $0x2  }
0x4a: {  	s0 =	rddreg [dreg:$0x0];
	s2 =	stileid.u32  }
0x4b: {  	s1 =	rddreg [dreg:$0x1];
	p0 =	sne.s32 s2, $0x0  }
0x4c: {  	s3 =	rddreg [dreg:$0x2];
	[bflag:$0x3] =	sbarrier.arrive $0xFFFF;
	s2 =	simm.s32 @!p0 $0x1C03  }
0x4d: {  	[timem:s3], [sflag:s2] =	dma.local @!p0 [hbm:s0], s1  }
0x4e: {  	s0 =	simm.s32 @!p0 $0x3  }
0x4f: {  	_ =	swait.ge @!p0 [sflag:s0], s1  }
0x50: {  	s1 =	ssub.s32 @!p0 $0x0, s1;
	[sflag:s0] =	ssyncset.done @!p0 $0x0  }
0x51: {  	[sflag:s0] =	ssyncadd.s32 @!p0 s1  }
0x52: {  	[bflag:$0x3] =	sbarrier.arrive $0xFFFF  }
0x53: {  	_ =	shalt  }

// kernel: kernel.22.cloned.1.call-start
scs
__scs_entry_jumppad:
0x0: {  	(pc) =	sbr.rel $0x88, $3  }
0x1: {  	(tag) =	ssettag $0x0;
	lr =	simm.s32 $0x1  }
0x2: {  	[smem:$0x3F80] =	sst lr;
	_ =	strace $0xD0000000  }
0x3: {  	_ = 	snop  }
0x4: {  	_ = 	snop  }
0x5: {  	_ = 	snop  }
0x6: {  	_ = 	snop  }
0x7: {  	_ = 	snop  }
__scs_overlays_trampoline_lowered:
0x8: {  	[smem:$0x3F8F] =	sst s0  }
0x9: {  	[smem:$0x3F90] =	sst s1  }
0xa: {  	[smem:$0x3F91] =	sst s2  }
0xb: {  	[smem:$0x3F92] =	sst s3  }
0xc: {  	[smem:$0x3F93] =	sst s4  }
0xd: {  	[smem:$0x3F94] =	sst s5  }
0xe: {  	[smem:$0x3F95] =	sst s6  }
0xf: {  	[smem:$0x3F96] =	sst s7  }
0x10: {  	[smem:$0x3F97] =	sst s8  }
0x11: {  	[smem:$0x3F98] =	sst s9;
	s0 =	simm.s32 @!p0 $0x0  }
0x12: {  	s1 =	sld [smem:$0x3F7E];
	s0 =	simm.s32 @p0 $0x1  }
0x13: {  	[smem:$0x3F99] =	sst s0;
	s0 =	simm.s32 @!p1 $0x0  }
0x14: {  	s2 =	sld [smem:$0x3F7D];
	s0 =	simm.s32 @p1 $0x1  }
0x15: {  	[smem:$0x3F9A] =	sst s0;
	s0 =	simm.s32 @!p2 $0x0  }
0x16: {  	s3 =	sld [smem:$0x3FDB];
	s0 =	simm.s32 @p2 $0x1  }
0x17: {  	s4 =	simm.s32 $0x1BF5;
	[smem:$0x3F9C] =	sst s0  }
0x18: {  	s0 =	sld [smem:$0x3F7F];
	_ =	swait.ge [sflag:s4], $0x0  }
0x19: {  	s7 =	sld [smem:$0x3F80]  }
0x1a: {  	s8 =	sadd.s32 $0xFFFFE003, lr  }
0x1b: {  	s9 =	sadd.s32 $0xFFFFFEF7, lr;
	s5 =	simm.s32 $0xFFFFFFFF;
	p2 =	slt.u32 s8, $0xFFFFF086  }
0x1c: {  	p1 =	slt.u32 s9, $0xF7A;
	s5 =	simm.s32 @!p2 $0x0  }
0x1d: {  	s5 =	simm.s32 @p1 $0x1;
	p0 =	seq.s32 s7, s2  }
0x1e: {  	s7 =	smul.u32 @!p0 $0xF7A, s2;
	p2 =	seq.s32 @!p0 s5, $0x0  }
0x1f: {  	s9 =	smul.u32 $0xF7A, s1;
	s8 =	simm.s32 @!p0 $0x1BF5;
	p2 =	por !p2, p0  }
0x20: {  	[sflag:s8] =	ssyncset.s32 @!p0 $0xFFFFF086;
	s6 =	sadd.s32 @!p0 s3, s7;
	s7 =	simm.s32 @!p0 $0x108  }
0x21: {  	s3 =	sadd.s32 s3, s9;
	s6 =	sadd.s32 @!p0 $0x88, s6;
	s7 =	simm.s32 @p2 $0x1082  }
0x22: {  	[simem:s7], [sflag:s8] =	dma.local @!p0 [hbm:s6], $0xF7A  }
0x23: {  	s9 =	sor.u32 $0xD0000000, s2;
	s6 =	simm.s32 $0x108;
	_ =	swait.ge @!p0 [sflag:s8], $0x0  }
0x24: {  	s3 =	sadd.s32 $0x88, s3;
	s6 =	simm.s32 @!p1 $0x1082;
	[sflag:s4] =	ssyncset.s32 $0xFFFFF086  }
0x25: {  	[simem:s6], [sflag:s4] =	dma.local [hbm:s3], $0xF7A  }
0x26: {  	[smem:$0x3F80] =	sst s1;
	(tag) =	ssettag s2;
	_ =	strace s9  }
0x27: {  	s1 =	sld [smem:$0x3F90]  }
0x28: {  	s2 =	sld [smem:$0x3F91]  }
0x29: {  	s4 =	sld [smem:$0x3F93]  }
0x2a: {  	p0 =	seq.s32 s5, $0x0;
	s5 =	sld [smem:$0x3F94]  }
0x2b: {  	s6 =	sld [smem:$0x3F95]  }
0x2c: {  	s7 =	sld [smem:$0x3F96]  }
0x2d: {  	s3 =	simm.s32 $0x108;
	s8 =	sld [smem:$0x3F97]  }
0x2e: {  	s3 =	simm.s32 @!p0 $0x1082;
	s9 =	sld [smem:$0x3F98]  }
0x2f: {  	lr =	sadd.s32 s0, s3;
	s0 =	sld [smem:$0x3F8F]  }
0x30: {  	s3 =	sld [smem:$0x3F92]  }
0x31: {  	[smem:$0x3F9B] =	sst s10  }
0x32: {  	s10 =	sld [smem:$0x3F99];
	_ =	sdelay $0x3  }
0x33: {  	p0 =	seq.s32 s10, $0x1;
	s10 =	sld [smem:$0x3F9B];
	_ =	sdelay $0x3  }
0x34: {  	[smem:$0x3F9B] =	sst s10  }
0x35: {  	s10 =	sld [smem:$0x3F9A];
	_ =	sdelay $0x3  }
0x36: {  	p1 =	seq.s32 s10, $0x1;
	s10 =	sld [smem:$0x3F9B];
	_ =	sdelay $0x3  }
0x37: {  	[smem:$0x3F9B] =	sst s10  }
0x38: {  	s10 =	sld [smem:$0x3F9C]  }
0x39: {  	_ = 	snop;
	(pc) =	sbr.ind lr, $3  }
0x3a: {  	_ = 	snop  }
0x3b: {  	_ = 	snop  }
0x3c: {  	p2 =	seq.s32 s10, $0x1;
	s10 =	sld [smem:$0x3F9B]  }
0x3d: {  	_ =	shalt  }
0x3e: {  	_ =	shalt  }
0x3f: {  	_ =	shalt  }
0x40: {  	_ =	shalt  }
0x41: {  	_ =	shalt  }
0x42: {  	_ =	shalt  }
0x43: {  	_ =	shalt  }
0x44: {  	_ =	shalt  }
0x45: {  	_ =	shalt  }
0x46: {  	_ =	shalt  }
0x47: {  	_ =	shalt  }
0x48: {  	_ =	shalt  }
0x49: {  	_ =	shalt  }
0x4a: {  	_ =	shalt  }
0x4b: {  	_ =	shalt  }
0x4c: {  	_ =	shalt  }
0x4d: {  	_ =	shalt  }
0x4e: {  	_ =	shalt  }
0x4f: {  	_ =	shalt  }
0x50: {  	_ =	shalt  }
0x51: {  	_ =	shalt  }
0x52: {  	_ =	shalt  }
0x53: {  	_ =	shalt  }
0x54: {  	_ =	shalt  }
0x55: {  	_ =	shalt  }
0x56: {  	_ =	shalt  }
0x57: {  	_ =	shalt  }
0x58: {  	_ =	shalt  }
0x59: {  	_ =	shalt  }
0x5a: {  	_ =	shalt  }
0x5b: {  	_ =	shalt  }
0x5c: {  	_ =	shalt  }
0x5d: {  	_ =	shalt  }
0x5e: {  	_ =	shalt  }
0x5f: {  	_ =	shalt  }
0x60: {  	_ =	shalt  }
0x61: {  	_ =	shalt  }
0x62: {  	_ =	shalt  }
0x63: {  	_ =	shalt  }
0x64: {  	_ =	shalt  }
0x65: {  	_ =	shalt  }
0x66: {  	_ =	shalt  }
0x67: {  	_ =	shalt  }
0x68: {  	_ =	shalt  }
0x69: {  	_ =	shalt  }
0x6a: {  	_ =	shalt  }
0x6b: {  	_ =	shalt  }
0x6c: {  	_ =	shalt  }
0x6d: {  	_ =	shalt  }
0x6e: {  	_ =	shalt  }
0x6f: {  	_ =	shalt  }
0x70: {  	_ =	shalt  }
0x71: {  	_ =	shalt  }
0x72: {  	_ =	shalt  }
0x73: {  	_ =	shalt  }
0x74: {  	_ =	shalt  }
0x75: {  	_ =	shalt  }
0x76: {  	_ =	shalt  }
0x77: {  	_ =	shalt  }
0x78: {  	_ =	shalt  }
0x79: {  	_ =	shalt  }
0x7a: {  	_ =	shalt  }
0x7b: {  	_ =	shalt  }
0x7c: {  	_ =	shalt  }
0x7d: {  	_ =	shalt  }
0x7e: {  	_ =	shalt  }
0x7f: {  	_ =	shalt  }
0x80: {  	_ =	shalt  }
0x81: {  	_ =	shalt  }
0x82: {  	_ =	shalt  }
0x83: {  	_ =	shalt  }
0x84: {  	_ =	shalt  }
0x85: {  	_ =	shalt  }
0x86: {  	_ =	shalt  }
0x87: {  	_ =	shalt  }
.Lfunc_end0:
.L_simem_size_0:
called_computation.2_lowered:
.L_overlay_start_0:
0x88: {  	s2 =	sld [smem:$0x3FD9]  }
0x89: {  	s3 =	sld [smem:$0x3FFE];
	_ =	sdelay $0x1  }
0x8a: {  	s1 =	srdreg.scid  }
0x8b: {  	s0 =	sand.u32 $0x1, s1  }
0x8c: {  	s16 =	sshll.u32 s0, $0xA;
	s2 =	sadd.s32 s3, s2  }
0x8d: {  	s2 =	sadd.s32 s2, s16  }
0x8e: {  	[smem:$0x3FA7] =	sst s2  }
0x8f: {  	_ = 	snop  }
0x90: {  	(tm) =	ssettm $0x1  }
0x91: {  	s17 =	sld [smem:$0x3FFB];
	_ =	sdelay $0x3  }
0x92: {  	_ =	strace s17  }
0x93: {  	s2 =	sld [smem:$0x3FFC];
	_ =	sdelay $0x3  }
0x94: {  	_ =	strace s2  }
0x95: {  	s2 =	sld [smem:$0x3FFD];
	_ =	sdelay $0x3  }
0x96: {  	_ =	strace s2  }
0x97: {  	_ =	strace $0x8FFFFFFF  }
0x98: {  	s18 =	sld [smem:$0x3FDB];
	_ =	sdelay $0x1  }
0x99: {  	s19 =	simm.s32 $_scs_section_size  }
0x9a: {  	s4 =	simm.s32 $_size__tile_overlayer_lowered;
	s5 =	simm.s32 $_tile_overlayer_lowered  }
0x9b: {  	s22 =	simm.s32 $0x1BFF;
	s21 =	sshll.u32 s5, $0x1;
	s2 =	sadd.s32 s19, s18  }
0x9c: {  	s6 =	simm.s32 $0x0;
	s20 =	sshll.u32 s4, $0x1;
	s4 =	sadd.s32 s21, s2  }
0x9d: {  	[timem:s6], [sflag:s22] =	dma.local [hbm:s4], s20  }
0x9e: {  	_ =	swait.ge [sflag:s22], s20  }
0x9f: {  	s3 =	ssub.s32 $0x0, s20;
	[sflag:s22] =	ssyncset.done $0x0  }
0xa0: {  	[sflag:s22] =	ssyncadd.s32 s3;
	_ =	sdelay $0x1  }
0xa1: {  	s23 =	simm.s32 $0x1B8B  }
0xa2: {  	_ =	swait.ge [sflag:s23], $0x1  }
0xa3: {  	[sflag:s23] =	ssyncset.done $0x0  }
0xa4: {  	s25 =	simm.s32 $0x1B8E;
	s24 =	sld [smem:$0x3FFE];
	[sflag:s23] =	ssyncadd.s32 $0xFFFFFFFF  }
0xa5: {  	s26 =	simm.s32 $execute0_lowered;
	[smem:$0x3FD2] =	sst s25  }
0xa6: {  	s4 =	sshll.u32 s26, $0x1;
	_ =	strace $0x8000004C;
	[dreg:$0x1] =	wrdreg $0xFFFFFFFF  }
0xa7: {  	s28 =	simm.s32 $_size_execute0_lowered;
	s2 =	sadd.s32 s2, s4;
	[dreg:$0x0] =	wrdreg $0x0  }
0xa8: {  	s4 =	sshll.u32 s28, $0x1;
	[dreg:$0x2] =	wrdreg s2  }
0xa9: {  	[dreg:$0x3] =	wrdreg s4  }
0xaa: {  	[dreg:$0x4] =	wrdreg $0xC0  }
0xab: {  	_ =	task [dreg:s6], $0x5FFFF  }
0xac: {  	[dreg:$0x1] =	wrdreg $0xFFFFFFFF  }
0xad: {  	[dreg:$0x0] =	wrdreg $0x60  }
0xae: {  	[dreg:$0x2] =	wrdreg s24  }
0xaf: {  	[dreg:$0x3] =	wrdreg $0x9  }
0xb0: {  	_ =	task.clear_ibuf [dreg:s6], $0x4FFFF;
	_ =	strace $0x9000004C  }
0xb1: {  	s29 =	simm.s32 $0x9;
	_ =	strace $0x8000004E  }
0xb2: {  	_ =	swait.ge [sflag:s29], $0x1  }
0xb3: {  	[sflag:s29] =	ssyncadd.s32 $0xFFFFFFFF  }
0xb4: {  	_ =	strace $0x9000004E  }
0xb5: {  	_ =	sfence  }
0xb6: {  	s30 =	sld [smem:$0x0];
	_ =	sdelay $0x2  }
0xb7: {  	s31 =	sshll.u32 s1, $0xD;
	s1 =	sshrl.u32 s1, $0x2  }
0xb8: {  	s3 =	sand.u32 $0x4000, s31;
	s1 =	sadd.s32 s1, s30  }
0xb9: {  	s0 =	sor.u32 s3, s0;
	s1 =	sshll.u32 s1, $0x11  }
0xba: {  	s0 =	sor.u32 s1, s0  }
0xbb: {  	s0 =	sadd.s32 $0x8F2B, s0  }
0xbc: {  	[sflag:s0] =	ssyncadd.remote.s32 $0x1  }
0xbd: {  	_ =	sfence.sel $0xFFFF  }
0xbe: {  	[dreg:$0x0] =	wrdreg $0xFFFFFFFF;
	(pc) =	sbr.abs _section_cstart, $3  }
0xbf: {  	[dreg:$0x1] =	wrdreg $0xFFFFFFFF  }
0xc0: {  	_ =	task.clear_ibuf [dreg:s6], $0x2FFFF;
	_ =	strace $0x9FFFFFFF  }
0xc1: {  	(tm) =	ssettm $0x7FFFFFFF  }
tec
execute0_lowered:
.L_overlay_start_1:
0x0: {  	(tag) =	ssettag $0x1  }
0x1: {  	s1 =	srdreg.scid  }
0x2: {  	s0 =	stileid.u32;
	s4 =	rddreg [dreg:$0x0];
	s2 =	simm.s32 $0x0  }
0x3: {  	s9 =	simm.s32 $0x2800;
	s10 =	simm.s32 $0xC800;
	s11 =	simm.s32 $0x1  }
0x4: {  	s12 =	simm.s32 $0x2;
	s13 =	simm.s32 $0x0;
	s5 =	sand.u32 $0x1, s1  }
0x5: {  	s3 =	sshll.u32 s0, $0x1;
	[smem:$0x7FF] =	sst s2;
	s7 =	smul.u32 $0x50000, s0  }
0x6: {  	s3 =	sor.u32 s5, s3;
	s8 =	ssub.s32 $0x2, s5;
	s5 =	smul.u32 $0x28000, s5  }
0x7: {  	s1 =	rddreg [dreg:$0x1];
	_ =	strace $0x8000004D;
	s6 =	smul.u32 $0x2800, s3  }
0x8: {  	s3 =	sadd.s32 $0x7A00, s4;
	s7 =	sadd.s32 s7, s4;
	s30 =	sshrl.u32 s8, $0x1  }
0x9: {  	s8 =	ssub.s32 s8, s30;
	s31 =	sadd.s32 s5, s7;
	s6 =	sshrl.u32 s6, $0x3  }
0xa: {  	s7 =	simm.s32 $0x3;
	s5 =	smax.u32 s8, $0x1;
	s6 =	sadd.s32 s6, s4  }
0xb: {  	s8 =	simm.s32 $0x140;
	s4 =	sadd.s32 $0x87A00, s6;
	s6 =	sadd.s32 $0x92E00, s31  }
.LBB2_1:
0xc: {  	[tilespmem:s2], [sflag:$0x3] =	stream.linear.gather [hbm4b:s4+s2], $0x2800, $0x38;
	[tilespmem:$0x16800] =	vst v63  }
0xd: {  	_ =	swait.ge [sflag:s7], $0x2800  }
0xe: {  	[sflag:s7] =	ssyncset.done $0x0  }
0xf: {  	s14 =	simm.s32 $0x0;
	[sflag:s7] =	ssyncadd.s32 $0xFFFFD800  }
0x10: {  	[tilespmem:s9], [sflag:$0x1] =	stream.indirect.gather [hbm4b:s3+s8], $0x80, s14, s8, $0xb8;
	[tilespmem:$0x16800] =	vst v63  }
0x11: {  	s30 =	simm.s32 $0x140  }
0x12: {  	[tilespmem:s10], [sflag:$0x2] =	stream.indirect.gather [hbm4b:s3+s8], $0x80, s30, s8, $0xb8;
	[tilespmem:$0x16800] =	vst v63  }
0x13: {  	_ =	swait.ge [sflag:s11], $0xA000  }
0x14: {  	[sflag:s11] =	ssyncset.done $0x0  }
0x15: {  	s31 =	sadd.s32 $0xFFFFEC00, s6;
	[sflag:s11] =	ssyncadd.s32 $0xFFFF6000  }
0x16: {  	[hbm4b:s31+s2] =	stream.linear.scatter [tilespmem:s9], [sflag:$0x3], $0xA000, $0x38;
	[tilespmem:$0x16800] =	vst v63  }
0x17: {  	_ =	swait.ge [sflag:s7], $0xA000  }
0x18: {  	[sflag:s7] =	ssyncset.done $0x0  }
0x19: {  	[sflag:s7] =	ssyncadd.s32 $0xFFFF6000  }
0x1a: {  	_ =	swait.ge [sflag:s12], $0xA000  }
0x1b: {  	[sflag:s12] =	ssyncset.done $0x0  }
0x1c: {  	[sflag:s12] =	ssyncadd.s32 $0xFFFF6000  }
0x1d: {  	[hbm4b:s6+s2] =	stream.linear.scatter [tilespmem:s10], [sflag:$0x3], $0xA000, $0x38;
	[tilespmem:$0x16800] =	vst v63  }
0x1e: {  	s15 =	simm.s32 $0xA00;
	_ =	swait.ge [sflag:s7], $0xA000  }
0x1f: {  	s16 =	simm.s32 $0x1400;
	s14 =	sadd.s32 $0x2800, s6;
	[sflag:s7] =	ssyncset.done $0x0  }
.LBB2_2:
0x20: {  	s17 =	sshra.s32 s15, $0x2  }
0x21: {  	[sflag:s7] =	ssyncadd.s32 $0xFFFF6000;
	s15 =	smov.u32 s16;
	s18 =	sadd.s32 $0xA00, s16  }
0x22: {  	[tilespmem:s9], [sflag:$0x1] =	stream.indirect.gather [hbm4b:s3+s8], $0x80, s17, s8, $0xb8;
	[tilespmem:$0x16800] =	vst v63  }
0x23: {  	p0 =	sne.s32 s16, $0x9600;
	s16 =	sadd.s32 $0x140, s17  }
0x24: {  	[tilespmem:s10], [sflag:$0x2] =	stream.indirect.gather [hbm4b:s3+s8], $0x80, s16, s8, $0xb8;
	[tilespmem:$0x16800] =	vst v63  }
0x25: {  	_ =	swait.ge [sflag:s11], $0xA000  }
0x26: {  	[sflag:s11] =	ssyncset.done $0x0  }
0x27: {  	s16 =	sadd.s32 $0xFFFFEC00, s14;
	[sflag:s11] =	ssyncadd.s32 $0xFFFF6000  }
0x28: {  	[hbm4b:s16+s2] =	stream.linear.scatter [tilespmem:s9], [sflag:$0x3], $0xA000, $0x38;
	[tilespmem:$0x16800] =	vst v63  }
0x29: {  	_ =	swait.ge [sflag:s7], $0xA000  }
0x2a: {  	[sflag:s7] =	ssyncset.done $0x0  }
0x2b: {  	[sflag:s7] =	ssyncadd.s32 $0xFFFF6000  }
0x2c: {  	_ =	swait.ge [sflag:s12], $0xA000  }
.Ltmp0:
0x2d: {  	[sflag:s12] =	ssyncset.done $0x0;
	(pc) =	sbr.rel @p0 .LBB2_2-.Ltmp0, $4  }
0x2e: {  	[sflag:s12] =	ssyncadd.s32 $0xFFFF6000  }
0x2f: {  	[hbm4b:s14+s2] =	stream.linear.scatter [tilespmem:s10], [sflag:$0x3], $0xA000, $0x38;
	[tilespmem:$0x16800] =	vst v63  }
0x30: {  	_ =	swait.ge [sflag:s7], $0xA000  }
0x31: {  	s16 =	smov.u32 s18;
	s14 =	sadd.s32 $0x2800, s14;
	[sflag:s7] =	ssyncset.done $0x0  }
0x32: {  	s15 =	sshra.s32 s15, $0x2;
	[sflag:s7] =	ssyncadd.s32 $0xFFFF6000  }
0x33: {  	[tilespmem:s9], [sflag:$0x1] =	stream.indirect.gather [hbm4b:s3+s8], $0x80, s15, s8, $0xb8;
	[tilespmem:$0x16800] =	vst v63  }
0x34: {  	s15 =	sadd.s32 $0x140, s15  }
0x35: {  	[tilespmem:s10], [sflag:$0x2] =	stream.indirect.gather [hbm4b:s3+s8], $0x80, s15, s8, $0xb8;
	[tilespmem:$0x16800] =	vst v63  }
0x36: {  	_ =	swait.ge [sflag:s11], $0xA000  }
0x37: {  	[sflag:s11] =	ssyncset.done $0x0  }
0x38: {  	s31 =	sadd.s32 $0xFFFFEC00, s14;
	[sflag:s11] =	ssyncadd.s32 $0xFFFF6000  }
0x39: {  	[hbm4b:s31+s2] =	stream.linear.scatter [tilespmem:s9], [sflag:$0x3], $0xA000, $0x38;
	[tilespmem:$0x16800] =	vst v63  }
0x3a: {  	_ =	swait.ge [sflag:s7], $0xA000  }
0x3b: {  	[sflag:s7] =	ssyncset.done $0x0  }
0x3c: {  	[sflag:s7] =	ssyncadd.s32 $0xFFFF6000  }
0x3d: {  	s13 =	sadd.s32 $0x1, s13;
	_ =	swait.ge [sflag:s12], $0xA000  }
0x3e: {  	p0 =	sne.s32 s13, s5;
	[sflag:s12] =	ssyncset.done $0x0  }
.Ltmp1:
0x3f: {  	[sflag:s12] =	ssyncadd.s32 $0xFFFF6000;
	(pc) =	sbr.rel @p0 .LBB2_1-.Ltmp1, $4  }
0x40: {  	[hbm4b:s14+s2] =	stream.linear.scatter [tilespmem:s10], [sflag:$0x3], $0xA000, $0x38;
	[tilespmem:$0x16800] =	vst v63  }
0x41: {  	_ =	swait.ge [sflag:s7], $0xA000  }
0x42: {  	[sflag:s7] =	ssyncset.done $0x0  }
0x43: {  	[sflag:s7] =	ssyncadd.s32 $0xFFFF6000  }
0x44: {  	_ =	sfence.sel $0x180000  }
0x45: {  	[bflag:$0x0] =	sbarrier.arrive $0xFFFF  }
0x46: {  	p0 =	sne.s32 s0, $0x0;
	_ =	strace $0x9000004D  }
0x47: {  	s0 =	sadd.s32 @!p0 $0x100000, s1;
	[bflag:$0x2] =	sbarrier.arrive $0xFFFF  }
0x48: {  	[sflag:s0] =	ssyncadd.tile.s32 @!p0 $0x1;
	_ =	shalt  }
.Lfunc_end2:
_tile_overlayer_lowered:
.L_overlay_start_2:
0x49: {  	(tag) =	ssettag $0x2  }
0x4a: {  	s0 =	rddreg [dreg:$0x0];
	s2 =	stileid.u32  }
0x4b: {  	s1 =	rddreg [dreg:$0x1];
	p0 =	sne.s32 s2, $0x0  }
0x4c: {  	s3 =	rddreg [dreg:$0x2];
	[bflag:$0x3] =	sbarrier.arrive $0xFFFF;
	s2 =	simm.s32 @!p0 $0x1C03  }
0x4d: {  	[timem:s3], [sflag:s2] =	dma.local @!p0 [hbm:s0], s1  }
0x4e: {  	s0 =	simm.s32 @!p0 $0x3  }
0x4f: {  	_ =	swait.ge @!p0 [sflag:s0], s1  }
0x50: {  	s1 =	ssub.s32 @!p0 $0x0, s1;
	[sflag:s0] =	ssyncset.done @!p0 $0x0  }
0x51: {  	[sflag:s0] =	ssyncadd.s32 @!p0 s1  }
0x52: {  	[bflag:$0x3] =	sbarrier.arrive $0xFFFF  }
0x53: {  	_ =	shalt  }

// kernel: kernel.25.cloned.1.call-start
scs
__scs_entry_jumppad:
0x0: {  	(pc) =	sbr.rel $0x88, $3  }
0x1: {  	(tag) =	ssettag $0x0;
	lr =	simm.s32 $0x1  }
0x2: {  	[smem:$0x3F80] =	sst lr;
	_ =	strace $0xD0000000  }
0x3: {  	_ = 	snop  }
0x4: {  	_ = 	snop  }
0x5: {  	_ = 	snop  }
0x6: {  	_ = 	snop  }
0x7: {  	_ = 	snop  }
__scs_overlays_trampoline_lowered:
0x8: {  	[smem:$0x3F8F] =	sst s0  }
0x9: {  	[smem:$0x3F90] =	sst s1  }
0xa: {  	[smem:$0x3F91] =	sst s2  }
0xb: {  	[smem:$0x3F92] =	sst s3  }
0xc: {  	[smem:$0x3F93] =	sst s4  }
0xd: {  	[smem:$0x3F94] =	sst s5  }
0xe: {  	[smem:$0x3F95] =	sst s6  }
0xf: {  	[smem:$0x3F96] =	sst s7  }
0x10: {  	[smem:$0x3F97] =	sst s8  }
0x11: {  	[smem:$0x3F98] =	sst s9;
	s0 =	simm.s32 @!p0 $0x0  }
0x12: {  	s1 =	sld [smem:$0x3F7E];
	s0 =	simm.s32 @p0 $0x1  }
0x13: {  	[smem:$0x3F99] =	sst s0;
	s0 =	simm.s32 @!p1 $0x0  }
0x14: {  	s2 =	sld [smem:$0x3F7D];
	s0 =	simm.s32 @p1 $0x1  }
0x15: {  	[smem:$0x3F9A] =	sst s0;
	s0 =	simm.s32 @!p2 $0x0  }
0x16: {  	s3 =	sld [smem:$0x3FDB];
	s0 =	simm.s32 @p2 $0x1  }
0x17: {  	s4 =	simm.s32 $0x1BF5;
	[smem:$0x3F9C] =	sst s0  }
0x18: {  	s0 =	sld [smem:$0x3F7F];
	_ =	swait.ge [sflag:s4], $0x0  }
0x19: {  	s7 =	sld [smem:$0x3F80]  }
0x1a: {  	s8 =	sadd.s32 $0xFFFFE003, lr  }
0x1b: {  	s9 =	sadd.s32 $0xFFFFFEF7, lr;
	s5 =	simm.s32 $0xFFFFFFFF;
	p2 =	slt.u32 s8, $0xFFFFF086  }
0x1c: {  	p1 =	slt.u32 s9, $0xF7A;
	s5 =	simm.s32 @!p2 $0x0  }
0x1d: {  	s5 =	simm.s32 @p1 $0x1;
	p0 =	seq.s32 s7, s2  }
0x1e: {  	s7 =	smul.u32 @!p0 $0xF7A, s2;
	p2 =	seq.s32 @!p0 s5, $0x0  }
0x1f: {  	s9 =	smul.u32 $0xF7A, s1;
	s8 =	simm.s32 @!p0 $0x1BF5;
	p2 =	por !p2, p0  }
0x20: {  	[sflag:s8] =	ssyncset.s32 @!p0 $0xFFFFF086;
	s6 =	sadd.s32 @!p0 s3, s7;
	s7 =	simm.s32 @!p0 $0x108  }
0x21: {  	s3 =	sadd.s32 s3, s9;
	s6 =	sadd.s32 @!p0 $0x88, s6;
	s7 =	simm.s32 @p2 $0x1082  }
0x22: {  	[simem:s7], [sflag:s8] =	dma.local @!p0 [hbm:s6], $0xF7A  }
0x23: {  	s9 =	sor.u32 $0xD0000000, s2;
	s6 =	simm.s32 $0x108;
	_ =	swait.ge @!p0 [sflag:s8], $0x0  }
0x24: {  	s3 =	sadd.s32 $0x88, s3;
	s6 =	simm.s32 @!p1 $0x1082;
	[sflag:s4] =	ssyncset.s32 $0xFFFFF086  }
0x25: {  	[simem:s6], [sflag:s4] =	dma.local [hbm:s3], $0xF7A  }
0x26: {  	[smem:$0x3F80] =	sst s1;
	(tag) =	ssettag s2;
	_ =	strace s9  }
0x27: {  	s1 =	sld [smem:$0x3F90]  }
0x28: {  	s2 =	sld [smem:$0x3F91]  }
0x29: {  	s4 =	sld [smem:$0x3F93]  }
0x2a: {  	p0 =	seq.s32 s5, $0x0;
	s5 =	sld [smem:$0x3F94]  }
0x2b: {  	s6 =	sld [smem:$0x3F95]  }
0x2c: {  	s7 =	sld [smem:$0x3F96]  }
0x2d: {  	s3 =	simm.s32 $0x108;
	s8 =	sld [smem:$0x3F97]  }
0x2e: {  	s3 =	simm.s32 @!p0 $0x1082;
	s9 =	sld [smem:$0x3F98]  }
0x2f: {  	lr =	sadd.s32 s0, s3;
	s0 =	sld [smem:$0x3F8F]  }
0x30: {  	s3 =	sld [smem:$0x3F92]  }
0x31: {  	[smem:$0x3F9B] =	sst s10  }
0x32: {  	s10 =	sld [smem:$0x3F99];
	_ =	sdelay $0x3  }
0x33: {  	p0 =	seq.s32 s10, $0x1;
	s10 =	sld [smem:$0x3F9B];
	_ =	sdelay $0x3  }
0x34: {  	[smem:$0x3F9B] =	sst s10  }
0x35: {  	s10 =	sld [smem:$0x3F9A];
	_ =	sdelay $0x3  }
0x36: {  	p1 =	seq.s32 s10, $0x1;
	s10 =	sld [smem:$0x3F9B];
	_ =	sdelay $0x3  }
0x37: {  	[smem:$0x3F9B] =	sst s10  }
0x38: {  	s10 =	sld [smem:$0x3F9C]  }
0x39: {  	_ = 	snop;
	(pc) =	sbr.ind lr, $3  }
0x3a: {  	_ = 	snop  }
0x3b: {  	_ = 	snop  }
0x3c: {  	p2 =	seq.s32 s10, $0x1;
	s10 =	sld [smem:$0x3F9B]  }
0x3d: {  	_ =	shalt  }
0x3e: {  	_ =	shalt  }
0x3f: {  	_ =	shalt  }
0x40: {  	_ =	shalt  }
0x41: {  	_ =	shalt  }
0x42: {  	_ =	shalt  }
0x43: {  	_ =	shalt  }
0x44: {  	_ =	shalt  }
0x45: {  	_ =	shalt  }
0x46: {  	_ =	shalt  }
0x47: {  	_ =	shalt  }
0x48: {  	_ =	shalt  }
0x49: {  	_ =	shalt  }
0x4a: {  	_ =	shalt  }
0x4b: {  	_ =	shalt  }
0x4c: {  	_ =	shalt  }
0x4d: {  	_ =	shalt  }
0x4e: {  	_ =	shalt  }
0x4f: {  	_ =	shalt  }
0x50: {  	_ =	shalt  }
0x51: {  	_ =	shalt  }
0x52: {  	_ =	shalt  }
0x53: {  	_ =	shalt  }
0x54: {  	_ =	shalt  }
0x55: {  	_ =	shalt  }
0x56: {  	_ =	shalt  }
0x57: {  	_ =	shalt  }
0x58: {  	_ =	shalt  }
0x59: {  	_ =	shalt  }
0x5a: {  	_ =	shalt  }
0x5b: {  	_ =	shalt  }
0x5c: {  	_ =	shalt  }
0x5d: {  	_ =	shalt  }
0x5e: {  	_ =	shalt  }
0x5f: {  	_ =	shalt  }
0x60: {  	_ =	shalt  }
0x61: {  	_ =	shalt  }
0x62: {  	_ =	shalt  }
0x63: {  	_ =	shalt  }
0x64: {  	_ =	shalt  }
0x65: {  	_ =	shalt  }
0x66: {  	_ =	shalt  }
0x67: {  	_ =	shalt  }
0x68: {  	_ =	shalt  }
0x69: {  	_ =	shalt  }
0x6a: {  	_ =	shalt  }
0x6b: {  	_ =	shalt  }
0x6c: {  	_ =	shalt  }
0x6d: {  	_ =	shalt  }
0x6e: {  	_ =	shalt  }
0x6f: {  	_ =	shalt  }
0x70: {  	_ =	shalt  }
0x71: {  	_ =	shalt  }
0x72: {  	_ =	shalt  }
0x73: {  	_ =	shalt  }
0x74: {  	_ =	shalt  }
0x75: {  	_ =	shalt  }
0x76: {  	_ =	shalt  }
0x77: {  	_ =	shalt  }
0x78: {  	_ =	shalt  }
0x79: {  	_ =	shalt  }
0x7a: {  	_ =	shalt  }
0x7b: {  	_ =	shalt  }
0x7c: {  	_ =	shalt  }
0x7d: {  	_ =	shalt  }
0x7e: {  	_ =	shalt  }
0x7f: {  	_ =	shalt  }
0x80: {  	_ =	shalt  }
0x81: {  	_ =	shalt  }
0x82: {  	_ =	shalt  }
0x83: {  	_ =	shalt  }
0x84: {  	_ =	shalt  }
0x85: {  	_ =	shalt  }
0x86: {  	_ =	shalt  }
0x87: {  	_ =	shalt  }
.Lfunc_end0:
.L_simem_size_0:
called_computation.3_lowered:
.L_overlay_start_0:
0x88: {  	s2 =	sld [smem:$0x3FD9]  }
0x89: {  	s3 =	sld [smem:$0x3FFE];
	_ =	sdelay $0x1  }
0x8a: {  	s1 =	srdreg.scid  }
0x8b: {  	s0 =	sand.u32 $0x1, s1  }
0x8c: {  	s16 =	sshll.u32 s0, $0xA;
	s2 =	sadd.s32 s3, s2  }
0x8d: {  	s2 =	sadd.s32 s2, s16  }
0x8e: {  	[smem:$0x3FA7] =	sst s2  }
0x8f: {  	_ = 	snop  }
0x90: {  	(tm) =	ssettm $0x1  }
0x91: {  	s17 =	sld [smem:$0x3FFB];
	_ =	sdelay $0x3  }
0x92: {  	_ =	strace s17  }
0x93: {  	s2 =	sld [smem:$0x3FFC];
	_ =	sdelay $0x3  }
0x94: {  	_ =	strace s2  }
0x95: {  	s2 =	sld [smem:$0x3FFD];
	_ =	sdelay $0x3  }
0x96: {  	_ =	strace s2  }
0x97: {  	_ =	strace $0x8FFFFFFF  }
0x98: {  	s18 =	sld [smem:$0x3FDB];
	_ =	sdelay $0x1  }
0x99: {  	s19 =	simm.s32 $_scs_section_size  }
0x9a: {  	s4 =	simm.s32 $_size__tile_overlayer_lowered;
	s5 =	simm.s32 $_tile_overlayer_lowered  }
0x9b: {  	s22 =	simm.s32 $0x1BFF;
	s21 =	sshll.u32 s5, $0x1;
	s2 =	sadd.s32 s19, s18  }
0x9c: {  	s6 =	simm.s32 $0x0;
	s20 =	sshll.u32 s4, $0x1;
	s4 =	sadd.s32 s21, s2  }
0x9d: {  	[timem:s6], [sflag:s22] =	dma.local [hbm:s4], s20  }
0x9e: {  	_ =	swait.ge [sflag:s22], s20  }
0x9f: {  	s3 =	ssub.s32 $0x0, s20;
	[sflag:s22] =	ssyncset.done $0x0  }
0xa0: {  	[sflag:s22] =	ssyncadd.s32 s3;
	_ =	sdelay $0x1  }
0xa1: {  	s23 =	simm.s32 $0x1B8B  }
0xa2: {  	_ =	swait.ge [sflag:s23], $0x1  }
0xa3: {  	[sflag:s23] =	ssyncset.done $0x0  }
0xa4: {  	s25 =	simm.s32 $0x1B8E;
	s24 =	sld [smem:$0x3FFE];
	[sflag:s23] =	ssyncadd.s32 $0xFFFFFFFF  }
0xa5: {  	s26 =	simm.s32 $execute0_lowered;
	[smem:$0x3FD2] =	sst s25  }
0xa6: {  	s4 =	sshll.u32 s26, $0x1;
	_ =	strace $0x8000004F;
	[dreg:$0x1] =	wrdreg $0xFFFFFFFF  }
0xa7: {  	s28 =	simm.s32 $_size_execute0_lowered;
	s2 =	sadd.s32 s2, s4;
	[dreg:$0x0] =	wrdreg $0x0  }
0xa8: {  	s4 =	sshll.u32 s28, $0x1;
	[dreg:$0x2] =	wrdreg s2  }
0xa9: {  	[dreg:$0x3] =	wrdreg s4  }
0xaa: {  	[dreg:$0x4] =	wrdreg $0xC0  }
0xab: {  	_ =	task [dreg:s6], $0x5FFFF  }
0xac: {  	[dreg:$0x1] =	wrdreg $0xFFFFFFFF  }
0xad: {  	[dreg:$0x0] =	wrdreg $0x60  }
0xae: {  	[dreg:$0x2] =	wrdreg s24  }
0xaf: {  	[dreg:$0x3] =	wrdreg $0x9  }
0xb0: {  	_ =	task.clear_ibuf [dreg:s6], $0x4FFFF;
	_ =	strace $0x9000004F  }
0xb1: {  	s29 =	simm.s32 $0x9;
	_ =	strace $0x80000051  }
0xb2: {  	_ =	swait.ge [sflag:s29], $0x1  }
0xb3: {  	[sflag:s29] =	ssyncadd.s32 $0xFFFFFFFF  }
0xb4: {  	_ =	strace $0x90000051  }
0xb5: {  	_ =	sfence  }
0xb6: {  	s30 =	sld [smem:$0x0];
	_ =	sdelay $0x2  }
0xb7: {  	s31 =	sshll.u32 s1, $0xD;
	s1 =	sshrl.u32 s1, $0x2  }
0xb8: {  	s3 =	sand.u32 $0x4000, s31;
	s1 =	sadd.s32 s1, s30  }
0xb9: {  	s0 =	sor.u32 s3, s0;
	s1 =	sshll.u32 s1, $0x11  }
0xba: {  	s0 =	sor.u32 s1, s0  }
0xbb: {  	s0 =	sadd.s32 $0x8F2B, s0  }
0xbc: {  	[sflag:s0] =	ssyncadd.remote.s32 $0x1  }
0xbd: {  	_ =	sfence.sel $0xFFFF  }
0xbe: {  	[dreg:$0x0] =	wrdreg $0xFFFFFFFF;
	(pc) =	sbr.abs _section_cstart, $3  }
0xbf: {  	[dreg:$0x1] =	wrdreg $0xFFFFFFFF  }
0xc0: {  	_ =	task.clear_ibuf [dreg:s6], $0x2FFFF;
	_ =	strace $0x9FFFFFFF  }
0xc1: {  	(tm) =	ssettm $0x7FFFFFFF  }
tec
execute0_lowered:
.L_overlay_start_1:
0x0: {  	(tag) =	ssettag $0x1  }
0x1: {  	s1 =	srdreg.scid  }
0x2: {  	s0 =	stileid.u32;
	s4 =	rddreg [dreg:$0x0];
	s2 =	simm.s32 $0x0  }
0x3: {  	s9 =	simm.s32 $0x2800;
	s10 =	simm.s32 $0xC800;
	s11 =	simm.s32 $0x1  }
0x4: {  	s12 =	simm.s32 $0x2;
	s13 =	simm.s32 $0x0;
	s5 =	sand.u32 $0x1, s1  }
0x5: {  	s3 =	sshll.u32 s0, $0x1;
	[smem:$0x7FF] =	sst s2;
	s7 =	smul.u32 $0x50000, s0  }
0x6: {  	s3 =	sor.u32 s5, s3;
	s8 =	ssub.s32 $0x2, s5;
	s5 =	smul.u32 $0x28000, s5  }
0x7: {  	s1 =	rddreg [dreg:$0x1];
	_ =	strace $0x80000050;
	s6 =	smul.u32 $0x2800, s3  }
0x8: {  	s3 =	sadd.s32 $0x7A00, s4;
	s7 =	sadd.s32 s7, s4;
	s30 =	sshrl.u32 s8, $0x1  }
0x9: {  	s8 =	ssub.s32 s8, s30;
	s31 =	sadd.s32 s5, s7;
	s6 =	sshrl.u32 s6, $0x3  }
0xa: {  	s7 =	simm.s32 $0x3;
	s5 =	smax.u32 s8, $0x1;
	s6 =	sadd.s32 s6, s4  }
0xb: {  	s8 =	simm.s32 $0x140;
	s4 =	sadd.s32 $0xA7A00, s6;
	s6 =	sadd.s32 $0xB2E00, s31  }
.LBB2_1:
0xc: {  	[tilespmem:s2], [sflag:$0x3] =	stream.linear.gather [hbm4b:s4+s2], $0x2800, $0x38;
	[tilespmem:$0x16800] =	vst v63  }
0xd: {  	_ =	swait.ge [sflag:s7], $0x2800  }
0xe: {  	[sflag:s7] =	ssyncset.done $0x0  }
0xf: {  	s14 =	simm.s32 $0x0;
	[sflag:s7] =	ssyncadd.s32 $0xFFFFD800  }
0x10: {  	[tilespmem:s9], [sflag:$0x1] =	stream.indirect.gather [hbm4b:s3+s8], $0x80, s14, s8, $0xb8;
	[tilespmem:$0x16800] =	vst v63  }
0x11: {  	s30 =	simm.s32 $0x140  }
0x12: {  	[tilespmem:s10], [sflag:$0x2] =	stream.indirect.gather [hbm4b:s3+s8], $0x80, s30, s8, $0xb8;
	[tilespmem:$0x16800] =	vst v63  }
0x13: {  	_ =	swait.ge [sflag:s11], $0xA000  }
0x14: {  	[sflag:s11] =	ssyncset.done $0x0  }
0x15: {  	s31 =	sadd.s32 $0xFFFFEC00, s6;
	[sflag:s11] =	ssyncadd.s32 $0xFFFF6000  }
0x16: {  	[hbm4b:s31+s2] =	stream.linear.scatter [tilespmem:s9], [sflag:$0x3], $0xA000, $0x38;
	[tilespmem:$0x16800] =	vst v63  }
0x17: {  	_ =	swait.ge [sflag:s7], $0xA000  }
0x18: {  	[sflag:s7] =	ssyncset.done $0x0  }
0x19: {  	[sflag:s7] =	ssyncadd.s32 $0xFFFF6000  }
0x1a: {  	_ =	swait.ge [sflag:s12], $0xA000  }
0x1b: {  	[sflag:s12] =	ssyncset.done $0x0  }
0x1c: {  	[sflag:s12] =	ssyncadd.s32 $0xFFFF6000  }
0x1d: {  	[hbm4b:s6+s2] =	stream.linear.scatter [tilespmem:s10], [sflag:$0x3], $0xA000, $0x38;
	[tilespmem:$0x16800] =	vst v63  }
0x1e: {  	s15 =	simm.s32 $0xA00;
	_ =	swait.ge [sflag:s7], $0xA000  }
0x1f: {  	s16 =	simm.s32 $0x1400;
	s14 =	sadd.s32 $0x2800, s6;
	[sflag:s7] =	ssyncset.done $0x0  }
.LBB2_2:
0x20: {  	s17 =	sshra.s32 s15, $0x2  }
0x21: {  	[sflag:s7] =	ssyncadd.s32 $0xFFFF6000;
	s15 =	smov.u32 s16;
	s18 =	sadd.s32 $0xA00, s16  }
0x22: {  	[tilespmem:s9], [sflag:$0x1] =	stream.indirect.gather [hbm4b:s3+s8], $0x80, s17, s8, $0xb8;
	[tilespmem:$0x16800] =	vst v63  }
0x23: {  	p0 =	sne.s32 s16, $0x9600;
	s16 =	sadd.s32 $0x140, s17  }
0x24: {  	[tilespmem:s10], [sflag:$0x2] =	stream.indirect.gather [hbm4b:s3+s8], $0x80, s16, s8, $0xb8;
	[tilespmem:$0x16800] =	vst v63  }
0x25: {  	_ =	swait.ge [sflag:s11], $0xA000  }
0x26: {  	[sflag:s11] =	ssyncset.done $0x0  }
0x27: {  	s16 =	sadd.s32 $0xFFFFEC00, s14;
	[sflag:s11] =	ssyncadd.s32 $0xFFFF6000  }
0x28: {  	[hbm4b:s16+s2] =	stream.linear.scatter [tilespmem:s9], [sflag:$0x3], $0xA000, $0x38;
	[tilespmem:$0x16800] =	vst v63  }
0x29: {  	_ =	swait.ge [sflag:s7], $0xA000  }
0x2a: {  	[sflag:s7] =	ssyncset.done $0x0  }
0x2b: {  	[sflag:s7] =	ssyncadd.s32 $0xFFFF6000  }
0x2c: {  	_ =	swait.ge [sflag:s12], $0xA000  }
.Ltmp0:
0x2d: {  	[sflag:s12] =	ssyncset.done $0x0;
	(pc) =	sbr.rel @p0 .LBB2_2-.Ltmp0, $4  }
0x2e: {  	[sflag:s12] =	ssyncadd.s32 $0xFFFF6000  }
0x2f: {  	[hbm4b:s14+s2] =	stream.linear.scatter [tilespmem:s10], [sflag:$0x3], $0xA000, $0x38;
	[tilespmem:$0x16800] =	vst v63  }
0x30: {  	_ =	swait.ge [sflag:s7], $0xA000  }
0x31: {  	s16 =	smov.u32 s18;
	s14 =	sadd.s32 $0x2800, s14;
	[sflag:s7] =	ssyncset.done $0x0  }
0x32: {  	s15 =	sshra.s32 s15, $0x2;
	[sflag:s7] =	ssyncadd.s32 $0xFFFF6000  }
0x33: {  	[tilespmem:s9], [sflag:$0x1] =	stream.indirect.gather [hbm4b:s3+s8], $0x80, s15, s8, $0xb8;
	[tilespmem:$0x16800] =	vst v63  }
0x34: {  	s15 =	sadd.s32 $0x140, s15  }
0x35: {  	[tilespmem:s10], [sflag:$0x2] =	stream.indirect.gather [hbm4b:s3+s8], $0x80, s15, s8, $0xb8;
	[tilespmem:$0x16800] =	vst v63  }
0x36: {  	_ =	swait.ge [sflag:s11], $0xA000  }
0x37: {  	[sflag:s11] =	ssyncset.done $0x0  }
0x38: {  	s31 =	sadd.s32 $0xFFFFEC00, s14;
	[sflag:s11] =	ssyncadd.s32 $0xFFFF6000  }
0x39: {  	[hbm4b:s31+s2] =	stream.linear.scatter [tilespmem:s9], [sflag:$0x3], $0xA000, $0x38;
	[tilespmem:$0x16800] =	vst v63  }
0x3a: {  	_ =	swait.ge [sflag:s7], $0xA000  }
0x3b: {  	[sflag:s7] =	ssyncset.done $0x0  }
0x3c: {  	[sflag:s7] =	ssyncadd.s32 $0xFFFF6000  }
0x3d: {  	s13 =	sadd.s32 $0x1, s13;
	_ =	swait.ge [sflag:s12], $0xA000  }
0x3e: {  	p0 =	sne.s32 s13, s5;
	[sflag:s12] =	ssyncset.done $0x0  }
.Ltmp1:
0x3f: {  	[sflag:s12] =	ssyncadd.s32 $0xFFFF6000;
	(pc) =	sbr.rel @p0 .LBB2_1-.Ltmp1, $4  }
0x40: {  	[hbm4b:s14+s2] =	stream.linear.scatter [tilespmem:s10], [sflag:$0x3], $0xA000, $0x38;
	[tilespmem:$0x16800] =	vst v63  }
0x41: {  	_ =	swait.ge [sflag:s7], $0xA000  }
0x42: {  	[sflag:s7] =	ssyncset.done $0x0  }
0x43: {  	[sflag:s7] =	ssyncadd.s32 $0xFFFF6000  }
0x44: {  	_ =	sfence.sel $0x180000  }
0x45: {  	[bflag:$0x0] =	sbarrier.arrive $0xFFFF  }
0x46: {  	p0 =	sne.s32 s0, $0x0;
	_ =	strace $0x90000050  }
0x47: {  	s0 =	sadd.s32 @!p0 $0x100000, s1;
	[bflag:$0x2] =	sbarrier.arrive $0xFFFF  }
0x48: {  	[sflag:s0] =	ssyncadd.tile.s32 @!p0 $0x1;
	_ =	shalt  }
.Lfunc_end2:
_tile_overlayer_lowered:
.L_overlay_start_2:
0x49: {  	(tag) =	ssettag $0x2  }
0x4a: {  	s0 =	rddreg [dreg:$0x0];
	s2 =	stileid.u32  }
0x4b: {  	s1 =	rddreg [dreg:$0x1];
	p0 =	sne.s32 s2, $0x0  }
0x4c: {  	s3 =	rddreg [dreg:$0x2];
	[bflag:$0x3] =	sbarrier.arrive $0xFFFF;
	s2 =	simm.s32 @!p0 $0x1C03  }
0x4d: {  	[timem:s3], [sflag:s2] =	dma.local @!p0 [hbm:s0], s1  }
0x4e: {  	s0 =	simm.s32 @!p0 $0x3  }
0x4f: {  	_ =	swait.ge @!p0 [sflag:s0], s1  }
0x50: {  	s1 =	ssub.s32 @!p0 $0x0, s1;
	[sflag:s0] =	ssyncset.done @!p0 $0x0  }
0x51: {  	[sflag:s0] =	ssyncadd.s32 @!p0 s1  }
0x52: {  	[bflag:$0x3] =	sbarrier.arrive $0xFFFF  }
0x53: {  	_ =	shalt  }

</sc_bundles>
